<compile_context>
chip_gen: v7x
topology: tpu7x:2x2x1
jax: 0.10.2.dev20260603
libtpu: 0.0.44.dev20260713+nightly
codegen_flags: <defaults>
</compile_context>

<pallas_src>
import functools

import jax
import jax.numpy as jnp
from jax import lax
from jax.experimental import pallas as pl
from jax.experimental.pallas import tpu as pltpu
from jax.experimental.pallas import tpu_sc as plsc

S, B, D = 250, 128, 1024
NC, NS = 2, 16
NW = NC * NS
UMAX = (S + NW - 1) // NW
CROWS = 16
CPU_ = B // CROWS
NCK_MAX = UMAX * CPU_
NSLICE = D // 16
NBUF = 6
LOOK = 4


def _chunk_slab(ref, wid, kk):
    s = wid + (kk // CPU_) * NW
    b0 = (kk % CPU_) * CROWS
    return ref.at[s, pl.ds(b0, CROWS), :]


def _sc_body(x_hbm, pe_hbm, out_hbm, pe_v, b0_v, b1_v, b2_v, b3_v, b4_v,
             b5_v, pe_sem, si0, si1, si2, si3, si4, si5, so0, so1, so2,
             so3, so4, so5):
    wid = lax.axis_index("s") * NC + lax.axis_index("c")
    bufs = (b0_v, b1_v, b2_v, b3_v, b4_v, b5_v)
    sin = (si0, si1, si2, si3, si4, si5)
    sout = (so0, so1, so2, so3, so4, so5)
    nck = jnp.where(wid < S - (UMAX - 1) * NW, NCK_MAX, NCK_MAX - CPU_)

    pltpu.async_copy(pe_hbm.at[pl.ds(wid, 1), :],
                     pe_v.at[pl.ds(0, 1), :], pe_sem)
    for b in range(LOOK):
        pltpu.async_copy(_chunk_slab(x_hbm, wid, b), bufs[b], sin[b])

    def slot(g, _):
        for b in range(NBUF):
            kk = g * NBUF + b
            buf = bufs[b]
            bl = (b + LOOK) % NBUF

            @pl.when(kk < nck)
            def _():
                @pl.when(kk % CPU_ == 0)
                def _():
                    u = kk // CPU_
                    p = u % 2
                    pltpu.make_async_copy(
                        pe_hbm.at[pl.ds(wid, 1), :],
                        pe_v.at[pl.ds(0, 1), :], pe_sem).wait()

                    @pl.when(wid + (u + 1) * NW < S)
                    def _():
                        for q in range(2):
                            @pl.when(p == q)
                            def _(q=q):
                                pltpu.async_copy(
                                    pe_hbm.at[
                                        pl.ds(wid + (u + 1) * NW, 1), :],
                                    pe_v.at[pl.ds(1 - q, 1), :], pe_sem)

                pltpu.make_async_copy(
                    _chunk_slab(x_hbm, wid, kk), buf, sin[b]).wait()

                @pl.when(kk + LOOK < nck)
                def _():
                    @pl.when(kk + LOOK >= NBUF)
                    def _():
                        pltpu.make_async_copy(
                            bufs[bl],
                            _chunk_slab(out_hbm, wid, kk + LOOK - NBUF),
                            sout[bl]).wait()

                    pltpu.async_copy(
                        _chunk_slab(x_hbm, wid, kk + LOOK), bufs[bl],
                        sin[bl])

                pp = (kk // CPU_) % 2

                def jstep(j, _):
                    sl = pl.ds(j * 16, 16)
                    pe_vec = pe_v[pp, sl]
                    for r in range(CROWS):
                        plsc.addupdate(buf.at[r, sl], pe_vec)
                    return 0

                lax.fori_loop(0, NSLICE, jstep, 0)

                pltpu.async_copy(buf, _chunk_slab(out_hbm, wid, kk),
                                 sout[b])

        return 0

    lax.fori_loop(0, NCK_MAX // NBUF + 1, slot, 0)

    for b in range(NBUF):
        kk_b = nck - NBUF + ((b - nck) % NBUF + NBUF) % NBUF
        pltpu.make_async_copy(
            bufs[b], _chunk_slab(out_hbm, wid, kk_b), sout[b]).wait()


def kernel(x, pos_embed):
    mesh = plsc.VectorSubcoreMesh(core_axis_name="c", subcore_axis_name="s")
    k = functools.partial(
        pl.kernel,
        mesh=mesh,
        out_type=jax.ShapeDtypeStruct((S, B, D), jnp.float32),
        scratch_types=(
            [pltpu.VMEM((2, D), jnp.float32)]
            + [pltpu.VMEM((CROWS, D), jnp.float32) for _ in range(NBUF)]
            + [pltpu.SemaphoreType.DMA for _ in range(2 * NBUF + 1)]
        ),
    )(_sc_body)
    return k(x, pos_embed)

# --- scband reference (transcript-rebuilt; emitter-appended) ---
"""Pipeline reference for scband-positional-encoding-2439541424865 (READ-ONLY COPY).

The authoritative reference and input builder live on the scoring server;
editing this copy changes nothing except your own understanding.
"""

import jax, jax.numpy as jnp
import numpy as np

S, B, D = 250, 128, 1024
MAX_LEN = 250

def setup_inputs(seed: int = 0) -> dict:
    key = jax.random.key(seed)
    k1, k2 = jax.random.split(key)
    x = jax.random.normal(k1, (S, B, D), dtype=jnp.float32)
    # kaiming_normal_(mode='fan_in') on an Embedding weight [max_len, d_model]: fan_in = d_model
    std = float(np.sqrt(2.0 / D))
    pos_embed = jax.random.normal(k2, (MAX_LEN, D), dtype=jnp.float32) * std
    return {"x": x, "pos_embed": pos_embed}

def reference(x, pos_embed):
    # position buffer is arange(max_len)[:, None]; slice to seq_len
    pos = jnp.arange(x.shape[0])  # [S]
    pe = jnp.take(pos_embed, pos, axis=0)  # [S, D] (embedding gather)
    pe = pe[:, None, :]  # [S, 1, D] matching position.unsqueeze(1)
    out = x + pe  # broadcast over batch
    # dropout p=0.0 -> identity
    return out

if __name__ == "__main__":
    import jax
    _d = setup_inputs()
    print(jax.jit(kernel)(*tuple(_d.values())))

</pallas_src>

<mosaic_0001>
#map = affine_map<(d0, d1) -> (0, 0, 0)>
#map1 = affine_map<(d0, d1) -> (0, 0)>
module attributes {stable_mosaic.version = 14 : i64} {
  func.func @_sc_body(%arg0: i32, %arg1: i32, %arg2: memref<250x128x1024xf32, #tpu.memory_space<hbm>>, %arg3: memref<250x1024xf32, #tpu.memory_space<hbm>>, %arg4: memref<250x128x1024xf32, #tpu.memory_space<hbm>>, %arg5: memref<2x1024xf32, #tpu.memory_space<vmem>>, %arg6: memref<16x1024xf32, #tpu.memory_space<vmem>>, %arg7: memref<16x1024xf32, #tpu.memory_space<vmem>>, %arg8: memref<16x1024xf32, #tpu.memory_space<vmem>>, %arg9: memref<16x1024xf32, #tpu.memory_space<vmem>>, %arg10: memref<16x1024xf32, #tpu.memory_space<vmem>>, %arg11: memref<16x1024xf32, #tpu.memory_space<vmem>>, %arg12: memref<!tpu.dma_semaphore, #tpu.memory_space<semaphore_mem>>, %arg13: memref<!tpu.dma_semaphore, #tpu.memory_space<semaphore_mem>>, %arg14: memref<!tpu.dma_semaphore, #tpu.memory_space<semaphore_mem>>, %arg15: memref<!tpu.dma_semaphore, #tpu.memory_space<semaphore_mem>>, %arg16: memref<!tpu.dma_semaphore, #tpu.memory_space<semaphore_mem>>, %arg17: memref<!tpu.dma_semaphore, #tpu.memory_space<semaphore_mem>>, %arg18: memref<!tpu.dma_semaphore, #tpu.memory_space<semaphore_mem>>, %arg19: memref<!tpu.dma_semaphore, #tpu.memory_space<semaphore_mem>>, %arg20: memref<!tpu.dma_semaphore, #tpu.memory_space<semaphore_mem>>, %arg21: memref<!tpu.dma_semaphore, #tpu.memory_space<semaphore_mem>>, %arg22: memref<!tpu.dma_semaphore, #tpu.memory_space<semaphore_mem>>, %arg23: memref<!tpu.dma_semaphore, #tpu.memory_space<semaphore_mem>>, %arg24: memref<!tpu.dma_semaphore, #tpu.memory_space<semaphore_mem>>) attributes {dimension_semantics = [#tpu.dimension_semantics<core_parallel>, #tpu.dimension_semantics<subcore_parallel>], iteration_bounds = array<i64: 2, 16>, scalar_prefetch = 0 : i64, scratch_operands = 20 : i64, tpu.core_type = #tpu.core_type<sc_vector_subcore>, window_params = [{transform_indices = #map}, {transform_indices = #map1}, {transform_indices = #map}]} {
    %mul3A = arith.constant 2 : i32
    %mul3A_0 = arith.muli %arg1, %mul3A : i32
    %add3A = arith.addi %mul3A_0, %arg0 : i32
    %lt3A = arith.constant 26 : i32
    %lt3A_1 = arith.cmpi slt, %add3A, %lt3A : i32
    %jit3A = arith.constant 64 : i32
    %jit3A_2 = arith.constant 56 : i32
    %select_n3A = arith.select %lt3A_1, %jit3A, %jit3A_2 : i32
    %dma_start3A = arith.constant 0 : i32
    %dma_start3A_3 = arith.constant 0 : i32
    %dma_start3A_4 = tpu.memref_slice %arg5[%dma_start3A, %dma_start3A_3] : memref<2x1024xf32, #tpu.memory_space<vmem>> -> memref<1x1024xf32, #tpu.memory_space<vmem>>
    %dma_start3A_5 = arith.constant 0 : i32
    %dma_start3A_6 = tpu.memref_slice %arg3[%add3A, %dma_start3A_5] : memref<250x1024xf32, #tpu.memory_space<hbm>> -> memref<1x1024xf32, #tpu.memory_space<hbm>>
    %dma_start3A_7 = arith.constant 0 : i32
    %dma_start3A_8 = arith.constant 0 : i32
    %dma_start3A_9 = tpu.memref_slice %arg5[%dma_start3A_7, %dma_start3A_8] : memref<2x1024xf32, #tpu.memory_space<vmem>> -> memref<1x1024xf32, #tpu.memory_space<vmem>>
    %dma_start3A_10 = arith.constant 0 : i32
    %dma_start3A_11 = tpu.memref_slice %arg3[%add3A, %dma_start3A_10] : memref<250x1024xf32, #tpu.memory_space<hbm>> -> memref<1x1024xf32, #tpu.memory_space<hbm>>
    tpu.enqueue_dma source(%dma_start3A_11 : memref<1x1024xf32, #tpu.memory_space<hbm>>) target(%dma_start3A_9 : memref<1x1024xf32, #tpu.memory_space<vmem>>) target_semaphore(%arg12 : memref<!tpu.dma_semaphore, #tpu.memory_space<semaphore_mem>>)
    %add3A_12 = arith.constant 0 : i32
    %add3A_13 = arith.addi %add3A, %add3A_12 : i32
    %dma_start3A_14 = arith.constant 0 : i32
    %dma_start3A_15 = arith.constant 0 : i32
    %dma_start3A_16 = tpu.memref_slice %arg2[%add3A_13, %dma_start3A_14, %dma_start3A_15] : memref<250x128x1024xf32, #tpu.memory_space<hbm>> -> memref<1x16x1024xf32, #tpu.memory_space<hbm>>
    %dma_start3A_17 = tpu.memref_squeeze %dma_start3A_16 : memref<1x16x1024xf32, #tpu.memory_space<hbm>> -> memref<16x1024xf32, #tpu.memory_space<hbm>>
    %dma_start3A_18 = arith.constant 0 : i32
    %dma_start3A_19 = arith.constant 0 : i32
    %dma_start3A_20 = tpu.memref_slice %arg2[%add3A_13, %dma_start3A_18, %dma_start3A_19] : memref<250x128x1024xf32, #tpu.memory_space<hbm>> -> memref<1x16x1024xf32, #tpu.memory_space<hbm>>
    %dma_start3A_21 = tpu.memref_squeeze %dma_start3A_20 : memref<1x16x1024xf32, #tpu.memory_space<hbm>> -> memref<16x1024xf32, #tpu.memory_space<hbm>>
    tpu.enqueue_dma source(%dma_start3A_21 : memref<16x1024xf32, #tpu.memory_space<hbm>>) target(%arg6 : memref<16x1024xf32, #tpu.memory_space<vmem>>) target_semaphore(%arg13 : memref<!tpu.dma_semaphore, #tpu.memory_space<semaphore_mem>>)
    %add3A_22 = arith.constant 0 : i32
    %add3A_23 = arith.addi %add3A, %add3A_22 : i32
    %dma_start3A_24 = arith.constant 16 : i32
    %dma_start3A_25 = arith.constant 0 : i32
    %dma_start3A_26 = tpu.memref_slice %arg2[%add3A_23, %dma_start3A_24, %dma_start3A_25] : memref<250x128x1024xf32, #tpu.memory_space<hbm>> -> memref<1x16x1024xf32, #tpu.memory_space<hbm>>
    %dma_start3A_27 = tpu.memref_squeeze %dma_start3A_26 : memref<1x16x1024xf32, #tpu.memory_space<hbm>> -> memref<16x1024xf32, #tpu.memory_space<hbm>>
    %dma_start3A_28 = arith.constant 16 : i32
    %dma_start3A_29 = arith.constant 0 : i32
    %dma_start3A_30 = tpu.memref_slice %arg2[%add3A_23, %dma_start3A_28, %dma_start3A_29] : memref<250x128x1024xf32, #tpu.memory_space<hbm>> -> memref<1x16x1024xf32, #tpu.memory_space<hbm>>
    %dma_start3A_31 = tpu.memref_squeeze %dma_start3A_30 : memref<1x16x1024xf32, #tpu.memory_space<hbm>> -> memref<16x1024xf32, #tpu.memory_space<hbm>>
    tpu.enqueue_dma source(%dma_start3A_31 : memref<16x1024xf32, #tpu.memory_space<hbm>>) target(%arg7 : memref<16x1024xf32, #tpu.memory_space<vmem>>) target_semaphore(%arg14 : memref<!tpu.dma_semaphore, #tpu.memory_space<semaphore_mem>>)
    %add3A_32 = arith.constant 0 : i32
    %add3A_33 = arith.addi %add3A, %add3A_32 : i32
    %dma_start3A_34 = arith.constant 32 : i32
    %dma_start3A_35 = arith.constant 0 : i32
    %dma_start3A_36 = tpu.memref_slice %arg2[%add3A_33, %dma_start3A_34, %dma_start3A_35] : memref<250x128x1024xf32, #tpu.memory_space<hbm>> -> memref<1x16x1024xf32, #tpu.memory_space<hbm>>
    %dma_start3A_37 = tpu.memref_squeeze %dma_start3A_36 : memref<1x16x1024xf32, #tpu.memory_space<hbm>> -> memref<16x1024xf32, #tpu.memory_space<hbm>>
    %dma_start3A_38 = arith.constant 32 : i32
    %dma_start3A_39 = arith.constant 0 : i32
    %dma_start3A_40 = tpu.memref_slice %arg2[%add3A_33, %dma_start3A_38, %dma_start3A_39] : memref<250x128x1024xf32, #tpu.memory_space<hbm>> -> memref<1x16x1024xf32, #tpu.memory_space<hbm>>
    %dma_start3A_41 = tpu.memref_squeeze %dma_start3A_40 : memref<1x16x1024xf32, #tpu.memory_space<hbm>> -> memref<16x1024xf32, #tpu.memory_space<hbm>>
    tpu.enqueue_dma source(%dma_start3A_41 : memref<16x1024xf32, #tpu.memory_space<hbm>>) target(%arg8 : memref<16x1024xf32, #tpu.memory_space<vmem>>) target_semaphore(%arg15 : memref<!tpu.dma_semaphore, #tpu.memory_space<semaphore_mem>>)
    %add3A_42 = arith.constant 0 : i32
    %add3A_43 = arith.addi %add3A, %add3A_42 : i32
    %dma_start3A_44 = arith.constant 48 : i32
    %dma_start3A_45 = arith.constant 0 : i32
    %dma_start3A_46 = tpu.memref_slice %arg2[%add3A_43, %dma_start3A_44, %dma_start3A_45] : memref<250x128x1024xf32, #tpu.memory_space<hbm>> -> memref<1x16x1024xf32, #tpu.memory_space<hbm>>
    %dma_start3A_47 = tpu.memref_squeeze %dma_start3A_46 : memref<1x16x1024xf32, #tpu.memory_space<hbm>> -> memref<16x1024xf32, #tpu.memory_space<hbm>>
    %dma_start3A_48 = arith.constant 48 : i32
    %dma_start3A_49 = arith.constant 0 : i32
    %dma_start3A_50 = tpu.memref_slice %arg2[%add3A_43, %dma_start3A_48, %dma_start3A_49] : memref<250x128x1024xf32, #tpu.memory_space<hbm>> -> memref<1x16x1024xf32, #tpu.memory_space<hbm>>
    %dma_start3A_51 = tpu.memref_squeeze %dma_start3A_50 : memref<1x16x1024xf32, #tpu.memory_space<hbm>> -> memref<16x1024xf32, #tpu.memory_space<hbm>>
    tpu.enqueue_dma source(%dma_start3A_51 : memref<16x1024xf32, #tpu.memory_space<hbm>>) target(%arg9 : memref<16x1024xf32, #tpu.memory_space<vmem>>) target_semaphore(%arg16 : memref<!tpu.dma_semaphore, #tpu.memory_space<semaphore_mem>>)
    %scan3A = arith.constant 0 : i32
    %scan3A_52 = arith.constant 0 : i32
    %scan3A_53 = arith.constant 11 : i32
    %scan3A_54 = arith.addi %scan3A_52, %scan3A_53 : i32
    %scan3A_55 = arith.constant 1 : i32
    %scan3A_56 = scf.for %scan3A_590 = %scan3A_52 to %scan3A_54 step %scan3A_55 iter_args(%scan3A_591 = %scan3A) -> (i32)  : i32 {
      %mul3A_592 = arith.constant 6 : i32
      %mul3A_593 = arith.muli %scan3A_590, %mul3A_592 : i32
      %add3A_594 = arith.constant 0 : i32
      %add3A_595 = arith.addi %mul3A_593, %add3A_594 : i32
      %lt3A_596 = arith.cmpi slt, %add3A_595, %select_n3A : i32
      %convert_element_type3A = arith.extui %lt3A_596 : i1 to i32
      %cond3A = arith.constant 0 : i32
      %cond3A_597 = arith.cmpi ne, %convert_element_type3A, %cond3A : i32
      scf.if %cond3A_597 {
        %jit3A_639 = arith.constant 8 : i32
        %eq3A_640 = arith.constant 0 : i32
        %eq3A_641 = arith.cmpi eq, %jit3A_639, %eq3A_640 : i32
        %jit3A_642 = arith.constant 1 : i32
        %select_n3A_643 = arith.select %eq3A_641, %jit3A_642, %jit3A_639 : i32
        %rem3A_644 = arith.remsi %add3A_595, %select_n3A_643 : i32
        %ne3A_645 = arith.constant 0 : i32
        %ne3A_646 = arith.cmpi ne, %rem3A_644, %ne3A_645 : i32
        %lt3A_647 = arith.constant 0 : i32
        %lt3A_648 = arith.cmpi slt, %rem3A_644, %lt3A_647 : i32
        %lt3A_649 = arith.constant 0 : i32
        %lt3A_650 = arith.cmpi slt, %select_n3A_643, %lt3A_649 : i32
        %ne3A_651 = arith.xori %lt3A_648, %lt3A_650 : i1
        %and3A_652 = arith.andi %ne3A_651, %ne3A_646 : i1
        %add3A_653 = arith.addi %rem3A_644, %select_n3A_643 : i32
        %select_n3A_654 = arith.select %and3A_652, %add3A_653, %rem3A_644 : i32
        %eq3A_655 = arith.constant 0 : i32
        %eq3A_656 = arith.cmpi eq, %select_n3A_654, %eq3A_655 : i32
        %convert_element_type3A_657 = arith.extui %eq3A_656 : i1 to i32
        %cond3A_658 = arith.constant 0 : i32
        %cond3A_659 = arith.cmpi ne, %convert_element_type3A_657, %cond3A_658 : i32
        scf.if %cond3A_659 {
          %jit3A_815 = arith.constant 8 : i32
          %div3A_816 = arith.divsi %add3A_595, %jit3A_815 : i32
          %sign3A_817 = arith.constant 0 : i32
          %sign3A_818 = arith.cmpi sgt, %add3A_595, %sign3A_817 : i32
          %sign3A_819 = arith.extui %sign3A_818 : i1 to i32
          %sign3A_820 = arith.constant 0 : i32
          %sign3A_821 = arith.cmpi slt, %add3A_595, %sign3A_820 : i32
          %sign3A_822 = arith.extui %sign3A_821 : i1 to i32
          %sign3A_823 = arith.subi %sign3A_819, %sign3A_822 : i32
          %sign3A_824 = arith.constant 0 : i32
          %sign3A_825 = arith.cmpi sgt, %jit3A_815, %sign3A_824 : i32
          %sign3A_826 = arith.extui %sign3A_825 : i1 to i32
          %sign3A_827 = arith.constant 0 : i32
          %sign3A_828 = arith.cmpi slt, %jit3A_815, %sign3A_827 : i32
          %sign3A_829 = arith.extui %sign3A_828 : i1 to i32
          %sign3A_830 = arith.subi %sign3A_826, %sign3A_829 : i32
          %ne3A_831 = arith.cmpi ne, %sign3A_823, %sign3A_830 : i32
          %rem3A_832 = arith.remsi %add3A_595, %jit3A_815 : i32
          %ne3A_833 = arith.constant 0 : i32
          %ne3A_834 = arith.cmpi ne, %rem3A_832, %ne3A_833 : i32
          %and3A_835 = arith.andi %ne3A_831, %ne3A_834 : i1
          %sub3A_836 = arith.constant 1 : i32
          %sub3A_837 = arith.subi %div3A_816, %sub3A_836 : i32
          %select_n3A_838 = arith.select %and3A_835, %sub3A_837, %div3A_816 : i32
          %jit3A_839 = arith.constant 2 : i32
          %eq3A_840 = arith.constant 0 : i32
          %eq3A_841 = arith.cmpi eq, %jit3A_839, %eq3A_840 : i32
          %jit3A_842 = arith.constant 1 : i32
          %select_n3A_843 = arith.select %eq3A_841, %jit3A_842, %jit3A_839 : i32
          %rem3A_844 = arith.remsi %select_n3A_838, %select_n3A_843 : i32
          %ne3A_845 = arith.constant 0 : i32
          %ne3A_846 = arith.cmpi ne, %rem3A_844, %ne3A_845 : i32
          %lt3A_847 = arith.constant 0 : i32
          %lt3A_848 = arith.cmpi slt, %rem3A_844, %lt3A_847 : i32
          %lt3A_849 = arith.constant 0 : i32
          %lt3A_850 = arith.cmpi slt, %select_n3A_843, %lt3A_849 : i32
          %ne3A_851 = arith.xori %lt3A_848, %lt3A_850 : i1
          %and3A_852 = arith.andi %ne3A_851, %ne3A_846 : i1
          %add3A_853 = arith.addi %rem3A_844, %select_n3A_843 : i32
          %select_n3A_854 = arith.select %and3A_852, %add3A_853, %rem3A_844 : i32
          %dma_wait3A_855 = arith.constant 0 : i32
          %dma_wait3A_856 = arith.constant 0 : i32
          %dma_wait3A_857 = tpu.memref_slice %arg5[%dma_wait3A_855, %dma_wait3A_856] : memref<2x1024xf32, #tpu.memory_space<vmem>> -> memref<1x1024xf32, #tpu.memory_space<vmem>>
          %dma_wait3A_858 = arith.constant 0 : i32
          %dma_wait3A_859 = tpu.memref_slice %arg3[%add3A, %dma_wait3A_858] : memref<250x1024xf32, #tpu.memory_space<hbm>> -> memref<1x1024xf32, #tpu.memory_space<hbm>>
          %dma_wait3A_860 = arith.constant 0 : i32
          %dma_wait3A_861 = arith.constant 0 : i32
          %dma_wait3A_862 = tpu.memref_slice %arg5[%dma_wait3A_860, %dma_wait3A_861] : memref<2x1024xf32, #tpu.memory_space<vmem>> -> memref<1x1024xf32, #tpu.memory_space<vmem>>
          %dma_wait3A_863 = arith.constant 0 : i32
          %dma_wait3A_864 = tpu.memref_slice %arg3[%add3A, %dma_wait3A_863] : memref<250x1024xf32, #tpu.memory_space<hbm>> -> memref<1x1024xf32, #tpu.memory_space<hbm>>
          tpu.wait_dma2 semaphore(%arg12 : memref<!tpu.dma_semaphore, #tpu.memory_space<semaphore_mem>>) src(%dma_wait3A_864 : memref<1x1024xf32, #tpu.memory_space<hbm>>) dst(%dma_wait3A_862 : memref<1x1024xf32, #tpu.memory_space<vmem>>)
          %add3A_865 = arith.constant 1 : i32
          %add3A_866 = arith.addi %select_n3A_838, %add3A_865 : i32
          %mul3A_867 = arith.constant 32 : i32
          %mul3A_868 = arith.muli %add3A_866, %mul3A_867 : i32
          %add3A_869 = arith.addi %add3A, %mul3A_868 : i32
          %lt3A_870 = arith.constant 250 : i32
          %lt3A_871 = arith.cmpi slt, %add3A_869, %lt3A_870 : i32
          %convert_element_type3A_872 = arith.extui %lt3A_871 : i1 to i32
          %cond3A_873 = arith.constant 0 : i32
          %cond3A_874 = arith.cmpi ne, %convert_element_type3A_872, %cond3A_873 : i32
          scf.if %cond3A_874 {
            %eq3A_875 = arith.constant 0 : i32
            %eq3A_876 = arith.cmpi eq, %select_n3A_854, %eq3A_875 : i32
            %convert_element_type3A_877 = arith.extui %eq3A_876 : i1 to i32
            %cond3A_878 = arith.constant 0 : i32
            %cond3A_879 = arith.cmpi ne, %convert_element_type3A_877, %cond3A_878 : i32
            scf.if %cond3A_879 {
              %add3A_885 = arith.constant 1 : i32
              %add3A_886 = arith.addi %select_n3A_838, %add3A_885 : i32
              %mul3A_887 = arith.constant 32 : i32
              %mul3A_888 = arith.muli %add3A_886, %mul3A_887 : i32
              %add3A_889 = arith.addi %add3A, %mul3A_888 : i32
              %dma_start3A_890 = arith.constant 1 : i32
              %dma_start3A_891 = arith.constant 0 : i32
              %dma_start3A_892 = tpu.memref_slice %arg5[%dma_start3A_890, %dma_start3A_891] : memref<2x1024xf32, #tpu.memory_space<vmem>> -> memref<1x1024xf32, #tpu.memory_space<vmem>>
              %dma_start3A_893 = arith.constant 0 : i32
              %dma_start3A_894 = tpu.memref_slice %arg3[%add3A_889, %dma_start3A_893] : memref<250x1024xf32, #tpu.memory_space<hbm>> -> memref<1x1024xf32, #tpu.memory_space<hbm>>
              %dma_start3A_895 = arith.constant 1 : i32
              %dma_start3A_896 = arith.constant 0 : i32
              %dma_start3A_897 = tpu.memref_slice %arg5[%dma_start3A_895, %dma_start3A_896] : memref<2x1024xf32, #tpu.memory_space<vmem>> -> memref<1x1024xf32, #tpu.memory_space<vmem>>
              %dma_start3A_898 = arith.constant 0 : i32
              %dma_start3A_899 = tpu.memref_slice %arg3[%add3A_889, %dma_start3A_898] : memref<250x1024xf32, #tpu.memory_space<hbm>> -> memref<1x1024xf32, #tpu.memory_space<hbm>>
              tpu.enqueue_dma source(%dma_start3A_899 : memref<1x1024xf32, #tpu.memory_space<hbm>>) target(%dma_start3A_897 : memref<1x1024xf32, #tpu.memory_space<vmem>>) target_semaphore(%arg12 : memref<!tpu.dma_semaphore, #tpu.memory_space<semaphore_mem>>)
            } else {
            }
            %eq3A_880 = arith.constant 1 : i32
            %eq3A_881 = arith.cmpi eq, %select_n3A_854, %eq3A_880 : i32
            %convert_element_type3A_882 = arith.extui %eq3A_881 : i1 to i32
            %cond3A_883 = arith.constant 0 : i32
            %cond3A_884 = arith.cmpi ne, %convert_element_type3A_882, %cond3A_883 : i32
            scf.if %cond3A_884 {
              %add3A_885 = arith.constant 1 : i32
              %add3A_886 = arith.addi %select_n3A_838, %add3A_885 : i32
              %mul3A_887 = arith.constant 32 : i32
              %mul3A_888 = arith.muli %add3A_886, %mul3A_887 : i32
              %add3A_889 = arith.addi %add3A, %mul3A_888 : i32
              %dma_start3A_890 = arith.constant 0 : i32
              %dma_start3A_891 = arith.constant 0 : i32
              %dma_start3A_892 = tpu.memref_slice %arg5[%dma_start3A_890, %dma_start3A_891] : memref<2x1024xf32, #tpu.memory_space<vmem>> -> memref<1x1024xf32, #tpu.memory_space<vmem>>
              %dma_start3A_893 = arith.constant 0 : i32
              %dma_start3A_894 = tpu.memref_slice %arg3[%add3A_889, %dma_start3A_893] : memref<250x1024xf32, #tpu.memory_space<hbm>> -> memref<1x1024xf32, #tpu.memory_space<hbm>>
              %dma_start3A_895 = arith.constant 0 : i32
              %dma_start3A_896 = arith.constant 0 : i32
              %dma_start3A_897 = tpu.memref_slice %arg5[%dma_start3A_895, %dma_start3A_896] : memref<2x1024xf32, #tpu.memory_space<vmem>> -> memref<1x1024xf32, #tpu.memory_space<vmem>>
              %dma_start3A_898 = arith.constant 0 : i32
              %dma_start3A_899 = tpu.memref_slice %arg3[%add3A_889, %dma_start3A_898] : memref<250x1024xf32, #tpu.memory_space<hbm>> -> memref<1x1024xf32, #tpu.memory_space<hbm>>
              tpu.enqueue_dma source(%dma_start3A_899 : memref<1x1024xf32, #tpu.memory_space<hbm>>) target(%dma_start3A_897 : memref<1x1024xf32, #tpu.memory_space<vmem>>) target_semaphore(%arg12 : memref<!tpu.dma_semaphore, #tpu.memory_space<semaphore_mem>>)
            } else {
            }
          } else {
          }
        } else {
        }
        %jit3A_660 = arith.constant 8 : i32
        %div3A_661 = arith.divsi %add3A_595, %jit3A_660 : i32
        %sign3A_662 = arith.constant 0 : i32
        %sign3A_663 = arith.cmpi sgt, %add3A_595, %sign3A_662 : i32
        %sign3A_664 = arith.extui %sign3A_663 : i1 to i32
        %sign3A_665 = arith.constant 0 : i32
        %sign3A_666 = arith.cmpi slt, %add3A_595, %sign3A_665 : i32
        %sign3A_667 = arith.extui %sign3A_666 : i1 to i32
        %sign3A_668 = arith.subi %sign3A_664, %sign3A_667 : i32
        %sign3A_669 = arith.constant 0 : i32
        %sign3A_670 = arith.cmpi sgt, %jit3A_660, %sign3A_669 : i32
        %sign3A_671 = arith.extui %sign3A_670 : i1 to i32
        %sign3A_672 = arith.constant 0 : i32
        %sign3A_673 = arith.cmpi slt, %jit3A_660, %sign3A_672 : i32
        %sign3A_674 = arith.extui %sign3A_673 : i1 to i32
        %sign3A_675 = arith.subi %sign3A_671, %sign3A_674 : i32
        %ne3A_676 = arith.cmpi ne, %sign3A_668, %sign3A_675 : i32
        %rem3A_677 = arith.remsi %add3A_595, %jit3A_660 : i32
        %ne3A_678 = arith.constant 0 : i32
        %ne3A_679 = arith.cmpi ne, %rem3A_677, %ne3A_678 : i32
        %and3A_680 = arith.andi %ne3A_676, %ne3A_679 : i1
        %sub3A_681 = arith.constant 1 : i32
        %sub3A_682 = arith.subi %div3A_661, %sub3A_681 : i32
        %select_n3A_683 = arith.select %and3A_680, %sub3A_682, %div3A_661 : i32
        %mul3A_684 = arith.constant 32 : i32
        %mul3A_685 = arith.muli %select_n3A_683, %mul3A_684 : i32
        %add3A_686 = arith.addi %add3A, %mul3A_685 : i32
        %jit3A_687 = arith.constant 8 : i32
        %eq3A_688 = arith.constant 0 : i32
        %eq3A_689 = arith.cmpi eq, %jit3A_687, %eq3A_688 : i32
        %jit3A_690 = arith.constant 1 : i32
        %select_n3A_691 = arith.select %eq3A_689, %jit3A_690, %jit3A_687 : i32
        %rem3A_692 = arith.remsi %add3A_595, %select_n3A_691 : i32
        %ne3A_693 = arith.constant 0 : i32
        %ne3A_694 = arith.cmpi ne, %rem3A_692, %ne3A_693 : i32
        %lt3A_695 = arith.constant 0 : i32
        %lt3A_696 = arith.cmpi slt, %rem3A_692, %lt3A_695 : i32
        %lt3A_697 = arith.constant 0 : i32
        %lt3A_698 = arith.cmpi slt, %select_n3A_691, %lt3A_697 : i32
        %ne3A_699 = arith.xori %lt3A_696, %lt3A_698 : i1
        %and3A_700 = arith.andi %ne3A_699, %ne3A_694 : i1
        %add3A_701 = arith.addi %rem3A_692, %select_n3A_691 : i32
        %select_n3A_702 = arith.select %and3A_700, %add3A_701, %rem3A_692 : i32
        %mul3A_703 = arith.constant 16 : i32
        %mul3A_704 = arith.muli %select_n3A_702, %mul3A_703 : i32
        %dma_wait3A_705 = arith.constant 0 : i32
        %dma_wait3A_706 = tpu.memref_slice %arg2[%add3A_686, %mul3A_704, %dma_wait3A_705] : memref<250x128x1024xf32, #tpu.memory_space<hbm>> -> memref<1x16x1024xf32, #tpu.memory_space<hbm>>
        %dma_wait3A_707 = tpu.memref_squeeze %dma_wait3A_706 : memref<1x16x1024xf32, #tpu.memory_space<hbm>> -> memref<16x1024xf32, #tpu.memory_space<hbm>>
        %dma_wait3A_708 = arith.constant 0 : i32
        %dma_wait3A_709 = tpu.memref_slice %arg2[%add3A_686, %mul3A_704, %dma_wait3A_708] : memref<250x128x1024xf32, #tpu.memory_space<hbm>> -> memref<1x16x1024xf32, #tpu.memory_space<hbm>>
        %dma_wait3A_710 = tpu.memref_squeeze %dma_wait3A_709 : memref<1x16x1024xf32, #tpu.memory_space<hbm>> -> memref<16x1024xf32, #tpu.memory_space<hbm>>
        tpu.wait_dma2 semaphore(%arg13 : memref<!tpu.dma_semaphore, #tpu.memory_space<semaphore_mem>>) src(%dma_wait3A_710 : memref<16x1024xf32, #tpu.memory_space<hbm>>) dst(%arg6 : memref<16x1024xf32, #tpu.memory_space<vmem>>)
        %add3A_711 = arith.constant 4 : i32
        %add3A_712 = arith.addi %add3A_595, %add3A_711 : i32
        %lt3A_713 = arith.cmpi slt, %add3A_712, %select_n3A : i32
        %convert_element_type3A_714 = arith.extui %lt3A_713 : i1 to i32
        %cond3A_715 = arith.constant 0 : i32
        %cond3A_716 = arith.cmpi ne, %convert_element_type3A_714, %cond3A_715 : i32
        scf.if %cond3A_716 {
          %add3A_815 = arith.constant 4 : i32
          %add3A_816 = arith.addi %add3A_595, %add3A_815 : i32
          %ge3A = arith.constant 6 : i32
          %ge3A_817 = arith.cmpi sge, %add3A_816, %ge3A : i32
          %convert_element_type3A_818 = arith.extui %ge3A_817 : i1 to i32
          %cond3A_819 = arith.constant 0 : i32
          %cond3A_820 = arith.cmpi ne, %convert_element_type3A_818, %cond3A_819 : i32
          scf.if %cond3A_820 {
            %add3A_874 = arith.constant 4 : i32
            %add3A_875 = arith.addi %add3A_595, %add3A_874 : i32
            %sub3A_876 = arith.constant 6 : i32
            %sub3A_877 = arith.subi %add3A_875, %sub3A_876 : i32
            %jit3A_878 = arith.constant 8 : i32
            %div3A_879 = arith.divsi %sub3A_877, %jit3A_878 : i32
            %sign3A_880 = arith.constant 0 : i32
            %sign3A_881 = arith.cmpi sgt, %sub3A_877, %sign3A_880 : i32
            %sign3A_882 = arith.extui %sign3A_881 : i1 to i32
            %sign3A_883 = arith.constant 0 : i32
            %sign3A_884 = arith.cmpi slt, %sub3A_877, %sign3A_883 : i32
            %sign3A_885 = arith.extui %sign3A_884 : i1 to i32
            %sign3A_886 = arith.subi %sign3A_882, %sign3A_885 : i32
            %sign3A_887 = arith.constant 0 : i32
            %sign3A_888 = arith.cmpi sgt, %jit3A_878, %sign3A_887 : i32
            %sign3A_889 = arith.extui %sign3A_888 : i1 to i32
            %sign3A_890 = arith.constant 0 : i32
            %sign3A_891 = arith.cmpi slt, %jit3A_878, %sign3A_890 : i32
            %sign3A_892 = arith.extui %sign3A_891 : i1 to i32
            %sign3A_893 = arith.subi %sign3A_889, %sign3A_892 : i32
            %ne3A_894 = arith.cmpi ne, %sign3A_886, %sign3A_893 : i32
            %rem3A_895 = arith.remsi %sub3A_877, %jit3A_878 : i32
            %ne3A_896 = arith.constant 0 : i32
            %ne3A_897 = arith.cmpi ne, %rem3A_895, %ne3A_896 : i32
            %and3A_898 = arith.andi %ne3A_894, %ne3A_897 : i1
            %sub3A_899 = arith.constant 1 : i32
            %sub3A_900 = arith.subi %div3A_879, %sub3A_899 : i32
            %select_n3A_901 = arith.select %and3A_898, %sub3A_900, %div3A_879 : i32
            %mul3A_902 = arith.constant 32 : i32
            %mul3A_903 = arith.muli %select_n3A_901, %mul3A_902 : i32
            %add3A_904 = arith.addi %add3A, %mul3A_903 : i32
            %jit3A_905 = arith.constant 8 : i32
            %eq3A_906 = arith.constant 0 : i32
            %eq3A_907 = arith.cmpi eq, %jit3A_905, %eq3A_906 : i32
            %jit3A_908 = arith.constant 1 : i32
            %select_n3A_909 = arith.select %eq3A_907, %jit3A_908, %jit3A_905 : i32
            %rem3A_910 = arith.remsi %sub3A_877, %select_n3A_909 : i32
            %ne3A_911 = arith.constant 0 : i32
            %ne3A_912 = arith.cmpi ne, %rem3A_910, %ne3A_911 : i32
            %lt3A_913 = arith.constant 0 : i32
            %lt3A_914 = arith.cmpi slt, %rem3A_910, %lt3A_913 : i32
            %lt3A_915 = arith.constant 0 : i32
            %lt3A_916 = arith.cmpi slt, %select_n3A_909, %lt3A_915 : i32
            %ne3A_917 = arith.xori %lt3A_914, %lt3A_916 : i1
            %and3A_918 = arith.andi %ne3A_917, %ne3A_912 : i1
            %add3A_919 = arith.addi %rem3A_910, %select_n3A_909 : i32
            %select_n3A_920 = arith.select %and3A_918, %add3A_919, %rem3A_910 : i32
            %mul3A_921 = arith.constant 16 : i32
            %mul3A_922 = arith.muli %select_n3A_920, %mul3A_921 : i32
            %dma_wait3A_923 = arith.constant 0 : i32
            %dma_wait3A_924 = tpu.memref_slice %arg4[%add3A_904, %mul3A_922, %dma_wait3A_923] : memref<250x128x1024xf32, #tpu.memory_space<hbm>> -> memref<1x16x1024xf32, #tpu.memory_space<hbm>>
            %dma_wait3A_925 = tpu.memref_squeeze %dma_wait3A_924 : memref<1x16x1024xf32, #tpu.memory_space<hbm>> -> memref<16x1024xf32, #tpu.memory_space<hbm>>
            %dma_wait3A_926 = arith.constant 0 : i32
            %dma_wait3A_927 = tpu.memref_slice %arg4[%add3A_904, %mul3A_922, %dma_wait3A_926] : memref<250x128x1024xf32, #tpu.memory_space<hbm>> -> memref<1x16x1024xf32, #tpu.memory_space<hbm>>
            %dma_wait3A_928 = tpu.memref_squeeze %dma_wait3A_927 : memref<1x16x1024xf32, #tpu.memory_space<hbm>> -> memref<16x1024xf32, #tpu.memory_space<hbm>>
            tpu.wait_dma2 semaphore(%arg23 : memref<!tpu.dma_semaphore, #tpu.memory_space<semaphore_mem>>) src(%arg10 : memref<16x1024xf32, #tpu.memory_space<vmem>>) dst(%dma_wait3A_928 : memref<16x1024xf32, #tpu.memory_space<hbm>>)
          } else {
          }
          %add3A_821 = arith.constant 4 : i32
          %add3A_822 = arith.addi %add3A_595, %add3A_821 : i32
          %jit3A_823 = arith.constant 8 : i32
          %div3A_824 = arith.divsi %add3A_822, %jit3A_823 : i32
          %sign3A_825 = arith.constant 0 : i32
          %sign3A_826 = arith.cmpi sgt, %add3A_822, %sign3A_825 : i32
          %sign3A_827 = arith.extui %sign3A_826 : i1 to i32
          %sign3A_828 = arith.constant 0 : i32
          %sign3A_829 = arith.cmpi slt, %add3A_822, %sign3A_828 : i32
          %sign3A_830 = arith.extui %sign3A_829 : i1 to i32
          %sign3A_831 = arith.subi %sign3A_827, %sign3A_830 : i32
          %sign3A_832 = arith.constant 0 : i32
          %sign3A_833 = arith.cmpi sgt, %jit3A_823, %sign3A_832 : i32
          %sign3A_834 = arith.extui %sign3A_833 : i1 to i32
          %sign3A_835 = arith.constant 0 : i32
          %sign3A_836 = arith.cmpi slt, %jit3A_823, %sign3A_835 : i32
          %sign3A_837 = arith.extui %sign3A_836 : i1 to i32
          %sign3A_838 = arith.subi %sign3A_834, %sign3A_837 : i32
          %ne3A_839 = arith.cmpi ne, %sign3A_831, %sign3A_838 : i32
          %rem3A_840 = arith.remsi %add3A_822, %jit3A_823 : i32
          %ne3A_841 = arith.constant 0 : i32
          %ne3A_842 = arith.cmpi ne, %rem3A_840, %ne3A_841 : i32
          %and3A_843 = arith.andi %ne3A_839, %ne3A_842 : i1
          %sub3A_844 = arith.constant 1 : i32
          %sub3A_845 = arith.subi %div3A_824, %sub3A_844 : i32
          %select_n3A_846 = arith.select %and3A_843, %sub3A_845, %div3A_824 : i32
          %mul3A_847 = arith.constant 32 : i32
          %mul3A_848 = arith.muli %select_n3A_846, %mul3A_847 : i32
          %add3A_849 = arith.addi %add3A, %mul3A_848 : i32
          %jit3A_850 = arith.constant 8 : i32
          %eq3A_851 = arith.constant 0 : i32
          %eq3A_852 = arith.cmpi eq, %jit3A_850, %eq3A_851 : i32
          %jit3A_853 = arith.constant 1 : i32
          %select_n3A_854 = arith.select %eq3A_852, %jit3A_853, %jit3A_850 : i32
          %rem3A_855 = arith.remsi %add3A_822, %select_n3A_854 : i32
          %ne3A_856 = arith.constant 0 : i32
          %ne3A_857 = arith.cmpi ne, %rem3A_855, %ne3A_856 : i32
          %lt3A_858 = arith.constant 0 : i32
          %lt3A_859 = arith.cmpi slt, %rem3A_855, %lt3A_858 : i32
          %lt3A_860 = arith.constant 0 : i32
          %lt3A_861 = arith.cmpi slt, %select_n3A_854, %lt3A_860 : i32
          %ne3A_862 = arith.xori %lt3A_859, %lt3A_861 : i1
          %and3A_863 = arith.andi %ne3A_862, %ne3A_857 : i1
          %add3A_864 = arith.addi %rem3A_855, %select_n3A_854 : i32
          %select_n3A_865 = arith.select %and3A_863, %add3A_864, %rem3A_855 : i32
          %mul3A_866 = arith.constant 16 : i32
          %mul3A_867 = arith.muli %select_n3A_865, %mul3A_866 : i32
          %dma_start3A_868 = arith.constant 0 : i32
          %dma_start3A_869 = tpu.memref_slice %arg2[%add3A_849, %mul3A_867, %dma_start3A_868] : memref<250x128x1024xf32, #tpu.memory_space<hbm>> -> memref<1x16x1024xf32, #tpu.memory_space<hbm>>
          %dma_start3A_870 = tpu.memref_squeeze %dma_start3A_869 : memref<1x16x1024xf32, #tpu.memory_space<hbm>> -> memref<16x1024xf32, #tpu.memory_space<hbm>>
          %dma_start3A_871 = arith.constant 0 : i32
          %dma_start3A_872 = tpu.memref_slice %arg2[%add3A_849, %mul3A_867, %dma_start3A_871] : memref<250x128x1024xf32, #tpu.memory_space<hbm>> -> memref<1x16x1024xf32, #tpu.memory_space<hbm>>
          %dma_start3A_873 = tpu.memref_squeeze %dma_start3A_872 : memref<1x16x1024xf32, #tpu.memory_space<hbm>> -> memref<16x1024xf32, #tpu.memory_space<hbm>>
          tpu.enqueue_dma source(%dma_start3A_873 : memref<16x1024xf32, #tpu.memory_space<hbm>>) target(%arg10 : memref<16x1024xf32, #tpu.memory_space<vmem>>) target_semaphore(%arg17 : memref<!tpu.dma_semaphore, #tpu.memory_space<semaphore_mem>>)
        } else {
        }
        %jit3A_717 = arith.constant 8 : i32
        %div3A_718 = arith.divsi %add3A_595, %jit3A_717 : i32
        %sign3A_719 = arith.constant 0 : i32
        %sign3A_720 = arith.cmpi sgt, %add3A_595, %sign3A_719 : i32
        %sign3A_721 = arith.extui %sign3A_720 : i1 to i32
        %sign3A_722 = arith.constant 0 : i32
        %sign3A_723 = arith.cmpi slt, %add3A_595, %sign3A_722 : i32
        %sign3A_724 = arith.extui %sign3A_723 : i1 to i32
        %sign3A_725 = arith.subi %sign3A_721, %sign3A_724 : i32
        %sign3A_726 = arith.constant 0 : i32
        %sign3A_727 = arith.cmpi sgt, %jit3A_717, %sign3A_726 : i32
        %sign3A_728 = arith.extui %sign3A_727 : i1 to i32
        %sign3A_729 = arith.constant 0 : i32
        %sign3A_730 = arith.cmpi slt, %jit3A_717, %sign3A_729 : i32
        %sign3A_731 = arith.extui %sign3A_730 : i1 to i32
        %sign3A_732 = arith.subi %sign3A_728, %sign3A_731 : i32
        %ne3A_733 = arith.cmpi ne, %sign3A_725, %sign3A_732 : i32
        %rem3A_734 = arith.remsi %add3A_595, %jit3A_717 : i32
        %ne3A_735 = arith.constant 0 : i32
        %ne3A_736 = arith.cmpi ne, %rem3A_734, %ne3A_735 : i32
        %and3A_737 = arith.andi %ne3A_733, %ne3A_736 : i1
        %sub3A_738 = arith.constant 1 : i32
        %sub3A_739 = arith.subi %div3A_718, %sub3A_738 : i32
        %select_n3A_740 = arith.select %and3A_737, %sub3A_739, %div3A_718 : i32
        %jit3A_741 = arith.constant 2 : i32
        %eq3A_742 = arith.constant 0 : i32
        %eq3A_743 = arith.cmpi eq, %jit3A_741, %eq3A_742 : i32
        %jit3A_744 = arith.constant 1 : i32
        %select_n3A_745 = arith.select %eq3A_743, %jit3A_744, %jit3A_741 : i32
        %rem3A_746 = arith.remsi %select_n3A_740, %select_n3A_745 : i32
        %ne3A_747 = arith.constant 0 : i32
        %ne3A_748 = arith.cmpi ne, %rem3A_746, %ne3A_747 : i32
        %lt3A_749 = arith.constant 0 : i32
        %lt3A_750 = arith.cmpi slt, %rem3A_746, %lt3A_749 : i32
        %lt3A_751 = arith.constant 0 : i32
        %lt3A_752 = arith.cmpi slt, %select_n3A_745, %lt3A_751 : i32
        %ne3A_753 = arith.xori %lt3A_750, %lt3A_752 : i1
        %and3A_754 = arith.andi %ne3A_753, %ne3A_748 : i1
        %add3A_755 = arith.addi %rem3A_746, %select_n3A_745 : i32
        %select_n3A_756 = arith.select %and3A_754, %add3A_755, %rem3A_746 : i32
        %scan3A_757 = arith.constant 0 : i32
        %scan3A_758 = arith.constant 0 : i32
        %scan3A_759 = arith.constant 64 : i32
        %scan3A_760 = arith.addi %scan3A_758, %scan3A_759 : i32
        %scan3A_761 = arith.constant 1 : i32
        %scan3A_762 = scf.for %scan3A_815 = %scan3A_758 to %scan3A_760 step %scan3A_761 iter_args(%scan3A_816 = %scan3A_757) -> (i32)  : i32 {
          %mul3A_817 = arith.constant 16 : i32
          %mul3A_818 = arith.muli %scan3A_815, %mul3A_817 : i32
          %get3A = arith.index_cast %select_n3A_756 : i32 to index
          %get3A_819 = arith.index_cast %mul3A_818 : i32 to index
          %get3A_820 = tpu.vector_load %arg5[%get3A, %get3A_819] {strides = array<i32>} : memref<2x1024xf32, #tpu.memory_space<vmem>>, vector<1x16xf32>,
          %get3A_821 = vector.shape_cast %get3A_820 : vector<1x16xf32> to vector<16xf32>
          %swap3A = arith.constant 0 : i32
          %swap3A_822 = arith.index_cast %swap3A : i32 to index
          %swap3A_823 = arith.index_cast %mul3A_818 : i32 to index
          %swap3A_824 = tpu.vector_load %arg6[%swap3A_822, %swap3A_823] {strides = array<i32>} : memref<16x1024xf32, #tpu.memory_space<vmem>>, vector<1x16xf32>,
          %swap3A_825 = vector.shape_cast %swap3A_824 : vector<1x16xf32> to vector<16xf32>
          %swap3A_826 = vector.shape_cast %get3A_821 : vector<16xf32> to vector<1x16xf32>
          tpu.vector_store %arg6[%swap3A_822, %swap3A_823], %swap3A_826 {add = true, strides = array<i32>} : memref<16x1024xf32, #tpu.memory_space<vmem>>, vector<1x16xf32>,
          %swap3A_827 = arith.constant 1 : i32
          %swap3A_828 = arith.index_cast %swap3A_827 : i32 to index
          %swap3A_829 = arith.index_cast %mul3A_818 : i32 to index
          %swap3A_830 = tpu.vector_load %arg6[%swap3A_828, %swap3A_829] {strides = array<i32>} : memref<16x1024xf32, #tpu.memory_space<vmem>>, vector<1x16xf32>,
          %swap3A_831 = vector.shape_cast %swap3A_830 : vector<1x16xf32> to vector<16xf32>
          %swap3A_832 = vector.shape_cast %get3A_821 : vector<16xf32> to vector<1x16xf32>
          tpu.vector_store %arg6[%swap3A_828, %swap3A_829], %swap3A_832 {add = true, strides = array<i32>} : memref<16x1024xf32, #tpu.memory_space<vmem>>, vector<1x16xf32>,
          %swap3A_833 = arith.constant 2 : i32
          %swap3A_834 = arith.index_cast %swap3A_833 : i32 to index
          %swap3A_835 = arith.index_cast %mul3A_818 : i32 to index
          %swap3A_836 = tpu.vector_load %arg6[%swap3A_834, %swap3A_835] {strides = array<i32>} : memref<16x1024xf32, #tpu.memory_space<vmem>>, vector<1x16xf32>,
          %swap3A_837 = vector.shape_cast %swap3A_836 : vector<1x16xf32> to vector<16xf32>
          %swap3A_838 = vector.shape_cast %get3A_821 : vector<16xf32> to vector<1x16xf32>
          tpu.vector_store %arg6[%swap3A_834, %swap3A_835], %swap3A_838 {add = true, strides = array<i32>} : memref<16x1024xf32, #tpu.memory_space<vmem>>, vector<1x16xf32>,
          %swap3A_839 = arith.constant 3 : i32
          %swap3A_840 = arith.index_cast %swap3A_839 : i32 to index
          %swap3A_841 = arith.index_cast %mul3A_818 : i32 to index
          %swap3A_842 = tpu.vector_load %arg6[%swap3A_840, %swap3A_841] {strides = array<i32>} : memref<16x1024xf32, #tpu.memory_space<vmem>>, vector<1x16xf32>,
          %swap3A_843 = vector.shape_cast %swap3A_842 : vector<1x16xf32> to vector<16xf32>
          %swap3A_844 = vector.shape_cast %get3A_821 : vector<16xf32> to vector<1x16xf32>
          tpu.vector_store %arg6[%swap3A_840, %swap3A_841], %swap3A_844 {add = true, strides = array<i32>} : memref<16x1024xf32, #tpu.memory_space<vmem>>, vector<1x16xf32>,
          %swap3A_845 = arith.constant 4 : i32
          %swap3A_846 = arith.index_cast %swap3A_845 : i32 to index
          %swap3A_847 = arith.index_cast %mul3A_818 : i32 to index
          %swap3A_848 = tpu.vector_load %arg6[%swap3A_846, %swap3A_847] {strides = array<i32>} : memref<16x1024xf32, #tpu.memory_space<vmem>>, vector<1x16xf32>,
          %swap3A_849 = vector.shape_cast %swap3A_848 : vector<1x16xf32> to vector<16xf32>
          %swap3A_850 = vector.shape_cast %get3A_821 : vector<16xf32> to vector<1x16xf32>
          tpu.vector_store %arg6[%swap3A_846, %swap3A_847], %swap3A_850 {add = true, strides = array<i32>} : memref<16x1024xf32, #tpu.memory_space<vmem>>, vector<1x16xf32>,
          %swap3A_851 = arith.constant 5 : i32
          %swap3A_852 = arith.index_cast %swap3A_851 : i32 to index
          %swap3A_853 = arith.index_cast %mul3A_818 : i32 to index
          %swap3A_854 = tpu.vector_load %arg6[%swap3A_852, %swap3A_853] {strides = array<i32>} : memref<16x1024xf32, #tpu.memory_space<vmem>>, vector<1x16xf32>,
          %swap3A_855 = vector.shape_cast %swap3A_854 : vector<1x16xf32> to vector<16xf32>
          %swap3A_856 = vector.shape_cast %get3A_821 : vector<16xf32> to vector<1x16xf32>
          tpu.vector_store %arg6[%swap3A_852, %swap3A_853], %swap3A_856 {add = true, strides = array<i32>} : memref<16x1024xf32, #tpu.memory_space<vmem>>, vector<1x16xf32>,
          %swap3A_857 = arith.constant 6 : i32
          %swap3A_858 = arith.index_cast %swap3A_857 : i32 to index
          %swap3A_859 = arith.index_cast %mul3A_818 : i32 to index
          %swap3A_860 = tpu.vector_load %arg6[%swap3A_858, %swap3A_859] {strides = array<i32>} : memref<16x1024xf32, #tpu.memory_space<vmem>>, vector<1x16xf32>,
          %swap3A_861 = vector.shape_cast %swap3A_860 : vector<1x16xf32> to vector<16xf32>
          %swap3A_862 = vector.shape_cast %get3A_821 : vector<16xf32> to vector<1x16xf32>
          tpu.vector_store %arg6[%swap3A_858, %swap3A_859], %swap3A_862 {add = true, strides = array<i32>} : memref<16x1024xf32, #tpu.memory_space<vmem>>, vector<1x16xf32>,
          %swap3A_863 = arith.constant 7 : i32
          %swap3A_864 = arith.index_cast %swap3A_863 : i32 to index
          %swap3A_865 = arith.index_cast %mul3A_818 : i32 to index
          %swap3A_866 = tpu.vector_load %arg6[%swap3A_864, %swap3A_865] {strides = array<i32>} : memref<16x1024xf32, #tpu.memory_space<vmem>>, vector<1x16xf32>,
          %swap3A_867 = vector.shape_cast %swap3A_866 : vector<1x16xf32> to vector<16xf32>
          %swap3A_868 = vector.shape_cast %get3A_821 : vector<16xf32> to vector<1x16xf32>
          tpu.vector_store %arg6[%swap3A_864, %swap3A_865], %swap3A_868 {add = true, strides = array<i32>} : memref<16x1024xf32, #tpu.memory_space<vmem>>, vector<1x16xf32>,
          %swap3A_869 = arith.constant 8 : i32
          %swap3A_870 = arith.index_cast %swap3A_869 : i32 to index
          %swap3A_871 = arith.index_cast %mul3A_818 : i32 to index
          %swap3A_872 = tpu.vector_load %arg6[%swap3A_870, %swap3A_871] {strides = array<i32>} : memref<16x1024xf32, #tpu.memory_space<vmem>>, vector<1x16xf32>,
          %swap3A_873 = vector.shape_cast %swap3A_872 : vector<1x16xf32> to vector<16xf32>
          %swap3A_874 = vector.shape_cast %get3A_821 : vector<16xf32> to vector<1x16xf32>
          tpu.vector_store %arg6[%swap3A_870, %swap3A_871], %swap3A_874 {add = true, strides = array<i32>} : memref<16x1024xf32, #tpu.memory_space<vmem>>, vector<1x16xf32>,
          %swap3A_875 = arith.constant 9 : i32
          %swap3A_876 = arith.index_cast %swap3A_875 : i32 to index
          %swap3A_877 = arith.index_cast %mul3A_818 : i32 to index
          %swap3A_878 = tpu.vector_load %arg6[%swap3A_876, %swap3A_877] {strides = array<i32>} : memref<16x1024xf32, #tpu.memory_space<vmem>>, vector<1x16xf32>,
          %swap3A_879 = vector.shape_cast %swap3A_878 : vector<1x16xf32> to vector<16xf32>
          %swap3A_880 = vector.shape_cast %get3A_821 : vector<16xf32> to vector<1x16xf32>
          tpu.vector_store %arg6[%swap3A_876, %swap3A_877], %swap3A_880 {add = true, strides = array<i32>} : memref<16x1024xf32, #tpu.memory_space<vmem>>, vector<1x16xf32>,
          %swap3A_881 = arith.constant 10 : i32
          %swap3A_882 = arith.index_cast %swap3A_881 : i32 to index
          %swap3A_883 = arith.index_cast %mul3A_818 : i32 to index
          %swap3A_884 = tpu.vector_load %arg6[%swap3A_882, %swap3A_883] {strides = array<i32>} : memref<16x1024xf32, #tpu.memory_space<vmem>>, vector<1x16xf32>,
          %swap3A_885 = vector.shape_cast %swap3A_884 : vector<1x16xf32> to vector<16xf32>
          %swap3A_886 = vector.shape_cast %get3A_821 : vector<16xf32> to vector<1x16xf32>
          tpu.vector_store %arg6[%swap3A_882, %swap3A_883], %swap3A_886 {add = true, strides = array<i32>} : memref<16x1024xf32, #tpu.memory_space<vmem>>, vector<1x16xf32>,
          %swap3A_887 = arith.constant 11 : i32
          %swap3A_888 = arith.index_cast %swap3A_887 : i32 to index
          %swap3A_889 = arith.index_cast %mul3A_818 : i32 to index
          %swap3A_890 = tpu.vector_load %arg6[%swap3A_888, %swap3A_889] {strides = array<i32>} : memref<16x1024xf32, #tpu.memory_space<vmem>>, vector<1x16xf32>,
          %swap3A_891 = vector.shape_cast %swap3A_890 : vector<1x16xf32> to vector<16xf32>
          %swap3A_892 = vector.shape_cast %get3A_821 : vector<16xf32> to vector<1x16xf32>
          tpu.vector_store %arg6[%swap3A_888, %swap3A_889], %swap3A_892 {add = true, strides = array<i32>} : memref<16x1024xf32, #tpu.memory_space<vmem>>, vector<1x16xf32>,
          %swap3A_893 = arith.constant 12 : i32
          %swap3A_894 = arith.index_cast %swap3A_893 : i32 to index
          %swap3A_895 = arith.index_cast %mul3A_818 : i32 to index
          %swap3A_896 = tpu.vector_load %arg6[%swap3A_894, %swap3A_895] {strides = array<i32>} : memref<16x1024xf32, #tpu.memory_space<vmem>>, vector<1x16xf32>,
          %swap3A_897 = vector.shape_cast %swap3A_896 : vector<1x16xf32> to vector<16xf32>
          %swap3A_898 = vector.shape_cast %get3A_821 : vector<16xf32> to vector<1x16xf32>
          tpu.vector_store %arg6[%swap3A_894, %swap3A_895], %swap3A_898 {add = true, strides = array<i32>} : memref<16x1024xf32, #tpu.memory_space<vmem>>, vector<1x16xf32>,
          %swap3A_899 = arith.constant 13 : i32
          %swap3A_900 = arith.index_cast %swap3A_899 : i32 to index
          %swap3A_901 = arith.index_cast %mul3A_818 : i32 to index
          %swap3A_902 = tpu.vector_load %arg6[%swap3A_900, %swap3A_901] {strides = array<i32>} : memref<16x1024xf32, #tpu.memory_space<vmem>>, vector<1x16xf32>,
          %swap3A_903 = vector.shape_cast %swap3A_902 : vector<1x16xf32> to vector<16xf32>
          %swap3A_904 = vector.shape_cast %get3A_821 : vector<16xf32> to vector<1x16xf32>
          tpu.vector_store %arg6[%swap3A_900, %swap3A_901], %swap3A_904 {add = true, strides = array<i32>} : memref<16x1024xf32, #tpu.memory_space<vmem>>, vector<1x16xf32>,
          %swap3A_905 = arith.constant 14 : i32
          %swap3A_906 = arith.index_cast %swap3A_905 : i32 to index
          %swap3A_907 = arith.index_cast %mul3A_818 : i32 to index
          %swap3A_908 = tpu.vector_load %arg6[%swap3A_906, %swap3A_907] {strides = array<i32>} : memref<16x1024xf32, #tpu.memory_space<vmem>>, vector<1x16xf32>,
          %swap3A_909 = vector.shape_cast %swap3A_908 : vector<1x16xf32> to vector<16xf32>
          %swap3A_910 = vector.shape_cast %get3A_821 : vector<16xf32> to vector<1x16xf32>
          tpu.vector_store %arg6[%swap3A_906, %swap3A_907], %swap3A_910 {add = true, strides = array<i32>} : memref<16x1024xf32, #tpu.memory_space<vmem>>, vector<1x16xf32>,
          %swap3A_911 = arith.constant 15 : i32
          %swap3A_912 = arith.index_cast %swap3A_911 : i32 to index
          %swap3A_913 = arith.index_cast %mul3A_818 : i32 to index
          %swap3A_914 = tpu.vector_load %arg6[%swap3A_912, %swap3A_913] {strides = array<i32>} : memref<16x1024xf32, #tpu.memory_space<vmem>>, vector<1x16xf32>,
          %swap3A_915 = vector.shape_cast %swap3A_914 : vector<1x16xf32> to vector<16xf32>
          %swap3A_916 = vector.shape_cast %get3A_821 : vector<16xf32> to vector<1x16xf32>
          tpu.vector_store %arg6[%swap3A_912, %swap3A_913], %swap3A_916 {add = true, strides = array<i32>} : memref<16x1024xf32, #tpu.memory_space<vmem>>, vector<1x16xf32>,
          %scan3A_917 = arith.constant 0 : i32
          scf.yield %scan3A_917 : i32
        }
        %scan3A_763 = arith.constant 64 : i32
        %jit3A_764 = arith.constant 8 : i32
        %div3A_765 = arith.divsi %add3A_595, %jit3A_764 : i32
        %sign3A_766 = arith.constant 0 : i32
        %sign3A_767 = arith.cmpi sgt, %add3A_595, %sign3A_766 : i32
        %sign3A_768 = arith.extui %sign3A_767 : i1 to i32
        %sign3A_769 = arith.constant 0 : i32
        %sign3A_770 = arith.cmpi slt, %add3A_595, %sign3A_769 : i32
        %sign3A_771 = arith.extui %sign3A_770 : i1 to i32
        %sign3A_772 = arith.subi %sign3A_768, %sign3A_771 : i32
        %sign3A_773 = arith.constant 0 : i32
        %sign3A_774 = arith.cmpi sgt, %jit3A_764, %sign3A_773 : i32
        %sign3A_775 = arith.extui %sign3A_774 : i1 to i32
        %sign3A_776 = arith.constant 0 : i32
        %sign3A_777 = arith.cmpi slt, %jit3A_764, %sign3A_776 : i32
        %sign3A_778 = arith.extui %sign3A_777 : i1 to i32
        %sign3A_779 = arith.subi %sign3A_775, %sign3A_778 : i32
        %ne3A_780 = arith.cmpi ne, %sign3A_772, %sign3A_779 : i32
        %rem3A_781 = arith.remsi %add3A_595, %jit3A_764 : i32
        %ne3A_782 = arith.constant 0 : i32
        %ne3A_783 = arith.cmpi ne, %rem3A_781, %ne3A_782 : i32
        %and3A_784 = arith.andi %ne3A_780, %ne3A_783 : i1
        %sub3A_785 = arith.constant 1 : i32
        %sub3A_786 = arith.subi %div3A_765, %sub3A_785 : i32
        %select_n3A_787 = arith.select %and3A_784, %sub3A_786, %div3A_765 : i32
        %mul3A_788 = arith.constant 32 : i32
        %mul3A_789 = arith.muli %select_n3A_787, %mul3A_788 : i32
        %add3A_790 = arith.addi %add3A, %mul3A_789 : i32
        %jit3A_791 = arith.constant 8 : i32
        %eq3A_792 = arith.constant 0 : i32
        %eq3A_793 = arith.cmpi eq, %jit3A_791, %eq3A_792 : i32
        %jit3A_794 = arith.constant 1 : i32
        %select_n3A_795 = arith.select %eq3A_793, %jit3A_794, %jit3A_791 : i32
        %rem3A_796 = arith.remsi %add3A_595, %select_n3A_795 : i32
        %ne3A_797 = arith.constant 0 : i32
        %ne3A_798 = arith.cmpi ne, %rem3A_796, %ne3A_797 : i32
        %lt3A_799 = arith.constant 0 : i32
        %lt3A_800 = arith.cmpi slt, %rem3A_796, %lt3A_799 : i32
        %lt3A_801 = arith.constant 0 : i32
        %lt3A_802 = arith.cmpi slt, %select_n3A_795, %lt3A_801 : i32
        %ne3A_803 = arith.xori %lt3A_800, %lt3A_802 : i1
        %and3A_804 = arith.andi %ne3A_803, %ne3A_798 : i1
        %add3A_805 = arith.addi %rem3A_796, %select_n3A_795 : i32
        %select_n3A_806 = arith.select %and3A_804, %add3A_805, %rem3A_796 : i32
        %mul3A_807 = arith.constant 16 : i32
        %mul3A_808 = arith.muli %select_n3A_806, %mul3A_807 : i32
        %dma_start3A_809 = arith.constant 0 : i32
        %dma_start3A_810 = tpu.memref_slice %arg4[%add3A_790, %mul3A_808, %dma_start3A_809] : memref<250x128x1024xf32, #tpu.memory_space<hbm>> -> memref<1x16x1024xf32, #tpu.memory_space<hbm>>
        %dma_start3A_811 = tpu.memref_squeeze %dma_start3A_810 : memref<1x16x1024xf32, #tpu.memory_space<hbm>> -> memref<16x1024xf32, #tpu.memory_space<hbm>>
        %dma_start3A_812 = arith.constant 0 : i32
        %dma_start3A_813 = tpu.memref_slice %arg4[%add3A_790, %mul3A_808, %dma_start3A_812] : memref<250x128x1024xf32, #tpu.memory_space<hbm>> -> memref<1x16x1024xf32, #tpu.memory_space<hbm>>
        %dma_start3A_814 = tpu.memref_squeeze %dma_start3A_813 : memref<1x16x1024xf32, #tpu.memory_space<hbm>> -> memref<16x1024xf32, #tpu.memory_space<hbm>>
        tpu.enqueue_dma source(%arg6 : memref<16x1024xf32, #tpu.memory_space<vmem>>) target(%dma_start3A_814 : memref<16x1024xf32, #tpu.memory_space<hbm>>) target_semaphore(%arg19 : memref<!tpu.dma_semaphore, #tpu.memory_space<semaphore_mem>>)
      } else {
      }
      %mul3A_598 = arith.constant 6 : i32
      %mul3A_599 = arith.muli %scan3A_590, %mul3A_598 : i32
      %add3A_600 = arith.constant 1 : i32
      %add3A_601 = arith.addi %mul3A_599, %add3A_600 : i32
      %lt3A_602 = arith.cmpi slt, %add3A_601, %select_n3A : i32
      %convert_element_type3A_603 = arith.extui %lt3A_602 : i1 to i32
      %cond3A_604 = arith.constant 0 : i32
      %cond3A_605 = arith.cmpi ne, %convert_element_type3A_603, %cond3A_604 : i32
      scf.if %cond3A_605 {
        %jit3A_639 = arith.constant 8 : i32
        %eq3A_640 = arith.constant 0 : i32
        %eq3A_641 = arith.cmpi eq, %jit3A_639, %eq3A_640 : i32
        %jit3A_642 = arith.constant 1 : i32
        %select_n3A_643 = arith.select %eq3A_641, %jit3A_642, %jit3A_639 : i32
        %rem3A_644 = arith.remsi %add3A_601, %select_n3A_643 : i32
        %ne3A_645 = arith.constant 0 : i32
        %ne3A_646 = arith.cmpi ne, %rem3A_644, %ne3A_645 : i32
        %lt3A_647 = arith.constant 0 : i32
        %lt3A_648 = arith.cmpi slt, %rem3A_644, %lt3A_647 : i32
        %lt3A_649 = arith.constant 0 : i32
        %lt3A_650 = arith.cmpi slt, %select_n3A_643, %lt3A_649 : i32
        %ne3A_651 = arith.xori %lt3A_648, %lt3A_650 : i1
        %and3A_652 = arith.andi %ne3A_651, %ne3A_646 : i1
        %add3A_653 = arith.addi %rem3A_644, %select_n3A_643 : i32
        %select_n3A_654 = arith.select %and3A_652, %add3A_653, %rem3A_644 : i32
        %eq3A_655 = arith.constant 0 : i32
        %eq3A_656 = arith.cmpi eq, %select_n3A_654, %eq3A_655 : i32
        %convert_element_type3A_657 = arith.extui %eq3A_656 : i1 to i32
        %cond3A_658 = arith.constant 0 : i32
        %cond3A_659 = arith.cmpi ne, %convert_element_type3A_657, %cond3A_658 : i32
        scf.if %cond3A_659 {
          %jit3A_815 = arith.constant 8 : i32
          %div3A_816 = arith.divsi %add3A_601, %jit3A_815 : i32
          %sign3A_817 = arith.constant 0 : i32
          %sign3A_818 = arith.cmpi sgt, %add3A_601, %sign3A_817 : i32
          %sign3A_819 = arith.extui %sign3A_818 : i1 to i32
          %sign3A_820 = arith.constant 0 : i32
          %sign3A_821 = arith.cmpi slt, %add3A_601, %sign3A_820 : i32
          %sign3A_822 = arith.extui %sign3A_821 : i1 to i32
          %sign3A_823 = arith.subi %sign3A_819, %sign3A_822 : i32
          %sign3A_824 = arith.constant 0 : i32
          %sign3A_825 = arith.cmpi sgt, %jit3A_815, %sign3A_824 : i32
          %sign3A_826 = arith.extui %sign3A_825 : i1 to i32
          %sign3A_827 = arith.constant 0 : i32
          %sign3A_828 = arith.cmpi slt, %jit3A_815, %sign3A_827 : i32
          %sign3A_829 = arith.extui %sign3A_828 : i1 to i32
          %sign3A_830 = arith.subi %sign3A_826, %sign3A_829 : i32
          %ne3A_831 = arith.cmpi ne, %sign3A_823, %sign3A_830 : i32
          %rem3A_832 = arith.remsi %add3A_601, %jit3A_815 : i32
          %ne3A_833 = arith.constant 0 : i32
          %ne3A_834 = arith.cmpi ne, %rem3A_832, %ne3A_833 : i32
          %and3A_835 = arith.andi %ne3A_831, %ne3A_834 : i1
          %sub3A_836 = arith.constant 1 : i32
          %sub3A_837 = arith.subi %div3A_816, %sub3A_836 : i32
          %select_n3A_838 = arith.select %and3A_835, %sub3A_837, %div3A_816 : i32
          %jit3A_839 = arith.constant 2 : i32
          %eq3A_840 = arith.constant 0 : i32
          %eq3A_841 = arith.cmpi eq, %jit3A_839, %eq3A_840 : i32
          %jit3A_842 = arith.constant 1 : i32
          %select_n3A_843 = arith.select %eq3A_841, %jit3A_842, %jit3A_839 : i32
          %rem3A_844 = arith.remsi %select_n3A_838, %select_n3A_843 : i32
          %ne3A_845 = arith.constant 0 : i32
          %ne3A_846 = arith.cmpi ne, %rem3A_844, %ne3A_845 : i32
          %lt3A_847 = arith.constant 0 : i32
          %lt3A_848 = arith.cmpi slt, %rem3A_844, %lt3A_847 : i32
          %lt3A_849 = arith.constant 0 : i32
          %lt3A_850 = arith.cmpi slt, %select_n3A_843, %lt3A_849 : i32
          %ne3A_851 = arith.xori %lt3A_848, %lt3A_850 : i1
          %and3A_852 = arith.andi %ne3A_851, %ne3A_846 : i1
          %add3A_853 = arith.addi %rem3A_844, %select_n3A_843 : i32
          %select_n3A_854 = arith.select %and3A_852, %add3A_853, %rem3A_844 : i32
          %dma_wait3A_855 = arith.constant 0 : i32
          %dma_wait3A_856 = arith.constant 0 : i32
          %dma_wait3A_857 = tpu.memref_slice %arg5[%dma_wait3A_855, %dma_wait3A_856] : memref<2x1024xf32, #tpu.memory_space<vmem>> -> memref<1x1024xf32, #tpu.memory_space<vmem>>
          %dma_wait3A_858 = arith.constant 0 : i32
          %dma_wait3A_859 = tpu.memref_slice %arg3[%add3A, %dma_wait3A_858] : memref<250x1024xf32, #tpu.memory_space<hbm>> -> memref<1x1024xf32, #tpu.memory_space<hbm>>
          %dma_wait3A_860 = arith.constant 0 : i32
          %dma_wait3A_861 = arith.constant 0 : i32
          %dma_wait3A_862 = tpu.memref_slice %arg5[%dma_wait3A_860, %dma_wait3A_861] : memref<2x1024xf32, #tpu.memory_space<vmem>> -> memref<1x1024xf32, #tpu.memory_space<vmem>>
          %dma_wait3A_863 = arith.constant 0 : i32
          %dma_wait3A_864 = tpu.memref_slice %arg3[%add3A, %dma_wait3A_863] : memref<250x1024xf32, #tpu.memory_space<hbm>> -> memref<1x1024xf32, #tpu.memory_space<hbm>>
          tpu.wait_dma2 semaphore(%arg12 : memref<!tpu.dma_semaphore, #tpu.memory_space<semaphore_mem>>) src(%dma_wait3A_864 : memref<1x1024xf32, #tpu.memory_space<hbm>>) dst(%dma_wait3A_862 : memref<1x1024xf32, #tpu.memory_space<vmem>>)
          %add3A_865 = arith.constant 1 : i32
          %add3A_866 = arith.addi %select_n3A_838, %add3A_865 : i32
          %mul3A_867 = arith.constant 32 : i32
          %mul3A_868 = arith.muli %add3A_866, %mul3A_867 : i32
          %add3A_869 = arith.addi %add3A, %mul3A_868 : i32
          %lt3A_870 = arith.constant 250 : i32
          %lt3A_871 = arith.cmpi slt, %add3A_869, %lt3A_870 : i32
          %convert_element_type3A_872 = arith.extui %lt3A_871 : i1 to i32
          %cond3A_873 = arith.constant 0 : i32
          %cond3A_874 = arith.cmpi ne, %convert_element_type3A_872, %cond3A_873 : i32
          scf.if %cond3A_874 {
            %eq3A_875 = arith.constant 0 : i32
            %eq3A_876 = arith.cmpi eq, %select_n3A_854, %eq3A_875 : i32
            %convert_element_type3A_877 = arith.extui %eq3A_876 : i1 to i32
            %cond3A_878 = arith.constant 0 : i32
            %cond3A_879 = arith.cmpi ne, %convert_element_type3A_877, %cond3A_878 : i32
            scf.if %cond3A_879 {
              %add3A_885 = arith.constant 1 : i32
              %add3A_886 = arith.addi %select_n3A_838, %add3A_885 : i32
              %mul3A_887 = arith.constant 32 : i32
              %mul3A_888 = arith.muli %add3A_886, %mul3A_887 : i32
              %add3A_889 = arith.addi %add3A, %mul3A_888 : i32
              %dma_start3A_890 = arith.constant 1 : i32
              %dma_start3A_891 = arith.constant 0 : i32
              %dma_start3A_892 = tpu.memref_slice %arg5[%dma_start3A_890, %dma_start3A_891] : memref<2x1024xf32, #tpu.memory_space<vmem>> -> memref<1x1024xf32, #tpu.memory_space<vmem>>
              %dma_start3A_893 = arith.constant 0 : i32
              %dma_start3A_894 = tpu.memref_slice %arg3[%add3A_889, %dma_start3A_893] : memref<250x1024xf32, #tpu.memory_space<hbm>> -> memref<1x1024xf32, #tpu.memory_space<hbm>>
              %dma_start3A_895 = arith.constant 1 : i32
              %dma_start3A_896 = arith.constant 0 : i32
              %dma_start3A_897 = tpu.memref_slice %arg5[%dma_start3A_895, %dma_start3A_896] : memref<2x1024xf32, #tpu.memory_space<vmem>> -> memref<1x1024xf32, #tpu.memory_space<vmem>>
              %dma_start3A_898 = arith.constant 0 : i32
              %dma_start3A_899 = tpu.memref_slice %arg3[%add3A_889, %dma_start3A_898] : memref<250x1024xf32, #tpu.memory_space<hbm>> -> memref<1x1024xf32, #tpu.memory_space<hbm>>
              tpu.enqueue_dma source(%dma_start3A_899 : memref<1x1024xf32, #tpu.memory_space<hbm>>) target(%dma_start3A_897 : memref<1x1024xf32, #tpu.memory_space<vmem>>) target_semaphore(%arg12 : memref<!tpu.dma_semaphore, #tpu.memory_space<semaphore_mem>>)
            } else {
            }
            %eq3A_880 = arith.constant 1 : i32
            %eq3A_881 = arith.cmpi eq, %select_n3A_854, %eq3A_880 : i32
            %convert_element_type3A_882 = arith.extui %eq3A_881 : i1 to i32
            %cond3A_883 = arith.constant 0 : i32
            %cond3A_884 = arith.cmpi ne, %convert_element_type3A_882, %cond3A_883 : i32
            scf.if %cond3A_884 {
              %add3A_885 = arith.constant 1 : i32
              %add3A_886 = arith.addi %select_n3A_838, %add3A_885 : i32
              %mul3A_887 = arith.constant 32 : i32
              %mul3A_888 = arith.muli %add3A_886, %mul3A_887 : i32
              %add3A_889 = arith.addi %add3A, %mul3A_888 : i32
              %dma_start3A_890 = arith.constant 0 : i32
              %dma_start3A_891 = arith.constant 0 : i32
              %dma_start3A_892 = tpu.memref_slice %arg5[%dma_start3A_890, %dma_start3A_891] : memref<2x1024xf32, #tpu.memory_space<vmem>> -> memref<1x1024xf32, #tpu.memory_space<vmem>>
              %dma_start3A_893 = arith.constant 0 : i32
              %dma_start3A_894 = tpu.memref_slice %arg3[%add3A_889, %dma_start3A_893] : memref<250x1024xf32, #tpu.memory_space<hbm>> -> memref<1x1024xf32, #tpu.memory_space<hbm>>
              %dma_start3A_895 = arith.constant 0 : i32
              %dma_start3A_896 = arith.constant 0 : i32
              %dma_start3A_897 = tpu.memref_slice %arg5[%dma_start3A_895, %dma_start3A_896] : memref<2x1024xf32, #tpu.memory_space<vmem>> -> memref<1x1024xf32, #tpu.memory_space<vmem>>
              %dma_start3A_898 = arith.constant 0 : i32
              %dma_start3A_899 = tpu.memref_slice %arg3[%add3A_889, %dma_start3A_898] : memref<250x1024xf32, #tpu.memory_space<hbm>> -> memref<1x1024xf32, #tpu.memory_space<hbm>>
              tpu.enqueue_dma source(%dma_start3A_899 : memref<1x1024xf32, #tpu.memory_space<hbm>>) target(%dma_start3A_897 : memref<1x1024xf32, #tpu.memory_space<vmem>>) target_semaphore(%arg12 : memref<!tpu.dma_semaphore, #tpu.memory_space<semaphore_mem>>)
            } else {
            }
          } else {
          }
        } else {
        }
        %jit3A_660 = arith.constant 8 : i32
        %div3A_661 = arith.divsi %add3A_601, %jit3A_660 : i32
        %sign3A_662 = arith.constant 0 : i32
        %sign3A_663 = arith.cmpi sgt, %add3A_601, %sign3A_662 : i32
        %sign3A_664 = arith.extui %sign3A_663 : i1 to i32
        %sign3A_665 = arith.constant 0 : i32
        %sign3A_666 = arith.cmpi slt, %add3A_601, %sign3A_665 : i32
        %sign3A_667 = arith.extui %sign3A_666 : i1 to i32
        %sign3A_668 = arith.subi %sign3A_664, %sign3A_667 : i32
        %sign3A_669 = arith.constant 0 : i32
        %sign3A_670 = arith.cmpi sgt, %jit3A_660, %sign3A_669 : i32
        %sign3A_671 = arith.extui %sign3A_670 : i1 to i32
        %sign3A_672 = arith.constant 0 : i32
        %sign3A_673 = arith.cmpi slt, %jit3A_660, %sign3A_672 : i32
        %sign3A_674 = arith.extui %sign3A_673 : i1 to i32
        %sign3A_675 = arith.subi %sign3A_671, %sign3A_674 : i32
        %ne3A_676 = arith.cmpi ne, %sign3A_668, %sign3A_675 : i32
        %rem3A_677 = arith.remsi %add3A_601, %jit3A_660 : i32
        %ne3A_678 = arith.constant 0 : i32
        %ne3A_679 = arith.cmpi ne, %rem3A_677, %ne3A_678 : i32
        %and3A_680 = arith.andi %ne3A_676, %ne3A_679 : i1
        %sub3A_681 = arith.constant 1 : i32
        %sub3A_682 = arith.subi %div3A_661, %sub3A_681 : i32
        %select_n3A_683 = arith.select %and3A_680, %sub3A_682, %div3A_661 : i32
        %mul3A_684 = arith.constant 32 : i32
        %mul3A_685 = arith.muli %select_n3A_683, %mul3A_684 : i32
        %add3A_686 = arith.addi %add3A, %mul3A_685 : i32
        %jit3A_687 = arith.constant 8 : i32
        %eq3A_688 = arith.constant 0 : i32
        %eq3A_689 = arith.cmpi eq, %jit3A_687, %eq3A_688 : i32
        %jit3A_690 = arith.constant 1 : i32
        %select_n3A_691 = arith.select %eq3A_689, %jit3A_690, %jit3A_687 : i32
        %rem3A_692 = arith.remsi %add3A_601, %select_n3A_691 : i32
        %ne3A_693 = arith.constant 0 : i32
        %ne3A_694 = arith.cmpi ne, %rem3A_692, %ne3A_693 : i32
        %lt3A_695 = arith.constant 0 : i32
        %lt3A_696 = arith.cmpi slt, %rem3A_692, %lt3A_695 : i32
        %lt3A_697 = arith.constant 0 : i32
        %lt3A_698 = arith.cmpi slt, %select_n3A_691, %lt3A_697 : i32
        %ne3A_699 = arith.xori %lt3A_696, %lt3A_698 : i1
        %and3A_700 = arith.andi %ne3A_699, %ne3A_694 : i1
        %add3A_701 = arith.addi %rem3A_692, %select_n3A_691 : i32
        %select_n3A_702 = arith.select %and3A_700, %add3A_701, %rem3A_692 : i32
        %mul3A_703 = arith.constant 16 : i32
        %mul3A_704 = arith.muli %select_n3A_702, %mul3A_703 : i32
        %dma_wait3A_705 = arith.constant 0 : i32
        %dma_wait3A_706 = tpu.memref_slice %arg2[%add3A_686, %mul3A_704, %dma_wait3A_705] : memref<250x128x1024xf32, #tpu.memory_space<hbm>> -> memref<1x16x1024xf32, #tpu.memory_space<hbm>>
        %dma_wait3A_707 = tpu.memref_squeeze %dma_wait3A_706 : memref<1x16x1024xf32, #tpu.memory_space<hbm>> -> memref<16x1024xf32, #tpu.memory_space<hbm>>
        %dma_wait3A_708 = arith.constant 0 : i32
        %dma_wait3A_709 = tpu.memref_slice %arg2[%add3A_686, %mul3A_704, %dma_wait3A_708] : memref<250x128x1024xf32, #tpu.memory_space<hbm>> -> memref<1x16x1024xf32, #tpu.memory_space<hbm>>
        %dma_wait3A_710 = tpu.memref_squeeze %dma_wait3A_709 : memref<1x16x1024xf32, #tpu.memory_space<hbm>> -> memref<16x1024xf32, #tpu.memory_space<hbm>>
        tpu.wait_dma2 semaphore(%arg14 : memref<!tpu.dma_semaphore, #tpu.memory_space<semaphore_mem>>) src(%dma_wait3A_710 : memref<16x1024xf32, #tpu.memory_space<hbm>>) dst(%arg7 : memref<16x1024xf32, #tpu.memory_space<vmem>>)
        %add3A_711 = arith.constant 4 : i32
        %add3A_712 = arith.addi %add3A_601, %add3A_711 : i32
        %lt3A_713 = arith.cmpi slt, %add3A_712, %select_n3A : i32
        %convert_element_type3A_714 = arith.extui %lt3A_713 : i1 to i32
        %cond3A_715 = arith.constant 0 : i32
        %cond3A_716 = arith.cmpi ne, %convert_element_type3A_714, %cond3A_715 : i32
        scf.if %cond3A_716 {
          %add3A_815 = arith.constant 4 : i32
          %add3A_816 = arith.addi %add3A_601, %add3A_815 : i32
          %ge3A = arith.constant 6 : i32
          %ge3A_817 = arith.cmpi sge, %add3A_816, %ge3A : i32
          %convert_element_type3A_818 = arith.extui %ge3A_817 : i1 to i32
          %cond3A_819 = arith.constant 0 : i32
          %cond3A_820 = arith.cmpi ne, %convert_element_type3A_818, %cond3A_819 : i32
          scf.if %cond3A_820 {
            %add3A_874 = arith.constant 4 : i32
            %add3A_875 = arith.addi %add3A_601, %add3A_874 : i32
            %sub3A_876 = arith.constant 6 : i32
            %sub3A_877 = arith.subi %add3A_875, %sub3A_876 : i32
            %jit3A_878 = arith.constant 8 : i32
            %div3A_879 = arith.divsi %sub3A_877, %jit3A_878 : i32
            %sign3A_880 = arith.constant 0 : i32
            %sign3A_881 = arith.cmpi sgt, %sub3A_877, %sign3A_880 : i32
            %sign3A_882 = arith.extui %sign3A_881 : i1 to i32
            %sign3A_883 = arith.constant 0 : i32
            %sign3A_884 = arith.cmpi slt, %sub3A_877, %sign3A_883 : i32
            %sign3A_885 = arith.extui %sign3A_884 : i1 to i32
            %sign3A_886 = arith.subi %sign3A_882, %sign3A_885 : i32
            %sign3A_887 = arith.constant 0 : i32
            %sign3A_888 = arith.cmpi sgt, %jit3A_878, %sign3A_887 : i32
            %sign3A_889 = arith.extui %sign3A_888 : i1 to i32
            %sign3A_890 = arith.constant 0 : i32
            %sign3A_891 = arith.cmpi slt, %jit3A_878, %sign3A_890 : i32
            %sign3A_892 = arith.extui %sign3A_891 : i1 to i32
            %sign3A_893 = arith.subi %sign3A_889, %sign3A_892 : i32
            %ne3A_894 = arith.cmpi ne, %sign3A_886, %sign3A_893 : i32
            %rem3A_895 = arith.remsi %sub3A_877, %jit3A_878 : i32
            %ne3A_896 = arith.constant 0 : i32
            %ne3A_897 = arith.cmpi ne, %rem3A_895, %ne3A_896 : i32
            %and3A_898 = arith.andi %ne3A_894, %ne3A_897 : i1
            %sub3A_899 = arith.constant 1 : i32
            %sub3A_900 = arith.subi %div3A_879, %sub3A_899 : i32
            %select_n3A_901 = arith.select %and3A_898, %sub3A_900, %div3A_879 : i32
            %mul3A_902 = arith.constant 32 : i32
            %mul3A_903 = arith.muli %select_n3A_901, %mul3A_902 : i32
            %add3A_904 = arith.addi %add3A, %mul3A_903 : i32
            %jit3A_905 = arith.constant 8 : i32
            %eq3A_906 = arith.constant 0 : i32
            %eq3A_907 = arith.cmpi eq, %jit3A_905, %eq3A_906 : i32
            %jit3A_908 = arith.constant 1 : i32
            %select_n3A_909 = arith.select %eq3A_907, %jit3A_908, %jit3A_905 : i32
            %rem3A_910 = arith.remsi %sub3A_877, %select_n3A_909 : i32
            %ne3A_911 = arith.constant 0 : i32
            %ne3A_912 = arith.cmpi ne, %rem3A_910, %ne3A_911 : i32
            %lt3A_913 = arith.constant 0 : i32
            %lt3A_914 = arith.cmpi slt, %rem3A_910, %lt3A_913 : i32
            %lt3A_915 = arith.constant 0 : i32
            %lt3A_916 = arith.cmpi slt, %select_n3A_909, %lt3A_915 : i32
            %ne3A_917 = arith.xori %lt3A_914, %lt3A_916 : i1
            %and3A_918 = arith.andi %ne3A_917, %ne3A_912 : i1
            %add3A_919 = arith.addi %rem3A_910, %select_n3A_909 : i32
            %select_n3A_920 = arith.select %and3A_918, %add3A_919, %rem3A_910 : i32
            %mul3A_921 = arith.constant 16 : i32
            %mul3A_922 = arith.muli %select_n3A_920, %mul3A_921 : i32
            %dma_wait3A_923 = arith.constant 0 : i32
            %dma_wait3A_924 = tpu.memref_slice %arg4[%add3A_904, %mul3A_922, %dma_wait3A_923] : memref<250x128x1024xf32, #tpu.memory_space<hbm>> -> memref<1x16x1024xf32, #tpu.memory_space<hbm>>
            %dma_wait3A_925 = tpu.memref_squeeze %dma_wait3A_924 : memref<1x16x1024xf32, #tpu.memory_space<hbm>> -> memref<16x1024xf32, #tpu.memory_space<hbm>>
            %dma_wait3A_926 = arith.constant 0 : i32
            %dma_wait3A_927 = tpu.memref_slice %arg4[%add3A_904, %mul3A_922, %dma_wait3A_926] : memref<250x128x1024xf32, #tpu.memory_space<hbm>> -> memref<1x16x1024xf32, #tpu.memory_space<hbm>>
            %dma_wait3A_928 = tpu.memref_squeeze %dma_wait3A_927 : memref<1x16x1024xf32, #tpu.memory_space<hbm>> -> memref<16x1024xf32, #tpu.memory_space<hbm>>
            tpu.wait_dma2 semaphore(%arg24 : memref<!tpu.dma_semaphore, #tpu.memory_space<semaphore_mem>>) src(%arg11 : memref<16x1024xf32, #tpu.memory_space<vmem>>) dst(%dma_wait3A_928 : memref<16x1024xf32, #tpu.memory_space<hbm>>)
          } else {
          }
          %add3A_821 = arith.constant 4 : i32
          %add3A_822 = arith.addi %add3A_601, %add3A_821 : i32
          %jit3A_823 = arith.constant 8 : i32
          %div3A_824 = arith.divsi %add3A_822, %jit3A_823 : i32
          %sign3A_825 = arith.constant 0 : i32
          %sign3A_826 = arith.cmpi sgt, %add3A_822, %sign3A_825 : i32
          %sign3A_827 = arith.extui %sign3A_826 : i1 to i32
          %sign3A_828 = arith.constant 0 : i32
          %sign3A_829 = arith.cmpi slt, %add3A_822, %sign3A_828 : i32
          %sign3A_830 = arith.extui %sign3A_829 : i1 to i32
          %sign3A_831 = arith.subi %sign3A_827, %sign3A_830 : i32
          %sign3A_832 = arith.constant 0 : i32
          %sign3A_833 = arith.cmpi sgt, %jit3A_823, %sign3A_832 : i32
          %sign3A_834 = arith.extui %sign3A_833 : i1 to i32
          %sign3A_835 = arith.constant 0 : i32
          %sign3A_836 = arith.cmpi slt, %jit3A_823, %sign3A_835 : i32
          %sign3A_837 = arith.extui %sign3A_836 : i1 to i32
          %sign3A_838 = arith.subi %sign3A_834, %sign3A_837 : i32
          %ne3A_839 = arith.cmpi ne, %sign3A_831, %sign3A_838 : i32
          %rem3A_840 = arith.remsi %add3A_822, %jit3A_823 : i32
          %ne3A_841 = arith.constant 0 : i32
          %ne3A_842 = arith.cmpi ne, %rem3A_840, %ne3A_841 : i32
          %and3A_843 = arith.andi %ne3A_839, %ne3A_842 : i1
          %sub3A_844 = arith.constant 1 : i32
          %sub3A_845 = arith.subi %div3A_824, %sub3A_844 : i32
          %select_n3A_846 = arith.select %and3A_843, %sub3A_845, %div3A_824 : i32
          %mul3A_847 = arith.constant 32 : i32
          %mul3A_848 = arith.muli %select_n3A_846, %mul3A_847 : i32
          %add3A_849 = arith.addi %add3A, %mul3A_848 : i32
          %jit3A_850 = arith.constant 8 : i32
          %eq3A_851 = arith.constant 0 : i32
          %eq3A_852 = arith.cmpi eq, %jit3A_850, %eq3A_851 : i32
          %jit3A_853 = arith.constant 1 : i32
          %select_n3A_854 = arith.select %eq3A_852, %jit3A_853, %jit3A_850 : i32
          %rem3A_855 = arith.remsi %add3A_822, %select_n3A_854 : i32
          %ne3A_856 = arith.constant 0 : i32
          %ne3A_857 = arith.cmpi ne, %rem3A_855, %ne3A_856 : i32
          %lt3A_858 = arith.constant 0 : i32
          %lt3A_859 = arith.cmpi slt, %rem3A_855, %lt3A_858 : i32
          %lt3A_860 = arith.constant 0 : i32
          %lt3A_861 = arith.cmpi slt, %select_n3A_854, %lt3A_860 : i32
          %ne3A_862 = arith.xori %lt3A_859, %lt3A_861 : i1
          %and3A_863 = arith.andi %ne3A_862, %ne3A_857 : i1
          %add3A_864 = arith.addi %rem3A_855, %select_n3A_854 : i32
          %select_n3A_865 = arith.select %and3A_863, %add3A_864, %rem3A_855 : i32
          %mul3A_866 = arith.constant 16 : i32
          %mul3A_867 = arith.muli %select_n3A_865, %mul3A_866 : i32
          %dma_start3A_868 = arith.constant 0 : i32
          %dma_start3A_869 = tpu.memref_slice %arg2[%add3A_849, %mul3A_867, %dma_start3A_868] : memref<250x128x1024xf32, #tpu.memory_space<hbm>> -> memref<1x16x1024xf32, #tpu.memory_space<hbm>>
          %dma_start3A_870 = tpu.memref_squeeze %dma_start3A_869 : memref<1x16x1024xf32, #tpu.memory_space<hbm>> -> memref<16x1024xf32, #tpu.memory_space<hbm>>
          %dma_start3A_871 = arith.constant 0 : i32
          %dma_start3A_872 = tpu.memref_slice %arg2[%add3A_849, %mul3A_867, %dma_start3A_871] : memref<250x128x1024xf32, #tpu.memory_space<hbm>> -> memref<1x16x1024xf32, #tpu.memory_space<hbm>>
          %dma_start3A_873 = tpu.memref_squeeze %dma_start3A_872 : memref<1x16x1024xf32, #tpu.memory_space<hbm>> -> memref<16x1024xf32, #tpu.memory_space<hbm>>
          tpu.enqueue_dma source(%dma_start3A_873 : memref<16x1024xf32, #tpu.memory_space<hbm>>) target(%arg11 : memref<16x1024xf32, #tpu.memory_space<vmem>>) target_semaphore(%arg18 : memref<!tpu.dma_semaphore, #tpu.memory_space<semaphore_mem>>)
        } else {
        }
        %jit3A_717 = arith.constant 8 : i32
        %div3A_718 = arith.divsi %add3A_601, %jit3A_717 : i32
        %sign3A_719 = arith.constant 0 : i32
        %sign3A_720 = arith.cmpi sgt, %add3A_601, %sign3A_719 : i32
        %sign3A_721 = arith.extui %sign3A_720 : i1 to i32
        %sign3A_722 = arith.constant 0 : i32
        %sign3A_723 = arith.cmpi slt, %add3A_601, %sign3A_722 : i32
        %sign3A_724 = arith.extui %sign3A_723 : i1 to i32
        %sign3A_725 = arith.subi %sign3A_721, %sign3A_724 : i32
        %sign3A_726 = arith.constant 0 : i32
        %sign3A_727 = arith.cmpi sgt, %jit3A_717, %sign3A_726 : i32
        %sign3A_728 = arith.extui %sign3A_727 : i1 to i32
        %sign3A_729 = arith.constant 0 : i32
        %sign3A_730 = arith.cmpi slt, %jit3A_717, %sign3A_729 : i32
        %sign3A_731 = arith.extui %sign3A_730 : i1 to i32
        %sign3A_732 = arith.subi %sign3A_728, %sign3A_731 : i32
        %ne3A_733 = arith.cmpi ne, %sign3A_725, %sign3A_732 : i32
        %rem3A_734 = arith.remsi %add3A_601, %jit3A_717 : i32
        %ne3A_735 = arith.constant 0 : i32
        %ne3A_736 = arith.cmpi ne, %rem3A_734, %ne3A_735 : i32
        %and3A_737 = arith.andi %ne3A_733, %ne3A_736 : i1
        %sub3A_738 = arith.constant 1 : i32
        %sub3A_739 = arith.subi %div3A_718, %sub3A_738 : i32
        %select_n3A_740 = arith.select %and3A_737, %sub3A_739, %div3A_718 : i32
        %jit3A_741 = arith.constant 2 : i32
        %eq3A_742 = arith.constant 0 : i32
        %eq3A_743 = arith.cmpi eq, %jit3A_741, %eq3A_742 : i32
        %jit3A_744 = arith.constant 1 : i32
        %select_n3A_745 = arith.select %eq3A_743, %jit3A_744, %jit3A_741 : i32
        %rem3A_746 = arith.remsi %select_n3A_740, %select_n3A_745 : i32
        %ne3A_747 = arith.constant 0 : i32
        %ne3A_748 = arith.cmpi ne, %rem3A_746, %ne3A_747 : i32
        %lt3A_749 = arith.constant 0 : i32
        %lt3A_750 = arith.cmpi slt, %rem3A_746, %lt3A_749 : i32
        %lt3A_751 = arith.constant 0 : i32
        %lt3A_752 = arith.cmpi slt, %select_n3A_745, %lt3A_751 : i32
        %ne3A_753 = arith.xori %lt3A_750, %lt3A_752 : i1
        %and3A_754 = arith.andi %ne3A_753, %ne3A_748 : i1
        %add3A_755 = arith.addi %rem3A_746, %select_n3A_745 : i32
        %select_n3A_756 = arith.select %and3A_754, %add3A_755, %rem3A_746 : i32
        %scan3A_757 = arith.constant 0 : i32
        %scan3A_758 = arith.constant 0 : i32
        %scan3A_759 = arith.constant 64 : i32
        %scan3A_760 = arith.addi %scan3A_758, %scan3A_759 : i32
        %scan3A_761 = arith.constant 1 : i32
        %scan3A_762 = scf.for %scan3A_815 = %scan3A_758 to %scan3A_760 step %scan3A_761 iter_args(%scan3A_816 = %scan3A_757) -> (i32)  : i32 {
          %mul3A_817 = arith.constant 16 : i32
          %mul3A_818 = arith.muli %scan3A_815, %mul3A_817 : i32
          %get3A = arith.index_cast %select_n3A_756 : i32 to index
          %get3A_819 = arith.index_cast %mul3A_818 : i32 to index
          %get3A_820 = tpu.vector_load %arg5[%get3A, %get3A_819] {strides = array<i32>} : memref<2x1024xf32, #tpu.memory_space<vmem>>, vector<1x16xf32>,
          %get3A_821 = vector.shape_cast %get3A_820 : vector<1x16xf32> to vector<16xf32>
          %swap3A = arith.constant 0 : i32
          %swap3A_822 = arith.index_cast %swap3A : i32 to index
          %swap3A_823 = arith.index_cast %mul3A_818 : i32 to index
          %swap3A_824 = tpu.vector_load %arg7[%swap3A_822, %swap3A_823] {strides = array<i32>} : memref<16x1024xf32, #tpu.memory_space<vmem>>, vector<1x16xf32>,
          %swap3A_825 = vector.shape_cast %swap3A_824 : vector<1x16xf32> to vector<16xf32>
          %swap3A_826 = vector.shape_cast %get3A_821 : vector<16xf32> to vector<1x16xf32>
          tpu.vector_store %arg7[%swap3A_822, %swap3A_823], %swap3A_826 {add = true, strides = array<i32>} : memref<16x1024xf32, #tpu.memory_space<vmem>>, vector<1x16xf32>,
          %swap3A_827 = arith.constant 1 : i32
          %swap3A_828 = arith.index_cast %swap3A_827 : i32 to index
          %swap3A_829 = arith.index_cast %mul3A_818 : i32 to index
          %swap3A_830 = tpu.vector_load %arg7[%swap3A_828, %swap3A_829] {strides = array<i32>} : memref<16x1024xf32, #tpu.memory_space<vmem>>, vector<1x16xf32>,
          %swap3A_831 = vector.shape_cast %swap3A_830 : vector<1x16xf32> to vector<16xf32>
          %swap3A_832 = vector.shape_cast %get3A_821 : vector<16xf32> to vector<1x16xf32>
          tpu.vector_store %arg7[%swap3A_828, %swap3A_829], %swap3A_832 {add = true, strides = array<i32>} : memref<16x1024xf32, #tpu.memory_space<vmem>>, vector<1x16xf32>,
          %swap3A_833 = arith.constant 2 : i32
          %swap3A_834 = arith.index_cast %swap3A_833 : i32 to index
          %swap3A_835 = arith.index_cast %mul3A_818 : i32 to index
          %swap3A_836 = tpu.vector_load %arg7[%swap3A_834, %swap3A_835] {strides = array<i32>} : memref<16x1024xf32, #tpu.memory_space<vmem>>, vector<1x16xf32>,
          %swap3A_837 = vector.shape_cast %swap3A_836 : vector<1x16xf32> to vector<16xf32>
          %swap3A_838 = vector.shape_cast %get3A_821 : vector<16xf32> to vector<1x16xf32>
          tpu.vector_store %arg7[%swap3A_834, %swap3A_835], %swap3A_838 {add = true, strides = array<i32>} : memref<16x1024xf32, #tpu.memory_space<vmem>>, vector<1x16xf32>,
          %swap3A_839 = arith.constant 3 : i32
          %swap3A_840 = arith.index_cast %swap3A_839 : i32 to index
          %swap3A_841 = arith.index_cast %mul3A_818 : i32 to index
          %swap3A_842 = tpu.vector_load %arg7[%swap3A_840, %swap3A_841] {strides = array<i32>} : memref<16x1024xf32, #tpu.memory_space<vmem>>, vector<1x16xf32>,
          %swap3A_843 = vector.shape_cast %swap3A_842 : vector<1x16xf32> to vector<16xf32>
          %swap3A_844 = vector.shape_cast %get3A_821 : vector<16xf32> to vector<1x16xf32>
          tpu.vector_store %arg7[%swap3A_840, %swap3A_841], %swap3A_844 {add = true, strides = array<i32>} : memref<16x1024xf32, #tpu.memory_space<vmem>>, vector<1x16xf32>,
          %swap3A_845 = arith.constant 4 : i32
          %swap3A_846 = arith.index_cast %swap3A_845 : i32 to index
          %swap3A_847 = arith.index_cast %mul3A_818 : i32 to index
          %swap3A_848 = tpu.vector_load %arg7[%swap3A_846, %swap3A_847] {strides = array<i32>} : memref<16x1024xf32, #tpu.memory_space<vmem>>, vector<1x16xf32>,
          %swap3A_849 = vector.shape_cast %swap3A_848 : vector<1x16xf32> to vector<16xf32>
          %swap3A_850 = vector.shape_cast %get3A_821 : vector<16xf32> to vector<1x16xf32>
          tpu.vector_store %arg7[%swap3A_846, %swap3A_847], %swap3A_850 {add = true, strides = array<i32>} : memref<16x1024xf32, #tpu.memory_space<vmem>>, vector<1x16xf32>,
          %swap3A_851 = arith.constant 5 : i32
          %swap3A_852 = arith.index_cast %swap3A_851 : i32 to index
          %swap3A_853 = arith.index_cast %mul3A_818 : i32 to index
          %swap3A_854 = tpu.vector_load %arg7[%swap3A_852, %swap3A_853] {strides = array<i32>} : memref<16x1024xf32, #tpu.memory_space<vmem>>, vector<1x16xf32>,
          %swap3A_855 = vector.shape_cast %swap3A_854 : vector<1x16xf32> to vector<16xf32>
          %swap3A_856 = vector.shape_cast %get3A_821 : vector<16xf32> to vector<1x16xf32>
          tpu.vector_store %arg7[%swap3A_852, %swap3A_853], %swap3A_856 {add = true, strides = array<i32>} : memref<16x1024xf32, #tpu.memory_space<vmem>>, vector<1x16xf32>,
          %swap3A_857 = arith.constant 6 : i32
          %swap3A_858 = arith.index_cast %swap3A_857 : i32 to index
          %swap3A_859 = arith.index_cast %mul3A_818 : i32 to index
          %swap3A_860 = tpu.vector_load %arg7[%swap3A_858, %swap3A_859] {strides = array<i32>} : memref<16x1024xf32, #tpu.memory_space<vmem>>, vector<1x16xf32>,
          %swap3A_861 = vector.shape_cast %swap3A_860 : vector<1x16xf32> to vector<16xf32>
          %swap3A_862 = vector.shape_cast %get3A_821 : vector<16xf32> to vector<1x16xf32>
          tpu.vector_store %arg7[%swap3A_858, %swap3A_859], %swap3A_862 {add = true, strides = array<i32>} : memref<16x1024xf32, #tpu.memory_space<vmem>>, vector<1x16xf32>,
          %swap3A_863 = arith.constant 7 : i32
          %swap3A_864 = arith.index_cast %swap3A_863 : i32 to index
          %swap3A_865 = arith.index_cast %mul3A_818 : i32 to index
          %swap3A_866 = tpu.vector_load %arg7[%swap3A_864, %swap3A_865] {strides = array<i32>} : memref<16x1024xf32, #tpu.memory_space<vmem>>, vector<1x16xf32>,
          %swap3A_867 = vector.shape_cast %swap3A_866 : vector<1x16xf32> to vector<16xf32>
          %swap3A_868 = vector.shape_cast %get3A_821 : vector<16xf32> to vector<1x16xf32>
          tpu.vector_store %arg7[%swap3A_864, %swap3A_865], %swap3A_868 {add = true, strides = array<i32>} : memref<16x1024xf32, #tpu.memory_space<vmem>>, vector<1x16xf32>,
          %swap3A_869 = arith.constant 8 : i32
          %swap3A_870 = arith.index_cast %swap3A_869 : i32 to index
          %swap3A_871 = arith.index_cast %mul3A_818 : i32 to index
          %swap3A_872 = tpu.vector_load %arg7[%swap3A_870, %swap3A_871] {strides = array<i32>} : memref<16x1024xf32, #tpu.memory_space<vmem>>, vector<1x16xf32>,
          %swap3A_873 = vector.shape_cast %swap3A_872 : vector<1x16xf32> to vector<16xf32>
          %swap3A_874 = vector.shape_cast %get3A_821 : vector<16xf32> to vector<1x16xf32>
          tpu.vector_store %arg7[%swap3A_870, %swap3A_871], %swap3A_874 {add = true, strides = array<i32>} : memref<16x1024xf32, #tpu.memory_space<vmem>>, vector<1x16xf32>,
          %swap3A_875 = arith.constant 9 : i32
          %swap3A_876 = arith.index_cast %swap3A_875 : i32 to index
          %swap3A_877 = arith.index_cast %mul3A_818 : i32 to index
          %swap3A_878 = tpu.vector_load %arg7[%swap3A_876, %swap3A_877] {strides = array<i32>} : memref<16x1024xf32, #tpu.memory_space<vmem>>, vector<1x16xf32>,
          %swap3A_879 = vector.shape_cast %swap3A_878 : vector<1x16xf32> to vector<16xf32>
          %swap3A_880 = vector.shape_cast %get3A_821 : vector<16xf32> to vector<1x16xf32>
          tpu.vector_store %arg7[%swap3A_876, %swap3A_877], %swap3A_880 {add = true, strides = array<i32>} : memref<16x1024xf32, #tpu.memory_space<vmem>>, vector<1x16xf32>,
          %swap3A_881 = arith.constant 10 : i32
          %swap3A_882 = arith.index_cast %swap3A_881 : i32 to index
          %swap3A_883 = arith.index_cast %mul3A_818 : i32 to index
          %swap3A_884 = tpu.vector_load %arg7[%swap3A_882, %swap3A_883] {strides = array<i32>} : memref<16x1024xf32, #tpu.memory_space<vmem>>, vector<1x16xf32>,
          %swap3A_885 = vector.shape_cast %swap3A_884 : vector<1x16xf32> to vector<16xf32>
          %swap3A_886 = vector.shape_cast %get3A_821 : vector<16xf32> to vector<1x16xf32>
          tpu.vector_store %arg7[%swap3A_882, %swap3A_883], %swap3A_886 {add = true, strides = array<i32>} : memref<16x1024xf32, #tpu.memory_space<vmem>>, vector<1x16xf32>,
          %swap3A_887 = arith.constant 11 : i32
          %swap3A_888 = arith.index_cast %swap3A_887 : i32 to index
          %swap3A_889 = arith.index_cast %mul3A_818 : i32 to index
          %swap3A_890 = tpu.vector_load %arg7[%swap3A_888, %swap3A_889] {strides = array<i32>} : memref<16x1024xf32, #tpu.memory_space<vmem>>, vector<1x16xf32>,
          %swap3A_891 = vector.shape_cast %swap3A_890 : vector<1x16xf32> to vector<16xf32>
          %swap3A_892 = vector.shape_cast %get3A_821 : vector<16xf32> to vector<1x16xf32>
          tpu.vector_store %arg7[%swap3A_888, %swap3A_889], %swap3A_892 {add = true, strides = array<i32>} : memref<16x1024xf32, #tpu.memory_space<vmem>>, vector<1x16xf32>,
          %swap3A_893 = arith.constant 12 : i32
          %swap3A_894 = arith.index_cast %swap3A_893 : i32 to index
          %swap3A_895 = arith.index_cast %mul3A_818 : i32 to index
          %swap3A_896 = tpu.vector_load %arg7[%swap3A_894, %swap3A_895] {strides = array<i32>} : memref<16x1024xf32, #tpu.memory_space<vmem>>, vector<1x16xf32>,
          %swap3A_897 = vector.shape_cast %swap3A_896 : vector<1x16xf32> to vector<16xf32>
          %swap3A_898 = vector.shape_cast %get3A_821 : vector<16xf32> to vector<1x16xf32>
          tpu.vector_store %arg7[%swap3A_894, %swap3A_895], %swap3A_898 {add = true, strides = array<i32>} : memref<16x1024xf32, #tpu.memory_space<vmem>>, vector<1x16xf32>,
          %swap3A_899 = arith.constant 13 : i32
          %swap3A_900 = arith.index_cast %swap3A_899 : i32 to index
          %swap3A_901 = arith.index_cast %mul3A_818 : i32 to index
          %swap3A_902 = tpu.vector_load %arg7[%swap3A_900, %swap3A_901] {strides = array<i32>} : memref<16x1024xf32, #tpu.memory_space<vmem>>, vector<1x16xf32>,
          %swap3A_903 = vector.shape_cast %swap3A_902 : vector<1x16xf32> to vector<16xf32>
          %swap3A_904 = vector.shape_cast %get3A_821 : vector<16xf32> to vector<1x16xf32>
          tpu.vector_store %arg7[%swap3A_900, %swap3A_901], %swap3A_904 {add = true, strides = array<i32>} : memref<16x1024xf32, #tpu.memory_space<vmem>>, vector<1x16xf32>,
          %swap3A_905 = arith.constant 14 : i32
          %swap3A_906 = arith.index_cast %swap3A_905 : i32 to index
          %swap3A_907 = arith.index_cast %mul3A_818 : i32 to index
          %swap3A_908 = tpu.vector_load %arg7[%swap3A_906, %swap3A_907] {strides = array<i32>} : memref<16x1024xf32, #tpu.memory_space<vmem>>, vector<1x16xf32>,
          %swap3A_909 = vector.shape_cast %swap3A_908 : vector<1x16xf32> to vector<16xf32>
          %swap3A_910 = vector.shape_cast %get3A_821 : vector<16xf32> to vector<1x16xf32>
          tpu.vector_store %arg7[%swap3A_906, %swap3A_907], %swap3A_910 {add = true, strides = array<i32>} : memref<16x1024xf32, #tpu.memory_space<vmem>>, vector<1x16xf32>,
          %swap3A_911 = arith.constant 15 : i32
          %swap3A_912 = arith.index_cast %swap3A_911 : i32 to index
          %swap3A_913 = arith.index_cast %mul3A_818 : i32 to index
          %swap3A_914 = tpu.vector_load %arg7[%swap3A_912, %swap3A_913] {strides = array<i32>} : memref<16x1024xf32, #tpu.memory_space<vmem>>, vector<1x16xf32>,
          %swap3A_915 = vector.shape_cast %swap3A_914 : vector<1x16xf32> to vector<16xf32>
          %swap3A_916 = vector.shape_cast %get3A_821 : vector<16xf32> to vector<1x16xf32>
          tpu.vector_store %arg7[%swap3A_912, %swap3A_913], %swap3A_916 {add = true, strides = array<i32>} : memref<16x1024xf32, #tpu.memory_space<vmem>>, vector<1x16xf32>,
          %scan3A_917 = arith.constant 0 : i32
          scf.yield %scan3A_917 : i32
        }
        %scan3A_763 = arith.constant 64 : i32
        %jit3A_764 = arith.constant 8 : i32
        %div3A_765 = arith.divsi %add3A_601, %jit3A_764 : i32
        %sign3A_766 = arith.constant 0 : i32
        %sign3A_767 = arith.cmpi sgt, %add3A_601, %sign3A_766 : i32
        %sign3A_768 = arith.extui %sign3A_767 : i1 to i32
        %sign3A_769 = arith.constant 0 : i32
        %sign3A_770 = arith.cmpi slt, %add3A_601, %sign3A_769 : i32
        %sign3A_771 = arith.extui %sign3A_770 : i1 to i32
        %sign3A_772 = arith.subi %sign3A_768, %sign3A_771 : i32
        %sign3A_773 = arith.constant 0 : i32
        %sign3A_774 = arith.cmpi sgt, %jit3A_764, %sign3A_773 : i32
        %sign3A_775 = arith.extui %sign3A_774 : i1 to i32
        %sign3A_776 = arith.constant 0 : i32
        %sign3A_777 = arith.cmpi slt, %jit3A_764, %sign3A_776 : i32
        %sign3A_778 = arith.extui %sign3A_777 : i1 to i32
        %sign3A_779 = arith.subi %sign3A_775, %sign3A_778 : i32
        %ne3A_780 = arith.cmpi ne, %sign3A_772, %sign3A_779 : i32
        %rem3A_781 = arith.remsi %add3A_601, %jit3A_764 : i32
        %ne3A_782 = arith.constant 0 : i32
        %ne3A_783 = arith.cmpi ne, %rem3A_781, %ne3A_782 : i32
        %and3A_784 = arith.andi %ne3A_780, %ne3A_783 : i1
        %sub3A_785 = arith.constant 1 : i32
        %sub3A_786 = arith.subi %div3A_765, %sub3A_785 : i32
        %select_n3A_787 = arith.select %and3A_784, %sub3A_786, %div3A_765 : i32
        %mul3A_788 = arith.constant 32 : i32
        %mul3A_789 = arith.muli %select_n3A_787, %mul3A_788 : i32
        %add3A_790 = arith.addi %add3A, %mul3A_789 : i32
        %jit3A_791 = arith.constant 8 : i32
        %eq3A_792 = arith.constant 0 : i32
        %eq3A_793 = arith.cmpi eq, %jit3A_791, %eq3A_792 : i32
        %jit3A_794 = arith.constant 1 : i32
        %select_n3A_795 = arith.select %eq3A_793, %jit3A_794, %jit3A_791 : i32
        %rem3A_796 = arith.remsi %add3A_601, %select_n3A_795 : i32
        %ne3A_797 = arith.constant 0 : i32
        %ne3A_798 = arith.cmpi ne, %rem3A_796, %ne3A_797 : i32
        %lt3A_799 = arith.constant 0 : i32
        %lt3A_800 = arith.cmpi slt, %rem3A_796, %lt3A_799 : i32
        %lt3A_801 = arith.constant 0 : i32
        %lt3A_802 = arith.cmpi slt, %select_n3A_795, %lt3A_801 : i32
        %ne3A_803 = arith.xori %lt3A_800, %lt3A_802 : i1
        %and3A_804 = arith.andi %ne3A_803, %ne3A_798 : i1
        %add3A_805 = arith.addi %rem3A_796, %select_n3A_795 : i32
        %select_n3A_806 = arith.select %and3A_804, %add3A_805, %rem3A_796 : i32
        %mul3A_807 = arith.constant 16 : i32
        %mul3A_808 = arith.muli %select_n3A_806, %mul3A_807 : i32
        %dma_start3A_809 = arith.constant 0 : i32
        %dma_start3A_810 = tpu.memref_slice %arg4[%add3A_790, %mul3A_808, %dma_start3A_809] : memref<250x128x1024xf32, #tpu.memory_space<hbm>> -> memref<1x16x1024xf32, #tpu.memory_space<hbm>>
        %dma_start3A_811 = tpu.memref_squeeze %dma_start3A_810 : memref<1x16x1024xf32, #tpu.memory_space<hbm>> -> memref<16x1024xf32, #tpu.memory_space<hbm>>
        %dma_start3A_812 = arith.constant 0 : i32
        %dma_start3A_813 = tpu.memref_slice %arg4[%add3A_790, %mul3A_808, %dma_start3A_812] : memref<250x128x1024xf32, #tpu.memory_space<hbm>> -> memref<1x16x1024xf32, #tpu.memory_space<hbm>>
        %dma_start3A_814 = tpu.memref_squeeze %dma_start3A_813 : memref<1x16x1024xf32, #tpu.memory_space<hbm>> -> memref<16x1024xf32, #tpu.memory_space<hbm>>
        tpu.enqueue_dma source(%arg7 : memref<16x1024xf32, #tpu.memory_space<vmem>>) target(%dma_start3A_814 : memref<16x1024xf32, #tpu.memory_space<hbm>>) target_semaphore(%arg20 : memref<!tpu.dma_semaphore, #tpu.memory_space<semaphore_mem>>)
      } else {
      }
      %mul3A_606 = arith.constant 6 : i32
      %mul3A_607 = arith.muli %scan3A_590, %mul3A_606 : i32
      %add3A_608 = arith.constant 2 : i32
      %add3A_609 = arith.addi %mul3A_607, %add3A_608 : i32
      %lt3A_610 = arith.cmpi slt, %add3A_609, %select_n3A : i32
      %convert_element_type3A_611 = arith.extui %lt3A_610 : i1 to i32
      %cond3A_612 = arith.constant 0 : i32
      %cond3A_613 = arith.cmpi ne, %convert_element_type3A_611, %cond3A_612 : i32
      scf.if %cond3A_613 {
        %jit3A_639 = arith.constant 8 : i32
        %eq3A_640 = arith.constant 0 : i32
        %eq3A_641 = arith.cmpi eq, %jit3A_639, %eq3A_640 : i32
        %jit3A_642 = arith.constant 1 : i32
        %select_n3A_643 = arith.select %eq3A_641, %jit3A_642, %jit3A_639 : i32
        %rem3A_644 = arith.remsi %add3A_609, %select_n3A_643 : i32
        %ne3A_645 = arith.constant 0 : i32
        %ne3A_646 = arith.cmpi ne, %rem3A_644, %ne3A_645 : i32
        %lt3A_647 = arith.constant 0 : i32
        %lt3A_648 = arith.cmpi slt, %rem3A_644, %lt3A_647 : i32
        %lt3A_649 = arith.constant 0 : i32
        %lt3A_650 = arith.cmpi slt, %select_n3A_643, %lt3A_649 : i32
        %ne3A_651 = arith.xori %lt3A_648, %lt3A_650 : i1
        %and3A_652 = arith.andi %ne3A_651, %ne3A_646 : i1
        %add3A_653 = arith.addi %rem3A_644, %select_n3A_643 : i32
        %select_n3A_654 = arith.select %and3A_652, %add3A_653, %rem3A_644 : i32
        %eq3A_655 = arith.constant 0 : i32
        %eq3A_656 = arith.cmpi eq, %select_n3A_654, %eq3A_655 : i32
        %convert_element_type3A_657 = arith.extui %eq3A_656 : i1 to i32
        %cond3A_658 = arith.constant 0 : i32
        %cond3A_659 = arith.cmpi ne, %convert_element_type3A_657, %cond3A_658 : i32
        scf.if %cond3A_659 {
          %jit3A_815 = arith.constant 8 : i32
          %div3A_816 = arith.divsi %add3A_609, %jit3A_815 : i32
          %sign3A_817 = arith.constant 0 : i32
          %sign3A_818 = arith.cmpi sgt, %add3A_609, %sign3A_817 : i32
          %sign3A_819 = arith.extui %sign3A_818 : i1 to i32
          %sign3A_820 = arith.constant 0 : i32
          %sign3A_821 = arith.cmpi slt, %add3A_609, %sign3A_820 : i32
          %sign3A_822 = arith.extui %sign3A_821 : i1 to i32
          %sign3A_823 = arith.subi %sign3A_819, %sign3A_822 : i32
          %sign3A_824 = arith.constant 0 : i32
          %sign3A_825 = arith.cmpi sgt, %jit3A_815, %sign3A_824 : i32
          %sign3A_826 = arith.extui %sign3A_825 : i1 to i32
          %sign3A_827 = arith.constant 0 : i32
          %sign3A_828 = arith.cmpi slt, %jit3A_815, %sign3A_827 : i32
          %sign3A_829 = arith.extui %sign3A_828 : i1 to i32
          %sign3A_830 = arith.subi %sign3A_826, %sign3A_829 : i32
          %ne3A_831 = arith.cmpi ne, %sign3A_823, %sign3A_830 : i32
          %rem3A_832 = arith.remsi %add3A_609, %jit3A_815 : i32
          %ne3A_833 = arith.constant 0 : i32
          %ne3A_834 = arith.cmpi ne, %rem3A_832, %ne3A_833 : i32
          %and3A_835 = arith.andi %ne3A_831, %ne3A_834 : i1
          %sub3A_836 = arith.constant 1 : i32
          %sub3A_837 = arith.subi %div3A_816, %sub3A_836 : i32
          %select_n3A_838 = arith.select %and3A_835, %sub3A_837, %div3A_816 : i32
          %jit3A_839 = arith.constant 2 : i32
          %eq3A_840 = arith.constant 0 : i32
          %eq3A_841 = arith.cmpi eq, %jit3A_839, %eq3A_840 : i32
          %jit3A_842 = arith.constant 1 : i32
          %select_n3A_843 = arith.select %eq3A_841, %jit3A_842, %jit3A_839 : i32
          %rem3A_844 = arith.remsi %select_n3A_838, %select_n3A_843 : i32
          %ne3A_845 = arith.constant 0 : i32
          %ne3A_846 = arith.cmpi ne, %rem3A_844, %ne3A_845 : i32
          %lt3A_847 = arith.constant 0 : i32
          %lt3A_848 = arith.cmpi slt, %rem3A_844, %lt3A_847 : i32
          %lt3A_849 = arith.constant 0 : i32
          %lt3A_850 = arith.cmpi slt, %select_n3A_843, %lt3A_849 : i32
          %ne3A_851 = arith.xori %lt3A_848, %lt3A_850 : i1
          %and3A_852 = arith.andi %ne3A_851, %ne3A_846 : i1
          %add3A_853 = arith.addi %rem3A_844, %select_n3A_843 : i32
          %select_n3A_854 = arith.select %and3A_852, %add3A_853, %rem3A_844 : i32
          %dma_wait3A_855 = arith.constant 0 : i32
          %dma_wait3A_856 = arith.constant 0 : i32
          %dma_wait3A_857 = tpu.memref_slice %arg5[%dma_wait3A_855, %dma_wait3A_856] : memref<2x1024xf32, #tpu.memory_space<vmem>> -> memref<1x1024xf32, #tpu.memory_space<vmem>>
          %dma_wait3A_858 = arith.constant 0 : i32
          %dma_wait3A_859 = tpu.memref_slice %arg3[%add3A, %dma_wait3A_858] : memref<250x1024xf32, #tpu.memory_space<hbm>> -> memref<1x1024xf32, #tpu.memory_space<hbm>>
          %dma_wait3A_860 = arith.constant 0 : i32
          %dma_wait3A_861 = arith.constant 0 : i32
          %dma_wait3A_862 = tpu.memref_slice %arg5[%dma_wait3A_860, %dma_wait3A_861] : memref<2x1024xf32, #tpu.memory_space<vmem>> -> memref<1x1024xf32, #tpu.memory_space<vmem>>
          %dma_wait3A_863 = arith.constant 0 : i32
          %dma_wait3A_864 = tpu.memref_slice %arg3[%add3A, %dma_wait3A_863] : memref<250x1024xf32, #tpu.memory_space<hbm>> -> memref<1x1024xf32, #tpu.memory_space<hbm>>
          tpu.wait_dma2 semaphore(%arg12 : memref<!tpu.dma_semaphore, #tpu.memory_space<semaphore_mem>>) src(%dma_wait3A_864 : memref<1x1024xf32, #tpu.memory_space<hbm>>) dst(%dma_wait3A_862 : memref<1x1024xf32, #tpu.memory_space<vmem>>)
          %add3A_865 = arith.constant 1 : i32
          %add3A_866 = arith.addi %select_n3A_838, %add3A_865 : i32
          %mul3A_867 = arith.constant 32 : i32
          %mul3A_868 = arith.muli %add3A_866, %mul3A_867 : i32
          %add3A_869 = arith.addi %add3A, %mul3A_868 : i32
          %lt3A_870 = arith.constant 250 : i32
          %lt3A_871 = arith.cmpi slt, %add3A_869, %lt3A_870 : i32
          %convert_element_type3A_872 = arith.extui %lt3A_871 : i1 to i32
          %cond3A_873 = arith.constant 0 : i32
          %cond3A_874 = arith.cmpi ne, %convert_element_type3A_872, %cond3A_873 : i32
          scf.if %cond3A_874 {
            %eq3A_875 = arith.constant 0 : i32
            %eq3A_876 = arith.cmpi eq, %select_n3A_854, %eq3A_875 : i32
            %convert_element_type3A_877 = arith.extui %eq3A_876 : i1 to i32
            %cond3A_878 = arith.constant 0 : i32
            %cond3A_879 = arith.cmpi ne, %convert_element_type3A_877, %cond3A_878 : i32
            scf.if %cond3A_879 {
              %add3A_885 = arith.constant 1 : i32
              %add3A_886 = arith.addi %select_n3A_838, %add3A_885 : i32
              %mul3A_887 = arith.constant 32 : i32
              %mul3A_888 = arith.muli %add3A_886, %mul3A_887 : i32
              %add3A_889 = arith.addi %add3A, %mul3A_888 : i32
              %dma_start3A_890 = arith.constant 1 : i32
              %dma_start3A_891 = arith.constant 0 : i32
              %dma_start3A_892 = tpu.memref_slice %arg5[%dma_start3A_890, %dma_start3A_891] : memref<2x1024xf32, #tpu.memory_space<vmem>> -> memref<1x1024xf32, #tpu.memory_space<vmem>>
              %dma_start3A_893 = arith.constant 0 : i32
              %dma_start3A_894 = tpu.memref_slice %arg3[%add3A_889, %dma_start3A_893] : memref<250x1024xf32, #tpu.memory_space<hbm>> -> memref<1x1024xf32, #tpu.memory_space<hbm>>
              %dma_start3A_895 = arith.constant 1 : i32
              %dma_start3A_896 = arith.constant 0 : i32
              %dma_start3A_897 = tpu.memref_slice %arg5[%dma_start3A_895, %dma_start3A_896] : memref<2x1024xf32, #tpu.memory_space<vmem>> -> memref<1x1024xf32, #tpu.memory_space<vmem>>
              %dma_start3A_898 = arith.constant 0 : i32
              %dma_start3A_899 = tpu.memref_slice %arg3[%add3A_889, %dma_start3A_898] : memref<250x1024xf32, #tpu.memory_space<hbm>> -> memref<1x1024xf32, #tpu.memory_space<hbm>>
              tpu.enqueue_dma source(%dma_start3A_899 : memref<1x1024xf32, #tpu.memory_space<hbm>>) target(%dma_start3A_897 : memref<1x1024xf32, #tpu.memory_space<vmem>>) target_semaphore(%arg12 : memref<!tpu.dma_semaphore, #tpu.memory_space<semaphore_mem>>)
            } else {
            }
            %eq3A_880 = arith.constant 1 : i32
            %eq3A_881 = arith.cmpi eq, %select_n3A_854, %eq3A_880 : i32
            %convert_element_type3A_882 = arith.extui %eq3A_881 : i1 to i32
            %cond3A_883 = arith.constant 0 : i32
            %cond3A_884 = arith.cmpi ne, %convert_element_type3A_882, %cond3A_883 : i32
            scf.if %cond3A_884 {
              %add3A_885 = arith.constant 1 : i32
              %add3A_886 = arith.addi %select_n3A_838, %add3A_885 : i32
              %mul3A_887 = arith.constant 32 : i32
              %mul3A_888 = arith.muli %add3A_886, %mul3A_887 : i32
              %add3A_889 = arith.addi %add3A, %mul3A_888 : i32
              %dma_start3A_890 = arith.constant 0 : i32
              %dma_start3A_891 = arith.constant 0 : i32
              %dma_start3A_892 = tpu.memref_slice %arg5[%dma_start3A_890, %dma_start3A_891] : memref<2x1024xf32, #tpu.memory_space<vmem>> -> memref<1x1024xf32, #tpu.memory_space<vmem>>
              %dma_start3A_893 = arith.constant 0 : i32
              %dma_start3A_894 = tpu.memref_slice %arg3[%add3A_889, %dma_start3A_893] : memref<250x1024xf32, #tpu.memory_space<hbm>> -> memref<1x1024xf32, #tpu.memory_space<hbm>>
              %dma_start3A_895 = arith.constant 0 : i32
              %dma_start3A_896 = arith.constant 0 : i32
              %dma_start3A_897 = tpu.memref_slice %arg5[%dma_start3A_895, %dma_start3A_896] : memref<2x1024xf32, #tpu.memory_space<vmem>> -> memref<1x1024xf32, #tpu.memory_space<vmem>>
              %dma_start3A_898 = arith.constant 0 : i32
              %dma_start3A_899 = tpu.memref_slice %arg3[%add3A_889, %dma_start3A_898] : memref<250x1024xf32, #tpu.memory_space<hbm>> -> memref<1x1024xf32, #tpu.memory_space<hbm>>
              tpu.enqueue_dma source(%dma_start3A_899 : memref<1x1024xf32, #tpu.memory_space<hbm>>) target(%dma_start3A_897 : memref<1x1024xf32, #tpu.memory_space<vmem>>) target_semaphore(%arg12 : memref<!tpu.dma_semaphore, #tpu.memory_space<semaphore_mem>>)
            } else {
            }
          } else {
          }
        } else {
        }
        %jit3A_660 = arith.constant 8 : i32
        %div3A_661 = arith.divsi %add3A_609, %jit3A_660 : i32
        %sign3A_662 = arith.constant 0 : i32
        %sign3A_663 = arith.cmpi sgt, %add3A_609, %sign3A_662 : i32
        %sign3A_664 = arith.extui %sign3A_663 : i1 to i32
        %sign3A_665 = arith.constant 0 : i32
        %sign3A_666 = arith.cmpi slt, %add3A_609, %sign3A_665 : i32
        %sign3A_667 = arith.extui %sign3A_666 : i1 to i32
        %sign3A_668 = arith.subi %sign3A_664, %sign3A_667 : i32
        %sign3A_669 = arith.constant 0 : i32
        %sign3A_670 = arith.cmpi sgt, %jit3A_660, %sign3A_669 : i32
        %sign3A_671 = arith.extui %sign3A_670 : i1 to i32
        %sign3A_672 = arith.constant 0 : i32
        %sign3A_673 = arith.cmpi slt, %jit3A_660, %sign3A_672 : i32
        %sign3A_674 = arith.extui %sign3A_673 : i1 to i32
        %sign3A_675 = arith.subi %sign3A_671, %sign3A_674 : i32
        %ne3A_676 = arith.cmpi ne, %sign3A_668, %sign3A_675 : i32
        %rem3A_677 = arith.remsi %add3A_609, %jit3A_660 : i32
        %ne3A_678 = arith.constant 0 : i32
        %ne3A_679 = arith.cmpi ne, %rem3A_677, %ne3A_678 : i32
        %and3A_680 = arith.andi %ne3A_676, %ne3A_679 : i1
        %sub3A_681 = arith.constant 1 : i32
        %sub3A_682 = arith.subi %div3A_661, %sub3A_681 : i32
        %select_n3A_683 = arith.select %and3A_680, %sub3A_682, %div3A_661 : i32
        %mul3A_684 = arith.constant 32 : i32
        %mul3A_685 = arith.muli %select_n3A_683, %mul3A_684 : i32
        %add3A_686 = arith.addi %add3A, %mul3A_685 : i32
        %jit3A_687 = arith.constant 8 : i32
        %eq3A_688 = arith.constant 0 : i32
        %eq3A_689 = arith.cmpi eq, %jit3A_687, %eq3A_688 : i32
        %jit3A_690 = arith.constant 1 : i32
        %select_n3A_691 = arith.select %eq3A_689, %jit3A_690, %jit3A_687 : i32
        %rem3A_692 = arith.remsi %add3A_609, %select_n3A_691 : i32
        %ne3A_693 = arith.constant 0 : i32
        %ne3A_694 = arith.cmpi ne, %rem3A_692, %ne3A_693 : i32
        %lt3A_695 = arith.constant 0 : i32
        %lt3A_696 = arith.cmpi slt, %rem3A_692, %lt3A_695 : i32
        %lt3A_697 = arith.constant 0 : i32
        %lt3A_698 = arith.cmpi slt, %select_n3A_691, %lt3A_697 : i32
        %ne3A_699 = arith.xori %lt3A_696, %lt3A_698 : i1
        %and3A_700 = arith.andi %ne3A_699, %ne3A_694 : i1
        %add3A_701 = arith.addi %rem3A_692, %select_n3A_691 : i32
        %select_n3A_702 = arith.select %and3A_700, %add3A_701, %rem3A_692 : i32
        %mul3A_703 = arith.constant 16 : i32
        %mul3A_704 = arith.muli %select_n3A_702, %mul3A_703 : i32
        %dma_wait3A_705 = arith.constant 0 : i32
        %dma_wait3A_706 = tpu.memref_slice %arg2[%add3A_686, %mul3A_704, %dma_wait3A_705] : memref<250x128x1024xf32, #tpu.memory_space<hbm>> -> memref<1x16x1024xf32, #tpu.memory_space<hbm>>
        %dma_wait3A_707 = tpu.memref_squeeze %dma_wait3A_706 : memref<1x16x1024xf32, #tpu.memory_space<hbm>> -> memref<16x1024xf32, #tpu.memory_space<hbm>>
        %dma_wait3A_708 = arith.constant 0 : i32
        %dma_wait3A_709 = tpu.memref_slice %arg2[%add3A_686, %mul3A_704, %dma_wait3A_708] : memref<250x128x1024xf32, #tpu.memory_space<hbm>> -> memref<1x16x1024xf32, #tpu.memory_space<hbm>>
        %dma_wait3A_710 = tpu.memref_squeeze %dma_wait3A_709 : memref<1x16x1024xf32, #tpu.memory_space<hbm>> -> memref<16x1024xf32, #tpu.memory_space<hbm>>
        tpu.wait_dma2 semaphore(%arg15 : memref<!tpu.dma_semaphore, #tpu.memory_space<semaphore_mem>>) src(%dma_wait3A_710 : memref<16x1024xf32, #tpu.memory_space<hbm>>) dst(%arg8 : memref<16x1024xf32, #tpu.memory_space<vmem>>)
        %add3A_711 = arith.constant 4 : i32
        %add3A_712 = arith.addi %add3A_609, %add3A_711 : i32
        %lt3A_713 = arith.cmpi slt, %add3A_712, %select_n3A : i32
        %convert_element_type3A_714 = arith.extui %lt3A_713 : i1 to i32
        %cond3A_715 = arith.constant 0 : i32
        %cond3A_716 = arith.cmpi ne, %convert_element_type3A_714, %cond3A_715 : i32
        scf.if %cond3A_716 {
          %add3A_815 = arith.constant 4 : i32
          %add3A_816 = arith.addi %add3A_609, %add3A_815 : i32
          %ge3A = arith.constant 6 : i32
          %ge3A_817 = arith.cmpi sge, %add3A_816, %ge3A : i32
          %convert_element_type3A_818 = arith.extui %ge3A_817 : i1 to i32
          %cond3A_819 = arith.constant 0 : i32
          %cond3A_820 = arith.cmpi ne, %convert_element_type3A_818, %cond3A_819 : i32
          scf.if %cond3A_820 {
            %add3A_874 = arith.constant 4 : i32
            %add3A_875 = arith.addi %add3A_609, %add3A_874 : i32
            %sub3A_876 = arith.constant 6 : i32
            %sub3A_877 = arith.subi %add3A_875, %sub3A_876 : i32
            %jit3A_878 = arith.constant 8 : i32
            %div3A_879 = arith.divsi %sub3A_877, %jit3A_878 : i32
            %sign3A_880 = arith.constant 0 : i32
            %sign3A_881 = arith.cmpi sgt, %sub3A_877, %sign3A_880 : i32
            %sign3A_882 = arith.extui %sign3A_881 : i1 to i32
            %sign3A_883 = arith.constant 0 : i32
            %sign3A_884 = arith.cmpi slt, %sub3A_877, %sign3A_883 : i32
            %sign3A_885 = arith.extui %sign3A_884 : i1 to i32
            %sign3A_886 = arith.subi %sign3A_882, %sign3A_885 : i32
            %sign3A_887 = arith.constant 0 : i32
            %sign3A_888 = arith.cmpi sgt, %jit3A_878, %sign3A_887 : i32
            %sign3A_889 = arith.extui %sign3A_888 : i1 to i32
            %sign3A_890 = arith.constant 0 : i32
            %sign3A_891 = arith.cmpi slt, %jit3A_878, %sign3A_890 : i32
            %sign3A_892 = arith.extui %sign3A_891 : i1 to i32
            %sign3A_893 = arith.subi %sign3A_889, %sign3A_892 : i32
            %ne3A_894 = arith.cmpi ne, %sign3A_886, %sign3A_893 : i32
            %rem3A_895 = arith.remsi %sub3A_877, %jit3A_878 : i32
            %ne3A_896 = arith.constant 0 : i32
            %ne3A_897 = arith.cmpi ne, %rem3A_895, %ne3A_896 : i32
            %and3A_898 = arith.andi %ne3A_894, %ne3A_897 : i1
            %sub3A_899 = arith.constant 1 : i32
            %sub3A_900 = arith.subi %div3A_879, %sub3A_899 : i32
            %select_n3A_901 = arith.select %and3A_898, %sub3A_900, %div3A_879 : i32
            %mul3A_902 = arith.constant 32 : i32
            %mul3A_903 = arith.muli %select_n3A_901, %mul3A_902 : i32
            %add3A_904 = arith.addi %add3A, %mul3A_903 : i32
            %jit3A_905 = arith.constant 8 : i32
            %eq3A_906 = arith.constant 0 : i32
            %eq3A_907 = arith.cmpi eq, %jit3A_905, %eq3A_906 : i32
            %jit3A_908 = arith.constant 1 : i32
            %select_n3A_909 = arith.select %eq3A_907, %jit3A_908, %jit3A_905 : i32
            %rem3A_910 = arith.remsi %sub3A_877, %select_n3A_909 : i32
            %ne3A_911 = arith.constant 0 : i32
            %ne3A_912 = arith.cmpi ne, %rem3A_910, %ne3A_911 : i32
            %lt3A_913 = arith.constant 0 : i32
            %lt3A_914 = arith.cmpi slt, %rem3A_910, %lt3A_913 : i32
            %lt3A_915 = arith.constant 0 : i32
            %lt3A_916 = arith.cmpi slt, %select_n3A_909, %lt3A_915 : i32
            %ne3A_917 = arith.xori %lt3A_914, %lt3A_916 : i1
            %and3A_918 = arith.andi %ne3A_917, %ne3A_912 : i1
            %add3A_919 = arith.addi %rem3A_910, %select_n3A_909 : i32
            %select_n3A_920 = arith.select %and3A_918, %add3A_919, %rem3A_910 : i32
            %mul3A_921 = arith.constant 16 : i32
            %mul3A_922 = arith.muli %select_n3A_920, %mul3A_921 : i32
            %dma_wait3A_923 = arith.constant 0 : i32
            %dma_wait3A_924 = tpu.memref_slice %arg4[%add3A_904, %mul3A_922, %dma_wait3A_923] : memref<250x128x1024xf32, #tpu.memory_space<hbm>> -> memref<1x16x1024xf32, #tpu.memory_space<hbm>>
            %dma_wait3A_925 = tpu.memref_squeeze %dma_wait3A_924 : memref<1x16x1024xf32, #tpu.memory_space<hbm>> -> memref<16x1024xf32, #tpu.memory_space<hbm>>
            %dma_wait3A_926 = arith.constant 0 : i32
            %dma_wait3A_927 = tpu.memref_slice %arg4[%add3A_904, %mul3A_922, %dma_wait3A_926] : memref<250x128x1024xf32, #tpu.memory_space<hbm>> -> memref<1x16x1024xf32, #tpu.memory_space<hbm>>
            %dma_wait3A_928 = tpu.memref_squeeze %dma_wait3A_927 : memref<1x16x1024xf32, #tpu.memory_space<hbm>> -> memref<16x1024xf32, #tpu.memory_space<hbm>>
            tpu.wait_dma2 semaphore(%arg19 : memref<!tpu.dma_semaphore, #tpu.memory_space<semaphore_mem>>) src(%arg6 : memref<16x1024xf32, #tpu.memory_space<vmem>>) dst(%dma_wait3A_928 : memref<16x1024xf32, #tpu.memory_space<hbm>>)
          } else {
          }
          %add3A_821 = arith.constant 4 : i32
          %add3A_822 = arith.addi %add3A_609, %add3A_821 : i32
          %jit3A_823 = arith.constant 8 : i32
          %div3A_824 = arith.divsi %add3A_822, %jit3A_823 : i32
          %sign3A_825 = arith.constant 0 : i32
          %sign3A_826 = arith.cmpi sgt, %add3A_822, %sign3A_825 : i32
          %sign3A_827 = arith.extui %sign3A_826 : i1 to i32
          %sign3A_828 = arith.constant 0 : i32
          %sign3A_829 = arith.cmpi slt, %add3A_822, %sign3A_828 : i32
          %sign3A_830 = arith.extui %sign3A_829 : i1 to i32
          %sign3A_831 = arith.subi %sign3A_827, %sign3A_830 : i32
          %sign3A_832 = arith.constant 0 : i32
          %sign3A_833 = arith.cmpi sgt, %jit3A_823, %sign3A_832 : i32
          %sign3A_834 = arith.extui %sign3A_833 : i1 to i32
          %sign3A_835 = arith.constant 0 : i32
          %sign3A_836 = arith.cmpi slt, %jit3A_823, %sign3A_835 : i32
          %sign3A_837 = arith.extui %sign3A_836 : i1 to i32
          %sign3A_838 = arith.subi %sign3A_834, %sign3A_837 : i32
          %ne3A_839 = arith.cmpi ne, %sign3A_831, %sign3A_838 : i32
          %rem3A_840 = arith.remsi %add3A_822, %jit3A_823 : i32
          %ne3A_841 = arith.constant 0 : i32
          %ne3A_842 = arith.cmpi ne, %rem3A_840, %ne3A_841 : i32
          %and3A_843 = arith.andi %ne3A_839, %ne3A_842 : i1
          %sub3A_844 = arith.constant 1 : i32
          %sub3A_845 = arith.subi %div3A_824, %sub3A_844 : i32
          %select_n3A_846 = arith.select %and3A_843, %sub3A_845, %div3A_824 : i32
          %mul3A_847 = arith.constant 32 : i32
          %mul3A_848 = arith.muli %select_n3A_846, %mul3A_847 : i32
          %add3A_849 = arith.addi %add3A, %mul3A_848 : i32
          %jit3A_850 = arith.constant 8 : i32
          %eq3A_851 = arith.constant 0 : i32
          %eq3A_852 = arith.cmpi eq, %jit3A_850, %eq3A_851 : i32
          %jit3A_853 = arith.constant 1 : i32
          %select_n3A_854 = arith.select %eq3A_852, %jit3A_853, %jit3A_850 : i32
          %rem3A_855 = arith.remsi %add3A_822, %select_n3A_854 : i32
          %ne3A_856 = arith.constant 0 : i32
          %ne3A_857 = arith.cmpi ne, %rem3A_855, %ne3A_856 : i32
          %lt3A_858 = arith.constant 0 : i32
          %lt3A_859 = arith.cmpi slt, %rem3A_855, %lt3A_858 : i32
          %lt3A_860 = arith.constant 0 : i32
          %lt3A_861 = arith.cmpi slt, %select_n3A_854, %lt3A_860 : i32
          %ne3A_862 = arith.xori %lt3A_859, %lt3A_861 : i1
          %and3A_863 = arith.andi %ne3A_862, %ne3A_857 : i1
          %add3A_864 = arith.addi %rem3A_855, %select_n3A_854 : i32
          %select_n3A_865 = arith.select %and3A_863, %add3A_864, %rem3A_855 : i32
          %mul3A_866 = arith.constant 16 : i32
          %mul3A_867 = arith.muli %select_n3A_865, %mul3A_866 : i32
          %dma_start3A_868 = arith.constant 0 : i32
          %dma_start3A_869 = tpu.memref_slice %arg2[%add3A_849, %mul3A_867, %dma_start3A_868] : memref<250x128x1024xf32, #tpu.memory_space<hbm>> -> memref<1x16x1024xf32, #tpu.memory_space<hbm>>
          %dma_start3A_870 = tpu.memref_squeeze %dma_start3A_869 : memref<1x16x1024xf32, #tpu.memory_space<hbm>> -> memref<16x1024xf32, #tpu.memory_space<hbm>>
          %dma_start3A_871 = arith.constant 0 : i32
          %dma_start3A_872 = tpu.memref_slice %arg2[%add3A_849, %mul3A_867, %dma_start3A_871] : memref<250x128x1024xf32, #tpu.memory_space<hbm>> -> memref<1x16x1024xf32, #tpu.memory_space<hbm>>
          %dma_start3A_873 = tpu.memref_squeeze %dma_start3A_872 : memref<1x16x1024xf32, #tpu.memory_space<hbm>> -> memref<16x1024xf32, #tpu.memory_space<hbm>>
          tpu.enqueue_dma source(%dma_start3A_873 : memref<16x1024xf32, #tpu.memory_space<hbm>>) target(%arg6 : memref<16x1024xf32, #tpu.memory_space<vmem>>) target_semaphore(%arg13 : memref<!tpu.dma_semaphore, #tpu.memory_space<semaphore_mem>>)
        } else {
        }
        %jit3A_717 = arith.constant 8 : i32
        %div3A_718 = arith.divsi %add3A_609, %jit3A_717 : i32
        %sign3A_719 = arith.constant 0 : i32
        %sign3A_720 = arith.cmpi sgt, %add3A_609, %sign3A_719 : i32
        %sign3A_721 = arith.extui %sign3A_720 : i1 to i32
        %sign3A_722 = arith.constant 0 : i32
        %sign3A_723 = arith.cmpi slt, %add3A_609, %sign3A_722 : i32
        %sign3A_724 = arith.extui %sign3A_723 : i1 to i32
        %sign3A_725 = arith.subi %sign3A_721, %sign3A_724 : i32
        %sign3A_726 = arith.constant 0 : i32
        %sign3A_727 = arith.cmpi sgt, %jit3A_717, %sign3A_726 : i32
        %sign3A_728 = arith.extui %sign3A_727 : i1 to i32
        %sign3A_729 = arith.constant 0 : i32
        %sign3A_730 = arith.cmpi slt, %jit3A_717, %sign3A_729 : i32
        %sign3A_731 = arith.extui %sign3A_730 : i1 to i32
        %sign3A_732 = arith.subi %sign3A_728, %sign3A_731 : i32
        %ne3A_733 = arith.cmpi ne, %sign3A_725, %sign3A_732 : i32
        %rem3A_734 = arith.remsi %add3A_609, %jit3A_717 : i32
        %ne3A_735 = arith.constant 0 : i32
        %ne3A_736 = arith.cmpi ne, %rem3A_734, %ne3A_735 : i32
        %and3A_737 = arith.andi %ne3A_733, %ne3A_736 : i1
        %sub3A_738 = arith.constant 1 : i32
        %sub3A_739 = arith.subi %div3A_718, %sub3A_738 : i32
        %select_n3A_740 = arith.select %and3A_737, %sub3A_739, %div3A_718 : i32
        %jit3A_741 = arith.constant 2 : i32
        %eq3A_742 = arith.constant 0 : i32
        %eq3A_743 = arith.cmpi eq, %jit3A_741, %eq3A_742 : i32
        %jit3A_744 = arith.constant 1 : i32
        %select_n3A_745 = arith.select %eq3A_743, %jit3A_744, %jit3A_741 : i32
        %rem3A_746 = arith.remsi %select_n3A_740, %select_n3A_745 : i32
        %ne3A_747 = arith.constant 0 : i32
        %ne3A_748 = arith.cmpi ne, %rem3A_746, %ne3A_747 : i32
        %lt3A_749 = arith.constant 0 : i32
        %lt3A_750 = arith.cmpi slt, %rem3A_746, %lt3A_749 : i32
        %lt3A_751 = arith.constant 0 : i32
        %lt3A_752 = arith.cmpi slt, %select_n3A_745, %lt3A_751 : i32
        %ne3A_753 = arith.xori %lt3A_750, %lt3A_752 : i1
        %and3A_754 = arith.andi %ne3A_753, %ne3A_748 : i1
        %add3A_755 = arith.addi %rem3A_746, %select_n3A_745 : i32
        %select_n3A_756 = arith.select %and3A_754, %add3A_755, %rem3A_746 : i32
        %scan3A_757 = arith.constant 0 : i32
        %scan3A_758 = arith.constant 0 : i32
        %scan3A_759 = arith.constant 64 : i32
        %scan3A_760 = arith.addi %scan3A_758, %scan3A_759 : i32
        %scan3A_761 = arith.constant 1 : i32
        %scan3A_762 = scf.for %scan3A_815 = %scan3A_758 to %scan3A_760 step %scan3A_761 iter_args(%scan3A_816 = %scan3A_757) -> (i32)  : i32 {
          %mul3A_817 = arith.constant 16 : i32
          %mul3A_818 = arith.muli %scan3A_815, %mul3A_817 : i32
          %get3A = arith.index_cast %select_n3A_756 : i32 to index
          %get3A_819 = arith.index_cast %mul3A_818 : i32 to index
          %get3A_820 = tpu.vector_load %arg5[%get3A, %get3A_819] {strides = array<i32>} : memref<2x1024xf32, #tpu.memory_space<vmem>>, vector<1x16xf32>,
          %get3A_821 = vector.shape_cast %get3A_820 : vector<1x16xf32> to vector<16xf32>
          %swap3A = arith.constant 0 : i32
          %swap3A_822 = arith.index_cast %swap3A : i32 to index
          %swap3A_823 = arith.index_cast %mul3A_818 : i32 to index
          %swap3A_824 = tpu.vector_load %arg8[%swap3A_822, %swap3A_823] {strides = array<i32>} : memref<16x1024xf32, #tpu.memory_space<vmem>>, vector<1x16xf32>,
          %swap3A_825 = vector.shape_cast %swap3A_824 : vector<1x16xf32> to vector<16xf32>
          %swap3A_826 = vector.shape_cast %get3A_821 : vector<16xf32> to vector<1x16xf32>
          tpu.vector_store %arg8[%swap3A_822, %swap3A_823], %swap3A_826 {add = true, strides = array<i32>} : memref<16x1024xf32, #tpu.memory_space<vmem>>, vector<1x16xf32>,
          %swap3A_827 = arith.constant 1 : i32
          %swap3A_828 = arith.index_cast %swap3A_827 : i32 to index
          %swap3A_829 = arith.index_cast %mul3A_818 : i32 to index
          %swap3A_830 = tpu.vector_load %arg8[%swap3A_828, %swap3A_829] {strides = array<i32>} : memref<16x1024xf32, #tpu.memory_space<vmem>>, vector<1x16xf32>,
          %swap3A_831 = vector.shape_cast %swap3A_830 : vector<1x16xf32> to vector<16xf32>
          %swap3A_832 = vector.shape_cast %get3A_821 : vector<16xf32> to vector<1x16xf32>
          tpu.vector_store %arg8[%swap3A_828, %swap3A_829], %swap3A_832 {add = true, strides = array<i32>} : memref<16x1024xf32, #tpu.memory_space<vmem>>, vector<1x16xf32>,
          %swap3A_833 = arith.constant 2 : i32
          %swap3A_834 = arith.index_cast %swap3A_833 : i32 to index
          %swap3A_835 = arith.index_cast %mul3A_818 : i32 to index
          %swap3A_836 = tpu.vector_load %arg8[%swap3A_834, %swap3A_835] {strides = array<i32>} : memref<16x1024xf32, #tpu.memory_space<vmem>>, vector<1x16xf32>,
          %swap3A_837 = vector.shape_cast %swap3A_836 : vector<1x16xf32> to vector<16xf32>
          %swap3A_838 = vector.shape_cast %get3A_821 : vector<16xf32> to vector<1x16xf32>
          tpu.vector_store %arg8[%swap3A_834, %swap3A_835], %swap3A_838 {add = true, strides = array<i32>} : memref<16x1024xf32, #tpu.memory_space<vmem>>, vector<1x16xf32>,
          %swap3A_839 = arith.constant 3 : i32
          %swap3A_840 = arith.index_cast %swap3A_839 : i32 to index
          %swap3A_841 = arith.index_cast %mul3A_818 : i32 to index
          %swap3A_842 = tpu.vector_load %arg8[%swap3A_840, %swap3A_841] {strides = array<i32>} : memref<16x1024xf32, #tpu.memory_space<vmem>>, vector<1x16xf32>,
          %swap3A_843 = vector.shape_cast %swap3A_842 : vector<1x16xf32> to vector<16xf32>
          %swap3A_844 = vector.shape_cast %get3A_821 : vector<16xf32> to vector<1x16xf32>
          tpu.vector_store %arg8[%swap3A_840, %swap3A_841], %swap3A_844 {add = true, strides = array<i32>} : memref<16x1024xf32, #tpu.memory_space<vmem>>, vector<1x16xf32>,
          %swap3A_845 = arith.constant 4 : i32
          %swap3A_846 = arith.index_cast %swap3A_845 : i32 to index
          %swap3A_847 = arith.index_cast %mul3A_818 : i32 to index
          %swap3A_848 = tpu.vector_load %arg8[%swap3A_846, %swap3A_847] {strides = array<i32>} : memref<16x1024xf32, #tpu.memory_space<vmem>>, vector<1x16xf32>,
          %swap3A_849 = vector.shape_cast %swap3A_848 : vector<1x16xf32> to vector<16xf32>
          %swap3A_850 = vector.shape_cast %get3A_821 : vector<16xf32> to vector<1x16xf32>
          tpu.vector_store %arg8[%swap3A_846, %swap3A_847], %swap3A_850 {add = true, strides = array<i32>} : memref<16x1024xf32, #tpu.memory_space<vmem>>, vector<1x16xf32>,
          %swap3A_851 = arith.constant 5 : i32
          %swap3A_852 = arith.index_cast %swap3A_851 : i32 to index
          %swap3A_853 = arith.index_cast %mul3A_818 : i32 to index
          %swap3A_854 = tpu.vector_load %arg8[%swap3A_852, %swap3A_853] {strides = array<i32>} : memref<16x1024xf32, #tpu.memory_space<vmem>>, vector<1x16xf32>,
          %swap3A_855 = vector.shape_cast %swap3A_854 : vector<1x16xf32> to vector<16xf32>
          %swap3A_856 = vector.shape_cast %get3A_821 : vector<16xf32> to vector<1x16xf32>
          tpu.vector_store %arg8[%swap3A_852, %swap3A_853], %swap3A_856 {add = true, strides = array<i32>} : memref<16x1024xf32, #tpu.memory_space<vmem>>, vector<1x16xf32>,
          %swap3A_857 = arith.constant 6 : i32
          %swap3A_858 = arith.index_cast %swap3A_857 : i32 to index
          %swap3A_859 = arith.index_cast %mul3A_818 : i32 to index
          %swap3A_860 = tpu.vector_load %arg8[%swap3A_858, %swap3A_859] {strides = array<i32>} : memref<16x1024xf32, #tpu.memory_space<vmem>>, vector<1x16xf32>,
          %swap3A_861 = vector.shape_cast %swap3A_860 : vector<1x16xf32> to vector<16xf32>
          %swap3A_862 = vector.shape_cast %get3A_821 : vector<16xf32> to vector<1x16xf32>
          tpu.vector_store %arg8[%swap3A_858, %swap3A_859], %swap3A_862 {add = true, strides = array<i32>} : memref<16x1024xf32, #tpu.memory_space<vmem>>, vector<1x16xf32>,
          %swap3A_863 = arith.constant 7 : i32
          %swap3A_864 = arith.index_cast %swap3A_863 : i32 to index
          %swap3A_865 = arith.index_cast %mul3A_818 : i32 to index
          %swap3A_866 = tpu.vector_load %arg8[%swap3A_864, %swap3A_865] {strides = array<i32>} : memref<16x1024xf32, #tpu.memory_space<vmem>>, vector<1x16xf32>,
          %swap3A_867 = vector.shape_cast %swap3A_866 : vector<1x16xf32> to vector<16xf32>
          %swap3A_868 = vector.shape_cast %get3A_821 : vector<16xf32> to vector<1x16xf32>
          tpu.vector_store %arg8[%swap3A_864, %swap3A_865], %swap3A_868 {add = true, strides = array<i32>} : memref<16x1024xf32, #tpu.memory_space<vmem>>, vector<1x16xf32>,
          %swap3A_869 = arith.constant 8 : i32
          %swap3A_870 = arith.index_cast %swap3A_869 : i32 to index
          %swap3A_871 = arith.index_cast %mul3A_818 : i32 to index
          %swap3A_872 = tpu.vector_load %arg8[%swap3A_870, %swap3A_871] {strides = array<i32>} : memref<16x1024xf32, #tpu.memory_space<vmem>>, vector<1x16xf32>,
          %swap3A_873 = vector.shape_cast %swap3A_872 : vector<1x16xf32> to vector<16xf32>
          %swap3A_874 = vector.shape_cast %get3A_821 : vector<16xf32> to vector<1x16xf32>
          tpu.vector_store %arg8[%swap3A_870, %swap3A_871], %swap3A_874 {add = true, strides = array<i32>} : memref<16x1024xf32, #tpu.memory_space<vmem>>, vector<1x16xf32>,
          %swap3A_875 = arith.constant 9 : i32
          %swap3A_876 = arith.index_cast %swap3A_875 : i32 to index
          %swap3A_877 = arith.index_cast %mul3A_818 : i32 to index
          %swap3A_878 = tpu.vector_load %arg8[%swap3A_876, %swap3A_877] {strides = array<i32>} : memref<16x1024xf32, #tpu.memory_space<vmem>>, vector<1x16xf32>,
          %swap3A_879 = vector.shape_cast %swap3A_878 : vector<1x16xf32> to vector<16xf32>
          %swap3A_880 = vector.shape_cast %get3A_821 : vector<16xf32> to vector<1x16xf32>
          tpu.vector_store %arg8[%swap3A_876, %swap3A_877], %swap3A_880 {add = true, strides = array<i32>} : memref<16x1024xf32, #tpu.memory_space<vmem>>, vector<1x16xf32>,
          %swap3A_881 = arith.constant 10 : i32
          %swap3A_882 = arith.index_cast %swap3A_881 : i32 to index
          %swap3A_883 = arith.index_cast %mul3A_818 : i32 to index
          %swap3A_884 = tpu.vector_load %arg8[%swap3A_882, %swap3A_883] {strides = array<i32>} : memref<16x1024xf32, #tpu.memory_space<vmem>>, vector<1x16xf32>,
          %swap3A_885 = vector.shape_cast %swap3A_884 : vector<1x16xf32> to vector<16xf32>
          %swap3A_886 = vector.shape_cast %get3A_821 : vector<16xf32> to vector<1x16xf32>
          tpu.vector_store %arg8[%swap3A_882, %swap3A_883], %swap3A_886 {add = true, strides = array<i32>} : memref<16x1024xf32, #tpu.memory_space<vmem>>, vector<1x16xf32>,
          %swap3A_887 = arith.constant 11 : i32
          %swap3A_888 = arith.index_cast %swap3A_887 : i32 to index
          %swap3A_889 = arith.index_cast %mul3A_818 : i32 to index
          %swap3A_890 = tpu.vector_load %arg8[%swap3A_888, %swap3A_889] {strides = array<i32>} : memref<16x1024xf32, #tpu.memory_space<vmem>>, vector<1x16xf32>,
          %swap3A_891 = vector.shape_cast %swap3A_890 : vector<1x16xf32> to vector<16xf32>
          %swap3A_892 = vector.shape_cast %get3A_821 : vector<16xf32> to vector<1x16xf32>
          tpu.vector_store %arg8[%swap3A_888, %swap3A_889], %swap3A_892 {add = true, strides = array<i32>} : memref<16x1024xf32, #tpu.memory_space<vmem>>, vector<1x16xf32>,
          %swap3A_893 = arith.constant 12 : i32
          %swap3A_894 = arith.index_cast %swap3A_893 : i32 to index
          %swap3A_895 = arith.index_cast %mul3A_818 : i32 to index
          %swap3A_896 = tpu.vector_load %arg8[%swap3A_894, %swap3A_895] {strides = array<i32>} : memref<16x1024xf32, #tpu.memory_space<vmem>>, vector<1x16xf32>,
          %swap3A_897 = vector.shape_cast %swap3A_896 : vector<1x16xf32> to vector<16xf32>
          %swap3A_898 = vector.shape_cast %get3A_821 : vector<16xf32> to vector<1x16xf32>
          tpu.vector_store %arg8[%swap3A_894, %swap3A_895], %swap3A_898 {add = true, strides = array<i32>} : memref<16x1024xf32, #tpu.memory_space<vmem>>, vector<1x16xf32>,
          %swap3A_899 = arith.constant 13 : i32
          %swap3A_900 = arith.index_cast %swap3A_899 : i32 to index
          %swap3A_901 = arith.index_cast %mul3A_818 : i32 to index
          %swap3A_902 = tpu.vector_load %arg8[%swap3A_900, %swap3A_901] {strides = array<i32>} : memref<16x1024xf32, #tpu.memory_space<vmem>>, vector<1x16xf32>,
          %swap3A_903 = vector.shape_cast %swap3A_902 : vector<1x16xf32> to vector<16xf32>
          %swap3A_904 = vector.shape_cast %get3A_821 : vector<16xf32> to vector<1x16xf32>
          tpu.vector_store %arg8[%swap3A_900, %swap3A_901], %swap3A_904 {add = true, strides = array<i32>} : memref<16x1024xf32, #tpu.memory_space<vmem>>, vector<1x16xf32>,
          %swap3A_905 = arith.constant 14 : i32
          %swap3A_906 = arith.index_cast %swap3A_905 : i32 to index
          %swap3A_907 = arith.index_cast %mul3A_818 : i32 to index
          %swap3A_908 = tpu.vector_load %arg8[%swap3A_906, %swap3A_907] {strides = array<i32>} : memref<16x1024xf32, #tpu.memory_space<vmem>>, vector<1x16xf32>,
          %swap3A_909 = vector.shape_cast %swap3A_908 : vector<1x16xf32> to vector<16xf32>
          %swap3A_910 = vector.shape_cast %get3A_821 : vector<16xf32> to vector<1x16xf32>
          tpu.vector_store %arg8[%swap3A_906, %swap3A_907], %swap3A_910 {add = true, strides = array<i32>} : memref<16x1024xf32, #tpu.memory_space<vmem>>, vector<1x16xf32>,
          %swap3A_911 = arith.constant 15 : i32
          %swap3A_912 = arith.index_cast %swap3A_911 : i32 to index
          %swap3A_913 = arith.index_cast %mul3A_818 : i32 to index
          %swap3A_914 = tpu.vector_load %arg8[%swap3A_912, %swap3A_913] {strides = array<i32>} : memref<16x1024xf32, #tpu.memory_space<vmem>>, vector<1x16xf32>,
          %swap3A_915 = vector.shape_cast %swap3A_914 : vector<1x16xf32> to vector<16xf32>
          %swap3A_916 = vector.shape_cast %get3A_821 : vector<16xf32> to vector<1x16xf32>
          tpu.vector_store %arg8[%swap3A_912, %swap3A_913], %swap3A_916 {add = true, strides = array<i32>} : memref<16x1024xf32, #tpu.memory_space<vmem>>, vector<1x16xf32>,
          %scan3A_917 = arith.constant 0 : i32
          scf.yield %scan3A_917 : i32
        }
        %scan3A_763 = arith.constant 64 : i32
        %jit3A_764 = arith.constant 8 : i32
        %div3A_765 = arith.divsi %add3A_609, %jit3A_764 : i32
        %sign3A_766 = arith.constant 0 : i32
        %sign3A_767 = arith.cmpi sgt, %add3A_609, %sign3A_766 : i32
        %sign3A_768 = arith.extui %sign3A_767 : i1 to i32
        %sign3A_769 = arith.constant 0 : i32
        %sign3A_770 = arith.cmpi slt, %add3A_609, %sign3A_769 : i32
        %sign3A_771 = arith.extui %sign3A_770 : i1 to i32
        %sign3A_772 = arith.subi %sign3A_768, %sign3A_771 : i32
        %sign3A_773 = arith.constant 0 : i32
        %sign3A_774 = arith.cmpi sgt, %jit3A_764, %sign3A_773 : i32
        %sign3A_775 = arith.extui %sign3A_774 : i1 to i32
        %sign3A_776 = arith.constant 0 : i32
        %sign3A_777 = arith.cmpi slt, %jit3A_764, %sign3A_776 : i32
        %sign3A_778 = arith.extui %sign3A_777 : i1 to i32
        %sign3A_779 = arith.subi %sign3A_775, %sign3A_778 : i32
        %ne3A_780 = arith.cmpi ne, %sign3A_772, %sign3A_779 : i32
        %rem3A_781 = arith.remsi %add3A_609, %jit3A_764 : i32
        %ne3A_782 = arith.constant 0 : i32
        %ne3A_783 = arith.cmpi ne, %rem3A_781, %ne3A_782 : i32
        %and3A_784 = arith.andi %ne3A_780, %ne3A_783 : i1
        %sub3A_785 = arith.constant 1 : i32
        %sub3A_786 = arith.subi %div3A_765, %sub3A_785 : i32
        %select_n3A_787 = arith.select %and3A_784, %sub3A_786, %div3A_765 : i32
        %mul3A_788 = arith.constant 32 : i32
        %mul3A_789 = arith.muli %select_n3A_787, %mul3A_788 : i32
        %add3A_790 = arith.addi %add3A, %mul3A_789 : i32
        %jit3A_791 = arith.constant 8 : i32
        %eq3A_792 = arith.constant 0 : i32
        %eq3A_793 = arith.cmpi eq, %jit3A_791, %eq3A_792 : i32
        %jit3A_794 = arith.constant 1 : i32
        %select_n3A_795 = arith.select %eq3A_793, %jit3A_794, %jit3A_791 : i32
        %rem3A_796 = arith.remsi %add3A_609, %select_n3A_795 : i32
        %ne3A_797 = arith.constant 0 : i32
        %ne3A_798 = arith.cmpi ne, %rem3A_796, %ne3A_797 : i32
        %lt3A_799 = arith.constant 0 : i32
        %lt3A_800 = arith.cmpi slt, %rem3A_796, %lt3A_799 : i32
        %lt3A_801 = arith.constant 0 : i32
        %lt3A_802 = arith.cmpi slt, %select_n3A_795, %lt3A_801 : i32
        %ne3A_803 = arith.xori %lt3A_800, %lt3A_802 : i1
        %and3A_804 = arith.andi %ne3A_803, %ne3A_798 : i1
        %add3A_805 = arith.addi %rem3A_796, %select_n3A_795 : i32
        %select_n3A_806 = arith.select %and3A_804, %add3A_805, %rem3A_796 : i32
        %mul3A_807 = arith.constant 16 : i32
        %mul3A_808 = arith.muli %select_n3A_806, %mul3A_807 : i32
        %dma_start3A_809 = arith.constant 0 : i32
        %dma_start3A_810 = tpu.memref_slice %arg4[%add3A_790, %mul3A_808, %dma_start3A_809] : memref<250x128x1024xf32, #tpu.memory_space<hbm>> -> memref<1x16x1024xf32, #tpu.memory_space<hbm>>
        %dma_start3A_811 = tpu.memref_squeeze %dma_start3A_810 : memref<1x16x1024xf32, #tpu.memory_space<hbm>> -> memref<16x1024xf32, #tpu.memory_space<hbm>>
        %dma_start3A_812 = arith.constant 0 : i32
        %dma_start3A_813 = tpu.memref_slice %arg4[%add3A_790, %mul3A_808, %dma_start3A_812] : memref<250x128x1024xf32, #tpu.memory_space<hbm>> -> memref<1x16x1024xf32, #tpu.memory_space<hbm>>
        %dma_start3A_814 = tpu.memref_squeeze %dma_start3A_813 : memref<1x16x1024xf32, #tpu.memory_space<hbm>> -> memref<16x1024xf32, #tpu.memory_space<hbm>>
        tpu.enqueue_dma source(%arg8 : memref<16x1024xf32, #tpu.memory_space<vmem>>) target(%dma_start3A_814 : memref<16x1024xf32, #tpu.memory_space<hbm>>) target_semaphore(%arg21 : memref<!tpu.dma_semaphore, #tpu.memory_space<semaphore_mem>>)
      } else {
      }
      %mul3A_614 = arith.constant 6 : i32
      %mul3A_615 = arith.muli %scan3A_590, %mul3A_614 : i32
      %add3A_616 = arith.constant 3 : i32
      %add3A_617 = arith.addi %mul3A_615, %add3A_616 : i32
      %lt3A_618 = arith.cmpi slt, %add3A_617, %select_n3A : i32
      %convert_element_type3A_619 = arith.extui %lt3A_618 : i1 to i32
      %cond3A_620 = arith.constant 0 : i32
      %cond3A_621 = arith.cmpi ne, %convert_element_type3A_619, %cond3A_620 : i32
      scf.if %cond3A_621 {
        %jit3A_639 = arith.constant 8 : i32
        %eq3A_640 = arith.constant 0 : i32
        %eq3A_641 = arith.cmpi eq, %jit3A_639, %eq3A_640 : i32
        %jit3A_642 = arith.constant 1 : i32
        %select_n3A_643 = arith.select %eq3A_641, %jit3A_642, %jit3A_639 : i32
        %rem3A_644 = arith.remsi %add3A_617, %select_n3A_643 : i32
        %ne3A_645 = arith.constant 0 : i32
        %ne3A_646 = arith.cmpi ne, %rem3A_644, %ne3A_645 : i32
        %lt3A_647 = arith.constant 0 : i32
        %lt3A_648 = arith.cmpi slt, %rem3A_644, %lt3A_647 : i32
        %lt3A_649 = arith.constant 0 : i32
        %lt3A_650 = arith.cmpi slt, %select_n3A_643, %lt3A_649 : i32
        %ne3A_651 = arith.xori %lt3A_648, %lt3A_650 : i1
        %and3A_652 = arith.andi %ne3A_651, %ne3A_646 : i1
        %add3A_653 = arith.addi %rem3A_644, %select_n3A_643 : i32
        %select_n3A_654 = arith.select %and3A_652, %add3A_653, %rem3A_644 : i32
        %eq3A_655 = arith.constant 0 : i32
        %eq3A_656 = arith.cmpi eq, %select_n3A_654, %eq3A_655 : i32
        %convert_element_type3A_657 = arith.extui %eq3A_656 : i1 to i32
        %cond3A_658 = arith.constant 0 : i32
        %cond3A_659 = arith.cmpi ne, %convert_element_type3A_657, %cond3A_658 : i32
        scf.if %cond3A_659 {
          %jit3A_815 = arith.constant 8 : i32
          %div3A_816 = arith.divsi %add3A_617, %jit3A_815 : i32
          %sign3A_817 = arith.constant 0 : i32
          %sign3A_818 = arith.cmpi sgt, %add3A_617, %sign3A_817 : i32
          %sign3A_819 = arith.extui %sign3A_818 : i1 to i32
          %sign3A_820 = arith.constant 0 : i32
          %sign3A_821 = arith.cmpi slt, %add3A_617, %sign3A_820 : i32
          %sign3A_822 = arith.extui %sign3A_821 : i1 to i32
          %sign3A_823 = arith.subi %sign3A_819, %sign3A_822 : i32
          %sign3A_824 = arith.constant 0 : i32
          %sign3A_825 = arith.cmpi sgt, %jit3A_815, %sign3A_824 : i32
          %sign3A_826 = arith.extui %sign3A_825 : i1 to i32
          %sign3A_827 = arith.constant 0 : i32
          %sign3A_828 = arith.cmpi slt, %jit3A_815, %sign3A_827 : i32
          %sign3A_829 = arith.extui %sign3A_828 : i1 to i32
          %sign3A_830 = arith.subi %sign3A_826, %sign3A_829 : i32
          %ne3A_831 = arith.cmpi ne, %sign3A_823, %sign3A_830 : i32
          %rem3A_832 = arith.remsi %add3A_617, %jit3A_815 : i32
          %ne3A_833 = arith.constant 0 : i32
          %ne3A_834 = arith.cmpi ne, %rem3A_832, %ne3A_833 : i32
          %and3A_835 = arith.andi %ne3A_831, %ne3A_834 : i1
          %sub3A_836 = arith.constant 1 : i32
          %sub3A_837 = arith.subi %div3A_816, %sub3A_836 : i32
          %select_n3A_838 = arith.select %and3A_835, %sub3A_837, %div3A_816 : i32
          %jit3A_839 = arith.constant 2 : i32
          %eq3A_840 = arith.constant 0 : i32
          %eq3A_841 = arith.cmpi eq, %jit3A_839, %eq3A_840 : i32
          %jit3A_842 = arith.constant 1 : i32
          %select_n3A_843 = arith.select %eq3A_841, %jit3A_842, %jit3A_839 : i32
          %rem3A_844 = arith.remsi %select_n3A_838, %select_n3A_843 : i32
          %ne3A_845 = arith.constant 0 : i32
          %ne3A_846 = arith.cmpi ne, %rem3A_844, %ne3A_845 : i32
          %lt3A_847 = arith.constant 0 : i32
          %lt3A_848 = arith.cmpi slt, %rem3A_844, %lt3A_847 : i32
          %lt3A_849 = arith.constant 0 : i32
          %lt3A_850 = arith.cmpi slt, %select_n3A_843, %lt3A_849 : i32
          %ne3A_851 = arith.xori %lt3A_848, %lt3A_850 : i1
          %and3A_852 = arith.andi %ne3A_851, %ne3A_846 : i1
          %add3A_853 = arith.addi %rem3A_844, %select_n3A_843 : i32
          %select_n3A_854 = arith.select %and3A_852, %add3A_853, %rem3A_844 : i32
          %dma_wait3A_855 = arith.constant 0 : i32
          %dma_wait3A_856 = arith.constant 0 : i32
          %dma_wait3A_857 = tpu.memref_slice %arg5[%dma_wait3A_855, %dma_wait3A_856] : memref<2x1024xf32, #tpu.memory_space<vmem>> -> memref<1x1024xf32, #tpu.memory_space<vmem>>
          %dma_wait3A_858 = arith.constant 0 : i32
          %dma_wait3A_859 = tpu.memref_slice %arg3[%add3A, %dma_wait3A_858] : memref<250x1024xf32, #tpu.memory_space<hbm>> -> memref<1x1024xf32, #tpu.memory_space<hbm>>
          %dma_wait3A_860 = arith.constant 0 : i32
          %dma_wait3A_861 = arith.constant 0 : i32
          %dma_wait3A_862 = tpu.memref_slice %arg5[%dma_wait3A_860, %dma_wait3A_861] : memref<2x1024xf32, #tpu.memory_space<vmem>> -> memref<1x1024xf32, #tpu.memory_space<vmem>>
          %dma_wait3A_863 = arith.constant 0 : i32
          %dma_wait3A_864 = tpu.memref_slice %arg3[%add3A, %dma_wait3A_863] : memref<250x1024xf32, #tpu.memory_space<hbm>> -> memref<1x1024xf32, #tpu.memory_space<hbm>>
          tpu.wait_dma2 semaphore(%arg12 : memref<!tpu.dma_semaphore, #tpu.memory_space<semaphore_mem>>) src(%dma_wait3A_864 : memref<1x1024xf32, #tpu.memory_space<hbm>>) dst(%dma_wait3A_862 : memref<1x1024xf32, #tpu.memory_space<vmem>>)
          %add3A_865 = arith.constant 1 : i32
          %add3A_866 = arith.addi %select_n3A_838, %add3A_865 : i32
          %mul3A_867 = arith.constant 32 : i32
          %mul3A_868 = arith.muli %add3A_866, %mul3A_867 : i32
          %add3A_869 = arith.addi %add3A, %mul3A_868 : i32
          %lt3A_870 = arith.constant 250 : i32
          %lt3A_871 = arith.cmpi slt, %add3A_869, %lt3A_870 : i32
          %convert_element_type3A_872 = arith.extui %lt3A_871 : i1 to i32
          %cond3A_873 = arith.constant 0 : i32
          %cond3A_874 = arith.cmpi ne, %convert_element_type3A_872, %cond3A_873 : i32
          scf.if %cond3A_874 {
            %eq3A_875 = arith.constant 0 : i32
            %eq3A_876 = arith.cmpi eq, %select_n3A_854, %eq3A_875 : i32
            %convert_element_type3A_877 = arith.extui %eq3A_876 : i1 to i32
            %cond3A_878 = arith.constant 0 : i32
            %cond3A_879 = arith.cmpi ne, %convert_element_type3A_877, %cond3A_878 : i32
            scf.if %cond3A_879 {
              %add3A_885 = arith.constant 1 : i32
              %add3A_886 = arith.addi %select_n3A_838, %add3A_885 : i32
              %mul3A_887 = arith.constant 32 : i32
              %mul3A_888 = arith.muli %add3A_886, %mul3A_887 : i32
              %add3A_889 = arith.addi %add3A, %mul3A_888 : i32
              %dma_start3A_890 = arith.constant 1 : i32
              %dma_start3A_891 = arith.constant 0 : i32
              %dma_start3A_892 = tpu.memref_slice %arg5[%dma_start3A_890, %dma_start3A_891] : memref<2x1024xf32, #tpu.memory_space<vmem>> -> memref<1x1024xf32, #tpu.memory_space<vmem>>
              %dma_start3A_893 = arith.constant 0 : i32
              %dma_start3A_894 = tpu.memref_slice %arg3[%add3A_889, %dma_start3A_893] : memref<250x1024xf32, #tpu.memory_space<hbm>> -> memref<1x1024xf32, #tpu.memory_space<hbm>>
              %dma_start3A_895 = arith.constant 1 : i32
              %dma_start3A_896 = arith.constant 0 : i32
              %dma_start3A_897 = tpu.memref_slice %arg5[%dma_start3A_895, %dma_start3A_896] : memref<2x1024xf32, #tpu.memory_space<vmem>> -> memref<1x1024xf32, #tpu.memory_space<vmem>>
              %dma_start3A_898 = arith.constant 0 : i32
              %dma_start3A_899 = tpu.memref_slice %arg3[%add3A_889, %dma_start3A_898] : memref<250x1024xf32, #tpu.memory_space<hbm>> -> memref<1x1024xf32, #tpu.memory_space<hbm>>
              tpu.enqueue_dma source(%dma_start3A_899 : memref<1x1024xf32, #tpu.memory_space<hbm>>) target(%dma_start3A_897 : memref<1x1024xf32, #tpu.memory_space<vmem>>) target_semaphore(%arg12 : memref<!tpu.dma_semaphore, #tpu.memory_space<semaphore_mem>>)
            } else {
            }
            %eq3A_880 = arith.constant 1 : i32
            %eq3A_881 = arith.cmpi eq, %select_n3A_854, %eq3A_880 : i32
            %convert_element_type3A_882 = arith.extui %eq3A_881 : i1 to i32
            %cond3A_883 = arith.constant 0 : i32
            %cond3A_884 = arith.cmpi ne, %convert_element_type3A_882, %cond3A_883 : i32
            scf.if %cond3A_884 {
              %add3A_885 = arith.constant 1 : i32
              %add3A_886 = arith.addi %select_n3A_838, %add3A_885 : i32
              %mul3A_887 = arith.constant 32 : i32
              %mul3A_888 = arith.muli %add3A_886, %mul3A_887 : i32
              %add3A_889 = arith.addi %add3A, %mul3A_888 : i32
              %dma_start3A_890 = arith.constant 0 : i32
              %dma_start3A_891 = arith.constant 0 : i32
              %dma_start3A_892 = tpu.memref_slice %arg5[%dma_start3A_890, %dma_start3A_891] : memref<2x1024xf32, #tpu.memory_space<vmem>> -> memref<1x1024xf32, #tpu.memory_space<vmem>>
              %dma_start3A_893 = arith.constant 0 : i32
              %dma_start3A_894 = tpu.memref_slice %arg3[%add3A_889, %dma_start3A_893] : memref<250x1024xf32, #tpu.memory_space<hbm>> -> memref<1x1024xf32, #tpu.memory_space<hbm>>
              %dma_start3A_895 = arith.constant 0 : i32
              %dma_start3A_896 = arith.constant 0 : i32
              %dma_start3A_897 = tpu.memref_slice %arg5[%dma_start3A_895, %dma_start3A_896] : memref<2x1024xf32, #tpu.memory_space<vmem>> -> memref<1x1024xf32, #tpu.memory_space<vmem>>
              %dma_start3A_898 = arith.constant 0 : i32
              %dma_start3A_899 = tpu.memref_slice %arg3[%add3A_889, %dma_start3A_898] : memref<250x1024xf32, #tpu.memory_space<hbm>> -> memref<1x1024xf32, #tpu.memory_space<hbm>>
              tpu.enqueue_dma source(%dma_start3A_899 : memref<1x1024xf32, #tpu.memory_space<hbm>>) target(%dma_start3A_897 : memref<1x1024xf32, #tpu.memory_space<vmem>>) target_semaphore(%arg12 : memref<!tpu.dma_semaphore, #tpu.memory_space<semaphore_mem>>)
            } else {
            }
          } else {
          }
        } else {
        }
        %jit3A_660 = arith.constant 8 : i32
        %div3A_661 = arith.divsi %add3A_617, %jit3A_660 : i32
        %sign3A_662 = arith.constant 0 : i32
        %sign3A_663 = arith.cmpi sgt, %add3A_617, %sign3A_662 : i32
        %sign3A_664 = arith.extui %sign3A_663 : i1 to i32
        %sign3A_665 = arith.constant 0 : i32
        %sign3A_666 = arith.cmpi slt, %add3A_617, %sign3A_665 : i32
        %sign3A_667 = arith.extui %sign3A_666 : i1 to i32
        %sign3A_668 = arith.subi %sign3A_664, %sign3A_667 : i32
        %sign3A_669 = arith.constant 0 : i32
        %sign3A_670 = arith.cmpi sgt, %jit3A_660, %sign3A_669 : i32
        %sign3A_671 = arith.extui %sign3A_670 : i1 to i32
        %sign3A_672 = arith.constant 0 : i32
        %sign3A_673 = arith.cmpi slt, %jit3A_660, %sign3A_672 : i32
        %sign3A_674 = arith.extui %sign3A_673 : i1 to i32
        %sign3A_675 = arith.subi %sign3A_671, %sign3A_674 : i32
        %ne3A_676 = arith.cmpi ne, %sign3A_668, %sign3A_675 : i32
        %rem3A_677 = arith.remsi %add3A_617, %jit3A_660 : i32
        %ne3A_678 = arith.constant 0 : i32
        %ne3A_679 = arith.cmpi ne, %rem3A_677, %ne3A_678 : i32
        %and3A_680 = arith.andi %ne3A_676, %ne3A_679 : i1
        %sub3A_681 = arith.constant 1 : i32
        %sub3A_682 = arith.subi %div3A_661, %sub3A_681 : i32
        %select_n3A_683 = arith.select %and3A_680, %sub3A_682, %div3A_661 : i32
        %mul3A_684 = arith.constant 32 : i32
        %mul3A_685 = arith.muli %select_n3A_683, %mul3A_684 : i32
        %add3A_686 = arith.addi %add3A, %mul3A_685 : i32
        %jit3A_687 = arith.constant 8 : i32
        %eq3A_688 = arith.constant 0 : i32
        %eq3A_689 = arith.cmpi eq, %jit3A_687, %eq3A_688 : i32
        %jit3A_690 = arith.constant 1 : i32
        %select_n3A_691 = arith.select %eq3A_689, %jit3A_690, %jit3A_687 : i32
        %rem3A_692 = arith.remsi %add3A_617, %select_n3A_691 : i32
        %ne3A_693 = arith.constant 0 : i32
        %ne3A_694 = arith.cmpi ne, %rem3A_692, %ne3A_693 : i32
        %lt3A_695 = arith.constant 0 : i32
        %lt3A_696 = arith.cmpi slt, %rem3A_692, %lt3A_695 : i32
        %lt3A_697 = arith.constant 0 : i32
        %lt3A_698 = arith.cmpi slt, %select_n3A_691, %lt3A_697 : i32
        %ne3A_699 = arith.xori %lt3A_696, %lt3A_698 : i1
        %and3A_700 = arith.andi %ne3A_699, %ne3A_694 : i1
        %add3A_701 = arith.addi %rem3A_692, %select_n3A_691 : i32
        %select_n3A_702 = arith.select %and3A_700, %add3A_701, %rem3A_692 : i32
        %mul3A_703 = arith.constant 16 : i32
        %mul3A_704 = arith.muli %select_n3A_702, %mul3A_703 : i32
        %dma_wait3A_705 = arith.constant 0 : i32
        %dma_wait3A_706 = tpu.memref_slice %arg2[%add3A_686, %mul3A_704, %dma_wait3A_705] : memref<250x128x1024xf32, #tpu.memory_space<hbm>> -> memref<1x16x1024xf32, #tpu.memory_space<hbm>>
        %dma_wait3A_707 = tpu.memref_squeeze %dma_wait3A_706 : memref<1x16x1024xf32, #tpu.memory_space<hbm>> -> memref<16x1024xf32, #tpu.memory_space<hbm>>
        %dma_wait3A_708 = arith.constant 0 : i32
        %dma_wait3A_709 = tpu.memref_slice %arg2[%add3A_686, %mul3A_704, %dma_wait3A_708] : memref<250x128x1024xf32, #tpu.memory_space<hbm>> -> memref<1x16x1024xf32, #tpu.memory_space<hbm>>
        %dma_wait3A_710 = tpu.memref_squeeze %dma_wait3A_709 : memref<1x16x1024xf32, #tpu.memory_space<hbm>> -> memref<16x1024xf32, #tpu.memory_space<hbm>>
        tpu.wait_dma2 semaphore(%arg16 : memref<!tpu.dma_semaphore, #tpu.memory_space<semaphore_mem>>) src(%dma_wait3A_710 : memref<16x1024xf32, #tpu.memory_space<hbm>>) dst(%arg9 : memref<16x1024xf32, #tpu.memory_space<vmem>>)
        %add3A_711 = arith.constant 4 : i32
        %add3A_712 = arith.addi %add3A_617, %add3A_711 : i32
        %lt3A_713 = arith.cmpi slt, %add3A_712, %select_n3A : i32
        %convert_element_type3A_714 = arith.extui %lt3A_713 : i1 to i32
        %cond3A_715 = arith.constant 0 : i32
        %cond3A_716 = arith.cmpi ne, %convert_element_type3A_714, %cond3A_715 : i32
        scf.if %cond3A_716 {
          %add3A_815 = arith.constant 4 : i32
          %add3A_816 = arith.addi %add3A_617, %add3A_815 : i32
          %ge3A = arith.constant 6 : i32
          %ge3A_817 = arith.cmpi sge, %add3A_816, %ge3A : i32
          %convert_element_type3A_818 = arith.extui %ge3A_817 : i1 to i32
          %cond3A_819 = arith.constant 0 : i32
          %cond3A_820 = arith.cmpi ne, %convert_element_type3A_818, %cond3A_819 : i32
          scf.if %cond3A_820 {
            %add3A_874 = arith.constant 4 : i32
            %add3A_875 = arith.addi %add3A_617, %add3A_874 : i32
            %sub3A_876 = arith.constant 6 : i32
            %sub3A_877 = arith.subi %add3A_875, %sub3A_876 : i32
            %jit3A_878 = arith.constant 8 : i32
            %div3A_879 = arith.divsi %sub3A_877, %jit3A_878 : i32
            %sign3A_880 = arith.constant 0 : i32
            %sign3A_881 = arith.cmpi sgt, %sub3A_877, %sign3A_880 : i32
            %sign3A_882 = arith.extui %sign3A_881 : i1 to i32
            %sign3A_883 = arith.constant 0 : i32
            %sign3A_884 = arith.cmpi slt, %sub3A_877, %sign3A_883 : i32
            %sign3A_885 = arith.extui %sign3A_884 : i1 to i32
            %sign3A_886 = arith.subi %sign3A_882, %sign3A_885 : i32
            %sign3A_887 = arith.constant 0 : i32
            %sign3A_888 = arith.cmpi sgt, %jit3A_878, %sign3A_887 : i32
            %sign3A_889 = arith.extui %sign3A_888 : i1 to i32
            %sign3A_890 = arith.constant 0 : i32
            %sign3A_891 = arith.cmpi slt, %jit3A_878, %sign3A_890 : i32
            %sign3A_892 = arith.extui %sign3A_891 : i1 to i32
            %sign3A_893 = arith.subi %sign3A_889, %sign3A_892 : i32
            %ne3A_894 = arith.cmpi ne, %sign3A_886, %sign3A_893 : i32
            %rem3A_895 = arith.remsi %sub3A_877, %jit3A_878 : i32
            %ne3A_896 = arith.constant 0 : i32
            %ne3A_897 = arith.cmpi ne, %rem3A_895, %ne3A_896 : i32
            %and3A_898 = arith.andi %ne3A_894, %ne3A_897 : i1
            %sub3A_899 = arith.constant 1 : i32
            %sub3A_900 = arith.subi %div3A_879, %sub3A_899 : i32
            %select_n3A_901 = arith.select %and3A_898, %sub3A_900, %div3A_879 : i32
            %mul3A_902 = arith.constant 32 : i32
            %mul3A_903 = arith.muli %select_n3A_901, %mul3A_902 : i32
            %add3A_904 = arith.addi %add3A, %mul3A_903 : i32
            %jit3A_905 = arith.constant 8 : i32
            %eq3A_906 = arith.constant 0 : i32
            %eq3A_907 = arith.cmpi eq, %jit3A_905, %eq3A_906 : i32
            %jit3A_908 = arith.constant 1 : i32
            %select_n3A_909 = arith.select %eq3A_907, %jit3A_908, %jit3A_905 : i32
            %rem3A_910 = arith.remsi %sub3A_877, %select_n3A_909 : i32
            %ne3A_911 = arith.constant 0 : i32
            %ne3A_912 = arith.cmpi ne, %rem3A_910, %ne3A_911 : i32
            %lt3A_913 = arith.constant 0 : i32
            %lt3A_914 = arith.cmpi slt, %rem3A_910, %lt3A_913 : i32
            %lt3A_915 = arith.constant 0 : i32
            %lt3A_916 = arith.cmpi slt, %select_n3A_909, %lt3A_915 : i32
            %ne3A_917 = arith.xori %lt3A_914, %lt3A_916 : i1
            %and3A_918 = arith.andi %ne3A_917, %ne3A_912 : i1
            %add3A_919 = arith.addi %rem3A_910, %select_n3A_909 : i32
            %select_n3A_920 = arith.select %and3A_918, %add3A_919, %rem3A_910 : i32
            %mul3A_921 = arith.constant 16 : i32
            %mul3A_922 = arith.muli %select_n3A_920, %mul3A_921 : i32
            %dma_wait3A_923 = arith.constant 0 : i32
            %dma_wait3A_924 = tpu.memref_slice %arg4[%add3A_904, %mul3A_922, %dma_wait3A_923] : memref<250x128x1024xf32, #tpu.memory_space<hbm>> -> memref<1x16x1024xf32, #tpu.memory_space<hbm>>
            %dma_wait3A_925 = tpu.memref_squeeze %dma_wait3A_924 : memref<1x16x1024xf32, #tpu.memory_space<hbm>> -> memref<16x1024xf32, #tpu.memory_space<hbm>>
            %dma_wait3A_926 = arith.constant 0 : i32
            %dma_wait3A_927 = tpu.memref_slice %arg4[%add3A_904, %mul3A_922, %dma_wait3A_926] : memref<250x128x1024xf32, #tpu.memory_space<hbm>> -> memref<1x16x1024xf32, #tpu.memory_space<hbm>>
            %dma_wait3A_928 = tpu.memref_squeeze %dma_wait3A_927 : memref<1x16x1024xf32, #tpu.memory_space<hbm>> -> memref<16x1024xf32, #tpu.memory_space<hbm>>
            tpu.wait_dma2 semaphore(%arg20 : memref<!tpu.dma_semaphore, #tpu.memory_space<semaphore_mem>>) src(%arg7 : memref<16x1024xf32, #tpu.memory_space<vmem>>) dst(%dma_wait3A_928 : memref<16x1024xf32, #tpu.memory_space<hbm>>)
          } else {
          }
          %add3A_821 = arith.constant 4 : i32
          %add3A_822 = arith.addi %add3A_617, %add3A_821 : i32
          %jit3A_823 = arith.constant 8 : i32
          %div3A_824 = arith.divsi %add3A_822, %jit3A_823 : i32
          %sign3A_825 = arith.constant 0 : i32
          %sign3A_826 = arith.cmpi sgt, %add3A_822, %sign3A_825 : i32
          %sign3A_827 = arith.extui %sign3A_826 : i1 to i32
          %sign3A_828 = arith.constant 0 : i32
          %sign3A_829 = arith.cmpi slt, %add3A_822, %sign3A_828 : i32
          %sign3A_830 = arith.extui %sign3A_829 : i1 to i32
          %sign3A_831 = arith.subi %sign3A_827, %sign3A_830 : i32
          %sign3A_832 = arith.constant 0 : i32
          %sign3A_833 = arith.cmpi sgt, %jit3A_823, %sign3A_832 : i32
          %sign3A_834 = arith.extui %sign3A_833 : i1 to i32
          %sign3A_835 = arith.constant 0 : i32
          %sign3A_836 = arith.cmpi slt, %jit3A_823, %sign3A_835 : i32
          %sign3A_837 = arith.extui %sign3A_836 : i1 to i32
          %sign3A_838 = arith.subi %sign3A_834, %sign3A_837 : i32
          %ne3A_839 = arith.cmpi ne, %sign3A_831, %sign3A_838 : i32
          %rem3A_840 = arith.remsi %add3A_822, %jit3A_823 : i32
          %ne3A_841 = arith.constant 0 : i32
          %ne3A_842 = arith.cmpi ne, %rem3A_840, %ne3A_841 : i32
          %and3A_843 = arith.andi %ne3A_839, %ne3A_842 : i1
          %sub3A_844 = arith.constant 1 : i32
          %sub3A_845 = arith.subi %div3A_824, %sub3A_844 : i32
          %select_n3A_846 = arith.select %and3A_843, %sub3A_845, %div3A_824 : i32
          %mul3A_847 = arith.constant 32 : i32
          %mul3A_848 = arith.muli %select_n3A_846, %mul3A_847 : i32
          %add3A_849 = arith.addi %add3A, %mul3A_848 : i32
          %jit3A_850 = arith.constant 8 : i32
          %eq3A_851 = arith.constant 0 : i32
          %eq3A_852 = arith.cmpi eq, %jit3A_850, %eq3A_851 : i32
          %jit3A_853 = arith.constant 1 : i32
          %select_n3A_854 = arith.select %eq3A_852, %jit3A_853, %jit3A_850 : i32
          %rem3A_855 = arith.remsi %add3A_822, %select_n3A_854 : i32
          %ne3A_856 = arith.constant 0 : i32
          %ne3A_857 = arith.cmpi ne, %rem3A_855, %ne3A_856 : i32
          %lt3A_858 = arith.constant 0 : i32
          %lt3A_859 = arith.cmpi slt, %rem3A_855, %lt3A_858 : i32
          %lt3A_860 = arith.constant 0 : i32
          %lt3A_861 = arith.cmpi slt, %select_n3A_854, %lt3A_860 : i32
          %ne3A_862 = arith.xori %lt3A_859, %lt3A_861 : i1
          %and3A_863 = arith.andi %ne3A_862, %ne3A_857 : i1
          %add3A_864 = arith.addi %rem3A_855, %select_n3A_854 : i32
          %select_n3A_865 = arith.select %and3A_863, %add3A_864, %rem3A_855 : i32
          %mul3A_866 = arith.constant 16 : i32
          %mul3A_867 = arith.muli %select_n3A_865, %mul3A_866 : i32
          %dma_start3A_868 = arith.constant 0 : i32
          %dma_start3A_869 = tpu.memref_slice %arg2[%add3A_849, %mul3A_867, %dma_start3A_868] : memref<250x128x1024xf32, #tpu.memory_space<hbm>> -> memref<1x16x1024xf32, #tpu.memory_space<hbm>>
          %dma_start3A_870 = tpu.memref_squeeze %dma_start3A_869 : memref<1x16x1024xf32, #tpu.memory_space<hbm>> -> memref<16x1024xf32, #tpu.memory_space<hbm>>
          %dma_start3A_871 = arith.constant 0 : i32
          %dma_start3A_872 = tpu.memref_slice %arg2[%add3A_849, %mul3A_867, %dma_start3A_871] : memref<250x128x1024xf32, #tpu.memory_space<hbm>> -> memref<1x16x1024xf32, #tpu.memory_space<hbm>>
          %dma_start3A_873 = tpu.memref_squeeze %dma_start3A_872 : memref<1x16x1024xf32, #tpu.memory_space<hbm>> -> memref<16x1024xf32, #tpu.memory_space<hbm>>
          tpu.enqueue_dma source(%dma_start3A_873 : memref<16x1024xf32, #tpu.memory_space<hbm>>) target(%arg7 : memref<16x1024xf32, #tpu.memory_space<vmem>>) target_semaphore(%arg14 : memref<!tpu.dma_semaphore, #tpu.memory_space<semaphore_mem>>)
        } else {
        }
        %jit3A_717 = arith.constant 8 : i32
        %div3A_718 = arith.divsi %add3A_617, %jit3A_717 : i32
        %sign3A_719 = arith.constant 0 : i32
        %sign3A_720 = arith.cmpi sgt, %add3A_617, %sign3A_719 : i32
        %sign3A_721 = arith.extui %sign3A_720 : i1 to i32
        %sign3A_722 = arith.constant 0 : i32
        %sign3A_723 = arith.cmpi slt, %add3A_617, %sign3A_722 : i32
        %sign3A_724 = arith.extui %sign3A_723 : i1 to i32
        %sign3A_725 = arith.subi %sign3A_721, %sign3A_724 : i32
        %sign3A_726 = arith.constant 0 : i32
        %sign3A_727 = arith.cmpi sgt, %jit3A_717, %sign3A_726 : i32
        %sign3A_728 = arith.extui %sign3A_727 : i1 to i32
        %sign3A_729 = arith.constant 0 : i32
        %sign3A_730 = arith.cmpi slt, %jit3A_717, %sign3A_729 : i32
        %sign3A_731 = arith.extui %sign3A_730 : i1 to i32
        %sign3A_732 = arith.subi %sign3A_728, %sign3A_731 : i32
        %ne3A_733 = arith.cmpi ne, %sign3A_725, %sign3A_732 : i32
        %rem3A_734 = arith.remsi %add3A_617, %jit3A_717 : i32
        %ne3A_735 = arith.constant 0 : i32
        %ne3A_736 = arith.cmpi ne, %rem3A_734, %ne3A_735 : i32
        %and3A_737 = arith.andi %ne3A_733, %ne3A_736 : i1
        %sub3A_738 = arith.constant 1 : i32
        %sub3A_739 = arith.subi %div3A_718, %sub3A_738 : i32
        %select_n3A_740 = arith.select %and3A_737, %sub3A_739, %div3A_718 : i32
        %jit3A_741 = arith.constant 2 : i32
        %eq3A_742 = arith.constant 0 : i32
        %eq3A_743 = arith.cmpi eq, %jit3A_741, %eq3A_742 : i32
        %jit3A_744 = arith.constant 1 : i32
        %select_n3A_745 = arith.select %eq3A_743, %jit3A_744, %jit3A_741 : i32
        %rem3A_746 = arith.remsi %select_n3A_740, %select_n3A_745 : i32
        %ne3A_747 = arith.constant 0 : i32
        %ne3A_748 = arith.cmpi ne, %rem3A_746, %ne3A_747 : i32
        %lt3A_749 = arith.constant 0 : i32
        %lt3A_750 = arith.cmpi slt, %rem3A_746, %lt3A_749 : i32
        %lt3A_751 = arith.constant 0 : i32
        %lt3A_752 = arith.cmpi slt, %select_n3A_745, %lt3A_751 : i32
        %ne3A_753 = arith.xori %lt3A_750, %lt3A_752 : i1
        %and3A_754 = arith.andi %ne3A_753, %ne3A_748 : i1
        %add3A_755 = arith.addi %rem3A_746, %select_n3A_745 : i32
        %select_n3A_756 = arith.select %and3A_754, %add3A_755, %rem3A_746 : i32
        %scan3A_757 = arith.constant 0 : i32
        %scan3A_758 = arith.constant 0 : i32
        %scan3A_759 = arith.constant 64 : i32
        %scan3A_760 = arith.addi %scan3A_758, %scan3A_759 : i32
        %scan3A_761 = arith.constant 1 : i32
        %scan3A_762 = scf.for %scan3A_815 = %scan3A_758 to %scan3A_760 step %scan3A_761 iter_args(%scan3A_816 = %scan3A_757) -> (i32)  : i32 {
          %mul3A_817 = arith.constant 16 : i32
          %mul3A_818 = arith.muli %scan3A_815, %mul3A_817 : i32
          %get3A = arith.index_cast %select_n3A_756 : i32 to index
          %get3A_819 = arith.index_cast %mul3A_818 : i32 to index
          %get3A_820 = tpu.vector_load %arg5[%get3A, %get3A_819] {strides = array<i32>} : memref<2x1024xf32, #tpu.memory_space<vmem>>, vector<1x16xf32>,
          %get3A_821 = vector.shape_cast %get3A_820 : vector<1x16xf32> to vector<16xf32>
          %swap3A = arith.constant 0 : i32
          %swap3A_822 = arith.index_cast %swap3A : i32 to index
          %swap3A_823 = arith.index_cast %mul3A_818 : i32 to index
          %swap3A_824 = tpu.vector_load %arg9[%swap3A_822, %swap3A_823] {strides = array<i32>} : memref<16x1024xf32, #tpu.memory_space<vmem>>, vector<1x16xf32>,
          %swap3A_825 = vector.shape_cast %swap3A_824 : vector<1x16xf32> to vector<16xf32>
          %swap3A_826 = vector.shape_cast %get3A_821 : vector<16xf32> to vector<1x16xf32>
          tpu.vector_store %arg9[%swap3A_822, %swap3A_823], %swap3A_826 {add = true, strides = array<i32>} : memref<16x1024xf32, #tpu.memory_space<vmem>>, vector<1x16xf32>,
          %swap3A_827 = arith.constant 1 : i32
          %swap3A_828 = arith.index_cast %swap3A_827 : i32 to index
          %swap3A_829 = arith.index_cast %mul3A_818 : i32 to index
          %swap3A_830 = tpu.vector_load %arg9[%swap3A_828, %swap3A_829] {strides = array<i32>} : memref<16x1024xf32, #tpu.memory_space<vmem>>, vector<1x16xf32>,
          %swap3A_831 = vector.shape_cast %swap3A_830 : vector<1x16xf32> to vector<16xf32>
          %swap3A_832 = vector.shape_cast %get3A_821 : vector<16xf32> to vector<1x16xf32>
          tpu.vector_store %arg9[%swap3A_828, %swap3A_829], %swap3A_832 {add = true, strides = array<i32>} : memref<16x1024xf32, #tpu.memory_space<vmem>>, vector<1x16xf32>,
          %swap3A_833 = arith.constant 2 : i32
          %swap3A_834 = arith.index_cast %swap3A_833 : i32 to index
          %swap3A_835 = arith.index_cast %mul3A_818 : i32 to index
          %swap3A_836 = tpu.vector_load %arg9[%swap3A_834, %swap3A_835] {strides = array<i32>} : memref<16x1024xf32, #tpu.memory_space<vmem>>, vector<1x16xf32>,
          %swap3A_837 = vector.shape_cast %swap3A_836 : vector<1x16xf32> to vector<16xf32>
          %swap3A_838 = vector.shape_cast %get3A_821 : vector<16xf32> to vector<1x16xf32>
          tpu.vector_store %arg9[%swap3A_834, %swap3A_835], %swap3A_838 {add = true, strides = array<i32>} : memref<16x1024xf32, #tpu.memory_space<vmem>>, vector<1x16xf32>,
          %swap3A_839 = arith.constant 3 : i32
          %swap3A_840 = arith.index_cast %swap3A_839 : i32 to index
          %swap3A_841 = arith.index_cast %mul3A_818 : i32 to index
          %swap3A_842 = tpu.vector_load %arg9[%swap3A_840, %swap3A_841] {strides = array<i32>} : memref<16x1024xf32, #tpu.memory_space<vmem>>, vector<1x16xf32>,
          %swap3A_843 = vector.shape_cast %swap3A_842 : vector<1x16xf32> to vector<16xf32>
          %swap3A_844 = vector.shape_cast %get3A_821 : vector<16xf32> to vector<1x16xf32>
          tpu.vector_store %arg9[%swap3A_840, %swap3A_841], %swap3A_844 {add = true, strides = array<i32>} : memref<16x1024xf32, #tpu.memory_space<vmem>>, vector<1x16xf32>,
          %swap3A_845 = arith.constant 4 : i32
          %swap3A_846 = arith.index_cast %swap3A_845 : i32 to index
          %swap3A_847 = arith.index_cast %mul3A_818 : i32 to index
          %swap3A_848 = tpu.vector_load %arg9[%swap3A_846, %swap3A_847] {strides = array<i32>} : memref<16x1024xf32, #tpu.memory_space<vmem>>, vector<1x16xf32>,
          %swap3A_849 = vector.shape_cast %swap3A_848 : vector<1x16xf32> to vector<16xf32>
          %swap3A_850 = vector.shape_cast %get3A_821 : vector<16xf32> to vector<1x16xf32>
          tpu.vector_store %arg9[%swap3A_846, %swap3A_847], %swap3A_850 {add = true, strides = array<i32>} : memref<16x1024xf32, #tpu.memory_space<vmem>>, vector<1x16xf32>,
          %swap3A_851 = arith.constant 5 : i32
          %swap3A_852 = arith.index_cast %swap3A_851 : i32 to index
          %swap3A_853 = arith.index_cast %mul3A_818 : i32 to index
          %swap3A_854 = tpu.vector_load %arg9[%swap3A_852, %swap3A_853] {strides = array<i32>} : memref<16x1024xf32, #tpu.memory_space<vmem>>, vector<1x16xf32>,
          %swap3A_855 = vector.shape_cast %swap3A_854 : vector<1x16xf32> to vector<16xf32>
          %swap3A_856 = vector.shape_cast %get3A_821 : vector<16xf32> to vector<1x16xf32>
          tpu.vector_store %arg9[%swap3A_852, %swap3A_853], %swap3A_856 {add = true, strides = array<i32>} : memref<16x1024xf32, #tpu.memory_space<vmem>>, vector<1x16xf32>,
          %swap3A_857 = arith.constant 6 : i32
          %swap3A_858 = arith.index_cast %swap3A_857 : i32 to index
          %swap3A_859 = arith.index_cast %mul3A_818 : i32 to index
          %swap3A_860 = tpu.vector_load %arg9[%swap3A_858, %swap3A_859] {strides = array<i32>} : memref<16x1024xf32, #tpu.memory_space<vmem>>, vector<1x16xf32>,
          %swap3A_861 = vector.shape_cast %swap3A_860 : vector<1x16xf32> to vector<16xf32>
          %swap3A_862 = vector.shape_cast %get3A_821 : vector<16xf32> to vector<1x16xf32>
          tpu.vector_store %arg9[%swap3A_858, %swap3A_859], %swap3A_862 {add = true, strides = array<i32>} : memref<16x1024xf32, #tpu.memory_space<vmem>>, vector<1x16xf32>,
          %swap3A_863 = arith.constant 7 : i32
          %swap3A_864 = arith.index_cast %swap3A_863 : i32 to index
          %swap3A_865 = arith.index_cast %mul3A_818 : i32 to index
          %swap3A_866 = tpu.vector_load %arg9[%swap3A_864, %swap3A_865] {strides = array<i32>} : memref<16x1024xf32, #tpu.memory_space<vmem>>, vector<1x16xf32>,
          %swap3A_867 = vector.shape_cast %swap3A_866 : vector<1x16xf32> to vector<16xf32>
          %swap3A_868 = vector.shape_cast %get3A_821 : vector<16xf32> to vector<1x16xf32>
          tpu.vector_store %arg9[%swap3A_864, %swap3A_865], %swap3A_868 {add = true, strides = array<i32>} : memref<16x1024xf32, #tpu.memory_space<vmem>>, vector<1x16xf32>,
          %swap3A_869 = arith.constant 8 : i32
          %swap3A_870 = arith.index_cast %swap3A_869 : i32 to index
          %swap3A_871 = arith.index_cast %mul3A_818 : i32 to index
          %swap3A_872 = tpu.vector_load %arg9[%swap3A_870, %swap3A_871] {strides = array<i32>} : memref<16x1024xf32, #tpu.memory_space<vmem>>, vector<1x16xf32>,
          %swap3A_873 = vector.shape_cast %swap3A_872 : vector<1x16xf32> to vector<16xf32>
          %swap3A_874 = vector.shape_cast %get3A_821 : vector<16xf32> to vector<1x16xf32>
          tpu.vector_store %arg9[%swap3A_870, %swap3A_871], %swap3A_874 {add = true, strides = array<i32>} : memref<16x1024xf32, #tpu.memory_space<vmem>>, vector<1x16xf32>,
          %swap3A_875 = arith.constant 9 : i32
          %swap3A_876 = arith.index_cast %swap3A_875 : i32 to index
          %swap3A_877 = arith.index_cast %mul3A_818 : i32 to index
          %swap3A_878 = tpu.vector_load %arg9[%swap3A_876, %swap3A_877] {strides = array<i32>} : memref<16x1024xf32, #tpu.memory_space<vmem>>, vector<1x16xf32>,
          %swap3A_879 = vector.shape_cast %swap3A_878 : vector<1x16xf32> to vector<16xf32>
          %swap3A_880 = vector.shape_cast %get3A_821 : vector<16xf32> to vector<1x16xf32>
          tpu.vector_store %arg9[%swap3A_876, %swap3A_877], %swap3A_880 {add = true, strides = array<i32>} : memref<16x1024xf32, #tpu.memory_space<vmem>>, vector<1x16xf32>,
          %swap3A_881 = arith.constant 10 : i32
          %swap3A_882 = arith.index_cast %swap3A_881 : i32 to index
          %swap3A_883 = arith.index_cast %mul3A_818 : i32 to index
          %swap3A_884 = tpu.vector_load %arg9[%swap3A_882, %swap3A_883] {strides = array<i32>} : memref<16x1024xf32, #tpu.memory_space<vmem>>, vector<1x16xf32>,
          %swap3A_885 = vector.shape_cast %swap3A_884 : vector<1x16xf32> to vector<16xf32>
          %swap3A_886 = vector.shape_cast %get3A_821 : vector<16xf32> to vector<1x16xf32>
          tpu.vector_store %arg9[%swap3A_882, %swap3A_883], %swap3A_886 {add = true, strides = array<i32>} : memref<16x1024xf32, #tpu.memory_space<vmem>>, vector<1x16xf32>,
          %swap3A_887 = arith.constant 11 : i32
          %swap3A_888 = arith.index_cast %swap3A_887 : i32 to index
          %swap3A_889 = arith.index_cast %mul3A_818 : i32 to index
          %swap3A_890 = tpu.vector_load %arg9[%swap3A_888, %swap3A_889] {strides = array<i32>} : memref<16x1024xf32, #tpu.memory_space<vmem>>, vector<1x16xf32>,
          %swap3A_891 = vector.shape_cast %swap3A_890 : vector<1x16xf32> to vector<16xf32>
          %swap3A_892 = vector.shape_cast %get3A_821 : vector<16xf32> to vector<1x16xf32>
          tpu.vector_store %arg9[%swap3A_888, %swap3A_889], %swap3A_892 {add = true, strides = array<i32>} : memref<16x1024xf32, #tpu.memory_space<vmem>>, vector<1x16xf32>,
          %swap3A_893 = arith.constant 12 : i32
          %swap3A_894 = arith.index_cast %swap3A_893 : i32 to index
          %swap3A_895 = arith.index_cast %mul3A_818 : i32 to index
          %swap3A_896 = tpu.vector_load %arg9[%swap3A_894, %swap3A_895] {strides = array<i32>} : memref<16x1024xf32, #tpu.memory_space<vmem>>, vector<1x16xf32>,
          %swap3A_897 = vector.shape_cast %swap3A_896 : vector<1x16xf32> to vector<16xf32>
          %swap3A_898 = vector.shape_cast %get3A_821 : vector<16xf32> to vector<1x16xf32>
          tpu.vector_store %arg9[%swap3A_894, %swap3A_895], %swap3A_898 {add = true, strides = array<i32>} : memref<16x1024xf32, #tpu.memory_space<vmem>>, vector<1x16xf32>,
          %swap3A_899 = arith.constant 13 : i32
          %swap3A_900 = arith.index_cast %swap3A_899 : i32 to index
          %swap3A_901 = arith.index_cast %mul3A_818 : i32 to index
          %swap3A_902 = tpu.vector_load %arg9[%swap3A_900, %swap3A_901] {strides = array<i32>} : memref<16x1024xf32, #tpu.memory_space<vmem>>, vector<1x16xf32>,
          %swap3A_903 = vector.shape_cast %swap3A_902 : vector<1x16xf32> to vector<16xf32>
          %swap3A_904 = vector.shape_cast %get3A_821 : vector<16xf32> to vector<1x16xf32>
          tpu.vector_store %arg9[%swap3A_900, %swap3A_901], %swap3A_904 {add = true, strides = array<i32>} : memref<16x1024xf32, #tpu.memory_space<vmem>>, vector<1x16xf32>,
          %swap3A_905 = arith.constant 14 : i32
          %swap3A_906 = arith.index_cast %swap3A_905 : i32 to index
          %swap3A_907 = arith.index_cast %mul3A_818 : i32 to index
          %swap3A_908 = tpu.vector_load %arg9[%swap3A_906, %swap3A_907] {strides = array<i32>} : memref<16x1024xf32, #tpu.memory_space<vmem>>, vector<1x16xf32>,
          %swap3A_909 = vector.shape_cast %swap3A_908 : vector<1x16xf32> to vector<16xf32>
          %swap3A_910 = vector.shape_cast %get3A_821 : vector<16xf32> to vector<1x16xf32>
          tpu.vector_store %arg9[%swap3A_906, %swap3A_907], %swap3A_910 {add = true, strides = array<i32>} : memref<16x1024xf32, #tpu.memory_space<vmem>>, vector<1x16xf32>,
          %swap3A_911 = arith.constant 15 : i32
          %swap3A_912 = arith.index_cast %swap3A_911 : i32 to index
          %swap3A_913 = arith.index_cast %mul3A_818 : i32 to index
          %swap3A_914 = tpu.vector_load %arg9[%swap3A_912, %swap3A_913] {strides = array<i32>} : memref<16x1024xf32, #tpu.memory_space<vmem>>, vector<1x16xf32>,
          %swap3A_915 = vector.shape_cast %swap3A_914 : vector<1x16xf32> to vector<16xf32>
          %swap3A_916 = vector.shape_cast %get3A_821 : vector<16xf32> to vector<1x16xf32>
          tpu.vector_store %arg9[%swap3A_912, %swap3A_913], %swap3A_916 {add = true, strides = array<i32>} : memref<16x1024xf32, #tpu.memory_space<vmem>>, vector<1x16xf32>,
          %scan3A_917 = arith.constant 0 : i32
          scf.yield %scan3A_917 : i32
        }
        %scan3A_763 = arith.constant 64 : i32
        %jit3A_764 = arith.constant 8 : i32
        %div3A_765 = arith.divsi %add3A_617, %jit3A_764 : i32
        %sign3A_766 = arith.constant 0 : i32
        %sign3A_767 = arith.cmpi sgt, %add3A_617, %sign3A_766 : i32
        %sign3A_768 = arith.extui %sign3A_767 : i1 to i32
        %sign3A_769 = arith.constant 0 : i32
        %sign3A_770 = arith.cmpi slt, %add3A_617, %sign3A_769 : i32
        %sign3A_771 = arith.extui %sign3A_770 : i1 to i32
        %sign3A_772 = arith.subi %sign3A_768, %sign3A_771 : i32
        %sign3A_773 = arith.constant 0 : i32
        %sign3A_774 = arith.cmpi sgt, %jit3A_764, %sign3A_773 : i32
        %sign3A_775 = arith.extui %sign3A_774 : i1 to i32
        %sign3A_776 = arith.constant 0 : i32
        %sign3A_777 = arith.cmpi slt, %jit3A_764, %sign3A_776 : i32
        %sign3A_778 = arith.extui %sign3A_777 : i1 to i32
        %sign3A_779 = arith.subi %sign3A_775, %sign3A_778 : i32
        %ne3A_780 = arith.cmpi ne, %sign3A_772, %sign3A_779 : i32
        %rem3A_781 = arith.remsi %add3A_617, %jit3A_764 : i32
        %ne3A_782 = arith.constant 0 : i32
        %ne3A_783 = arith.cmpi ne, %rem3A_781, %ne3A_782 : i32
        %and3A_784 = arith.andi %ne3A_780, %ne3A_783 : i1
        %sub3A_785 = arith.constant 1 : i32
        %sub3A_786 = arith.subi %div3A_765, %sub3A_785 : i32
        %select_n3A_787 = arith.select %and3A_784, %sub3A_786, %div3A_765 : i32
        %mul3A_788 = arith.constant 32 : i32
        %mul3A_789 = arith.muli %select_n3A_787, %mul3A_788 : i32
        %add3A_790 = arith.addi %add3A, %mul3A_789 : i32
        %jit3A_791 = arith.constant 8 : i32
        %eq3A_792 = arith.constant 0 : i32
        %eq3A_793 = arith.cmpi eq, %jit3A_791, %eq3A_792 : i32
        %jit3A_794 = arith.constant 1 : i32
        %select_n3A_795 = arith.select %eq3A_793, %jit3A_794, %jit3A_791 : i32
        %rem3A_796 = arith.remsi %add3A_617, %select_n3A_795 : i32
        %ne3A_797 = arith.constant 0 : i32
        %ne3A_798 = arith.cmpi ne, %rem3A_796, %ne3A_797 : i32
        %lt3A_799 = arith.constant 0 : i32
        %lt3A_800 = arith.cmpi slt, %rem3A_796, %lt3A_799 : i32
        %lt3A_801 = arith.constant 0 : i32
        %lt3A_802 = arith.cmpi slt, %select_n3A_795, %lt3A_801 : i32
        %ne3A_803 = arith.xori %lt3A_800, %lt3A_802 : i1
        %and3A_804 = arith.andi %ne3A_803, %ne3A_798 : i1
        %add3A_805 = arith.addi %rem3A_796, %select_n3A_795 : i32
        %select_n3A_806 = arith.select %and3A_804, %add3A_805, %rem3A_796 : i32
        %mul3A_807 = arith.constant 16 : i32
        %mul3A_808 = arith.muli %select_n3A_806, %mul3A_807 : i32
        %dma_start3A_809 = arith.constant 0 : i32
        %dma_start3A_810 = tpu.memref_slice %arg4[%add3A_790, %mul3A_808, %dma_start3A_809] : memref<250x128x1024xf32, #tpu.memory_space<hbm>> -> memref<1x16x1024xf32, #tpu.memory_space<hbm>>
        %dma_start3A_811 = tpu.memref_squeeze %dma_start3A_810 : memref<1x16x1024xf32, #tpu.memory_space<hbm>> -> memref<16x1024xf32, #tpu.memory_space<hbm>>
        %dma_start3A_812 = arith.constant 0 : i32
        %dma_start3A_813 = tpu.memref_slice %arg4[%add3A_790, %mul3A_808, %dma_start3A_812] : memref<250x128x1024xf32, #tpu.memory_space<hbm>> -> memref<1x16x1024xf32, #tpu.memory_space<hbm>>
        %dma_start3A_814 = tpu.memref_squeeze %dma_start3A_813 : memref<1x16x1024xf32, #tpu.memory_space<hbm>> -> memref<16x1024xf32, #tpu.memory_space<hbm>>
        tpu.enqueue_dma source(%arg9 : memref<16x1024xf32, #tpu.memory_space<vmem>>) target(%dma_start3A_814 : memref<16x1024xf32, #tpu.memory_space<hbm>>) target_semaphore(%arg22 : memref<!tpu.dma_semaphore, #tpu.memory_space<semaphore_mem>>)
      } else {
      }
      %mul3A_622 = arith.constant 6 : i32
      %mul3A_623 = arith.muli %scan3A_590, %mul3A_622 : i32
      %add3A_624 = arith.constant 4 : i32
      %add3A_625 = arith.addi %mul3A_623, %add3A_624 : i32
      %lt3A_626 = arith.cmpi slt, %add3A_625, %select_n3A : i32
      %convert_element_type3A_627 = arith.extui %lt3A_626 : i1 to i32
      %cond3A_628 = arith.constant 0 : i32
      %cond3A_629 = arith.cmpi ne, %convert_element_type3A_627, %cond3A_628 : i32
      scf.if %cond3A_629 {
        %jit3A_639 = arith.constant 8 : i32
        %eq3A_640 = arith.constant 0 : i32
        %eq3A_641 = arith.cmpi eq, %jit3A_639, %eq3A_640 : i32
        %jit3A_642 = arith.constant 1 : i32
        %select_n3A_643 = arith.select %eq3A_641, %jit3A_642, %jit3A_639 : i32
        %rem3A_644 = arith.remsi %add3A_625, %select_n3A_643 : i32
        %ne3A_645 = arith.constant 0 : i32
        %ne3A_646 = arith.cmpi ne, %rem3A_644, %ne3A_645 : i32
        %lt3A_647 = arith.constant 0 : i32
        %lt3A_648 = arith.cmpi slt, %rem3A_644, %lt3A_647 : i32
        %lt3A_649 = arith.constant 0 : i32
        %lt3A_650 = arith.cmpi slt, %select_n3A_643, %lt3A_649 : i32
        %ne3A_651 = arith.xori %lt3A_648, %lt3A_650 : i1
        %and3A_652 = arith.andi %ne3A_651, %ne3A_646 : i1
        %add3A_653 = arith.addi %rem3A_644, %select_n3A_643 : i32
        %select_n3A_654 = arith.select %and3A_652, %add3A_653, %rem3A_644 : i32
        %eq3A_655 = arith.constant 0 : i32
        %eq3A_656 = arith.cmpi eq, %select_n3A_654, %eq3A_655 : i32
        %convert_element_type3A_657 = arith.extui %eq3A_656 : i1 to i32
        %cond3A_658 = arith.constant 0 : i32
        %cond3A_659 = arith.cmpi ne, %convert_element_type3A_657, %cond3A_658 : i32
        scf.if %cond3A_659 {
          %jit3A_815 = arith.constant 8 : i32
          %div3A_816 = arith.divsi %add3A_625, %jit3A_815 : i32
          %sign3A_817 = arith.constant 0 : i32
          %sign3A_818 = arith.cmpi sgt, %add3A_625, %sign3A_817 : i32
          %sign3A_819 = arith.extui %sign3A_818 : i1 to i32
          %sign3A_820 = arith.constant 0 : i32
          %sign3A_821 = arith.cmpi slt, %add3A_625, %sign3A_820 : i32
          %sign3A_822 = arith.extui %sign3A_821 : i1 to i32
          %sign3A_823 = arith.subi %sign3A_819, %sign3A_822 : i32
          %sign3A_824 = arith.constant 0 : i32
          %sign3A_825 = arith.cmpi sgt, %jit3A_815, %sign3A_824 : i32
          %sign3A_826 = arith.extui %sign3A_825 : i1 to i32
          %sign3A_827 = arith.constant 0 : i32
          %sign3A_828 = arith.cmpi slt, %jit3A_815, %sign3A_827 : i32
          %sign3A_829 = arith.extui %sign3A_828 : i1 to i32
          %sign3A_830 = arith.subi %sign3A_826, %sign3A_829 : i32
          %ne3A_831 = arith.cmpi ne, %sign3A_823, %sign3A_830 : i32
          %rem3A_832 = arith.remsi %add3A_625, %jit3A_815 : i32
          %ne3A_833 = arith.constant 0 : i32
          %ne3A_834 = arith.cmpi ne, %rem3A_832, %ne3A_833 : i32
          %and3A_835 = arith.andi %ne3A_831, %ne3A_834 : i1
          %sub3A_836 = arith.constant 1 : i32
          %sub3A_837 = arith.subi %div3A_816, %sub3A_836 : i32
          %select_n3A_838 = arith.select %and3A_835, %sub3A_837, %div3A_816 : i32
          %jit3A_839 = arith.constant 2 : i32
          %eq3A_840 = arith.constant 0 : i32
          %eq3A_841 = arith.cmpi eq, %jit3A_839, %eq3A_840 : i32
          %jit3A_842 = arith.constant 1 : i32
          %select_n3A_843 = arith.select %eq3A_841, %jit3A_842, %jit3A_839 : i32
          %rem3A_844 = arith.remsi %select_n3A_838, %select_n3A_843 : i32
          %ne3A_845 = arith.constant 0 : i32
          %ne3A_846 = arith.cmpi ne, %rem3A_844, %ne3A_845 : i32
          %lt3A_847 = arith.constant 0 : i32
          %lt3A_848 = arith.cmpi slt, %rem3A_844, %lt3A_847 : i32
          %lt3A_849 = arith.constant 0 : i32
          %lt3A_850 = arith.cmpi slt, %select_n3A_843, %lt3A_849 : i32
          %ne3A_851 = arith.xori %lt3A_848, %lt3A_850 : i1
          %and3A_852 = arith.andi %ne3A_851, %ne3A_846 : i1
          %add3A_853 = arith.addi %rem3A_844, %select_n3A_843 : i32
          %select_n3A_854 = arith.select %and3A_852, %add3A_853, %rem3A_844 : i32
          %dma_wait3A_855 = arith.constant 0 : i32
          %dma_wait3A_856 = arith.constant 0 : i32
          %dma_wait3A_857 = tpu.memref_slice %arg5[%dma_wait3A_855, %dma_wait3A_856] : memref<2x1024xf32, #tpu.memory_space<vmem>> -> memref<1x1024xf32, #tpu.memory_space<vmem>>
          %dma_wait3A_858 = arith.constant 0 : i32
          %dma_wait3A_859 = tpu.memref_slice %arg3[%add3A, %dma_wait3A_858] : memref<250x1024xf32, #tpu.memory_space<hbm>> -> memref<1x1024xf32, #tpu.memory_space<hbm>>
          %dma_wait3A_860 = arith.constant 0 : i32
          %dma_wait3A_861 = arith.constant 0 : i32
          %dma_wait3A_862 = tpu.memref_slice %arg5[%dma_wait3A_860, %dma_wait3A_861] : memref<2x1024xf32, #tpu.memory_space<vmem>> -> memref<1x1024xf32, #tpu.memory_space<vmem>>
          %dma_wait3A_863 = arith.constant 0 : i32
          %dma_wait3A_864 = tpu.memref_slice %arg3[%add3A, %dma_wait3A_863] : memref<250x1024xf32, #tpu.memory_space<hbm>> -> memref<1x1024xf32, #tpu.memory_space<hbm>>
          tpu.wait_dma2 semaphore(%arg12 : memref<!tpu.dma_semaphore, #tpu.memory_space<semaphore_mem>>) src(%dma_wait3A_864 : memref<1x1024xf32, #tpu.memory_space<hbm>>) dst(%dma_wait3A_862 : memref<1x1024xf32, #tpu.memory_space<vmem>>)
          %add3A_865 = arith.constant 1 : i32
          %add3A_866 = arith.addi %select_n3A_838, %add3A_865 : i32
          %mul3A_867 = arith.constant 32 : i32
          %mul3A_868 = arith.muli %add3A_866, %mul3A_867 : i32
          %add3A_869 = arith.addi %add3A, %mul3A_868 : i32
          %lt3A_870 = arith.constant 250 : i32
          %lt3A_871 = arith.cmpi slt, %add3A_869, %lt3A_870 : i32
          %convert_element_type3A_872 = arith.extui %lt3A_871 : i1 to i32
          %cond3A_873 = arith.constant 0 : i32
          %cond3A_874 = arith.cmpi ne, %convert_element_type3A_872, %cond3A_873 : i32
          scf.if %cond3A_874 {
            %eq3A_875 = arith.constant 0 : i32
            %eq3A_876 = arith.cmpi eq, %select_n3A_854, %eq3A_875 : i32
            %convert_element_type3A_877 = arith.extui %eq3A_876 : i1 to i32
            %cond3A_878 = arith.constant 0 : i32
            %cond3A_879 = arith.cmpi ne, %convert_element_type3A_877, %cond3A_878 : i32
            scf.if %cond3A_879 {
              %add3A_885 = arith.constant 1 : i32
              %add3A_886 = arith.addi %select_n3A_838, %add3A_885 : i32
              %mul3A_887 = arith.constant 32 : i32
              %mul3A_888 = arith.muli %add3A_886, %mul3A_887 : i32
              %add3A_889 = arith.addi %add3A, %mul3A_888 : i32
              %dma_start3A_890 = arith.constant 1 : i32
              %dma_start3A_891 = arith.constant 0 : i32
              %dma_start3A_892 = tpu.memref_slice %arg5[%dma_start3A_890, %dma_start3A_891] : memref<2x1024xf32, #tpu.memory_space<vmem>> -> memref<1x1024xf32, #tpu.memory_space<vmem>>
              %dma_start3A_893 = arith.constant 0 : i32
              %dma_start3A_894 = tpu.memref_slice %arg3[%add3A_889, %dma_start3A_893] : memref<250x1024xf32, #tpu.memory_space<hbm>> -> memref<1x1024xf32, #tpu.memory_space<hbm>>
              %dma_start3A_895 = arith.constant 1 : i32
              %dma_start3A_896 = arith.constant 0 : i32
              %dma_start3A_897 = tpu.memref_slice %arg5[%dma_start3A_895, %dma_start3A_896] : memref<2x1024xf32, #tpu.memory_space<vmem>> -> memref<1x1024xf32, #tpu.memory_space<vmem>>
              %dma_start3A_898 = arith.constant 0 : i32
              %dma_start3A_899 = tpu.memref_slice %arg3[%add3A_889, %dma_start3A_898] : memref<250x1024xf32, #tpu.memory_space<hbm>> -> memref<1x1024xf32, #tpu.memory_space<hbm>>
              tpu.enqueue_dma source(%dma_start3A_899 : memref<1x1024xf32, #tpu.memory_space<hbm>>) target(%dma_start3A_897 : memref<1x1024xf32, #tpu.memory_space<vmem>>) target_semaphore(%arg12 : memref<!tpu.dma_semaphore, #tpu.memory_space<semaphore_mem>>)
            } else {
            }
            %eq3A_880 = arith.constant 1 : i32
            %eq3A_881 = arith.cmpi eq, %select_n3A_854, %eq3A_880 : i32
            %convert_element_type3A_882 = arith.extui %eq3A_881 : i1 to i32
            %cond3A_883 = arith.constant 0 : i32
            %cond3A_884 = arith.cmpi ne, %convert_element_type3A_882, %cond3A_883 : i32
            scf.if %cond3A_884 {
              %add3A_885 = arith.constant 1 : i32
              %add3A_886 = arith.addi %select_n3A_838, %add3A_885 : i32
              %mul3A_887 = arith.constant 32 : i32
              %mul3A_888 = arith.muli %add3A_886, %mul3A_887 : i32
              %add3A_889 = arith.addi %add3A, %mul3A_888 : i32
              %dma_start3A_890 = arith.constant 0 : i32
              %dma_start3A_891 = arith.constant 0 : i32
              %dma_start3A_892 = tpu.memref_slice %arg5[%dma_start3A_890, %dma_start3A_891] : memref<2x1024xf32, #tpu.memory_space<vmem>> -> memref<1x1024xf32, #tpu.memory_space<vmem>>
              %dma_start3A_893 = arith.constant 0 : i32
              %dma_start3A_894 = tpu.memref_slice %arg3[%add3A_889, %dma_start3A_893] : memref<250x1024xf32, #tpu.memory_space<hbm>> -> memref<1x1024xf32, #tpu.memory_space<hbm>>
              %dma_start3A_895 = arith.constant 0 : i32
              %dma_start3A_896 = arith.constant 0 : i32
              %dma_start3A_897 = tpu.memref_slice %arg5[%dma_start3A_895, %dma_start3A_896] : memref<2x1024xf32, #tpu.memory_space<vmem>> -> memref<1x1024xf32, #tpu.memory_space<vmem>>
              %dma_start3A_898 = arith.constant 0 : i32
              %dma_start3A_899 = tpu.memref_slice %arg3[%add3A_889, %dma_start3A_898] : memref<250x1024xf32, #tpu.memory_space<hbm>> -> memref<1x1024xf32, #tpu.memory_space<hbm>>
              tpu.enqueue_dma source(%dma_start3A_899 : memref<1x1024xf32, #tpu.memory_space<hbm>>) target(%dma_start3A_897 : memref<1x1024xf32, #tpu.memory_space<vmem>>) target_semaphore(%arg12 : memref<!tpu.dma_semaphore, #tpu.memory_space<semaphore_mem>>)
            } else {
            }
          } else {
          }
        } else {
        }
        %jit3A_660 = arith.constant 8 : i32
        %div3A_661 = arith.divsi %add3A_625, %jit3A_660 : i32
        %sign3A_662 = arith.constant 0 : i32
        %sign3A_663 = arith.cmpi sgt, %add3A_625, %sign3A_662 : i32
        %sign3A_664 = arith.extui %sign3A_663 : i1 to i32
        %sign3A_665 = arith.constant 0 : i32
        %sign3A_666 = arith.cmpi slt, %add3A_625, %sign3A_665 : i32
        %sign3A_667 = arith.extui %sign3A_666 : i1 to i32
        %sign3A_668 = arith.subi %sign3A_664, %sign3A_667 : i32
        %sign3A_669 = arith.constant 0 : i32
        %sign3A_670 = arith.cmpi sgt, %jit3A_660, %sign3A_669 : i32
        %sign3A_671 = arith.extui %sign3A_670 : i1 to i32
        %sign3A_672 = arith.constant 0 : i32
        %sign3A_673 = arith.cmpi slt, %jit3A_660, %sign3A_672 : i32
        %sign3A_674 = arith.extui %sign3A_673 : i1 to i32
        %sign3A_675 = arith.subi %sign3A_671, %sign3A_674 : i32
        %ne3A_676 = arith.cmpi ne, %sign3A_668, %sign3A_675 : i32
        %rem3A_677 = arith.remsi %add3A_625, %jit3A_660 : i32
        %ne3A_678 = arith.constant 0 : i32
        %ne3A_679 = arith.cmpi ne, %rem3A_677, %ne3A_678 : i32
        %and3A_680 = arith.andi %ne3A_676, %ne3A_679 : i1
        %sub3A_681 = arith.constant 1 : i32
        %sub3A_682 = arith.subi %div3A_661, %sub3A_681 : i32
        %select_n3A_683 = arith.select %and3A_680, %sub3A_682, %div3A_661 : i32
        %mul3A_684 = arith.constant 32 : i32
        %mul3A_685 = arith.muli %select_n3A_683, %mul3A_684 : i32
        %add3A_686 = arith.addi %add3A, %mul3A_685 : i32
        %jit3A_687 = arith.constant 8 : i32
        %eq3A_688 = arith.constant 0 : i32
        %eq3A_689 = arith.cmpi eq, %jit3A_687, %eq3A_688 : i32
        %jit3A_690 = arith.constant 1 : i32
        %select_n3A_691 = arith.select %eq3A_689, %jit3A_690, %jit3A_687 : i32
        %rem3A_692 = arith.remsi %add3A_625, %select_n3A_691 : i32
        %ne3A_693 = arith.constant 0 : i32
        %ne3A_694 = arith.cmpi ne, %rem3A_692, %ne3A_693 : i32
        %lt3A_695 = arith.constant 0 : i32
        %lt3A_696 = arith.cmpi slt, %rem3A_692, %lt3A_695 : i32
        %lt3A_697 = arith.constant 0 : i32
        %lt3A_698 = arith.cmpi slt, %select_n3A_691, %lt3A_697 : i32
        %ne3A_699 = arith.xori %lt3A_696, %lt3A_698 : i1
        %and3A_700 = arith.andi %ne3A_699, %ne3A_694 : i1
        %add3A_701 = arith.addi %rem3A_692, %select_n3A_691 : i32
        %select_n3A_702 = arith.select %and3A_700, %add3A_701, %rem3A_692 : i32
        %mul3A_703 = arith.constant 16 : i32
        %mul3A_704 = arith.muli %select_n3A_702, %mul3A_703 : i32
        %dma_wait3A_705 = arith.constant 0 : i32
        %dma_wait3A_706 = tpu.memref_slice %arg2[%add3A_686, %mul3A_704, %dma_wait3A_705] : memref<250x128x1024xf32, #tpu.memory_space<hbm>> -> memref<1x16x1024xf32, #tpu.memory_space<hbm>>
        %dma_wait3A_707 = tpu.memref_squeeze %dma_wait3A_706 : memref<1x16x1024xf32, #tpu.memory_space<hbm>> -> memref<16x1024xf32, #tpu.memory_space<hbm>>
        %dma_wait3A_708 = arith.constant 0 : i32
        %dma_wait3A_709 = tpu.memref_slice %arg2[%add3A_686, %mul3A_704, %dma_wait3A_708] : memref<250x128x1024xf32, #tpu.memory_space<hbm>> -> memref<1x16x1024xf32, #tpu.memory_space<hbm>>
        %dma_wait3A_710 = tpu.memref_squeeze %dma_wait3A_709 : memref<1x16x1024xf32, #tpu.memory_space<hbm>> -> memref<16x1024xf32, #tpu.memory_space<hbm>>
        tpu.wait_dma2 semaphore(%arg17 : memref<!tpu.dma_semaphore, #tpu.memory_space<semaphore_mem>>) src(%dma_wait3A_710 : memref<16x1024xf32, #tpu.memory_space<hbm>>) dst(%arg10 : memref<16x1024xf32, #tpu.memory_space<vmem>>)
        %add3A_711 = arith.constant 4 : i32
        %add3A_712 = arith.addi %add3A_625, %add3A_711 : i32
        %lt3A_713 = arith.cmpi slt, %add3A_712, %select_n3A : i32
        %convert_element_type3A_714 = arith.extui %lt3A_713 : i1 to i32
        %cond3A_715 = arith.constant 0 : i32
        %cond3A_716 = arith.cmpi ne, %convert_element_type3A_714, %cond3A_715 : i32
        scf.if %cond3A_716 {
          %add3A_815 = arith.constant 4 : i32
          %add3A_816 = arith.addi %add3A_625, %add3A_815 : i32
          %ge3A = arith.constant 6 : i32
          %ge3A_817 = arith.cmpi sge, %add3A_816, %ge3A : i32
          %convert_element_type3A_818 = arith.extui %ge3A_817 : i1 to i32
          %cond3A_819 = arith.constant 0 : i32
          %cond3A_820 = arith.cmpi ne, %convert_element_type3A_818, %cond3A_819 : i32
          scf.if %cond3A_820 {
            %add3A_874 = arith.constant 4 : i32
            %add3A_875 = arith.addi %add3A_625, %add3A_874 : i32
            %sub3A_876 = arith.constant 6 : i32
            %sub3A_877 = arith.subi %add3A_875, %sub3A_876 : i32
            %jit3A_878 = arith.constant 8 : i32
            %div3A_879 = arith.divsi %sub3A_877, %jit3A_878 : i32
            %sign3A_880 = arith.constant 0 : i32
            %sign3A_881 = arith.cmpi sgt, %sub3A_877, %sign3A_880 : i32
            %sign3A_882 = arith.extui %sign3A_881 : i1 to i32
            %sign3A_883 = arith.constant 0 : i32
            %sign3A_884 = arith.cmpi slt, %sub3A_877, %sign3A_883 : i32
            %sign3A_885 = arith.extui %sign3A_884 : i1 to i32
            %sign3A_886 = arith.subi %sign3A_882, %sign3A_885 : i32
            %sign3A_887 = arith.constant 0 : i32
            %sign3A_888 = arith.cmpi sgt, %jit3A_878, %sign3A_887 : i32
            %sign3A_889 = arith.extui %sign3A_888 : i1 to i32
            %sign3A_890 = arith.constant 0 : i32
            %sign3A_891 = arith.cmpi slt, %jit3A_878, %sign3A_890 : i32
            %sign3A_892 = arith.extui %sign3A_891 : i1 to i32
            %sign3A_893 = arith.subi %sign3A_889, %sign3A_892 : i32
            %ne3A_894 = arith.cmpi ne, %sign3A_886, %sign3A_893 : i32
            %rem3A_895 = arith.remsi %sub3A_877, %jit3A_878 : i32
            %ne3A_896 = arith.constant 0 : i32
            %ne3A_897 = arith.cmpi ne, %rem3A_895, %ne3A_896 : i32
            %and3A_898 = arith.andi %ne3A_894, %ne3A_897 : i1
            %sub3A_899 = arith.constant 1 : i32
            %sub3A_900 = arith.subi %div3A_879, %sub3A_899 : i32
            %select_n3A_901 = arith.select %and3A_898, %sub3A_900, %div3A_879 : i32
            %mul3A_902 = arith.constant 32 : i32
            %mul3A_903 = arith.muli %select_n3A_901, %mul3A_902 : i32
            %add3A_904 = arith.addi %add3A, %mul3A_903 : i32
            %jit3A_905 = arith.constant 8 : i32
            %eq3A_906 = arith.constant 0 : i32
            %eq3A_907 = arith.cmpi eq, %jit3A_905, %eq3A_906 : i32
            %jit3A_908 = arith.constant 1 : i32
            %select_n3A_909 = arith.select %eq3A_907, %jit3A_908, %jit3A_905 : i32
            %rem3A_910 = arith.remsi %sub3A_877, %select_n3A_909 : i32
            %ne3A_911 = arith.constant 0 : i32
            %ne3A_912 = arith.cmpi ne, %rem3A_910, %ne3A_911 : i32
            %lt3A_913 = arith.constant 0 : i32
            %lt3A_914 = arith.cmpi slt, %rem3A_910, %lt3A_913 : i32
            %lt3A_915 = arith.constant 0 : i32
            %lt3A_916 = arith.cmpi slt, %select_n3A_909, %lt3A_915 : i32
            %ne3A_917 = arith.xori %lt3A_914, %lt3A_916 : i1
            %and3A_918 = arith.andi %ne3A_917, %ne3A_912 : i1
            %add3A_919 = arith.addi %rem3A_910, %select_n3A_909 : i32
            %select_n3A_920 = arith.select %and3A_918, %add3A_919, %rem3A_910 : i32
            %mul3A_921 = arith.constant 16 : i32
            %mul3A_922 = arith.muli %select_n3A_920, %mul3A_921 : i32
            %dma_wait3A_923 = arith.constant 0 : i32
            %dma_wait3A_924 = tpu.memref_slice %arg4[%add3A_904, %mul3A_922, %dma_wait3A_923] : memref<250x128x1024xf32, #tpu.memory_space<hbm>> -> memref<1x16x1024xf32, #tpu.memory_space<hbm>>
            %dma_wait3A_925 = tpu.memref_squeeze %dma_wait3A_924 : memref<1x16x1024xf32, #tpu.memory_space<hbm>> -> memref<16x1024xf32, #tpu.memory_space<hbm>>
            %dma_wait3A_926 = arith.constant 0 : i32
            %dma_wait3A_927 = tpu.memref_slice %arg4[%add3A_904, %mul3A_922, %dma_wait3A_926] : memref<250x128x1024xf32, #tpu.memory_space<hbm>> -> memref<1x16x1024xf32, #tpu.memory_space<hbm>>
            %dma_wait3A_928 = tpu.memref_squeeze %dma_wait3A_927 : memref<1x16x1024xf32, #tpu.memory_space<hbm>> -> memref<16x1024xf32, #tpu.memory_space<hbm>>
            tpu.wait_dma2 semaphore(%arg21 : memref<!tpu.dma_semaphore, #tpu.memory_space<semaphore_mem>>) src(%arg8 : memref<16x1024xf32, #tpu.memory_space<vmem>>) dst(%dma_wait3A_928 : memref<16x1024xf32, #tpu.memory_space<hbm>>)
          } else {
          }
          %add3A_821 = arith.constant 4 : i32
          %add3A_822 = arith.addi %add3A_625, %add3A_821 : i32
          %jit3A_823 = arith.constant 8 : i32
          %div3A_824 = arith.divsi %add3A_822, %jit3A_823 : i32
          %sign3A_825 = arith.constant 0 : i32
          %sign3A_826 = arith.cmpi sgt, %add3A_822, %sign3A_825 : i32
          %sign3A_827 = arith.extui %sign3A_826 : i1 to i32
          %sign3A_828 = arith.constant 0 : i32
          %sign3A_829 = arith.cmpi slt, %add3A_822, %sign3A_828 : i32
          %sign3A_830 = arith.extui %sign3A_829 : i1 to i32
          %sign3A_831 = arith.subi %sign3A_827, %sign3A_830 : i32
          %sign3A_832 = arith.constant 0 : i32
          %sign3A_833 = arith.cmpi sgt, %jit3A_823, %sign3A_832 : i32
          %sign3A_834 = arith.extui %sign3A_833 : i1 to i32
          %sign3A_835 = arith.constant 0 : i32
          %sign3A_836 = arith.cmpi slt, %jit3A_823, %sign3A_835 : i32
          %sign3A_837 = arith.extui %sign3A_836 : i1 to i32
          %sign3A_838 = arith.subi %sign3A_834, %sign3A_837 : i32
          %ne3A_839 = arith.cmpi ne, %sign3A_831, %sign3A_838 : i32
          %rem3A_840 = arith.remsi %add3A_822, %jit3A_823 : i32
          %ne3A_841 = arith.constant 0 : i32
          %ne3A_842 = arith.cmpi ne, %rem3A_840, %ne3A_841 : i32
          %and3A_843 = arith.andi %ne3A_839, %ne3A_842 : i1
          %sub3A_844 = arith.constant 1 : i32
          %sub3A_845 = arith.subi %div3A_824, %sub3A_844 : i32
          %select_n3A_846 = arith.select %and3A_843, %sub3A_845, %div3A_824 : i32
          %mul3A_847 = arith.constant 32 : i32
          %mul3A_848 = arith.muli %select_n3A_846, %mul3A_847 : i32
          %add3A_849 = arith.addi %add3A, %mul3A_848 : i32
          %jit3A_850 = arith.constant 8 : i32
          %eq3A_851 = arith.constant 0 : i32
          %eq3A_852 = arith.cmpi eq, %jit3A_850, %eq3A_851 : i32
          %jit3A_853 = arith.constant 1 : i32
          %select_n3A_854 = arith.select %eq3A_852, %jit3A_853, %jit3A_850 : i32
          %rem3A_855 = arith.remsi %add3A_822, %select_n3A_854 : i32
          %ne3A_856 = arith.constant 0 : i32
          %ne3A_857 = arith.cmpi ne, %rem3A_855, %ne3A_856 : i32
          %lt3A_858 = arith.constant 0 : i32
          %lt3A_859 = arith.cmpi slt, %rem3A_855, %lt3A_858 : i32
          %lt3A_860 = arith.constant 0 : i32
          %lt3A_861 = arith.cmpi slt, %select_n3A_854, %lt3A_860 : i32
          %ne3A_862 = arith.xori %lt3A_859, %lt3A_861 : i1
          %and3A_863 = arith.andi %ne3A_862, %ne3A_857 : i1
          %add3A_864 = arith.addi %rem3A_855, %select_n3A_854 : i32
          %select_n3A_865 = arith.select %and3A_863, %add3A_864, %rem3A_855 : i32
          %mul3A_866 = arith.constant 16 : i32
          %mul3A_867 = arith.muli %select_n3A_865, %mul3A_866 : i32
          %dma_start3A_868 = arith.constant 0 : i32
          %dma_start3A_869 = tpu.memref_slice %arg2[%add3A_849, %mul3A_867, %dma_start3A_868] : memref<250x128x1024xf32, #tpu.memory_space<hbm>> -> memref<1x16x1024xf32, #tpu.memory_space<hbm>>
          %dma_start3A_870 = tpu.memref_squeeze %dma_start3A_869 : memref<1x16x1024xf32, #tpu.memory_space<hbm>> -> memref<16x1024xf32, #tpu.memory_space<hbm>>
          %dma_start3A_871 = arith.constant 0 : i32
          %dma_start3A_872 = tpu.memref_slice %arg2[%add3A_849, %mul3A_867, %dma_start3A_871] : memref<250x128x1024xf32, #tpu.memory_space<hbm>> -> memref<1x16x1024xf32, #tpu.memory_space<hbm>>
          %dma_start3A_873 = tpu.memref_squeeze %dma_start3A_872 : memref<1x16x1024xf32, #tpu.memory_space<hbm>> -> memref<16x1024xf32, #tpu.memory_space<hbm>>
          tpu.enqueue_dma source(%dma_start3A_873 : memref<16x1024xf32, #tpu.memory_space<hbm>>) target(%arg8 : memref<16x1024xf32, #tpu.memory_space<vmem>>) target_semaphore(%arg15 : memref<!tpu.dma_semaphore, #tpu.memory_space<semaphore_mem>>)
        } else {
        }
        %jit3A_717 = arith.constant 8 : i32
        %div3A_718 = arith.divsi %add3A_625, %jit3A_717 : i32
        %sign3A_719 = arith.constant 0 : i32
        %sign3A_720 = arith.cmpi sgt, %add3A_625, %sign3A_719 : i32
        %sign3A_721 = arith.extui %sign3A_720 : i1 to i32
        %sign3A_722 = arith.constant 0 : i32
        %sign3A_723 = arith.cmpi slt, %add3A_625, %sign3A_722 : i32
        %sign3A_724 = arith.extui %sign3A_723 : i1 to i32
        %sign3A_725 = arith.subi %sign3A_721, %sign3A_724 : i32
        %sign3A_726 = arith.constant 0 : i32
        %sign3A_727 = arith.cmpi sgt, %jit3A_717, %sign3A_726 : i32
        %sign3A_728 = arith.extui %sign3A_727 : i1 to i32
        %sign3A_729 = arith.constant 0 : i32
        %sign3A_730 = arith.cmpi slt, %jit3A_717, %sign3A_729 : i32
        %sign3A_731 = arith.extui %sign3A_730 : i1 to i32
        %sign3A_732 = arith.subi %sign3A_728, %sign3A_731 : i32
        %ne3A_733 = arith.cmpi ne, %sign3A_725, %sign3A_732 : i32
        %rem3A_734 = arith.remsi %add3A_625, %jit3A_717 : i32
        %ne3A_735 = arith.constant 0 : i32
        %ne3A_736 = arith.cmpi ne, %rem3A_734, %ne3A_735 : i32
        %and3A_737 = arith.andi %ne3A_733, %ne3A_736 : i1
        %sub3A_738 = arith.constant 1 : i32
        %sub3A_739 = arith.subi %div3A_718, %sub3A_738 : i32
        %select_n3A_740 = arith.select %and3A_737, %sub3A_739, %div3A_718 : i32
        %jit3A_741 = arith.constant 2 : i32
        %eq3A_742 = arith.constant 0 : i32
        %eq3A_743 = arith.cmpi eq, %jit3A_741, %eq3A_742 : i32
        %jit3A_744 = arith.constant 1 : i32
        %select_n3A_745 = arith.select %eq3A_743, %jit3A_744, %jit3A_741 : i32
        %rem3A_746 = arith.remsi %select_n3A_740, %select_n3A_745 : i32
        %ne3A_747 = arith.constant 0 : i32
        %ne3A_748 = arith.cmpi ne, %rem3A_746, %ne3A_747 : i32
        %lt3A_749 = arith.constant 0 : i32
        %lt3A_750 = arith.cmpi slt, %rem3A_746, %lt3A_749 : i32
        %lt3A_751 = arith.constant 0 : i32
        %lt3A_752 = arith.cmpi slt, %select_n3A_745, %lt3A_751 : i32
        %ne3A_753 = arith.xori %lt3A_750, %lt3A_752 : i1
        %and3A_754 = arith.andi %ne3A_753, %ne3A_748 : i1
        %add3A_755 = arith.addi %rem3A_746, %select_n3A_745 : i32
        %select_n3A_756 = arith.select %and3A_754, %add3A_755, %rem3A_746 : i32
        %scan3A_757 = arith.constant 0 : i32
        %scan3A_758 = arith.constant 0 : i32
        %scan3A_759 = arith.constant 64 : i32
        %scan3A_760 = arith.addi %scan3A_758, %scan3A_759 : i32
        %scan3A_761 = arith.constant 1 : i32
        %scan3A_762 = scf.for %scan3A_815 = %scan3A_758 to %scan3A_760 step %scan3A_761 iter_args(%scan3A_816 = %scan3A_757) -> (i32)  : i32 {
          %mul3A_817 = arith.constant 16 : i32
          %mul3A_818 = arith.muli %scan3A_815, %mul3A_817 : i32
          %get3A = arith.index_cast %select_n3A_756 : i32 to index
          %get3A_819 = arith.index_cast %mul3A_818 : i32 to index
          %get3A_820 = tpu.vector_load %arg5[%get3A, %get3A_819] {strides = array<i32>} : memref<2x1024xf32, #tpu.memory_space<vmem>>, vector<1x16xf32>,
          %get3A_821 = vector.shape_cast %get3A_820 : vector<1x16xf32> to vector<16xf32>
          %swap3A = arith.constant 0 : i32
          %swap3A_822 = arith.index_cast %swap3A : i32 to index
          %swap3A_823 = arith.index_cast %mul3A_818 : i32 to index
          %swap3A_824 = tpu.vector_load %arg10[%swap3A_822, %swap3A_823] {strides = array<i32>} : memref<16x1024xf32, #tpu.memory_space<vmem>>, vector<1x16xf32>,
          %swap3A_825 = vector.shape_cast %swap3A_824 : vector<1x16xf32> to vector<16xf32>
          %swap3A_826 = vector.shape_cast %get3A_821 : vector<16xf32> to vector<1x16xf32>
          tpu.vector_store %arg10[%swap3A_822, %swap3A_823], %swap3A_826 {add = true, strides = array<i32>} : memref<16x1024xf32, #tpu.memory_space<vmem>>, vector<1x16xf32>,
          %swap3A_827 = arith.constant 1 : i32
          %swap3A_828 = arith.index_cast %swap3A_827 : i32 to index
          %swap3A_829 = arith.index_cast %mul3A_818 : i32 to index
          %swap3A_830 = tpu.vector_load %arg10[%swap3A_828, %swap3A_829] {strides = array<i32>} : memref<16x1024xf32, #tpu.memory_space<vmem>>, vector<1x16xf32>,
          %swap3A_831 = vector.shape_cast %swap3A_830 : vector<1x16xf32> to vector<16xf32>
          %swap3A_832 = vector.shape_cast %get3A_821 : vector<16xf32> to vector<1x16xf32>
          tpu.vector_store %arg10[%swap3A_828, %swap3A_829], %swap3A_832 {add = true, strides = array<i32>} : memref<16x1024xf32, #tpu.memory_space<vmem>>, vector<1x16xf32>,
          %swap3A_833 = arith.constant 2 : i32
          %swap3A_834 = arith.index_cast %swap3A_833 : i32 to index
          %swap3A_835 = arith.index_cast %mul3A_818 : i32 to index
          %swap3A_836 = tpu.vector_load %arg10[%swap3A_834, %swap3A_835] {strides = array<i32>} : memref<16x1024xf32, #tpu.memory_space<vmem>>, vector<1x16xf32>,
          %swap3A_837 = vector.shape_cast %swap3A_836 : vector<1x16xf32> to vector<16xf32>
          %swap3A_838 = vector.shape_cast %get3A_821 : vector<16xf32> to vector<1x16xf32>
          tpu.vector_store %arg10[%swap3A_834, %swap3A_835], %swap3A_838 {add = true, strides = array<i32>} : memref<16x1024xf32, #tpu.memory_space<vmem>>, vector<1x16xf32>,
          %swap3A_839 = arith.constant 3 : i32
          %swap3A_840 = arith.index_cast %swap3A_839 : i32 to index
          %swap3A_841 = arith.index_cast %mul3A_818 : i32 to index
          %swap3A_842 = tpu.vector_load %arg10[%swap3A_840, %swap3A_841] {strides = array<i32>} : memref<16x1024xf32, #tpu.memory_space<vmem>>, vector<1x16xf32>,
          %swap3A_843 = vector.shape_cast %swap3A_842 : vector<1x16xf32> to vector<16xf32>
          %swap3A_844 = vector.shape_cast %get3A_821 : vector<16xf32> to vector<1x16xf32>
          tpu.vector_store %arg10[%swap3A_840, %swap3A_841], %swap3A_844 {add = true, strides = array<i32>} : memref<16x1024xf32, #tpu.memory_space<vmem>>, vector<1x16xf32>,
          %swap3A_845 = arith.constant 4 : i32
          %swap3A_846 = arith.index_cast %swap3A_845 : i32 to index
          %swap3A_847 = arith.index_cast %mul3A_818 : i32 to index
          %swap3A_848 = tpu.vector_load %arg10[%swap3A_846, %swap3A_847] {strides = array<i32>} : memref<16x1024xf32, #tpu.memory_space<vmem>>, vector<1x16xf32>,
          %swap3A_849 = vector.shape_cast %swap3A_848 : vector<1x16xf32> to vector<16xf32>
          %swap3A_850 = vector.shape_cast %get3A_821 : vector<16xf32> to vector<1x16xf32>
          tpu.vector_store %arg10[%swap3A_846, %swap3A_847], %swap3A_850 {add = true, strides = array<i32>} : memref<16x1024xf32, #tpu.memory_space<vmem>>, vector<1x16xf32>,
          %swap3A_851 = arith.constant 5 : i32
          %swap3A_852 = arith.index_cast %swap3A_851 : i32 to index
          %swap3A_853 = arith.index_cast %mul3A_818 : i32 to index
          %swap3A_854 = tpu.vector_load %arg10[%swap3A_852, %swap3A_853] {strides = array<i32>} : memref<16x1024xf32, #tpu.memory_space<vmem>>, vector<1x16xf32>,
          %swap3A_855 = vector.shape_cast %swap3A_854 : vector<1x16xf32> to vector<16xf32>
          %swap3A_856 = vector.shape_cast %get3A_821 : vector<16xf32> to vector<1x16xf32>
          tpu.vector_store %arg10[%swap3A_852, %swap3A_853], %swap3A_856 {add = true, strides = array<i32>} : memref<16x1024xf32, #tpu.memory_space<vmem>>, vector<1x16xf32>,
          %swap3A_857 = arith.constant 6 : i32
          %swap3A_858 = arith.index_cast %swap3A_857 : i32 to index
          %swap3A_859 = arith.index_cast %mul3A_818 : i32 to index
          %swap3A_860 = tpu.vector_load %arg10[%swap3A_858, %swap3A_859] {strides = array<i32>} : memref<16x1024xf32, #tpu.memory_space<vmem>>, vector<1x16xf32>,
          %swap3A_861 = vector.shape_cast %swap3A_860 : vector<1x16xf32> to vector<16xf32>
          %swap3A_862 = vector.shape_cast %get3A_821 : vector<16xf32> to vector<1x16xf32>
          tpu.vector_store %arg10[%swap3A_858, %swap3A_859], %swap3A_862 {add = true, strides = array<i32>} : memref<16x1024xf32, #tpu.memory_space<vmem>>, vector<1x16xf32>,
          %swap3A_863 = arith.constant 7 : i32
          %swap3A_864 = arith.index_cast %swap3A_863 : i32 to index
          %swap3A_865 = arith.index_cast %mul3A_818 : i32 to index
          %swap3A_866 = tpu.vector_load %arg10[%swap3A_864, %swap3A_865] {strides = array<i32>} : memref<16x1024xf32, #tpu.memory_space<vmem>>, vector<1x16xf32>,
          %swap3A_867 = vector.shape_cast %swap3A_866 : vector<1x16xf32> to vector<16xf32>
          %swap3A_868 = vector.shape_cast %get3A_821 : vector<16xf32> to vector<1x16xf32>
          tpu.vector_store %arg10[%swap3A_864, %swap3A_865], %swap3A_868 {add = true, strides = array<i32>} : memref<16x1024xf32, #tpu.memory_space<vmem>>, vector<1x16xf32>,
          %swap3A_869 = arith.constant 8 : i32
          %swap3A_870 = arith.index_cast %swap3A_869 : i32 to index
          %swap3A_871 = arith.index_cast %mul3A_818 : i32 to index
          %swap3A_872 = tpu.vector_load %arg10[%swap3A_870, %swap3A_871] {strides = array<i32>} : memref<16x1024xf32, #tpu.memory_space<vmem>>, vector<1x16xf32>,
          %swap3A_873 = vector.shape_cast %swap3A_872 : vector<1x16xf32> to vector<16xf32>
          %swap3A_874 = vector.shape_cast %get3A_821 : vector<16xf32> to vector<1x16xf32>
          tpu.vector_store %arg10[%swap3A_870, %swap3A_871], %swap3A_874 {add = true, strides = array<i32>} : memref<16x1024xf32, #tpu.memory_space<vmem>>, vector<1x16xf32>,
          %swap3A_875 = arith.constant 9 : i32
          %swap3A_876 = arith.index_cast %swap3A_875 : i32 to index
          %swap3A_877 = arith.index_cast %mul3A_818 : i32 to index
          %swap3A_878 = tpu.vector_load %arg10[%swap3A_876, %swap3A_877] {strides = array<i32>} : memref<16x1024xf32, #tpu.memory_space<vmem>>, vector<1x16xf32>,
          %swap3A_879 = vector.shape_cast %swap3A_878 : vector<1x16xf32> to vector<16xf32>
          %swap3A_880 = vector.shape_cast %get3A_821 : vector<16xf32> to vector<1x16xf32>
          tpu.vector_store %arg10[%swap3A_876, %swap3A_877], %swap3A_880 {add = true, strides = array<i32>} : memref<16x1024xf32, #tpu.memory_space<vmem>>, vector<1x16xf32>,
          %swap3A_881 = arith.constant 10 : i32
          %swap3A_882 = arith.index_cast %swap3A_881 : i32 to index
          %swap3A_883 = arith.index_cast %mul3A_818 : i32 to index
          %swap3A_884 = tpu.vector_load %arg10[%swap3A_882, %swap3A_883] {strides = array<i32>} : memref<16x1024xf32, #tpu.memory_space<vmem>>, vector<1x16xf32>,
          %swap3A_885 = vector.shape_cast %swap3A_884 : vector<1x16xf32> to vector<16xf32>
          %swap3A_886 = vector.shape_cast %get3A_821 : vector<16xf32> to vector<1x16xf32>
          tpu.vector_store %arg10[%swap3A_882, %swap3A_883], %swap3A_886 {add = true, strides = array<i32>} : memref<16x1024xf32, #tpu.memory_space<vmem>>, vector<1x16xf32>,
          %swap3A_887 = arith.constant 11 : i32
          %swap3A_888 = arith.index_cast %swap3A_887 : i32 to index
          %swap3A_889 = arith.index_cast %mul3A_818 : i32 to index
          %swap3A_890 = tpu.vector_load %arg10[%swap3A_888, %swap3A_889] {strides = array<i32>} : memref<16x1024xf32, #tpu.memory_space<vmem>>, vector<1x16xf32>,
          %swap3A_891 = vector.shape_cast %swap3A_890 : vector<1x16xf32> to vector<16xf32>
          %swap3A_892 = vector.shape_cast %get3A_821 : vector<16xf32> to vector<1x16xf32>
          tpu.vector_store %arg10[%swap3A_888, %swap3A_889], %swap3A_892 {add = true, strides = array<i32>} : memref<16x1024xf32, #tpu.memory_space<vmem>>, vector<1x16xf32>,
          %swap3A_893 = arith.constant 12 : i32
          %swap3A_894 = arith.index_cast %swap3A_893 : i32 to index
          %swap3A_895 = arith.index_cast %mul3A_818 : i32 to index
          %swap3A_896 = tpu.vector_load %arg10[%swap3A_894, %swap3A_895] {strides = array<i32>} : memref<16x1024xf32, #tpu.memory_space<vmem>>, vector<1x16xf32>,
          %swap3A_897 = vector.shape_cast %swap3A_896 : vector<1x16xf32> to vector<16xf32>
          %swap3A_898 = vector.shape_cast %get3A_821 : vector<16xf32> to vector<1x16xf32>
          tpu.vector_store %arg10[%swap3A_894, %swap3A_895], %swap3A_898 {add = true, strides = array<i32>} : memref<16x1024xf32, #tpu.memory_space<vmem>>, vector<1x16xf32>,
          %swap3A_899 = arith.constant 13 : i32
          %swap3A_900 = arith.index_cast %swap3A_899 : i32 to index
          %swap3A_901 = arith.index_cast %mul3A_818 : i32 to index
          %swap3A_902 = tpu.vector_load %arg10[%swap3A_900, %swap3A_901] {strides = array<i32>} : memref<16x1024xf32, #tpu.memory_space<vmem>>, vector<1x16xf32>,
          %swap3A_903 = vector.shape_cast %swap3A_902 : vector<1x16xf32> to vector<16xf32>
          %swap3A_904 = vector.shape_cast %get3A_821 : vector<16xf32> to vector<1x16xf32>
          tpu.vector_store %arg10[%swap3A_900, %swap3A_901], %swap3A_904 {add = true, strides = array<i32>} : memref<16x1024xf32, #tpu.memory_space<vmem>>, vector<1x16xf32>,
          %swap3A_905 = arith.constant 14 : i32
          %swap3A_906 = arith.index_cast %swap3A_905 : i32 to index
          %swap3A_907 = arith.index_cast %mul3A_818 : i32 to index
          %swap3A_908 = tpu.vector_load %arg10[%swap3A_906, %swap3A_907] {strides = array<i32>} : memref<16x1024xf32, #tpu.memory_space<vmem>>, vector<1x16xf32>,
          %swap3A_909 = vector.shape_cast %swap3A_908 : vector<1x16xf32> to vector<16xf32>
          %swap3A_910 = vector.shape_cast %get3A_821 : vector<16xf32> to vector<1x16xf32>
          tpu.vector_store %arg10[%swap3A_906, %swap3A_907], %swap3A_910 {add = true, strides = array<i32>} : memref<16x1024xf32, #tpu.memory_space<vmem>>, vector<1x16xf32>,
          %swap3A_911 = arith.constant 15 : i32
          %swap3A_912 = arith.index_cast %swap3A_911 : i32 to index
          %swap3A_913 = arith.index_cast %mul3A_818 : i32 to index
          %swap3A_914 = tpu.vector_load %arg10[%swap3A_912, %swap3A_913] {strides = array<i32>} : memref<16x1024xf32, #tpu.memory_space<vmem>>, vector<1x16xf32>,
          %swap3A_915 = vector.shape_cast %swap3A_914 : vector<1x16xf32> to vector<16xf32>
          %swap3A_916 = vector.shape_cast %get3A_821 : vector<16xf32> to vector<1x16xf32>
          tpu.vector_store %arg10[%swap3A_912, %swap3A_913], %swap3A_916 {add = true, strides = array<i32>} : memref<16x1024xf32, #tpu.memory_space<vmem>>, vector<1x16xf32>,
          %scan3A_917 = arith.constant 0 : i32
          scf.yield %scan3A_917 : i32
        }
        %scan3A_763 = arith.constant 64 : i32
        %jit3A_764 = arith.constant 8 : i32
        %div3A_765 = arith.divsi %add3A_625, %jit3A_764 : i32
        %sign3A_766 = arith.constant 0 : i32
        %sign3A_767 = arith.cmpi sgt, %add3A_625, %sign3A_766 : i32
        %sign3A_768 = arith.extui %sign3A_767 : i1 to i32
        %sign3A_769 = arith.constant 0 : i32
        %sign3A_770 = arith.cmpi slt, %add3A_625, %sign3A_769 : i32
        %sign3A_771 = arith.extui %sign3A_770 : i1 to i32
        %sign3A_772 = arith.subi %sign3A_768, %sign3A_771 : i32
        %sign3A_773 = arith.constant 0 : i32
        %sign3A_774 = arith.cmpi sgt, %jit3A_764, %sign3A_773 : i32
        %sign3A_775 = arith.extui %sign3A_774 : i1 to i32
        %sign3A_776 = arith.constant 0 : i32
        %sign3A_777 = arith.cmpi slt, %jit3A_764, %sign3A_776 : i32
        %sign3A_778 = arith.extui %sign3A_777 : i1 to i32
        %sign3A_779 = arith.subi %sign3A_775, %sign3A_778 : i32
        %ne3A_780 = arith.cmpi ne, %sign3A_772, %sign3A_779 : i32
        %rem3A_781 = arith.remsi %add3A_625, %jit3A_764 : i32
        %ne3A_782 = arith.constant 0 : i32
        %ne3A_783 = arith.cmpi ne, %rem3A_781, %ne3A_782 : i32
        %and3A_784 = arith.andi %ne3A_780, %ne3A_783 : i1
        %sub3A_785 = arith.constant 1 : i32
        %sub3A_786 = arith.subi %div3A_765, %sub3A_785 : i32
        %select_n3A_787 = arith.select %and3A_784, %sub3A_786, %div3A_765 : i32
        %mul3A_788 = arith.constant 32 : i32
        %mul3A_789 = arith.muli %select_n3A_787, %mul3A_788 : i32
        %add3A_790 = arith.addi %add3A, %mul3A_789 : i32
        %jit3A_791 = arith.constant 8 : i32
        %eq3A_792 = arith.constant 0 : i32
        %eq3A_793 = arith.cmpi eq, %jit3A_791, %eq3A_792 : i32
        %jit3A_794 = arith.constant 1 : i32
        %select_n3A_795 = arith.select %eq3A_793, %jit3A_794, %jit3A_791 : i32
        %rem3A_796 = arith.remsi %add3A_625, %select_n3A_795 : i32
        %ne3A_797 = arith.constant 0 : i32
        %ne3A_798 = arith.cmpi ne, %rem3A_796, %ne3A_797 : i32
        %lt3A_799 = arith.constant 0 : i32
        %lt3A_800 = arith.cmpi slt, %rem3A_796, %lt3A_799 : i32
        %lt3A_801 = arith.constant 0 : i32
        %lt3A_802 = arith.cmpi slt, %select_n3A_795, %lt3A_801 : i32
        %ne3A_803 = arith.xori %lt3A_800, %lt3A_802 : i1
        %and3A_804 = arith.andi %ne3A_803, %ne3A_798 : i1
        %add3A_805 = arith.addi %rem3A_796, %select_n3A_795 : i32
        %select_n3A_806 = arith.select %and3A_804, %add3A_805, %rem3A_796 : i32
        %mul3A_807 = arith.constant 16 : i32
        %mul3A_808 = arith.muli %select_n3A_806, %mul3A_807 : i32
        %dma_start3A_809 = arith.constant 0 : i32
        %dma_start3A_810 = tpu.memref_slice %arg4[%add3A_790, %mul3A_808, %dma_start3A_809] : memref<250x128x1024xf32, #tpu.memory_space<hbm>> -> memref<1x16x1024xf32, #tpu.memory_space<hbm>>
        %dma_start3A_811 = tpu.memref_squeeze %dma_start3A_810 : memref<1x16x1024xf32, #tpu.memory_space<hbm>> -> memref<16x1024xf32, #tpu.memory_space<hbm>>
        %dma_start3A_812 = arith.constant 0 : i32
        %dma_start3A_813 = tpu.memref_slice %arg4[%add3A_790, %mul3A_808, %dma_start3A_812] : memref<250x128x1024xf32, #tpu.memory_space<hbm>> -> memref<1x16x1024xf32, #tpu.memory_space<hbm>>
        %dma_start3A_814 = tpu.memref_squeeze %dma_start3A_813 : memref<1x16x1024xf32, #tpu.memory_space<hbm>> -> memref<16x1024xf32, #tpu.memory_space<hbm>>
        tpu.enqueue_dma source(%arg10 : memref<16x1024xf32, #tpu.memory_space<vmem>>) target(%dma_start3A_814 : memref<16x1024xf32, #tpu.memory_space<hbm>>) target_semaphore(%arg23 : memref<!tpu.dma_semaphore, #tpu.memory_space<semaphore_mem>>)
      } else {
      }
      %mul3A_630 = arith.constant 6 : i32
      %mul3A_631 = arith.muli %scan3A_590, %mul3A_630 : i32
      %add3A_632 = arith.constant 5 : i32
      %add3A_633 = arith.addi %mul3A_631, %add3A_632 : i32
      %lt3A_634 = arith.cmpi slt, %add3A_633, %select_n3A : i32
      %convert_element_type3A_635 = arith.extui %lt3A_634 : i1 to i32
      %cond3A_636 = arith.constant 0 : i32
      %cond3A_637 = arith.cmpi ne, %convert_element_type3A_635, %cond3A_636 : i32
      scf.if %cond3A_637 {
        %jit3A_639 = arith.constant 8 : i32
        %eq3A_640 = arith.constant 0 : i32
        %eq3A_641 = arith.cmpi eq, %jit3A_639, %eq3A_640 : i32
        %jit3A_642 = arith.constant 1 : i32
        %select_n3A_643 = arith.select %eq3A_641, %jit3A_642, %jit3A_639 : i32
        %rem3A_644 = arith.remsi %add3A_633, %select_n3A_643 : i32
        %ne3A_645 = arith.constant 0 : i32
        %ne3A_646 = arith.cmpi ne, %rem3A_644, %ne3A_645 : i32
        %lt3A_647 = arith.constant 0 : i32
        %lt3A_648 = arith.cmpi slt, %rem3A_644, %lt3A_647 : i32
        %lt3A_649 = arith.constant 0 : i32
        %lt3A_650 = arith.cmpi slt, %select_n3A_643, %lt3A_649 : i32
        %ne3A_651 = arith.xori %lt3A_648, %lt3A_650 : i1
        %and3A_652 = arith.andi %ne3A_651, %ne3A_646 : i1
        %add3A_653 = arith.addi %rem3A_644, %select_n3A_643 : i32
        %select_n3A_654 = arith.select %and3A_652, %add3A_653, %rem3A_644 : i32
        %eq3A_655 = arith.constant 0 : i32
        %eq3A_656 = arith.cmpi eq, %select_n3A_654, %eq3A_655 : i32
        %convert_element_type3A_657 = arith.extui %eq3A_656 : i1 to i32
        %cond3A_658 = arith.constant 0 : i32
        %cond3A_659 = arith.cmpi ne, %convert_element_type3A_657, %cond3A_658 : i32
        scf.if %cond3A_659 {
          %jit3A_815 = arith.constant 8 : i32
          %div3A_816 = arith.divsi %add3A_633, %jit3A_815 : i32
          %sign3A_817 = arith.constant 0 : i32
          %sign3A_818 = arith.cmpi sgt, %add3A_633, %sign3A_817 : i32
          %sign3A_819 = arith.extui %sign3A_818 : i1 to i32
          %sign3A_820 = arith.constant 0 : i32
          %sign3A_821 = arith.cmpi slt, %add3A_633, %sign3A_820 : i32
          %sign3A_822 = arith.extui %sign3A_821 : i1 to i32
          %sign3A_823 = arith.subi %sign3A_819, %sign3A_822 : i32
          %sign3A_824 = arith.constant 0 : i32
          %sign3A_825 = arith.cmpi sgt, %jit3A_815, %sign3A_824 : i32
          %sign3A_826 = arith.extui %sign3A_825 : i1 to i32
          %sign3A_827 = arith.constant 0 : i32
          %sign3A_828 = arith.cmpi slt, %jit3A_815, %sign3A_827 : i32
          %sign3A_829 = arith.extui %sign3A_828 : i1 to i32
          %sign3A_830 = arith.subi %sign3A_826, %sign3A_829 : i32
          %ne3A_831 = arith.cmpi ne, %sign3A_823, %sign3A_830 : i32
          %rem3A_832 = arith.remsi %add3A_633, %jit3A_815 : i32
          %ne3A_833 = arith.constant 0 : i32
          %ne3A_834 = arith.cmpi ne, %rem3A_832, %ne3A_833 : i32
          %and3A_835 = arith.andi %ne3A_831, %ne3A_834 : i1
          %sub3A_836 = arith.constant 1 : i32
          %sub3A_837 = arith.subi %div3A_816, %sub3A_836 : i32
          %select_n3A_838 = arith.select %and3A_835, %sub3A_837, %div3A_816 : i32
          %jit3A_839 = arith.constant 2 : i32
          %eq3A_840 = arith.constant 0 : i32
          %eq3A_841 = arith.cmpi eq, %jit3A_839, %eq3A_840 : i32
          %jit3A_842 = arith.constant 1 : i32
          %select_n3A_843 = arith.select %eq3A_841, %jit3A_842, %jit3A_839 : i32
          %rem3A_844 = arith.remsi %select_n3A_838, %select_n3A_843 : i32
          %ne3A_845 = arith.constant 0 : i32
          %ne3A_846 = arith.cmpi ne, %rem3A_844, %ne3A_845 : i32
          %lt3A_847 = arith.constant 0 : i32
          %lt3A_848 = arith.cmpi slt, %rem3A_844, %lt3A_847 : i32
          %lt3A_849 = arith.constant 0 : i32
          %lt3A_850 = arith.cmpi slt, %select_n3A_843, %lt3A_849 : i32
          %ne3A_851 = arith.xori %lt3A_848, %lt3A_850 : i1
          %and3A_852 = arith.andi %ne3A_851, %ne3A_846 : i1
          %add3A_853 = arith.addi %rem3A_844, %select_n3A_843 : i32
          %select_n3A_854 = arith.select %and3A_852, %add3A_853, %rem3A_844 : i32
          %dma_wait3A_855 = arith.constant 0 : i32
          %dma_wait3A_856 = arith.constant 0 : i32
          %dma_wait3A_857 = tpu.memref_slice %arg5[%dma_wait3A_855, %dma_wait3A_856] : memref<2x1024xf32, #tpu.memory_space<vmem>> -> memref<1x1024xf32, #tpu.memory_space<vmem>>
          %dma_wait3A_858 = arith.constant 0 : i32
          %dma_wait3A_859 = tpu.memref_slice %arg3[%add3A, %dma_wait3A_858] : memref<250x1024xf32, #tpu.memory_space<hbm>> -> memref<1x1024xf32, #tpu.memory_space<hbm>>
          %dma_wait3A_860 = arith.constant 0 : i32
          %dma_wait3A_861 = arith.constant 0 : i32
          %dma_wait3A_862 = tpu.memref_slice %arg5[%dma_wait3A_860, %dma_wait3A_861] : memref<2x1024xf32, #tpu.memory_space<vmem>> -> memref<1x1024xf32, #tpu.memory_space<vmem>>
          %dma_wait3A_863 = arith.constant 0 : i32
          %dma_wait3A_864 = tpu.memref_slice %arg3[%add3A, %dma_wait3A_863] : memref<250x1024xf32, #tpu.memory_space<hbm>> -> memref<1x1024xf32, #tpu.memory_space<hbm>>
          tpu.wait_dma2 semaphore(%arg12 : memref<!tpu.dma_semaphore, #tpu.memory_space<semaphore_mem>>) src(%dma_wait3A_864 : memref<1x1024xf32, #tpu.memory_space<hbm>>) dst(%dma_wait3A_862 : memref<1x1024xf32, #tpu.memory_space<vmem>>)
          %add3A_865 = arith.constant 1 : i32
          %add3A_866 = arith.addi %select_n3A_838, %add3A_865 : i32
          %mul3A_867 = arith.constant 32 : i32
          %mul3A_868 = arith.muli %add3A_866, %mul3A_867 : i32
          %add3A_869 = arith.addi %add3A, %mul3A_868 : i32
          %lt3A_870 = arith.constant 250 : i32
          %lt3A_871 = arith.cmpi slt, %add3A_869, %lt3A_870 : i32
          %convert_element_type3A_872 = arith.extui %lt3A_871 : i1 to i32
          %cond3A_873 = arith.constant 0 : i32
          %cond3A_874 = arith.cmpi ne, %convert_element_type3A_872, %cond3A_873 : i32
          scf.if %cond3A_874 {
            %eq3A_875 = arith.constant 0 : i32
            %eq3A_876 = arith.cmpi eq, %select_n3A_854, %eq3A_875 : i32
            %convert_element_type3A_877 = arith.extui %eq3A_876 : i1 to i32
            %cond3A_878 = arith.constant 0 : i32
            %cond3A_879 = arith.cmpi ne, %convert_element_type3A_877, %cond3A_878 : i32
            scf.if %cond3A_879 {
              %add3A_885 = arith.constant 1 : i32
              %add3A_886 = arith.addi %select_n3A_838, %add3A_885 : i32
              %mul3A_887 = arith.constant 32 : i32
              %mul3A_888 = arith.muli %add3A_886, %mul3A_887 : i32
              %add3A_889 = arith.addi %add3A, %mul3A_888 : i32
              %dma_start3A_890 = arith.constant 1 : i32
              %dma_start3A_891 = arith.constant 0 : i32
              %dma_start3A_892 = tpu.memref_slice %arg5[%dma_start3A_890, %dma_start3A_891] : memref<2x1024xf32, #tpu.memory_space<vmem>> -> memref<1x1024xf32, #tpu.memory_space<vmem>>
              %dma_start3A_893 = arith.constant 0 : i32
              %dma_start3A_894 = tpu.memref_slice %arg3[%add3A_889, %dma_start3A_893] : memref<250x1024xf32, #tpu.memory_space<hbm>> -> memref<1x1024xf32, #tpu.memory_space<hbm>>
              %dma_start3A_895 = arith.constant 1 : i32
              %dma_start3A_896 = arith.constant 0 : i32
              %dma_start3A_897 = tpu.memref_slice %arg5[%dma_start3A_895, %dma_start3A_896] : memref<2x1024xf32, #tpu.memory_space<vmem>> -> memref<1x1024xf32, #tpu.memory_space<vmem>>
              %dma_start3A_898 = arith.constant 0 : i32
              %dma_start3A_899 = tpu.memref_slice %arg3[%add3A_889, %dma_start3A_898] : memref<250x1024xf32, #tpu.memory_space<hbm>> -> memref<1x1024xf32, #tpu.memory_space<hbm>>
              tpu.enqueue_dma source(%dma_start3A_899 : memref<1x1024xf32, #tpu.memory_space<hbm>>) target(%dma_start3A_897 : memref<1x1024xf32, #tpu.memory_space<vmem>>) target_semaphore(%arg12 : memref<!tpu.dma_semaphore, #tpu.memory_space<semaphore_mem>>)
            } else {
            }
            %eq3A_880 = arith.constant 1 : i32
            %eq3A_881 = arith.cmpi eq, %select_n3A_854, %eq3A_880 : i32
            %convert_element_type3A_882 = arith.extui %eq3A_881 : i1 to i32
            %cond3A_883 = arith.constant 0 : i32
            %cond3A_884 = arith.cmpi ne, %convert_element_type3A_882, %cond3A_883 : i32
            scf.if %cond3A_884 {
              %add3A_885 = arith.constant 1 : i32
              %add3A_886 = arith.addi %select_n3A_838, %add3A_885 : i32
              %mul3A_887 = arith.constant 32 : i32
              %mul3A_888 = arith.muli %add3A_886, %mul3A_887 : i32
              %add3A_889 = arith.addi %add3A, %mul3A_888 : i32
              %dma_start3A_890 = arith.constant 0 : i32
              %dma_start3A_891 = arith.constant 0 : i32
              %dma_start3A_892 = tpu.memref_slice %arg5[%dma_start3A_890, %dma_start3A_891] : memref<2x1024xf32, #tpu.memory_space<vmem>> -> memref<1x1024xf32, #tpu.memory_space<vmem>>
              %dma_start3A_893 = arith.constant 0 : i32
              %dma_start3A_894 = tpu.memref_slice %arg3[%add3A_889, %dma_start3A_893] : memref<250x1024xf32, #tpu.memory_space<hbm>> -> memref<1x1024xf32, #tpu.memory_space<hbm>>
              %dma_start3A_895 = arith.constant 0 : i32
              %dma_start3A_896 = arith.constant 0 : i32
              %dma_start3A_897 = tpu.memref_slice %arg5[%dma_start3A_895, %dma_start3A_896] : memref<2x1024xf32, #tpu.memory_space<vmem>> -> memref<1x1024xf32, #tpu.memory_space<vmem>>
              %dma_start3A_898 = arith.constant 0 : i32
              %dma_start3A_899 = tpu.memref_slice %arg3[%add3A_889, %dma_start3A_898] : memref<250x1024xf32, #tpu.memory_space<hbm>> -> memref<1x1024xf32, #tpu.memory_space<hbm>>
              tpu.enqueue_dma source(%dma_start3A_899 : memref<1x1024xf32, #tpu.memory_space<hbm>>) target(%dma_start3A_897 : memref<1x1024xf32, #tpu.memory_space<vmem>>) target_semaphore(%arg12 : memref<!tpu.dma_semaphore, #tpu.memory_space<semaphore_mem>>)
            } else {
            }
          } else {
          }
        } else {
        }
        %jit3A_660 = arith.constant 8 : i32
        %div3A_661 = arith.divsi %add3A_633, %jit3A_660 : i32
        %sign3A_662 = arith.constant 0 : i32
        %sign3A_663 = arith.cmpi sgt, %add3A_633, %sign3A_662 : i32
        %sign3A_664 = arith.extui %sign3A_663 : i1 to i32
        %sign3A_665 = arith.constant 0 : i32
        %sign3A_666 = arith.cmpi slt, %add3A_633, %sign3A_665 : i32
        %sign3A_667 = arith.extui %sign3A_666 : i1 to i32
        %sign3A_668 = arith.subi %sign3A_664, %sign3A_667 : i32
        %sign3A_669 = arith.constant 0 : i32
        %sign3A_670 = arith.cmpi sgt, %jit3A_660, %sign3A_669 : i32
        %sign3A_671 = arith.extui %sign3A_670 : i1 to i32
        %sign3A_672 = arith.constant 0 : i32
        %sign3A_673 = arith.cmpi slt, %jit3A_660, %sign3A_672 : i32
        %sign3A_674 = arith.extui %sign3A_673 : i1 to i32
        %sign3A_675 = arith.subi %sign3A_671, %sign3A_674 : i32
        %ne3A_676 = arith.cmpi ne, %sign3A_668, %sign3A_675 : i32
        %rem3A_677 = arith.remsi %add3A_633, %jit3A_660 : i32
        %ne3A_678 = arith.constant 0 : i32
        %ne3A_679 = arith.cmpi ne, %rem3A_677, %ne3A_678 : i32
        %and3A_680 = arith.andi %ne3A_676, %ne3A_679 : i1
        %sub3A_681 = arith.constant 1 : i32
        %sub3A_682 = arith.subi %div3A_661, %sub3A_681 : i32
        %select_n3A_683 = arith.select %and3A_680, %sub3A_682, %div3A_661 : i32
        %mul3A_684 = arith.constant 32 : i32
        %mul3A_685 = arith.muli %select_n3A_683, %mul3A_684 : i32
        %add3A_686 = arith.addi %add3A, %mul3A_685 : i32
        %jit3A_687 = arith.constant 8 : i32
        %eq3A_688 = arith.constant 0 : i32
        %eq3A_689 = arith.cmpi eq, %jit3A_687, %eq3A_688 : i32
        %jit3A_690 = arith.constant 1 : i32
        %select_n3A_691 = arith.select %eq3A_689, %jit3A_690, %jit3A_687 : i32
        %rem3A_692 = arith.remsi %add3A_633, %select_n3A_691 : i32
        %ne3A_693 = arith.constant 0 : i32
        %ne3A_694 = arith.cmpi ne, %rem3A_692, %ne3A_693 : i32
        %lt3A_695 = arith.constant 0 : i32
        %lt3A_696 = arith.cmpi slt, %rem3A_692, %lt3A_695 : i32
        %lt3A_697 = arith.constant 0 : i32
        %lt3A_698 = arith.cmpi slt, %select_n3A_691, %lt3A_697 : i32
        %ne3A_699 = arith.xori %lt3A_696, %lt3A_698 : i1
        %and3A_700 = arith.andi %ne3A_699, %ne3A_694 : i1
        %add3A_701 = arith.addi %rem3A_692, %select_n3A_691 : i32
        %select_n3A_702 = arith.select %and3A_700, %add3A_701, %rem3A_692 : i32
        %mul3A_703 = arith.constant 16 : i32
        %mul3A_704 = arith.muli %select_n3A_702, %mul3A_703 : i32
        %dma_wait3A_705 = arith.constant 0 : i32
        %dma_wait3A_706 = tpu.memref_slice %arg2[%add3A_686, %mul3A_704, %dma_wait3A_705] : memref<250x128x1024xf32, #tpu.memory_space<hbm>> -> memref<1x16x1024xf32, #tpu.memory_space<hbm>>
        %dma_wait3A_707 = tpu.memref_squeeze %dma_wait3A_706 : memref<1x16x1024xf32, #tpu.memory_space<hbm>> -> memref<16x1024xf32, #tpu.memory_space<hbm>>
        %dma_wait3A_708 = arith.constant 0 : i32
        %dma_wait3A_709 = tpu.memref_slice %arg2[%add3A_686, %mul3A_704, %dma_wait3A_708] : memref<250x128x1024xf32, #tpu.memory_space<hbm>> -> memref<1x16x1024xf32, #tpu.memory_space<hbm>>
        %dma_wait3A_710 = tpu.memref_squeeze %dma_wait3A_709 : memref<1x16x1024xf32, #tpu.memory_space<hbm>> -> memref<16x1024xf32, #tpu.memory_space<hbm>>
        tpu.wait_dma2 semaphore(%arg18 : memref<!tpu.dma_semaphore, #tpu.memory_space<semaphore_mem>>) src(%dma_wait3A_710 : memref<16x1024xf32, #tpu.memory_space<hbm>>) dst(%arg11 : memref<16x1024xf32, #tpu.memory_space<vmem>>)
        %add3A_711 = arith.constant 4 : i32
        %add3A_712 = arith.addi %add3A_633, %add3A_711 : i32
        %lt3A_713 = arith.cmpi slt, %add3A_712, %select_n3A : i32
        %convert_element_type3A_714 = arith.extui %lt3A_713 : i1 to i32
        %cond3A_715 = arith.constant 0 : i32
        %cond3A_716 = arith.cmpi ne, %convert_element_type3A_714, %cond3A_715 : i32
        scf.if %cond3A_716 {
          %add3A_815 = arith.constant 4 : i32
          %add3A_816 = arith.addi %add3A_633, %add3A_815 : i32
          %ge3A = arith.constant 6 : i32
          %ge3A_817 = arith.cmpi sge, %add3A_816, %ge3A : i32
          %convert_element_type3A_818 = arith.extui %ge3A_817 : i1 to i32
          %cond3A_819 = arith.constant 0 : i32
          %cond3A_820 = arith.cmpi ne, %convert_element_type3A_818, %cond3A_819 : i32
          scf.if %cond3A_820 {
            %add3A_874 = arith.constant 4 : i32
            %add3A_875 = arith.addi %add3A_633, %add3A_874 : i32
            %sub3A_876 = arith.constant 6 : i32
            %sub3A_877 = arith.subi %add3A_875, %sub3A_876 : i32
            %jit3A_878 = arith.constant 8 : i32
            %div3A_879 = arith.divsi %sub3A_877, %jit3A_878 : i32
            %sign3A_880 = arith.constant 0 : i32
            %sign3A_881 = arith.cmpi sgt, %sub3A_877, %sign3A_880 : i32
            %sign3A_882 = arith.extui %sign3A_881 : i1 to i32
            %sign3A_883 = arith.constant 0 : i32
            %sign3A_884 = arith.cmpi slt, %sub3A_877, %sign3A_883 : i32
            %sign3A_885 = arith.extui %sign3A_884 : i1 to i32
            %sign3A_886 = arith.subi %sign3A_882, %sign3A_885 : i32
            %sign3A_887 = arith.constant 0 : i32
            %sign3A_888 = arith.cmpi sgt, %jit3A_878, %sign3A_887 : i32
            %sign3A_889 = arith.extui %sign3A_888 : i1 to i32
            %sign3A_890 = arith.constant 0 : i32
            %sign3A_891 = arith.cmpi slt, %jit3A_878, %sign3A_890 : i32
            %sign3A_892 = arith.extui %sign3A_891 : i1 to i32
            %sign3A_893 = arith.subi %sign3A_889, %sign3A_892 : i32
            %ne3A_894 = arith.cmpi ne, %sign3A_886, %sign3A_893 : i32
            %rem3A_895 = arith.remsi %sub3A_877, %jit3A_878 : i32
            %ne3A_896 = arith.constant 0 : i32
            %ne3A_897 = arith.cmpi ne, %rem3A_895, %ne3A_896 : i32
            %and3A_898 = arith.andi %ne3A_894, %ne3A_897 : i1
            %sub3A_899 = arith.constant 1 : i32
            %sub3A_900 = arith.subi %div3A_879, %sub3A_899 : i32
            %select_n3A_901 = arith.select %and3A_898, %sub3A_900, %div3A_879 : i32
            %mul3A_902 = arith.constant 32 : i32
            %mul3A_903 = arith.muli %select_n3A_901, %mul3A_902 : i32
            %add3A_904 = arith.addi %add3A, %mul3A_903 : i32
            %jit3A_905 = arith.constant 8 : i32
            %eq3A_906 = arith.constant 0 : i32
            %eq3A_907 = arith.cmpi eq, %jit3A_905, %eq3A_906 : i32
            %jit3A_908 = arith.constant 1 : i32
            %select_n3A_909 = arith.select %eq3A_907, %jit3A_908, %jit3A_905 : i32
            %rem3A_910 = arith.remsi %sub3A_877, %select_n3A_909 : i32
            %ne3A_911 = arith.constant 0 : i32
            %ne3A_912 = arith.cmpi ne, %rem3A_910, %ne3A_911 : i32
            %lt3A_913 = arith.constant 0 : i32
            %lt3A_914 = arith.cmpi slt, %rem3A_910, %lt3A_913 : i32
            %lt3A_915 = arith.constant 0 : i32
            %lt3A_916 = arith.cmpi slt, %select_n3A_909, %lt3A_915 : i32
            %ne3A_917 = arith.xori %lt3A_914, %lt3A_916 : i1
            %and3A_918 = arith.andi %ne3A_917, %ne3A_912 : i1
            %add3A_919 = arith.addi %rem3A_910, %select_n3A_909 : i32
            %select_n3A_920 = arith.select %and3A_918, %add3A_919, %rem3A_910 : i32
            %mul3A_921 = arith.constant 16 : i32
            %mul3A_922 = arith.muli %select_n3A_920, %mul3A_921 : i32
            %dma_wait3A_923 = arith.constant 0 : i32
            %dma_wait3A_924 = tpu.memref_slice %arg4[%add3A_904, %mul3A_922, %dma_wait3A_923] : memref<250x128x1024xf32, #tpu.memory_space<hbm>> -> memref<1x16x1024xf32, #tpu.memory_space<hbm>>
            %dma_wait3A_925 = tpu.memref_squeeze %dma_wait3A_924 : memref<1x16x1024xf32, #tpu.memory_space<hbm>> -> memref<16x1024xf32, #tpu.memory_space<hbm>>
            %dma_wait3A_926 = arith.constant 0 : i32
            %dma_wait3A_927 = tpu.memref_slice %arg4[%add3A_904, %mul3A_922, %dma_wait3A_926] : memref<250x128x1024xf32, #tpu.memory_space<hbm>> -> memref<1x16x1024xf32, #tpu.memory_space<hbm>>
            %dma_wait3A_928 = tpu.memref_squeeze %dma_wait3A_927 : memref<1x16x1024xf32, #tpu.memory_space<hbm>> -> memref<16x1024xf32, #tpu.memory_space<hbm>>
            tpu.wait_dma2 semaphore(%arg22 : memref<!tpu.dma_semaphore, #tpu.memory_space<semaphore_mem>>) src(%arg9 : memref<16x1024xf32, #tpu.memory_space<vmem>>) dst(%dma_wait3A_928 : memref<16x1024xf32, #tpu.memory_space<hbm>>)
          } else {
          }
          %add3A_821 = arith.constant 4 : i32
          %add3A_822 = arith.addi %add3A_633, %add3A_821 : i32
          %jit3A_823 = arith.constant 8 : i32
          %div3A_824 = arith.divsi %add3A_822, %jit3A_823 : i32
          %sign3A_825 = arith.constant 0 : i32
          %sign3A_826 = arith.cmpi sgt, %add3A_822, %sign3A_825 : i32
          %sign3A_827 = arith.extui %sign3A_826 : i1 to i32
          %sign3A_828 = arith.constant 0 : i32
          %sign3A_829 = arith.cmpi slt, %add3A_822, %sign3A_828 : i32
          %sign3A_830 = arith.extui %sign3A_829 : i1 to i32
          %sign3A_831 = arith.subi %sign3A_827, %sign3A_830 : i32
          %sign3A_832 = arith.constant 0 : i32
          %sign3A_833 = arith.cmpi sgt, %jit3A_823, %sign3A_832 : i32
          %sign3A_834 = arith.extui %sign3A_833 : i1 to i32
          %sign3A_835 = arith.constant 0 : i32
          %sign3A_836 = arith.cmpi slt, %jit3A_823, %sign3A_835 : i32
          %sign3A_837 = arith.extui %sign3A_836 : i1 to i32
          %sign3A_838 = arith.subi %sign3A_834, %sign3A_837 : i32
          %ne3A_839 = arith.cmpi ne, %sign3A_831, %sign3A_838 : i32
          %rem3A_840 = arith.remsi %add3A_822, %jit3A_823 : i32
          %ne3A_841 = arith.constant 0 : i32
          %ne3A_842 = arith.cmpi ne, %rem3A_840, %ne3A_841 : i32
          %and3A_843 = arith.andi %ne3A_839, %ne3A_842 : i1
          %sub3A_844 = arith.constant 1 : i32
          %sub3A_845 = arith.subi %div3A_824, %sub3A_844 : i32
          %select_n3A_846 = arith.select %and3A_843, %sub3A_845, %div3A_824 : i32
          %mul3A_847 = arith.constant 32 : i32
          %mul3A_848 = arith.muli %select_n3A_846, %mul3A_847 : i32
          %add3A_849 = arith.addi %add3A, %mul3A_848 : i32
          %jit3A_850 = arith.constant 8 : i32
          %eq3A_851 = arith.constant 0 : i32
          %eq3A_852 = arith.cmpi eq, %jit3A_850, %eq3A_851 : i32
          %jit3A_853 = arith.constant 1 : i32
          %select_n3A_854 = arith.select %eq3A_852, %jit3A_853, %jit3A_850 : i32
          %rem3A_855 = arith.remsi %add3A_822, %select_n3A_854 : i32
          %ne3A_856 = arith.constant 0 : i32
          %ne3A_857 = arith.cmpi ne, %rem3A_855, %ne3A_856 : i32
          %lt3A_858 = arith.constant 0 : i32
          %lt3A_859 = arith.cmpi slt, %rem3A_855, %lt3A_858 : i32
          %lt3A_860 = arith.constant 0 : i32
          %lt3A_861 = arith.cmpi slt, %select_n3A_854, %lt3A_860 : i32
          %ne3A_862 = arith.xori %lt3A_859, %lt3A_861 : i1
          %and3A_863 = arith.andi %ne3A_862, %ne3A_857 : i1
          %add3A_864 = arith.addi %rem3A_855, %select_n3A_854 : i32
          %select_n3A_865 = arith.select %and3A_863, %add3A_864, %rem3A_855 : i32
          %mul3A_866 = arith.constant 16 : i32
          %mul3A_867 = arith.muli %select_n3A_865, %mul3A_866 : i32
          %dma_start3A_868 = arith.constant 0 : i32
          %dma_start3A_869 = tpu.memref_slice %arg2[%add3A_849, %mul3A_867, %dma_start3A_868] : memref<250x128x1024xf32, #tpu.memory_space<hbm>> -> memref<1x16x1024xf32, #tpu.memory_space<hbm>>
          %dma_start3A_870 = tpu.memref_squeeze %dma_start3A_869 : memref<1x16x1024xf32, #tpu.memory_space<hbm>> -> memref<16x1024xf32, #tpu.memory_space<hbm>>
          %dma_start3A_871 = arith.constant 0 : i32
          %dma_start3A_872 = tpu.memref_slice %arg2[%add3A_849, %mul3A_867, %dma_start3A_871] : memref<250x128x1024xf32, #tpu.memory_space<hbm>> -> memref<1x16x1024xf32, #tpu.memory_space<hbm>>
          %dma_start3A_873 = tpu.memref_squeeze %dma_start3A_872 : memref<1x16x1024xf32, #tpu.memory_space<hbm>> -> memref<16x1024xf32, #tpu.memory_space<hbm>>
          tpu.enqueue_dma source(%dma_start3A_873 : memref<16x1024xf32, #tpu.memory_space<hbm>>) target(%arg9 : memref<16x1024xf32, #tpu.memory_space<vmem>>) target_semaphore(%arg16 : memref<!tpu.dma_semaphore, #tpu.memory_space<semaphore_mem>>)
        } else {
        }
        %jit3A_717 = arith.constant 8 : i32
        %div3A_718 = arith.divsi %add3A_633, %jit3A_717 : i32
        %sign3A_719 = arith.constant 0 : i32
        %sign3A_720 = arith.cmpi sgt, %add3A_633, %sign3A_719 : i32
        %sign3A_721 = arith.extui %sign3A_720 : i1 to i32
        %sign3A_722 = arith.constant 0 : i32
        %sign3A_723 = arith.cmpi slt, %add3A_633, %sign3A_722 : i32
        %sign3A_724 = arith.extui %sign3A_723 : i1 to i32
        %sign3A_725 = arith.subi %sign3A_721, %sign3A_724 : i32
        %sign3A_726 = arith.constant 0 : i32
        %sign3A_727 = arith.cmpi sgt, %jit3A_717, %sign3A_726 : i32
        %sign3A_728 = arith.extui %sign3A_727 : i1 to i32
        %sign3A_729 = arith.constant 0 : i32
        %sign3A_730 = arith.cmpi slt, %jit3A_717, %sign3A_729 : i32
        %sign3A_731 = arith.extui %sign3A_730 : i1 to i32
        %sign3A_732 = arith.subi %sign3A_728, %sign3A_731 : i32
        %ne3A_733 = arith.cmpi ne, %sign3A_725, %sign3A_732 : i32
        %rem3A_734 = arith.remsi %add3A_633, %jit3A_717 : i32
        %ne3A_735 = arith.constant 0 : i32
        %ne3A_736 = arith.cmpi ne, %rem3A_734, %ne3A_735 : i32
        %and3A_737 = arith.andi %ne3A_733, %ne3A_736 : i1
        %sub3A_738 = arith.constant 1 : i32
        %sub3A_739 = arith.subi %div3A_718, %sub3A_738 : i32
        %select_n3A_740 = arith.select %and3A_737, %sub3A_739, %div3A_718 : i32
        %jit3A_741 = arith.constant 2 : i32
        %eq3A_742 = arith.constant 0 : i32
        %eq3A_743 = arith.cmpi eq, %jit3A_741, %eq3A_742 : i32
        %jit3A_744 = arith.constant 1 : i32
        %select_n3A_745 = arith.select %eq3A_743, %jit3A_744, %jit3A_741 : i32
        %rem3A_746 = arith.remsi %select_n3A_740, %select_n3A_745 : i32
        %ne3A_747 = arith.constant 0 : i32
        %ne3A_748 = arith.cmpi ne, %rem3A_746, %ne3A_747 : i32
        %lt3A_749 = arith.constant 0 : i32
        %lt3A_750 = arith.cmpi slt, %rem3A_746, %lt3A_749 : i32
        %lt3A_751 = arith.constant 0 : i32
        %lt3A_752 = arith.cmpi slt, %select_n3A_745, %lt3A_751 : i32
        %ne3A_753 = arith.xori %lt3A_750, %lt3A_752 : i1
        %and3A_754 = arith.andi %ne3A_753, %ne3A_748 : i1
        %add3A_755 = arith.addi %rem3A_746, %select_n3A_745 : i32
        %select_n3A_756 = arith.select %and3A_754, %add3A_755, %rem3A_746 : i32
        %scan3A_757 = arith.constant 0 : i32
        %scan3A_758 = arith.constant 0 : i32
        %scan3A_759 = arith.constant 64 : i32
        %scan3A_760 = arith.addi %scan3A_758, %scan3A_759 : i32
        %scan3A_761 = arith.constant 1 : i32
        %scan3A_762 = scf.for %scan3A_815 = %scan3A_758 to %scan3A_760 step %scan3A_761 iter_args(%scan3A_816 = %scan3A_757) -> (i32)  : i32 {
          %mul3A_817 = arith.constant 16 : i32
          %mul3A_818 = arith.muli %scan3A_815, %mul3A_817 : i32
          %get3A = arith.index_cast %select_n3A_756 : i32 to index
          %get3A_819 = arith.index_cast %mul3A_818 : i32 to index
          %get3A_820 = tpu.vector_load %arg5[%get3A, %get3A_819] {strides = array<i32>} : memref<2x1024xf32, #tpu.memory_space<vmem>>, vector<1x16xf32>,
          %get3A_821 = vector.shape_cast %get3A_820 : vector<1x16xf32> to vector<16xf32>
          %swap3A = arith.constant 0 : i32
          %swap3A_822 = arith.index_cast %swap3A : i32 to index
          %swap3A_823 = arith.index_cast %mul3A_818 : i32 to index
          %swap3A_824 = tpu.vector_load %arg11[%swap3A_822, %swap3A_823] {strides = array<i32>} : memref<16x1024xf32, #tpu.memory_space<vmem>>, vector<1x16xf32>,
          %swap3A_825 = vector.shape_cast %swap3A_824 : vector<1x16xf32> to vector<16xf32>
          %swap3A_826 = vector.shape_cast %get3A_821 : vector<16xf32> to vector<1x16xf32>
          tpu.vector_store %arg11[%swap3A_822, %swap3A_823], %swap3A_826 {add = true, strides = array<i32>} : memref<16x1024xf32, #tpu.memory_space<vmem>>, vector<1x16xf32>,
          %swap3A_827 = arith.constant 1 : i32
          %swap3A_828 = arith.index_cast %swap3A_827 : i32 to index
          %swap3A_829 = arith.index_cast %mul3A_818 : i32 to index
          %swap3A_830 = tpu.vector_load %arg11[%swap3A_828, %swap3A_829] {strides = array<i32>} : memref<16x1024xf32, #tpu.memory_space<vmem>>, vector<1x16xf32>,
          %swap3A_831 = vector.shape_cast %swap3A_830 : vector<1x16xf32> to vector<16xf32>
          %swap3A_832 = vector.shape_cast %get3A_821 : vector<16xf32> to vector<1x16xf32>
          tpu.vector_store %arg11[%swap3A_828, %swap3A_829], %swap3A_832 {add = true, strides = array<i32>} : memref<16x1024xf32, #tpu.memory_space<vmem>>, vector<1x16xf32>,
          %swap3A_833 = arith.constant 2 : i32
          %swap3A_834 = arith.index_cast %swap3A_833 : i32 to index
          %swap3A_835 = arith.index_cast %mul3A_818 : i32 to index
          %swap3A_836 = tpu.vector_load %arg11[%swap3A_834, %swap3A_835] {strides = array<i32>} : memref<16x1024xf32, #tpu.memory_space<vmem>>, vector<1x16xf32>,
          %swap3A_837 = vector.shape_cast %swap3A_836 : vector<1x16xf32> to vector<16xf32>
          %swap3A_838 = vector.shape_cast %get3A_821 : vector<16xf32> to vector<1x16xf32>
          tpu.vector_store %arg11[%swap3A_834, %swap3A_835], %swap3A_838 {add = true, strides = array<i32>} : memref<16x1024xf32, #tpu.memory_space<vmem>>, vector<1x16xf32>,
          %swap3A_839 = arith.constant 3 : i32
          %swap3A_840 = arith.index_cast %swap3A_839 : i32 to index
          %swap3A_841 = arith.index_cast %mul3A_818 : i32 to index
          %swap3A_842 = tpu.vector_load %arg11[%swap3A_840, %swap3A_841] {strides = array<i32>} : memref<16x1024xf32, #tpu.memory_space<vmem>>, vector<1x16xf32>,
          %swap3A_843 = vector.shape_cast %swap3A_842 : vector<1x16xf32> to vector<16xf32>
          %swap3A_844 = vector.shape_cast %get3A_821 : vector<16xf32> to vector<1x16xf32>
          tpu.vector_store %arg11[%swap3A_840, %swap3A_841], %swap3A_844 {add = true, strides = array<i32>} : memref<16x1024xf32, #tpu.memory_space<vmem>>, vector<1x16xf32>,
          %swap3A_845 = arith.constant 4 : i32
          %swap3A_846 = arith.index_cast %swap3A_845 : i32 to index
          %swap3A_847 = arith.index_cast %mul3A_818 : i32 to index
          %swap3A_848 = tpu.vector_load %arg11[%swap3A_846, %swap3A_847] {strides = array<i32>} : memref<16x1024xf32, #tpu.memory_space<vmem>>, vector<1x16xf32>,
          %swap3A_849 = vector.shape_cast %swap3A_848 : vector<1x16xf32> to vector<16xf32>
          %swap3A_850 = vector.shape_cast %get3A_821 : vector<16xf32> to vector<1x16xf32>
          tpu.vector_store %arg11[%swap3A_846, %swap3A_847], %swap3A_850 {add = true, strides = array<i32>} : memref<16x1024xf32, #tpu.memory_space<vmem>>, vector<1x16xf32>,
          %swap3A_851 = arith.constant 5 : i32
          %swap3A_852 = arith.index_cast %swap3A_851 : i32 to index
          %swap3A_853 = arith.index_cast %mul3A_818 : i32 to index
          %swap3A_854 = tpu.vector_load %arg11[%swap3A_852, %swap3A_853] {strides = array<i32>} : memref<16x1024xf32, #tpu.memory_space<vmem>>, vector<1x16xf32>,
          %swap3A_855 = vector.shape_cast %swap3A_854 : vector<1x16xf32> to vector<16xf32>
          %swap3A_856 = vector.shape_cast %get3A_821 : vector<16xf32> to vector<1x16xf32>
          tpu.vector_store %arg11[%swap3A_852, %swap3A_853], %swap3A_856 {add = true, strides = array<i32>} : memref<16x1024xf32, #tpu.memory_space<vmem>>, vector<1x16xf32>,
          %swap3A_857 = arith.constant 6 : i32
          %swap3A_858 = arith.index_cast %swap3A_857 : i32 to index
          %swap3A_859 = arith.index_cast %mul3A_818 : i32 to index
          %swap3A_860 = tpu.vector_load %arg11[%swap3A_858, %swap3A_859] {strides = array<i32>} : memref<16x1024xf32, #tpu.memory_space<vmem>>, vector<1x16xf32>,
          %swap3A_861 = vector.shape_cast %swap3A_860 : vector<1x16xf32> to vector<16xf32>
          %swap3A_862 = vector.shape_cast %get3A_821 : vector<16xf32> to vector<1x16xf32>
          tpu.vector_store %arg11[%swap3A_858, %swap3A_859], %swap3A_862 {add = true, strides = array<i32>} : memref<16x1024xf32, #tpu.memory_space<vmem>>, vector<1x16xf32>,
          %swap3A_863 = arith.constant 7 : i32
          %swap3A_864 = arith.index_cast %swap3A_863 : i32 to index
          %swap3A_865 = arith.index_cast %mul3A_818 : i32 to index
          %swap3A_866 = tpu.vector_load %arg11[%swap3A_864, %swap3A_865] {strides = array<i32>} : memref<16x1024xf32, #tpu.memory_space<vmem>>, vector<1x16xf32>,
          %swap3A_867 = vector.shape_cast %swap3A_866 : vector<1x16xf32> to vector<16xf32>
          %swap3A_868 = vector.shape_cast %get3A_821 : vector<16xf32> to vector<1x16xf32>
          tpu.vector_store %arg11[%swap3A_864, %swap3A_865], %swap3A_868 {add = true, strides = array<i32>} : memref<16x1024xf32, #tpu.memory_space<vmem>>, vector<1x16xf32>,
          %swap3A_869 = arith.constant 8 : i32
          %swap3A_870 = arith.index_cast %swap3A_869 : i32 to index
          %swap3A_871 = arith.index_cast %mul3A_818 : i32 to index
          %swap3A_872 = tpu.vector_load %arg11[%swap3A_870, %swap3A_871] {strides = array<i32>} : memref<16x1024xf32, #tpu.memory_space<vmem>>, vector<1x16xf32>,
          %swap3A_873 = vector.shape_cast %swap3A_872 : vector<1x16xf32> to vector<16xf32>
          %swap3A_874 = vector.shape_cast %get3A_821 : vector<16xf32> to vector<1x16xf32>
          tpu.vector_store %arg11[%swap3A_870, %swap3A_871], %swap3A_874 {add = true, strides = array<i32>} : memref<16x1024xf32, #tpu.memory_space<vmem>>, vector<1x16xf32>,
          %swap3A_875 = arith.constant 9 : i32
          %swap3A_876 = arith.index_cast %swap3A_875 : i32 to index
          %swap3A_877 = arith.index_cast %mul3A_818 : i32 to index
          %swap3A_878 = tpu.vector_load %arg11[%swap3A_876, %swap3A_877] {strides = array<i32>} : memref<16x1024xf32, #tpu.memory_space<vmem>>, vector<1x16xf32>,
          %swap3A_879 = vector.shape_cast %swap3A_878 : vector<1x16xf32> to vector<16xf32>
          %swap3A_880 = vector.shape_cast %get3A_821 : vector<16xf32> to vector<1x16xf32>
          tpu.vector_store %arg11[%swap3A_876, %swap3A_877], %swap3A_880 {add = true, strides = array<i32>} : memref<16x1024xf32, #tpu.memory_space<vmem>>, vector<1x16xf32>,
          %swap3A_881 = arith.constant 10 : i32
          %swap3A_882 = arith.index_cast %swap3A_881 : i32 to index
          %swap3A_883 = arith.index_cast %mul3A_818 : i32 to index
          %swap3A_884 = tpu.vector_load %arg11[%swap3A_882, %swap3A_883] {strides = array<i32>} : memref<16x1024xf32, #tpu.memory_space<vmem>>, vector<1x16xf32>,
          %swap3A_885 = vector.shape_cast %swap3A_884 : vector<1x16xf32> to vector<16xf32>
          %swap3A_886 = vector.shape_cast %get3A_821 : vector<16xf32> to vector<1x16xf32>
          tpu.vector_store %arg11[%swap3A_882, %swap3A_883], %swap3A_886 {add = true, strides = array<i32>} : memref<16x1024xf32, #tpu.memory_space<vmem>>, vector<1x16xf32>,
          %swap3A_887 = arith.constant 11 : i32
          %swap3A_888 = arith.index_cast %swap3A_887 : i32 to index
          %swap3A_889 = arith.index_cast %mul3A_818 : i32 to index
          %swap3A_890 = tpu.vector_load %arg11[%swap3A_888, %swap3A_889] {strides = array<i32>} : memref<16x1024xf32, #tpu.memory_space<vmem>>, vector<1x16xf32>,
          %swap3A_891 = vector.shape_cast %swap3A_890 : vector<1x16xf32> to vector<16xf32>
          %swap3A_892 = vector.shape_cast %get3A_821 : vector<16xf32> to vector<1x16xf32>
          tpu.vector_store %arg11[%swap3A_888, %swap3A_889], %swap3A_892 {add = true, strides = array<i32>} : memref<16x1024xf32, #tpu.memory_space<vmem>>, vector<1x16xf32>,
          %swap3A_893 = arith.constant 12 : i32
          %swap3A_894 = arith.index_cast %swap3A_893 : i32 to index
          %swap3A_895 = arith.index_cast %mul3A_818 : i32 to index
          %swap3A_896 = tpu.vector_load %arg11[%swap3A_894, %swap3A_895] {strides = array<i32>} : memref<16x1024xf32, #tpu.memory_space<vmem>>, vector<1x16xf32>,
          %swap3A_897 = vector.shape_cast %swap3A_896 : vector<1x16xf32> to vector<16xf32>
          %swap3A_898 = vector.shape_cast %get3A_821 : vector<16xf32> to vector<1x16xf32>
          tpu.vector_store %arg11[%swap3A_894, %swap3A_895], %swap3A_898 {add = true, strides = array<i32>} : memref<16x1024xf32, #tpu.memory_space<vmem>>, vector<1x16xf32>,
          %swap3A_899 = arith.constant 13 : i32
          %swap3A_900 = arith.index_cast %swap3A_899 : i32 to index
          %swap3A_901 = arith.index_cast %mul3A_818 : i32 to index
          %swap3A_902 = tpu.vector_load %arg11[%swap3A_900, %swap3A_901] {strides = array<i32>} : memref<16x1024xf32, #tpu.memory_space<vmem>>, vector<1x16xf32>,
          %swap3A_903 = vector.shape_cast %swap3A_902 : vector<1x16xf32> to vector<16xf32>
          %swap3A_904 = vector.shape_cast %get3A_821 : vector<16xf32> to vector<1x16xf32>
          tpu.vector_store %arg11[%swap3A_900, %swap3A_901], %swap3A_904 {add = true, strides = array<i32>} : memref<16x1024xf32, #tpu.memory_space<vmem>>, vector<1x16xf32>,
          %swap3A_905 = arith.constant 14 : i32
          %swap3A_906 = arith.index_cast %swap3A_905 : i32 to index
          %swap3A_907 = arith.index_cast %mul3A_818 : i32 to index
          %swap3A_908 = tpu.vector_load %arg11[%swap3A_906, %swap3A_907] {strides = array<i32>} : memref<16x1024xf32, #tpu.memory_space<vmem>>, vector<1x16xf32>,
          %swap3A_909 = vector.shape_cast %swap3A_908 : vector<1x16xf32> to vector<16xf32>
          %swap3A_910 = vector.shape_cast %get3A_821 : vector<16xf32> to vector<1x16xf32>
          tpu.vector_store %arg11[%swap3A_906, %swap3A_907], %swap3A_910 {add = true, strides = array<i32>} : memref<16x1024xf32, #tpu.memory_space<vmem>>, vector<1x16xf32>,
          %swap3A_911 = arith.constant 15 : i32
          %swap3A_912 = arith.index_cast %swap3A_911 : i32 to index
          %swap3A_913 = arith.index_cast %mul3A_818 : i32 to index
          %swap3A_914 = tpu.vector_load %arg11[%swap3A_912, %swap3A_913] {strides = array<i32>} : memref<16x1024xf32, #tpu.memory_space<vmem>>, vector<1x16xf32>,
          %swap3A_915 = vector.shape_cast %swap3A_914 : vector<1x16xf32> to vector<16xf32>
          %swap3A_916 = vector.shape_cast %get3A_821 : vector<16xf32> to vector<1x16xf32>
          tpu.vector_store %arg11[%swap3A_912, %swap3A_913], %swap3A_916 {add = true, strides = array<i32>} : memref<16x1024xf32, #tpu.memory_space<vmem>>, vector<1x16xf32>,
          %scan3A_917 = arith.constant 0 : i32
          scf.yield %scan3A_917 : i32
        }
        %scan3A_763 = arith.constant 64 : i32
        %jit3A_764 = arith.constant 8 : i32
        %div3A_765 = arith.divsi %add3A_633, %jit3A_764 : i32
        %sign3A_766 = arith.constant 0 : i32
        %sign3A_767 = arith.cmpi sgt, %add3A_633, %sign3A_766 : i32
        %sign3A_768 = arith.extui %sign3A_767 : i1 to i32
        %sign3A_769 = arith.constant 0 : i32
        %sign3A_770 = arith.cmpi slt, %add3A_633, %sign3A_769 : i32
        %sign3A_771 = arith.extui %sign3A_770 : i1 to i32
        %sign3A_772 = arith.subi %sign3A_768, %sign3A_771 : i32
        %sign3A_773 = arith.constant 0 : i32
        %sign3A_774 = arith.cmpi sgt, %jit3A_764, %sign3A_773 : i32
        %sign3A_775 = arith.extui %sign3A_774 : i1 to i32
        %sign3A_776 = arith.constant 0 : i32
        %sign3A_777 = arith.cmpi slt, %jit3A_764, %sign3A_776 : i32
        %sign3A_778 = arith.extui %sign3A_777 : i1 to i32
        %sign3A_779 = arith.subi %sign3A_775, %sign3A_778 : i32
        %ne3A_780 = arith.cmpi ne, %sign3A_772, %sign3A_779 : i32
        %rem3A_781 = arith.remsi %add3A_633, %jit3A_764 : i32
        %ne3A_782 = arith.constant 0 : i32
        %ne3A_783 = arith.cmpi ne, %rem3A_781, %ne3A_782 : i32
        %and3A_784 = arith.andi %ne3A_780, %ne3A_783 : i1
        %sub3A_785 = arith.constant 1 : i32
        %sub3A_786 = arith.subi %div3A_765, %sub3A_785 : i32
        %select_n3A_787 = arith.select %and3A_784, %sub3A_786, %div3A_765 : i32
        %mul3A_788 = arith.constant 32 : i32
        %mul3A_789 = arith.muli %select_n3A_787, %mul3A_788 : i32
        %add3A_790 = arith.addi %add3A, %mul3A_789 : i32
        %jit3A_791 = arith.constant 8 : i32
        %eq3A_792 = arith.constant 0 : i32
        %eq3A_793 = arith.cmpi eq, %jit3A_791, %eq3A_792 : i32
        %jit3A_794 = arith.constant 1 : i32
        %select_n3A_795 = arith.select %eq3A_793, %jit3A_794, %jit3A_791 : i32
        %rem3A_796 = arith.remsi %add3A_633, %select_n3A_795 : i32
        %ne3A_797 = arith.constant 0 : i32
        %ne3A_798 = arith.cmpi ne, %rem3A_796, %ne3A_797 : i32
        %lt3A_799 = arith.constant 0 : i32
        %lt3A_800 = arith.cmpi slt, %rem3A_796, %lt3A_799 : i32
        %lt3A_801 = arith.constant 0 : i32
        %lt3A_802 = arith.cmpi slt, %select_n3A_795, %lt3A_801 : i32
        %ne3A_803 = arith.xori %lt3A_800, %lt3A_802 : i1
        %and3A_804 = arith.andi %ne3A_803, %ne3A_798 : i1
        %add3A_805 = arith.addi %rem3A_796, %select_n3A_795 : i32
        %select_n3A_806 = arith.select %and3A_804, %add3A_805, %rem3A_796 : i32
        %mul3A_807 = arith.constant 16 : i32
        %mul3A_808 = arith.muli %select_n3A_806, %mul3A_807 : i32
        %dma_start3A_809 = arith.constant 0 : i32
        %dma_start3A_810 = tpu.memref_slice %arg4[%add3A_790, %mul3A_808, %dma_start3A_809] : memref<250x128x1024xf32, #tpu.memory_space<hbm>> -> memref<1x16x1024xf32, #tpu.memory_space<hbm>>
        %dma_start3A_811 = tpu.memref_squeeze %dma_start3A_810 : memref<1x16x1024xf32, #tpu.memory_space<hbm>> -> memref<16x1024xf32, #tpu.memory_space<hbm>>
        %dma_start3A_812 = arith.constant 0 : i32
        %dma_start3A_813 = tpu.memref_slice %arg4[%add3A_790, %mul3A_808, %dma_start3A_812] : memref<250x128x1024xf32, #tpu.memory_space<hbm>> -> memref<1x16x1024xf32, #tpu.memory_space<hbm>>
        %dma_start3A_814 = tpu.memref_squeeze %dma_start3A_813 : memref<1x16x1024xf32, #tpu.memory_space<hbm>> -> memref<16x1024xf32, #tpu.memory_space<hbm>>
        tpu.enqueue_dma source(%arg11 : memref<16x1024xf32, #tpu.memory_space<vmem>>) target(%dma_start3A_814 : memref<16x1024xf32, #tpu.memory_space<hbm>>) target_semaphore(%arg24 : memref<!tpu.dma_semaphore, #tpu.memory_space<semaphore_mem>>)
      } else {
      }
      %scan3A_638 = arith.constant 0 : i32
      scf.yield %scan3A_638 : i32
    }
    %scan3A_57 = arith.constant 11 : i32
    %sub3A = arith.constant 6 : i32
    %sub3A_58 = arith.subi %select_n3A, %sub3A : i32
    %sub3A_59 = arith.constant 0 : i32
    %sub3A_60 = arith.subi %sub3A_59, %select_n3A : i32
    %jit3A_61 = arith.constant 6 : i32
    %eq3A = arith.constant 0 : i32
    %eq3A_62 = arith.cmpi eq, %jit3A_61, %eq3A : i32
    %jit3A_63 = arith.constant 1 : i32
    %select_n3A_64 = arith.select %eq3A_62, %jit3A_63, %jit3A_61 : i32
    %rem3A = arith.remsi %sub3A_60, %select_n3A_64 : i32
    %ne3A = arith.constant 0 : i32
    %ne3A_65 = arith.cmpi ne, %rem3A, %ne3A : i32
    %lt3A_66 = arith.constant 0 : i32
    %lt3A_67 = arith.cmpi slt, %rem3A, %lt3A_66 : i32
    %lt3A_68 = arith.constant 0 : i32
    %lt3A_69 = arith.cmpi slt, %select_n3A_64, %lt3A_68 : i32
    %ne3A_70 = arith.xori %lt3A_67, %lt3A_69 : i1
    %and3A = arith.andi %ne3A_70, %ne3A_65 : i1
    %add3A_71 = arith.addi %rem3A, %select_n3A_64 : i32
    %select_n3A_72 = arith.select %and3A, %add3A_71, %rem3A : i32
    %add3A_73 = arith.constant 6 : i32
    %add3A_74 = arith.addi %select_n3A_72, %add3A_73 : i32
    %jit3A_75 = arith.constant 6 : i32
    %eq3A_76 = arith.constant 0 : i32
    %eq3A_77 = arith.cmpi eq, %jit3A_75, %eq3A_76 : i32
    %jit3A_78 = arith.constant 1 : i32
    %select_n3A_79 = arith.select %eq3A_77, %jit3A_78, %jit3A_75 : i32
    %rem3A_80 = arith.remsi %add3A_74, %select_n3A_79 : i32
    %ne3A_81 = arith.constant 0 : i32
    %ne3A_82 = arith.cmpi ne, %rem3A_80, %ne3A_81 : i32
    %lt3A_83 = arith.constant 0 : i32
    %lt3A_84 = arith.cmpi slt, %rem3A_80, %lt3A_83 : i32
    %lt3A_85 = arith.constant 0 : i32
    %lt3A_86 = arith.cmpi slt, %select_n3A_79, %lt3A_85 : i32
    %ne3A_87 = arith.xori %lt3A_84, %lt3A_86 : i1
    %and3A_88 = arith.andi %ne3A_87, %ne3A_82 : i1
    %add3A_89 = arith.addi %rem3A_80, %select_n3A_79 : i32
    %select_n3A_90 = arith.select %and3A_88, %add3A_89, %rem3A_80 : i32
    %add3A_91 = arith.addi %sub3A_58, %select_n3A_90 : i32
    %jit3A_92 = arith.constant 8 : i32
    %div3A = arith.divsi %add3A_91, %jit3A_92 : i32
    %sign3A = arith.constant 0 : i32
    %sign3A_93 = arith.cmpi sgt, %add3A_91, %sign3A : i32
    %sign3A_94 = arith.extui %sign3A_93 : i1 to i32
    %sign3A_95 = arith.constant 0 : i32
    %sign3A_96 = arith.cmpi slt, %add3A_91, %sign3A_95 : i32
    %sign3A_97 = arith.extui %sign3A_96 : i1 to i32
    %sign3A_98 = arith.subi %sign3A_94, %sign3A_97 : i32
    %sign3A_99 = arith.constant 0 : i32
    %sign3A_100 = arith.cmpi sgt, %jit3A_92, %sign3A_99 : i32
    %sign3A_101 = arith.extui %sign3A_100 : i1 to i32
    %sign3A_102 = arith.constant 0 : i32
    %sign3A_103 = arith.cmpi slt, %jit3A_92, %sign3A_102 : i32
    %sign3A_104 = arith.extui %sign3A_103 : i1 to i32
    %sign3A_105 = arith.subi %sign3A_101, %sign3A_104 : i32
    %ne3A_106 = arith.cmpi ne, %sign3A_98, %sign3A_105 : i32
    %rem3A_107 = arith.remsi %add3A_91, %jit3A_92 : i32
    %ne3A_108 = arith.constant 0 : i32
    %ne3A_109 = arith.cmpi ne, %rem3A_107, %ne3A_108 : i32
    %and3A_110 = arith.andi %ne3A_106, %ne3A_109 : i1
    %sub3A_111 = arith.constant 1 : i32
    %sub3A_112 = arith.subi %div3A, %sub3A_111 : i32
    %select_n3A_113 = arith.select %and3A_110, %sub3A_112, %div3A : i32
    %mul3A_114 = arith.constant 32 : i32
    %mul3A_115 = arith.muli %select_n3A_113, %mul3A_114 : i32
    %add3A_116 = arith.addi %add3A, %mul3A_115 : i32
    %jit3A_117 = arith.constant 8 : i32
    %eq3A_118 = arith.constant 0 : i32
    %eq3A_119 = arith.cmpi eq, %jit3A_117, %eq3A_118 : i32
    %jit3A_120 = arith.constant 1 : i32
    %select_n3A_121 = arith.select %eq3A_119, %jit3A_120, %jit3A_117 : i32
    %rem3A_122 = arith.remsi %add3A_91, %select_n3A_121 : i32
    %ne3A_123 = arith.constant 0 : i32
    %ne3A_124 = arith.cmpi ne, %rem3A_122, %ne3A_123 : i32
    %lt3A_125 = arith.constant 0 : i32
    %lt3A_126 = arith.cmpi slt, %rem3A_122, %lt3A_125 : i32
    %lt3A_127 = arith.constant 0 : i32
    %lt3A_128 = arith.cmpi slt, %select_n3A_121, %lt3A_127 : i32
    %ne3A_129 = arith.xori %lt3A_126, %lt3A_128 : i1
    %and3A_130 = arith.andi %ne3A_129, %ne3A_124 : i1
    %add3A_131 = arith.addi %rem3A_122, %select_n3A_121 : i32
    %select_n3A_132 = arith.select %and3A_130, %add3A_131, %rem3A_122 : i32
    %mul3A_133 = arith.constant 16 : i32
    %mul3A_134 = arith.muli %select_n3A_132, %mul3A_133 : i32
    %dma_wait3A = arith.constant 0 : i32
    %dma_wait3A_135 = tpu.memref_slice %arg4[%add3A_116, %mul3A_134, %dma_wait3A] : memref<250x128x1024xf32, #tpu.memory_space<hbm>> -> memref<1x16x1024xf32, #tpu.memory_space<hbm>>
    %dma_wait3A_136 = tpu.memref_squeeze %dma_wait3A_135 : memref<1x16x1024xf32, #tpu.memory_space<hbm>> -> memref<16x1024xf32, #tpu.memory_space<hbm>>
    %dma_wait3A_137 = arith.constant 0 : i32
    %dma_wait3A_138 = tpu.memref_slice %arg4[%add3A_116, %mul3A_134, %dma_wait3A_137] : memref<250x128x1024xf32, #tpu.memory_space<hbm>> -> memref<1x16x1024xf32, #tpu.memory_space<hbm>>
    %dma_wait3A_139 = tpu.memref_squeeze %dma_wait3A_138 : memref<1x16x1024xf32, #tpu.memory_space<hbm>> -> memref<16x1024xf32, #tpu.memory_space<hbm>>
    tpu.wait_dma2 semaphore(%arg19 : memref<!tpu.dma_semaphore, #tpu.memory_space<semaphore_mem>>) src(%arg6 : memref<16x1024xf32, #tpu.memory_space<vmem>>) dst(%dma_wait3A_139 : memref<16x1024xf32, #tpu.memory_space<hbm>>)
    %sub3A_140 = arith.constant 6 : i32
    %sub3A_141 = arith.subi %select_n3A, %sub3A_140 : i32
    %sub3A_142 = arith.constant 1 : i32
    %sub3A_143 = arith.subi %sub3A_142, %select_n3A : i32
    %jit3A_144 = arith.constant 6 : i32
    %eq3A_145 = arith.constant 0 : i32
    %eq3A_146 = arith.cmpi eq, %jit3A_144, %eq3A_145 : i32
    %jit3A_147 = arith.constant 1 : i32
    %select_n3A_148 = arith.select %eq3A_146, %jit3A_147, %jit3A_144 : i32
    %rem3A_149 = arith.remsi %sub3A_143, %select_n3A_148 : i32
    %ne3A_150 = arith.constant 0 : i32
    %ne3A_151 = arith.cmpi ne, %rem3A_149, %ne3A_150 : i32
    %lt3A_152 = arith.constant 0 : i32
    %lt3A_153 = arith.cmpi slt, %rem3A_149, %lt3A_152 : i32
    %lt3A_154 = arith.constant 0 : i32
    %lt3A_155 = arith.cmpi slt, %select_n3A_148, %lt3A_154 : i32
    %ne3A_156 = arith.xori %lt3A_153, %lt3A_155 : i1
    %and3A_157 = arith.andi %ne3A_156, %ne3A_151 : i1
    %add3A_158 = arith.addi %rem3A_149, %select_n3A_148 : i32
    %select_n3A_159 = arith.select %and3A_157, %add3A_158, %rem3A_149 : i32
    %add3A_160 = arith.constant 6 : i32
    %add3A_161 = arith.addi %select_n3A_159, %add3A_160 : i32
    %jit3A_162 = arith.constant 6 : i32
    %eq3A_163 = arith.constant 0 : i32
    %eq3A_164 = arith.cmpi eq, %jit3A_162, %eq3A_163 : i32
    %jit3A_165 = arith.constant 1 : i32
    %select_n3A_166 = arith.select %eq3A_164, %jit3A_165, %jit3A_162 : i32
    %rem3A_167 = arith.remsi %add3A_161, %select_n3A_166 : i32
    %ne3A_168 = arith.constant 0 : i32
    %ne3A_169 = arith.cmpi ne, %rem3A_167, %ne3A_168 : i32
    %lt3A_170 = arith.constant 0 : i32
    %lt3A_171 = arith.cmpi slt, %rem3A_167, %lt3A_170 : i32
    %lt3A_172 = arith.constant 0 : i32
    %lt3A_173 = arith.cmpi slt, %select_n3A_166, %lt3A_172 : i32
    %ne3A_174 = arith.xori %lt3A_171, %lt3A_173 : i1
    %and3A_175 = arith.andi %ne3A_174, %ne3A_169 : i1
    %add3A_176 = arith.addi %rem3A_167, %select_n3A_166 : i32
    %select_n3A_177 = arith.select %and3A_175, %add3A_176, %rem3A_167 : i32
    %add3A_178 = arith.addi %sub3A_141, %select_n3A_177 : i32
    %jit3A_179 = arith.constant 8 : i32
    %div3A_180 = arith.divsi %add3A_178, %jit3A_179 : i32
    %sign3A_181 = arith.constant 0 : i32
    %sign3A_182 = arith.cmpi sgt, %add3A_178, %sign3A_181 : i32
    %sign3A_183 = arith.extui %sign3A_182 : i1 to i32
    %sign3A_184 = arith.constant 0 : i32
    %sign3A_185 = arith.cmpi slt, %add3A_178, %sign3A_184 : i32
    %sign3A_186 = arith.extui %sign3A_185 : i1 to i32
    %sign3A_187 = arith.subi %sign3A_183, %sign3A_186 : i32
    %sign3A_188 = arith.constant 0 : i32
    %sign3A_189 = arith.cmpi sgt, %jit3A_179, %sign3A_188 : i32
    %sign3A_190 = arith.extui %sign3A_189 : i1 to i32
    %sign3A_191 = arith.constant 0 : i32
    %sign3A_192 = arith.cmpi slt, %jit3A_179, %sign3A_191 : i32
    %sign3A_193 = arith.extui %sign3A_192 : i1 to i32
    %sign3A_194 = arith.subi %sign3A_190, %sign3A_193 : i32
    %ne3A_195 = arith.cmpi ne, %sign3A_187, %sign3A_194 : i32
    %rem3A_196 = arith.remsi %add3A_178, %jit3A_179 : i32
    %ne3A_197 = arith.constant 0 : i32
    %ne3A_198 = arith.cmpi ne, %rem3A_196, %ne3A_197 : i32
    %and3A_199 = arith.andi %ne3A_195, %ne3A_198 : i1
    %sub3A_200 = arith.constant 1 : i32
    %sub3A_201 = arith.subi %div3A_180, %sub3A_200 : i32
    %select_n3A_202 = arith.select %and3A_199, %sub3A_201, %div3A_180 : i32
    %mul3A_203 = arith.constant 32 : i32
    %mul3A_204 = arith.muli %select_n3A_202, %mul3A_203 : i32
    %add3A_205 = arith.addi %add3A, %mul3A_204 : i32
    %jit3A_206 = arith.constant 8 : i32
    %eq3A_207 = arith.constant 0 : i32
    %eq3A_208 = arith.cmpi eq, %jit3A_206, %eq3A_207 : i32
    %jit3A_209 = arith.constant 1 : i32
    %select_n3A_210 = arith.select %eq3A_208, %jit3A_209, %jit3A_206 : i32
    %rem3A_211 = arith.remsi %add3A_178, %select_n3A_210 : i32
    %ne3A_212 = arith.constant 0 : i32
    %ne3A_213 = arith.cmpi ne, %rem3A_211, %ne3A_212 : i32
    %lt3A_214 = arith.constant 0 : i32
    %lt3A_215 = arith.cmpi slt, %rem3A_211, %lt3A_214 : i32
    %lt3A_216 = arith.constant 0 : i32
    %lt3A_217 = arith.cmpi slt, %select_n3A_210, %lt3A_216 : i32
    %ne3A_218 = arith.xori %lt3A_215, %lt3A_217 : i1
    %and3A_219 = arith.andi %ne3A_218, %ne3A_213 : i1
    %add3A_220 = arith.addi %rem3A_211, %select_n3A_210 : i32
    %select_n3A_221 = arith.select %and3A_219, %add3A_220, %rem3A_211 : i32
    %mul3A_222 = arith.constant 16 : i32
    %mul3A_223 = arith.muli %select_n3A_221, %mul3A_222 : i32
    %dma_wait3A_224 = arith.constant 0 : i32
    %dma_wait3A_225 = tpu.memref_slice %arg4[%add3A_205, %mul3A_223, %dma_wait3A_224] : memref<250x128x1024xf32, #tpu.memory_space<hbm>> -> memref<1x16x1024xf32, #tpu.memory_space<hbm>>
    %dma_wait3A_226 = tpu.memref_squeeze %dma_wait3A_225 : memref<1x16x1024xf32, #tpu.memory_space<hbm>> -> memref<16x1024xf32, #tpu.memory_space<hbm>>
    %dma_wait3A_227 = arith.constant 0 : i32
    %dma_wait3A_228 = tpu.memref_slice %arg4[%add3A_205, %mul3A_223, %dma_wait3A_227] : memref<250x128x1024xf32, #tpu.memory_space<hbm>> -> memref<1x16x1024xf32, #tpu.memory_space<hbm>>
    %dma_wait3A_229 = tpu.memref_squeeze %dma_wait3A_228 : memref<1x16x1024xf32, #tpu.memory_space<hbm>> -> memref<16x1024xf32, #tpu.memory_space<hbm>>
    tpu.wait_dma2 semaphore(%arg20 : memref<!tpu.dma_semaphore, #tpu.memory_space<semaphore_mem>>) src(%arg7 : memref<16x1024xf32, #tpu.memory_space<vmem>>) dst(%dma_wait3A_229 : memref<16x1024xf32, #tpu.memory_space<hbm>>)
    %sub3A_230 = arith.constant 6 : i32
    %sub3A_231 = arith.subi %select_n3A, %sub3A_230 : i32
    %sub3A_232 = arith.constant 2 : i32
    %sub3A_233 = arith.subi %sub3A_232, %select_n3A : i32
    %jit3A_234 = arith.constant 6 : i32
    %eq3A_235 = arith.constant 0 : i32
    %eq3A_236 = arith.cmpi eq, %jit3A_234, %eq3A_235 : i32
    %jit3A_237 = arith.constant 1 : i32
    %select_n3A_238 = arith.select %eq3A_236, %jit3A_237, %jit3A_234 : i32
    %rem3A_239 = arith.remsi %sub3A_233, %select_n3A_238 : i32
    %ne3A_240 = arith.constant 0 : i32
    %ne3A_241 = arith.cmpi ne, %rem3A_239, %ne3A_240 : i32
    %lt3A_242 = arith.constant 0 : i32
    %lt3A_243 = arith.cmpi slt, %rem3A_239, %lt3A_242 : i32
    %lt3A_244 = arith.constant 0 : i32
    %lt3A_245 = arith.cmpi slt, %select_n3A_238, %lt3A_244 : i32
    %ne3A_246 = arith.xori %lt3A_243, %lt3A_245 : i1
    %and3A_247 = arith.andi %ne3A_246, %ne3A_241 : i1
    %add3A_248 = arith.addi %rem3A_239, %select_n3A_238 : i32
    %select_n3A_249 = arith.select %and3A_247, %add3A_248, %rem3A_239 : i32
    %add3A_250 = arith.constant 6 : i32
    %add3A_251 = arith.addi %select_n3A_249, %add3A_250 : i32
    %jit3A_252 = arith.constant 6 : i32
    %eq3A_253 = arith.constant 0 : i32
    %eq3A_254 = arith.cmpi eq, %jit3A_252, %eq3A_253 : i32
    %jit3A_255 = arith.constant 1 : i32
    %select_n3A_256 = arith.select %eq3A_254, %jit3A_255, %jit3A_252 : i32
    %rem3A_257 = arith.remsi %add3A_251, %select_n3A_256 : i32
    %ne3A_258 = arith.constant 0 : i32
    %ne3A_259 = arith.cmpi ne, %rem3A_257, %ne3A_258 : i32
    %lt3A_260 = arith.constant 0 : i32
    %lt3A_261 = arith.cmpi slt, %rem3A_257, %lt3A_260 : i32
    %lt3A_262 = arith.constant 0 : i32
    %lt3A_263 = arith.cmpi slt, %select_n3A_256, %lt3A_262 : i32
    %ne3A_264 = arith.xori %lt3A_261, %lt3A_263 : i1
    %and3A_265 = arith.andi %ne3A_264, %ne3A_259 : i1
    %add3A_266 = arith.addi %rem3A_257, %select_n3A_256 : i32
    %select_n3A_267 = arith.select %and3A_265, %add3A_266, %rem3A_257 : i32
    %add3A_268 = arith.addi %sub3A_231, %select_n3A_267 : i32
    %jit3A_269 = arith.constant 8 : i32
    %div3A_270 = arith.divsi %add3A_268, %jit3A_269 : i32
    %sign3A_271 = arith.constant 0 : i32
    %sign3A_272 = arith.cmpi sgt, %add3A_268, %sign3A_271 : i32
    %sign3A_273 = arith.extui %sign3A_272 : i1 to i32
    %sign3A_274 = arith.constant 0 : i32
    %sign3A_275 = arith.cmpi slt, %add3A_268, %sign3A_274 : i32
    %sign3A_276 = arith.extui %sign3A_275 : i1 to i32
    %sign3A_277 = arith.subi %sign3A_273, %sign3A_276 : i32
    %sign3A_278 = arith.constant 0 : i32
    %sign3A_279 = arith.cmpi sgt, %jit3A_269, %sign3A_278 : i32
    %sign3A_280 = arith.extui %sign3A_279 : i1 to i32
    %sign3A_281 = arith.constant 0 : i32
    %sign3A_282 = arith.cmpi slt, %jit3A_269, %sign3A_281 : i32
    %sign3A_283 = arith.extui %sign3A_282 : i1 to i32
    %sign3A_284 = arith.subi %sign3A_280, %sign3A_283 : i32
    %ne3A_285 = arith.cmpi ne, %sign3A_277, %sign3A_284 : i32
    %rem3A_286 = arith.remsi %add3A_268, %jit3A_269 : i32
    %ne3A_287 = arith.constant 0 : i32
    %ne3A_288 = arith.cmpi ne, %rem3A_286, %ne3A_287 : i32
    %and3A_289 = arith.andi %ne3A_285, %ne3A_288 : i1
    %sub3A_290 = arith.constant 1 : i32
    %sub3A_291 = arith.subi %div3A_270, %sub3A_290 : i32
    %select_n3A_292 = arith.select %and3A_289, %sub3A_291, %div3A_270 : i32
    %mul3A_293 = arith.constant 32 : i32
    %mul3A_294 = arith.muli %select_n3A_292, %mul3A_293 : i32
    %add3A_295 = arith.addi %add3A, %mul3A_294 : i32
    %jit3A_296 = arith.constant 8 : i32
    %eq3A_297 = arith.constant 0 : i32
    %eq3A_298 = arith.cmpi eq, %jit3A_296, %eq3A_297 : i32
    %jit3A_299 = arith.constant 1 : i32
    %select_n3A_300 = arith.select %eq3A_298, %jit3A_299, %jit3A_296 : i32
    %rem3A_301 = arith.remsi %add3A_268, %select_n3A_300 : i32
    %ne3A_302 = arith.constant 0 : i32
    %ne3A_303 = arith.cmpi ne, %rem3A_301, %ne3A_302 : i32
    %lt3A_304 = arith.constant 0 : i32
    %lt3A_305 = arith.cmpi slt, %rem3A_301, %lt3A_304 : i32
    %lt3A_306 = arith.constant 0 : i32
    %lt3A_307 = arith.cmpi slt, %select_n3A_300, %lt3A_306 : i32
    %ne3A_308 = arith.xori %lt3A_305, %lt3A_307 : i1
    %and3A_309 = arith.andi %ne3A_308, %ne3A_303 : i1
    %add3A_310 = arith.addi %rem3A_301, %select_n3A_300 : i32
    %select_n3A_311 = arith.select %and3A_309, %add3A_310, %rem3A_301 : i32
    %mul3A_312 = arith.constant 16 : i32
    %mul3A_313 = arith.muli %select_n3A_311, %mul3A_312 : i32
    %dma_wait3A_314 = arith.constant 0 : i32
    %dma_wait3A_315 = tpu.memref_slice %arg4[%add3A_295, %mul3A_313, %dma_wait3A_314] : memref<250x128x1024xf32, #tpu.memory_space<hbm>> -> memref<1x16x1024xf32, #tpu.memory_space<hbm>>
    %dma_wait3A_316 = tpu.memref_squeeze %dma_wait3A_315 : memref<1x16x1024xf32, #tpu.memory_space<hbm>> -> memref<16x1024xf32, #tpu.memory_space<hbm>>
    %dma_wait3A_317 = arith.constant 0 : i32
    %dma_wait3A_318 = tpu.memref_slice %arg4[%add3A_295, %mul3A_313, %dma_wait3A_317] : memref<250x128x1024xf32, #tpu.memory_space<hbm>> -> memref<1x16x1024xf32, #tpu.memory_space<hbm>>
    %dma_wait3A_319 = tpu.memref_squeeze %dma_wait3A_318 : memref<1x16x1024xf32, #tpu.memory_space<hbm>> -> memref<16x1024xf32, #tpu.memory_space<hbm>>
    tpu.wait_dma2 semaphore(%arg21 : memref<!tpu.dma_semaphore, #tpu.memory_space<semaphore_mem>>) src(%arg8 : memref<16x1024xf32, #tpu.memory_space<vmem>>) dst(%dma_wait3A_319 : memref<16x1024xf32, #tpu.memory_space<hbm>>)
    %sub3A_320 = arith.constant 6 : i32
    %sub3A_321 = arith.subi %select_n3A, %sub3A_320 : i32
    %sub3A_322 = arith.constant 3 : i32
    %sub3A_323 = arith.subi %sub3A_322, %select_n3A : i32
    %jit3A_324 = arith.constant 6 : i32
    %eq3A_325 = arith.constant 0 : i32
    %eq3A_326 = arith.cmpi eq, %jit3A_324, %eq3A_325 : i32
    %jit3A_327 = arith.constant 1 : i32
    %select_n3A_328 = arith.select %eq3A_326, %jit3A_327, %jit3A_324 : i32
    %rem3A_329 = arith.remsi %sub3A_323, %select_n3A_328 : i32
    %ne3A_330 = arith.constant 0 : i32
    %ne3A_331 = arith.cmpi ne, %rem3A_329, %ne3A_330 : i32
    %lt3A_332 = arith.constant 0 : i32
    %lt3A_333 = arith.cmpi slt, %rem3A_329, %lt3A_332 : i32
    %lt3A_334 = arith.constant 0 : i32
    %lt3A_335 = arith.cmpi slt, %select_n3A_328, %lt3A_334 : i32
    %ne3A_336 = arith.xori %lt3A_333, %lt3A_335 : i1
    %and3A_337 = arith.andi %ne3A_336, %ne3A_331 : i1
    %add3A_338 = arith.addi %rem3A_329, %select_n3A_328 : i32
    %select_n3A_339 = arith.select %and3A_337, %add3A_338, %rem3A_329 : i32
    %add3A_340 = arith.constant 6 : i32
    %add3A_341 = arith.addi %select_n3A_339, %add3A_340 : i32
    %jit3A_342 = arith.constant 6 : i32
    %eq3A_343 = arith.constant 0 : i32
    %eq3A_344 = arith.cmpi eq, %jit3A_342, %eq3A_343 : i32
    %jit3A_345 = arith.constant 1 : i32
    %select_n3A_346 = arith.select %eq3A_344, %jit3A_345, %jit3A_342 : i32
    %rem3A_347 = arith.remsi %add3A_341, %select_n3A_346 : i32
    %ne3A_348 = arith.constant 0 : i32
    %ne3A_349 = arith.cmpi ne, %rem3A_347, %ne3A_348 : i32
    %lt3A_350 = arith.constant 0 : i32
    %lt3A_351 = arith.cmpi slt, %rem3A_347, %lt3A_350 : i32
    %lt3A_352 = arith.constant 0 : i32
    %lt3A_353 = arith.cmpi slt, %select_n3A_346, %lt3A_352 : i32
    %ne3A_354 = arith.xori %lt3A_351, %lt3A_353 : i1
    %and3A_355 = arith.andi %ne3A_354, %ne3A_349 : i1
    %add3A_356 = arith.addi %rem3A_347, %select_n3A_346 : i32
    %select_n3A_357 = arith.select %and3A_355, %add3A_356, %rem3A_347 : i32
    %add3A_358 = arith.addi %sub3A_321, %select_n3A_357 : i32
    %jit3A_359 = arith.constant 8 : i32
    %div3A_360 = arith.divsi %add3A_358, %jit3A_359 : i32
    %sign3A_361 = arith.constant 0 : i32
    %sign3A_362 = arith.cmpi sgt, %add3A_358, %sign3A_361 : i32
    %sign3A_363 = arith.extui %sign3A_362 : i1 to i32
    %sign3A_364 = arith.constant 0 : i32
    %sign3A_365 = arith.cmpi slt, %add3A_358, %sign3A_364 : i32
    %sign3A_366 = arith.extui %sign3A_365 : i1 to i32
    %sign3A_367 = arith.subi %sign3A_363, %sign3A_366 : i32
    %sign3A_368 = arith.constant 0 : i32
    %sign3A_369 = arith.cmpi sgt, %jit3A_359, %sign3A_368 : i32
    %sign3A_370 = arith.extui %sign3A_369 : i1 to i32
    %sign3A_371 = arith.constant 0 : i32
    %sign3A_372 = arith.cmpi slt, %jit3A_359, %sign3A_371 : i32
    %sign3A_373 = arith.extui %sign3A_372 : i1 to i32
    %sign3A_374 = arith.subi %sign3A_370, %sign3A_373 : i32
    %ne3A_375 = arith.cmpi ne, %sign3A_367, %sign3A_374 : i32
    %rem3A_376 = arith.remsi %add3A_358, %jit3A_359 : i32
    %ne3A_377 = arith.constant 0 : i32
    %ne3A_378 = arith.cmpi ne, %rem3A_376, %ne3A_377 : i32
    %and3A_379 = arith.andi %ne3A_375, %ne3A_378 : i1
    %sub3A_380 = arith.constant 1 : i32
    %sub3A_381 = arith.subi %div3A_360, %sub3A_380 : i32
    %select_n3A_382 = arith.select %and3A_379, %sub3A_381, %div3A_360 : i32
    %mul3A_383 = arith.constant 32 : i32
    %mul3A_384 = arith.muli %select_n3A_382, %mul3A_383 : i32
    %add3A_385 = arith.addi %add3A, %mul3A_384 : i32
    %jit3A_386 = arith.constant 8 : i32
    %eq3A_387 = arith.constant 0 : i32
    %eq3A_388 = arith.cmpi eq, %jit3A_386, %eq3A_387 : i32
    %jit3A_389 = arith.constant 1 : i32
    %select_n3A_390 = arith.select %eq3A_388, %jit3A_389, %jit3A_386 : i32
    %rem3A_391 = arith.remsi %add3A_358, %select_n3A_390 : i32
    %ne3A_392 = arith.constant 0 : i32
    %ne3A_393 = arith.cmpi ne, %rem3A_391, %ne3A_392 : i32
    %lt3A_394 = arith.constant 0 : i32
    %lt3A_395 = arith.cmpi slt, %rem3A_391, %lt3A_394 : i32
    %lt3A_396 = arith.constant 0 : i32
    %lt3A_397 = arith.cmpi slt, %select_n3A_390, %lt3A_396 : i32
    %ne3A_398 = arith.xori %lt3A_395, %lt3A_397 : i1
    %and3A_399 = arith.andi %ne3A_398, %ne3A_393 : i1
    %add3A_400 = arith.addi %rem3A_391, %select_n3A_390 : i32
    %select_n3A_401 = arith.select %and3A_399, %add3A_400, %rem3A_391 : i32
    %mul3A_402 = arith.constant 16 : i32
    %mul3A_403 = arith.muli %select_n3A_401, %mul3A_402 : i32
    %dma_wait3A_404 = arith.constant 0 : i32
    %dma_wait3A_405 = tpu.memref_slice %arg4[%add3A_385, %mul3A_403, %dma_wait3A_404] : memref<250x128x1024xf32, #tpu.memory_space<hbm>> -> memref<1x16x1024xf32, #tpu.memory_space<hbm>>
    %dma_wait3A_406 = tpu.memref_squeeze %dma_wait3A_405 : memref<1x16x1024xf32, #tpu.memory_space<hbm>> -> memref<16x1024xf32, #tpu.memory_space<hbm>>
    %dma_wait3A_407 = arith.constant 0 : i32
    %dma_wait3A_408 = tpu.memref_slice %arg4[%add3A_385, %mul3A_403, %dma_wait3A_407] : memref<250x128x1024xf32, #tpu.memory_space<hbm>> -> memref<1x16x1024xf32, #tpu.memory_space<hbm>>
    %dma_wait3A_409 = tpu.memref_squeeze %dma_wait3A_408 : memref<1x16x1024xf32, #tpu.memory_space<hbm>> -> memref<16x1024xf32, #tpu.memory_space<hbm>>
    tpu.wait_dma2 semaphore(%arg22 : memref<!tpu.dma_semaphore, #tpu.memory_space<semaphore_mem>>) src(%arg9 : memref<16x1024xf32, #tpu.memory_space<vmem>>) dst(%dma_wait3A_409 : memref<16x1024xf32, #tpu.memory_space<hbm>>)
    %sub3A_410 = arith.constant 6 : i32
    %sub3A_411 = arith.subi %select_n3A, %sub3A_410 : i32
    %sub3A_412 = arith.constant 4 : i32
    %sub3A_413 = arith.subi %sub3A_412, %select_n3A : i32
    %jit3A_414 = arith.constant 6 : i32
    %eq3A_415 = arith.constant 0 : i32
    %eq3A_416 = arith.cmpi eq, %jit3A_414, %eq3A_415 : i32
    %jit3A_417 = arith.constant 1 : i32
    %select_n3A_418 = arith.select %eq3A_416, %jit3A_417, %jit3A_414 : i32
    %rem3A_419 = arith.remsi %sub3A_413, %select_n3A_418 : i32
    %ne3A_420 = arith.constant 0 : i32
    %ne3A_421 = arith.cmpi ne, %rem3A_419, %ne3A_420 : i32
    %lt3A_422 = arith.constant 0 : i32
    %lt3A_423 = arith.cmpi slt, %rem3A_419, %lt3A_422 : i32
    %lt3A_424 = arith.constant 0 : i32
    %lt3A_425 = arith.cmpi slt, %select_n3A_418, %lt3A_424 : i32
    %ne3A_426 = arith.xori %lt3A_423, %lt3A_425 : i1
    %and3A_427 = arith.andi %ne3A_426, %ne3A_421 : i1
    %add3A_428 = arith.addi %rem3A_419, %select_n3A_418 : i32
    %select_n3A_429 = arith.select %and3A_427, %add3A_428, %rem3A_419 : i32
    %add3A_430 = arith.constant 6 : i32
    %add3A_431 = arith.addi %select_n3A_429, %add3A_430 : i32
    %jit3A_432 = arith.constant 6 : i32
    %eq3A_433 = arith.constant 0 : i32
    %eq3A_434 = arith.cmpi eq, %jit3A_432, %eq3A_433 : i32
    %jit3A_435 = arith.constant 1 : i32
    %select_n3A_436 = arith.select %eq3A_434, %jit3A_435, %jit3A_432 : i32
    %rem3A_437 = arith.remsi %add3A_431, %select_n3A_436 : i32
    %ne3A_438 = arith.constant 0 : i32
    %ne3A_439 = arith.cmpi ne, %rem3A_437, %ne3A_438 : i32
    %lt3A_440 = arith.constant 0 : i32
    %lt3A_441 = arith.cmpi slt, %rem3A_437, %lt3A_440 : i32
    %lt3A_442 = arith.constant 0 : i32
    %lt3A_443 = arith.cmpi slt, %select_n3A_436, %lt3A_442 : i32
    %ne3A_444 = arith.xori %lt3A_441, %lt3A_443 : i1
    %and3A_445 = arith.andi %ne3A_444, %ne3A_439 : i1
    %add3A_446 = arith.addi %rem3A_437, %select_n3A_436 : i32
    %select_n3A_447 = arith.select %and3A_445, %add3A_446, %rem3A_437 : i32
    %add3A_448 = arith.addi %sub3A_411, %select_n3A_447 : i32
    %jit3A_449 = arith.constant 8 : i32
    %div3A_450 = arith.divsi %add3A_448, %jit3A_449 : i32
    %sign3A_451 = arith.constant 0 : i32
    %sign3A_452 = arith.cmpi sgt, %add3A_448, %sign3A_451 : i32
    %sign3A_453 = arith.extui %sign3A_452 : i1 to i32
    %sign3A_454 = arith.constant 0 : i32
    %sign3A_455 = arith.cmpi slt, %add3A_448, %sign3A_454 : i32
    %sign3A_456 = arith.extui %sign3A_455 : i1 to i32
    %sign3A_457 = arith.subi %sign3A_453, %sign3A_456 : i32
    %sign3A_458 = arith.constant 0 : i32
    %sign3A_459 = arith.cmpi sgt, %jit3A_449, %sign3A_458 : i32
    %sign3A_460 = arith.extui %sign3A_459 : i1 to i32
    %sign3A_461 = arith.constant 0 : i32
    %sign3A_462 = arith.cmpi slt, %jit3A_449, %sign3A_461 : i32
    %sign3A_463 = arith.extui %sign3A_462 : i1 to i32
    %sign3A_464 = arith.subi %sign3A_460, %sign3A_463 : i32
    %ne3A_465 = arith.cmpi ne, %sign3A_457, %sign3A_464 : i32
    %rem3A_466 = arith.remsi %add3A_448, %jit3A_449 : i32
    %ne3A_467 = arith.constant 0 : i32
    %ne3A_468 = arith.cmpi ne, %rem3A_466, %ne3A_467 : i32
    %and3A_469 = arith.andi %ne3A_465, %ne3A_468 : i1
    %sub3A_470 = arith.constant 1 : i32
    %sub3A_471 = arith.subi %div3A_450, %sub3A_470 : i32
    %select_n3A_472 = arith.select %and3A_469, %sub3A_471, %div3A_450 : i32
    %mul3A_473 = arith.constant 32 : i32
    %mul3A_474 = arith.muli %select_n3A_472, %mul3A_473 : i32
    %add3A_475 = arith.addi %add3A, %mul3A_474 : i32
    %jit3A_476 = arith.constant 8 : i32
    %eq3A_477 = arith.constant 0 : i32
    %eq3A_478 = arith.cmpi eq, %jit3A_476, %eq3A_477 : i32
    %jit3A_479 = arith.constant 1 : i32
    %select_n3A_480 = arith.select %eq3A_478, %jit3A_479, %jit3A_476 : i32
    %rem3A_481 = arith.remsi %add3A_448, %select_n3A_480 : i32
    %ne3A_482 = arith.constant 0 : i32
    %ne3A_483 = arith.cmpi ne, %rem3A_481, %ne3A_482 : i32
    %lt3A_484 = arith.constant 0 : i32
    %lt3A_485 = arith.cmpi slt, %rem3A_481, %lt3A_484 : i32
    %lt3A_486 = arith.constant 0 : i32
    %lt3A_487 = arith.cmpi slt, %select_n3A_480, %lt3A_486 : i32
    %ne3A_488 = arith.xori %lt3A_485, %lt3A_487 : i1
    %and3A_489 = arith.andi %ne3A_488, %ne3A_483 : i1
    %add3A_490 = arith.addi %rem3A_481, %select_n3A_480 : i32
    %select_n3A_491 = arith.select %and3A_489, %add3A_490, %rem3A_481 : i32
    %mul3A_492 = arith.constant 16 : i32
    %mul3A_493 = arith.muli %select_n3A_491, %mul3A_492 : i32
    %dma_wait3A_494 = arith.constant 0 : i32
    %dma_wait3A_495 = tpu.memref_slice %arg4[%add3A_475, %mul3A_493, %dma_wait3A_494] : memref<250x128x1024xf32, #tpu.memory_space<hbm>> -> memref<1x16x1024xf32, #tpu.memory_space<hbm>>
    %dma_wait3A_496 = tpu.memref_squeeze %dma_wait3A_495 : memref<1x16x1024xf32, #tpu.memory_space<hbm>> -> memref<16x1024xf32, #tpu.memory_space<hbm>>
    %dma_wait3A_497 = arith.constant 0 : i32
    %dma_wait3A_498 = tpu.memref_slice %arg4[%add3A_475, %mul3A_493, %dma_wait3A_497] : memref<250x128x1024xf32, #tpu.memory_space<hbm>> -> memref<1x16x1024xf32, #tpu.memory_space<hbm>>
    %dma_wait3A_499 = tpu.memref_squeeze %dma_wait3A_498 : memref<1x16x1024xf32, #tpu.memory_space<hbm>> -> memref<16x1024xf32, #tpu.memory_space<hbm>>
    tpu.wait_dma2 semaphore(%arg23 : memref<!tpu.dma_semaphore, #tpu.memory_space<semaphore_mem>>) src(%arg10 : memref<16x1024xf32, #tpu.memory_space<vmem>>) dst(%dma_wait3A_499 : memref<16x1024xf32, #tpu.memory_space<hbm>>)
    %sub3A_500 = arith.constant 6 : i32
    %sub3A_501 = arith.subi %select_n3A, %sub3A_500 : i32
    %sub3A_502 = arith.constant 5 : i32
    %sub3A_503 = arith.subi %sub3A_502, %select_n3A : i32
    %jit3A_504 = arith.constant 6 : i32
    %eq3A_505 = arith.constant 0 : i32
    %eq3A_506 = arith.cmpi eq, %jit3A_504, %eq3A_505 : i32
    %jit3A_507 = arith.constant 1 : i32
    %select_n3A_508 = arith.select %eq3A_506, %jit3A_507, %jit3A_504 : i32
    %rem3A_509 = arith.remsi %sub3A_503, %select_n3A_508 : i32
    %ne3A_510 = arith.constant 0 : i32
    %ne3A_511 = arith.cmpi ne, %rem3A_509, %ne3A_510 : i32
    %lt3A_512 = arith.constant 0 : i32
    %lt3A_513 = arith.cmpi slt, %rem3A_509, %lt3A_512 : i32
    %lt3A_514 = arith.constant 0 : i32
    %lt3A_515 = arith.cmpi slt, %select_n3A_508, %lt3A_514 : i32
    %ne3A_516 = arith.xori %lt3A_513, %lt3A_515 : i1
    %and3A_517 = arith.andi %ne3A_516, %ne3A_511 : i1
    %add3A_518 = arith.addi %rem3A_509, %select_n3A_508 : i32
    %select_n3A_519 = arith.select %and3A_517, %add3A_518, %rem3A_509 : i32
    %add3A_520 = arith.constant 6 : i32
    %add3A_521 = arith.addi %select_n3A_519, %add3A_520 : i32
    %jit3A_522 = arith.constant 6 : i32
    %eq3A_523 = arith.constant 0 : i32
    %eq3A_524 = arith.cmpi eq, %jit3A_522, %eq3A_523 : i32
    %jit3A_525 = arith.constant 1 : i32
    %select_n3A_526 = arith.select %eq3A_524, %jit3A_525, %jit3A_522 : i32
    %rem3A_527 = arith.remsi %add3A_521, %select_n3A_526 : i32
    %ne3A_528 = arith.constant 0 : i32
    %ne3A_529 = arith.cmpi ne, %rem3A_527, %ne3A_528 : i32
    %lt3A_530 = arith.constant 0 : i32
    %lt3A_531 = arith.cmpi slt, %rem3A_527, %lt3A_530 : i32
    %lt3A_532 = arith.constant 0 : i32
    %lt3A_533 = arith.cmpi slt, %select_n3A_526, %lt3A_532 : i32
    %ne3A_534 = arith.xori %lt3A_531, %lt3A_533 : i1
    %and3A_535 = arith.andi %ne3A_534, %ne3A_529 : i1
    %add3A_536 = arith.addi %rem3A_527, %select_n3A_526 : i32
    %select_n3A_537 = arith.select %and3A_535, %add3A_536, %rem3A_527 : i32
    %add3A_538 = arith.addi %sub3A_501, %select_n3A_537 : i32
    %jit3A_539 = arith.constant 8 : i32
    %div3A_540 = arith.divsi %add3A_538, %jit3A_539 : i32
    %sign3A_541 = arith.constant 0 : i32
    %sign3A_542 = arith.cmpi sgt, %add3A_538, %sign3A_541 : i32
    %sign3A_543 = arith.extui %sign3A_542 : i1 to i32
    %sign3A_544 = arith.constant 0 : i32
    %sign3A_545 = arith.cmpi slt, %add3A_538, %sign3A_544 : i32
    %sign3A_546 = arith.extui %sign3A_545 : i1 to i32
    %sign3A_547 = arith.subi %sign3A_543, %sign3A_546 : i32
    %sign3A_548 = arith.constant 0 : i32
    %sign3A_549 = arith.cmpi sgt, %jit3A_539, %sign3A_548 : i32
    %sign3A_550 = arith.extui %sign3A_549 : i1 to i32
    %sign3A_551 = arith.constant 0 : i32
    %sign3A_552 = arith.cmpi slt, %jit3A_539, %sign3A_551 : i32
    %sign3A_553 = arith.extui %sign3A_552 : i1 to i32
    %sign3A_554 = arith.subi %sign3A_550, %sign3A_553 : i32
    %ne3A_555 = arith.cmpi ne, %sign3A_547, %sign3A_554 : i32
    %rem3A_556 = arith.remsi %add3A_538, %jit3A_539 : i32
    %ne3A_557 = arith.constant 0 : i32
    %ne3A_558 = arith.cmpi ne, %rem3A_556, %ne3A_557 : i32
    %and3A_559 = arith.andi %ne3A_555, %ne3A_558 : i1
    %sub3A_560 = arith.constant 1 : i32
    %sub3A_561 = arith.subi %div3A_540, %sub3A_560 : i32
    %select_n3A_562 = arith.select %and3A_559, %sub3A_561, %div3A_540 : i32
    %mul3A_563 = arith.constant 32 : i32
    %mul3A_564 = arith.muli %select_n3A_562, %mul3A_563 : i32
    %add3A_565 = arith.addi %add3A, %mul3A_564 : i32
    %jit3A_566 = arith.constant 8 : i32
    %eq3A_567 = arith.constant 0 : i32
    %eq3A_568 = arith.cmpi eq, %jit3A_566, %eq3A_567 : i32
    %jit3A_569 = arith.constant 1 : i32
    %select_n3A_570 = arith.select %eq3A_568, %jit3A_569, %jit3A_566 : i32
    %rem3A_571 = arith.remsi %add3A_538, %select_n3A_570 : i32
    %ne3A_572 = arith.constant 0 : i32
    %ne3A_573 = arith.cmpi ne, %rem3A_571, %ne3A_572 : i32
    %lt3A_574 = arith.constant 0 : i32
    %lt3A_575 = arith.cmpi slt, %rem3A_571, %lt3A_574 : i32
    %lt3A_576 = arith.constant 0 : i32
    %lt3A_577 = arith.cmpi slt, %select_n3A_570, %lt3A_576 : i32
    %ne3A_578 = arith.xori %lt3A_575, %lt3A_577 : i1
    %and3A_579 = arith.andi %ne3A_578, %ne3A_573 : i1
    %add3A_580 = arith.addi %rem3A_571, %select_n3A_570 : i32
    %select_n3A_581 = arith.select %and3A_579, %add3A_580, %rem3A_571 : i32
    %mul3A_582 = arith.constant 16 : i32
    %mul3A_583 = arith.muli %select_n3A_581, %mul3A_582 : i32
    %dma_wait3A_584 = arith.constant 0 : i32
    %dma_wait3A_585 = tpu.memref_slice %arg4[%add3A_565, %mul3A_583, %dma_wait3A_584] : memref<250x128x1024xf32, #tpu.memory_space<hbm>> -> memref<1x16x1024xf32, #tpu.memory_space<hbm>>
    %dma_wait3A_586 = tpu.memref_squeeze %dma_wait3A_585 : memref<1x16x1024xf32, #tpu.memory_space<hbm>> -> memref<16x1024xf32, #tpu.memory_space<hbm>>
    %dma_wait3A_587 = arith.constant 0 : i32
    %dma_wait3A_588 = tpu.memref_slice %arg4[%add3A_565, %mul3A_583, %dma_wait3A_587] : memref<250x128x1024xf32, #tpu.memory_space<hbm>> -> memref<1x16x1024xf32, #tpu.memory_space<hbm>>
    %dma_wait3A_589 = tpu.memref_squeeze %dma_wait3A_588 : memref<1x16x1024xf32, #tpu.memory_space<hbm>> -> memref<16x1024xf32, #tpu.memory_space<hbm>>
    tpu.wait_dma2 semaphore(%arg24 : memref<!tpu.dma_semaphore, #tpu.memory_space<semaphore_mem>>) src(%arg11 : memref<16x1024xf32, #tpu.memory_space<vmem>>) dst(%dma_wait3A_589 : memref<16x1024xf32, #tpu.memory_space<hbm>>)
    return
  }
}

</mosaic_0001>

<sc_bundles>
// kernel: kernel.3.cloned.1.call-start
scs
__scs_entry_jumppad:
0x0: {  	(pc) =	sbr.rel $0x88, $3  }
0x1: {  	(tag) =	ssettag $0x0;
	lr =	simm.s32 $0x1  }
0x2: {  	[smem:$0x3F9F] =	sst lr;
	_ =	strace $0xD0000000  }
0x3: {  	_ = 	snop  }
0x4: {  	_ = 	snop  }
0x5: {  	_ = 	snop  }
0x6: {  	_ = 	snop  }
0x7: {  	_ = 	snop  }
__scs_overlays_trampoline_lowered:
0x8: {  	[smem:$0x3FAE] =	sst s0  }
0x9: {  	[smem:$0x3FAF] =	sst s1  }
0xa: {  	[smem:$0x3FB0] =	sst s2  }
0xb: {  	[smem:$0x3FB1] =	sst s3  }
0xc: {  	[smem:$0x3FB2] =	sst s4  }
0xd: {  	[smem:$0x3FB3] =	sst s5  }
0xe: {  	[smem:$0x3FB4] =	sst s6  }
0xf: {  	[smem:$0x3FB5] =	sst s7  }
0x10: {  	[smem:$0x3FB6] =	sst s8  }
0x11: {  	[smem:$0x3FB7] =	sst s9;
	s0 =	simm.s32 @!p0 $0x0  }
0x12: {  	s1 =	sld [smem:$0x3F9D];
	s0 =	simm.s32 @p0 $0x1  }
0x13: {  	[smem:$0x3FB8] =	sst s0;
	s0 =	simm.s32 @!p1 $0x0  }
0x14: {  	s2 =	sld [smem:$0x3F9C];
	s0 =	simm.s32 @p1 $0x1  }
0x15: {  	[smem:$0x3FB9] =	sst s0;
	s0 =	simm.s32 @!p2 $0x0  }
0x16: {  	s3 =	sld [smem:$0x3FDB];
	s0 =	simm.s32 @p2 $0x1  }
0x17: {  	s4 =	simm.s32 $0x1BF5;
	[smem:$0x3FBB] =	sst s0  }
0x18: {  	s0 =	sld [smem:$0x3F9E];
	_ =	swait.ge [sflag:s4], $0x0  }
0x19: {  	s7 =	sld [smem:$0x3F9F]  }
0x1a: {  	s8 =	sadd.s32 $0xFFFFE003, lr  }
0x1b: {  	s9 =	sadd.s32 $0xFFFFFEF7, lr;
	s5 =	simm.s32 $0xFFFFFFFF;
	p2 =	slt.u32 s8, $0xFFFFF086  }
0x1c: {  	p1 =	slt.u32 s9, $0xF7A;
	s5 =	simm.s32 @!p2 $0x0  }
0x1d: {  	s5 =	simm.s32 @p1 $0x1;
	p0 =	seq.s32 s7, s2  }
0x1e: {  	s7 =	smul.u32 @!p0 $0xF7A, s2;
	p2 =	seq.s32 @!p0 s5, $0x0  }
0x1f: {  	s9 =	smul.u32 $0xF7A, s1;
	s8 =	simm.s32 @!p0 $0x1BF5;
	p2 =	por !p2, p0  }
0x20: {  	[sflag:s8] =	ssyncset.s32 @!p0 $0xFFFFF086;
	s6 =	sadd.s32 @!p0 s3, s7;
	s7 =	simm.s32 @!p0 $0x108  }
0x21: {  	s3 =	sadd.s32 s3, s9;
	s6 =	sadd.s32 @!p0 $0x88, s6;
	s7 =	simm.s32 @p2 $0x1082  }
0x22: {  	[simem:s7], [sflag:s8] =	dma.local @!p0 [hbm:s6], $0xF7A  }
0x23: {  	s9 =	sor.u32 $0xD0000000, s2;
	s6 =	simm.s32 $0x108;
	_ =	swait.ge @!p0 [sflag:s8], $0x0  }
0x24: {  	s3 =	sadd.s32 $0x88, s3;
	s6 =	simm.s32 @!p1 $0x1082;
	[sflag:s4] =	ssyncset.s32 $0xFFFFF086  }
0x25: {  	[simem:s6], [sflag:s4] =	dma.local [hbm:s3], $0xF7A  }
0x26: {  	[smem:$0x3F9F] =	sst s1;
	(tag) =	ssettag s2;
	_ =	strace s9  }
0x27: {  	s1 =	sld [smem:$0x3FAF]  }
0x28: {  	s2 =	sld [smem:$0x3FB0]  }
0x29: {  	s4 =	sld [smem:$0x3FB2]  }
0x2a: {  	p0 =	seq.s32 s5, $0x0;
	s5 =	sld [smem:$0x3FB3]  }
0x2b: {  	s6 =	sld [smem:$0x3FB4]  }
0x2c: {  	s7 =	sld [smem:$0x3FB5]  }
0x2d: {  	s3 =	simm.s32 $0x108;
	s8 =	sld [smem:$0x3FB6]  }
0x2e: {  	s3 =	simm.s32 @!p0 $0x1082;
	s9 =	sld [smem:$0x3FB7]  }
0x2f: {  	lr =	sadd.s32 s0, s3;
	s0 =	sld [smem:$0x3FAE]  }
0x30: {  	s3 =	sld [smem:$0x3FB1]  }
0x31: {  	[smem:$0x3FBA] =	sst s10  }
0x32: {  	s10 =	sld [smem:$0x3FB8];
	_ =	sdelay $0x3  }
0x33: {  	p0 =	seq.s32 s10, $0x1;
	s10 =	sld [smem:$0x3FBA];
	_ =	sdelay $0x3  }
0x34: {  	[smem:$0x3FBA] =	sst s10  }
0x35: {  	s10 =	sld [smem:$0x3FB9];
	_ =	sdelay $0x3  }
0x36: {  	p1 =	seq.s32 s10, $0x1;
	s10 =	sld [smem:$0x3FBA];
	_ =	sdelay $0x3  }
0x37: {  	[smem:$0x3FBA] =	sst s10  }
0x38: {  	s10 =	sld [smem:$0x3FBB]  }
0x39: {  	_ = 	snop;
	(pc) =	sbr.ind lr, $3  }
0x3a: {  	_ = 	snop  }
0x3b: {  	_ = 	snop  }
0x3c: {  	p2 =	seq.s32 s10, $0x1;
	s10 =	sld [smem:$0x3FBA]  }
0x3d: {  	_ =	shalt  }
0x3e: {  	_ =	shalt  }
0x3f: {  	_ =	shalt  }
0x40: {  	_ =	shalt  }
0x41: {  	_ =	shalt  }
0x42: {  	_ =	shalt  }
0x43: {  	_ =	shalt  }
0x44: {  	_ =	shalt  }
0x45: {  	_ =	shalt  }
0x46: {  	_ =	shalt  }
0x47: {  	_ =	shalt  }
0x48: {  	_ =	shalt  }
0x49: {  	_ =	shalt  }
0x4a: {  	_ =	shalt  }
0x4b: {  	_ =	shalt  }
0x4c: {  	_ =	shalt  }
0x4d: {  	_ =	shalt  }
0x4e: {  	_ =	shalt  }
0x4f: {  	_ =	shalt  }
0x50: {  	_ =	shalt  }
0x51: {  	_ =	shalt  }
0x52: {  	_ =	shalt  }
0x53: {  	_ =	shalt  }
0x54: {  	_ =	shalt  }
0x55: {  	_ =	shalt  }
0x56: {  	_ =	shalt  }
0x57: {  	_ =	shalt  }
0x58: {  	_ =	shalt  }
0x59: {  	_ =	shalt  }
0x5a: {  	_ =	shalt  }
0x5b: {  	_ =	shalt  }
0x5c: {  	_ =	shalt  }
0x5d: {  	_ =	shalt  }
0x5e: {  	_ =	shalt  }
0x5f: {  	_ =	shalt  }
0x60: {  	_ =	shalt  }
0x61: {  	_ =	shalt  }
0x62: {  	_ =	shalt  }
0x63: {  	_ =	shalt  }
0x64: {  	_ =	shalt  }
0x65: {  	_ =	shalt  }
0x66: {  	_ =	shalt  }
0x67: {  	_ =	shalt  }
0x68: {  	_ =	shalt  }
0x69: {  	_ =	shalt  }
0x6a: {  	_ =	shalt  }
0x6b: {  	_ =	shalt  }
0x6c: {  	_ =	shalt  }
0x6d: {  	_ =	shalt  }
0x6e: {  	_ =	shalt  }
0x6f: {  	_ =	shalt  }
0x70: {  	_ =	shalt  }
0x71: {  	_ =	shalt  }
0x72: {  	_ =	shalt  }
0x73: {  	_ =	shalt  }
0x74: {  	_ =	shalt  }
0x75: {  	_ =	shalt  }
0x76: {  	_ =	shalt  }
0x77: {  	_ =	shalt  }
0x78: {  	_ =	shalt  }
0x79: {  	_ =	shalt  }
0x7a: {  	_ =	shalt  }
0x7b: {  	_ =	shalt  }
0x7c: {  	_ =	shalt  }
0x7d: {  	_ =	shalt  }
0x7e: {  	_ =	shalt  }
0x7f: {  	_ =	shalt  }
0x80: {  	_ =	shalt  }
0x81: {  	_ =	shalt  }
0x82: {  	_ =	shalt  }
0x83: {  	_ =	shalt  }
0x84: {  	_ =	shalt  }
0x85: {  	_ =	shalt  }
0x86: {  	_ =	shalt  }
0x87: {  	_ =	shalt  }
.Lfunc_end0:
.L_simem_size_0:
called_computation_lowered:
.L_overlay_start_0:
0x88: {  	s2 =	sld [smem:$0x3FD9]  }
0x89: {  	s3 =	sld [smem:$0x3FFE];
	_ =	sdelay $0x1  }
0x8a: {  	s1 =	srdreg.scid  }
0x8b: {  	s0 =	sand.u32 $0x1, s1  }
0x8c: {  	s18 =	sshll.u32 s0, $0xA;
	s2 =	sadd.s32 s3, s2  }
0x8d: {  	s2 =	sadd.s32 s2, s18  }
0x8e: {  	[smem:$0x3FC6] =	sst s2  }
0x8f: {  	_ = 	snop  }
0x90: {  	s2 =	sld [smem:$0x3FC9]  }
0x91: {  	s19 =	sld [smem:$0x3FC8]  }
0x92: {  	s4 =	sld [smem:$0x3FD0];
	(tm) =	ssettm $0x1  }
0x93: {  	s5 =	sld [smem:$0x3FFB];
	_ =	sdelay $0x3  }
0x94: {  	_ =	strace s5  }
0x95: {  	s5 =	sld [smem:$0x3FFC];
	_ =	sdelay $0x3  }
0x96: {  	_ =	strace s5  }
0x97: {  	s5 =	sld [smem:$0x3FFD];
	_ =	sdelay $0x3  }
0x98: {  	_ =	strace s5  }
0x99: {  	_ =	strace $0x8FFFFFFF  }
0x9a: {  	s20 =	sld [smem:$0x3FDB];
	_ =	sdelay $0x1  }
0x9b: {  	s6 =	simm.s32 $_scs_section_size  }
0x9c: {  	s7 =	simm.s32 $_size__tile_overlayer_lowered;
	s8 =	simm.s32 $_tile_overlayer_lowered  }
0x9d: {  	s23 =	simm.s32 $0x1BFF;
	s22 =	sshll.u32 s8, $0x1;
	s5 =	sadd.s32 s6, s20  }
0x9e: {  	s9 =	simm.s32 $0x0;
	s21 =	sshll.u32 s7, $0x1;
	s7 =	sadd.s32 s22, s5  }
0x9f: {  	[timem:s9], [sflag:s23] =	dma.local [hbm:s7], s21  }
0xa0: {  	_ =	swait.ge [sflag:s23], s21  }
0xa1: {  	s6 =	ssub.s32 $0x0, s21;
	[sflag:s23] =	ssyncset.done $0x0  }
0xa2: {  	[sflag:s23] =	ssyncadd.s32 s6;
	_ =	sdelay $0x1  }
0xa3: {  	s24 =	simm.s32 $0x1B8B  }
0xa4: {  	_ =	swait.ge [sflag:s24], $0x1  }
0xa5: {  	[sflag:s24] =	ssyncset.done $0x0  }
0xa6: {  	s25 =	simm.s32 $0x1B8E;
	[sflag:s24] =	ssyncadd.s32 $0xFFFFFFFF  }
0xa7: {  	s26 =	simm.s32 $execute0_lowered;
	[smem:$0x3FD2] =	sst s25  }
0xa8: {  	s6 =	sshll.u32 s26, $0x1;
	_ =	strace $0x80000046;
	[dreg:$0x1] =	wrdreg $0xFFFFFFFF  }
0xa9: {  	s28 =	simm.s32 $_size_execute0_lowered;
	s5 =	sadd.s32 s5, s6;
	[dreg:$0x0] =	wrdreg $0x0  }
0xaa: {  	s6 =	sshll.u32 s28, $0x1;
	[dreg:$0x2] =	wrdreg s5  }
0xab: {  	[dreg:$0x3] =	wrdreg s6  }
0xac: {  	[dreg:$0x4] =	wrdreg $0xC0  }
0xad: {  	_ =	task [dreg:s9], $0x5FFFF  }
0xae: {  	[dreg:$0x1] =	wrdreg $0xFFFFFFFF  }
0xaf: {  	[dreg:$0x0] =	wrdreg $0x60  }
0xb0: {  	[dreg:$0x2] =	wrdreg s2  }
0xb1: {  	[dreg:$0x3] =	wrdreg s19  }
0xb2: {  	[dreg:$0x4] =	wrdreg s4  }
0xb3: {  	[dreg:$0x5] =	wrdreg $0x9  }
0xb4: {  	_ =	task.clear_ibuf [dreg:s9], $0x6FFFF;
	_ =	strace $0x90000046  }
0xb5: {  	s29 =	simm.s32 $0x9;
	_ =	strace $0x80000048  }
0xb6: {  	_ =	swait.ge [sflag:s29], $0x1  }
0xb7: {  	[sflag:s29] =	ssyncadd.s32 $0xFFFFFFFF  }
0xb8: {  	_ =	strace $0x90000048  }
0xb9: {  	_ =	sfence  }
0xba: {  	s30 =	sld [smem:$0x0];
	_ =	sdelay $0x2  }
0xbb: {  	s31 =	sshll.u32 s1, $0xD;
	s1 =	sshrl.u32 s1, $0x2  }
0xbc: {  	s3 =	sand.u32 $0x4000, s31;
	s1 =	sadd.s32 s1, s30  }
0xbd: {  	s0 =	sor.u32 s3, s0;
	s1 =	sshll.u32 s1, $0x11  }
0xbe: {  	s0 =	sor.u32 s1, s0  }
0xbf: {  	s0 =	sadd.s32 $0x8F2B, s0  }
0xc0: {  	[sflag:s0] =	ssyncadd.remote.s32 $0x1  }
0xc1: {  	_ =	sfence.sel $0xFFFF  }
0xc2: {  	[dreg:$0x0] =	wrdreg $0xFFFFFFFF;
	(pc) =	sbr.abs _section_cstart, $3  }
0xc3: {  	[dreg:$0x1] =	wrdreg $0xFFFFFFFF  }
0xc4: {  	_ =	task.clear_ibuf [dreg:s9], $0x2FFFF;
	_ =	strace $0x9FFFFFFF  }
0xc5: {  	(tm) =	ssettm $0x7FFFFFFF  }
tec
execute0_lowered:
.L_overlay_start_1:
0x0: {  	(tag) =	ssettag $0x1  }
0x1: {  	s1 =	rddreg [dreg:$0x0]  }
0x2: {  	s0 =	rddreg [dreg:$0x1];
	s2 =	srdreg.scid  }
0x3: {  	s3 =	rddreg [dreg:$0x2];
	s8 =	stileid.u32;
	s30 =	simm.s32 $0x800  }
0x4: {  	s31 =	simm.s32 $0x4800;
	s28 =	simm.s32 $0x10800;
	s29 =	simm.s32 $0x7  }
0x5: {  	s5 =	sand.u32 $0x1, s2;
	s2 =	simm.s32 $0x0;
	s7 =	sshll.u32 s8, $0x1  }
0x6: {  	p0 =	slt.u32 s8, $0xD;
	s14 =	sshll.u32 s8, $0x8;
	s4 =	ssub.s32 $0x2, s5  }
0x7: {  	[smem:$0x7FF] =	sst s2;
	s7 =	sor.u32 s5, s7;
	s5 =	sand.u32 $0xC00, s14  }
0x8: {  	s6 =	sshrl.u32 s4, $0x1;
	_ =	strace $0x80000047;
	s9 =	sshll.u32 s7, $0xE  }
0x9: {  	s15 =	sshll.u32 s7, $0x4;
	s10 =	sadd.s32 s0, s5;
	s5 =	sadd.s32 s1, s9  }
0xa: {  	s13 =	sshll.u32 s7, $0x11;
	s6 =	ssub.s32 s4, s6;
	s16 =	sadd.s32 $0x800, s5  }
0xb: {  	s4 =	simm.s32 $0x40;
	s17 =	sadd.s32 $0x1000, s5;
	[dreg:$0x5] =	wrdreg s16  }
0xc: {  	s8 =	sand.u32 $0x70, s15;
	s18 =	sadd.s32 $0x1800, s5;
	[dreg:$0x6] =	wrdreg s17  }
0xd: {  	s12 =	sadd.s32 s3, s9;
	s19 =	smax.u32 s6, $0x1;
	[dreg:$0x7] =	wrdreg s18  }
0xe: {  	s3 =	simm.s32 $0xC800;
	s14 =	sadd.s32 s8, s10;
	[dreg:$0x8] =	wrdreg s19  }
0xf: {  	s9 =	simm.s32 $0x0;
	s20 =	sadd.s32 $0x80, s14;
	[dreg:$0x4] =	wrdreg s14  }
0x10: {  	s4 =	simm.s32 @!p0 $0x38;
	s21 =	sadd.s32 $0x100, s14;
	[dreg:$0x9] =	wrdreg s20  }
0x11: {  	s10 =	sor.u32 $0x20, s7;
	s22 =	sadd.s32 $0x180, s14;
	[dreg:$0xa] =	wrdreg s21  }
0x12: {  	s11 =	sadd.s32 s0, s8;
	s23 =	sadd.s32 $0x200, s14;
	[dreg:$0xb] =	wrdreg s22  }
.Ltmp0:
0x13: {  	s24 =	sadd.s32 $0x280, s14;
	[dreg:$0xc] =	wrdreg s23;
	(pc) =	sbr.rel .LBB2_1-.Ltmp0, $4  }
0x14: {  	s0 =	simm.s32 $0x8800;
	s25 =	sadd.s32 $0x300, s14;
	[dreg:$0xd] =	wrdreg s24  }
0x15: {  	s7 =	simm.s32 $0x14800;
	s26 =	sadd.s32 $0x380, s14;
	[dreg:$0xe] =	wrdreg s25  }
0x16: {  	[dreg:$0xf] =	wrdreg s26;
	s22 =	simm.s32 $0x2;
	s23 =	simm.s32 $0x3  }
0x17: {  	s24 =	simm.s32 $0x4;
	s25 =	simm.s32 $0x5;
	s26 =	simm.s32 $0x6  }
.LBB2_27:
0x18: {  	s6 =	simm.s32 $0x8  }
0x19: {  	_ =	swait.ge [sflag:s6], $0x4000  }
0x1a: {  	[sflag:s6] =	ssyncset.done $0x0  }
0x1b: {  	s17 =	simm.s32 $0x9;
	[sflag:s6] =	ssyncadd.s32 $0xFFFFC000  }
0x1c: {  	_ =	swait.ge [sflag:s17], $0x4000  }
0x1d: {  	[sflag:s17] =	ssyncset.done $0x0  }
0x1e: {  	s18 =	simm.s32 $0xA;
	[sflag:s17] =	ssyncadd.s32 $0xFFFFC000  }
0x1f: {  	_ =	swait.ge [sflag:s18], $0x4000  }
0x20: {  	[sflag:s18] =	ssyncset.done $0x0  }
0x21: {  	s19 =	simm.s32 $0xB;
	[sflag:s18] =	ssyncadd.s32 $0xFFFFC000  }
0x22: {  	_ =	swait.ge [sflag:s19], $0x4000  }
0x23: {  	[sflag:s19] =	ssyncset.done $0x0  }
0x24: {  	s20 =	simm.s32 $0xC;
	[sflag:s19] =	ssyncadd.s32 $0xFFFFC000  }
0x25: {  	_ =	swait.ge [sflag:s20], $0x4000  }
0x26: {  	[sflag:s20] =	ssyncset.done $0x0  }
0x27: {  	s8 =	simm.s32 $0xD;
	[sflag:s20] =	ssyncadd.s32 $0xFFFFC000  }
0x28: {  	_ =	swait.ge [sflag:s8], $0x4000  }
0x29: {  	s9 =	rddreg [dreg:$0x10]  }
0x2a: {  	s21 =	rddreg [dreg:$0x8];
	s9 =	sadd.s32 $0x1, s9  }
0x2b: {  	p0 =	sne.s32 s9, s21  }
.Ltmp1:
0x2c: {  	_ = 	snop;
	(pc) =	sbr.rel @!p0 .LBB2_28-.Ltmp1, $3  }
0x2d: {  	_ =	sdelay $0x1  }
0x2e: {  	[sflag:s8] =	ssyncset.done $0x0  }
0x2f: {  	[sflag:s8] =	ssyncadd.s32 $0xFFFFC000  }
.LBB2_1:
0x30: {  	[dreg:$0x10] =	wrdreg s9  }
0x31: {  	s6 =	rddreg [dreg:$0x4]  }
0x32: {  	[tilespmem:s2], [sflag:$0x1] =	stream.linear.gather [hbm4b:s6+s2], $0x80, $0x38;
	[tilespmem:$0x18800] =	vst v63  }
0x33: {  	s15 =	rddreg [dreg:$0x9];
	s8 =	simm.s32 $0x100  }
0x34: {  	[tilespmem:s8], [sflag:$0x1] =	stream.linear.gather [hbm4b:s15+s2], $0x80, $0x38;
	[tilespmem:$0x18800] =	vst v63  }
0x35: {  	s16 =	rddreg [dreg:$0xa];
	s17 =	simm.s32 $0x200  }
0x36: {  	[tilespmem:s17], [sflag:$0x1] =	stream.linear.gather [hbm4b:s16+s2], $0x80, $0x38;
	[tilespmem:$0x18800] =	vst v63  }
0x37: {  	s18 =	rddreg [dreg:$0xb];
	s19 =	simm.s32 $0x300  }
0x38: {  	[tilespmem:s19], [sflag:$0x1] =	stream.linear.gather [hbm4b:s18+s2], $0x80, $0x38;
	[tilespmem:$0x18800] =	vst v63  }
0x39: {  	s20 =	rddreg [dreg:$0xc];
	s21 =	simm.s32 $0x400  }
0x3a: {  	[tilespmem:s21], [sflag:$0x1] =	stream.linear.gather [hbm4b:s20+s2], $0x80, $0x38;
	[tilespmem:$0x18800] =	vst v63  }
0x3b: {  	s9 =	rddreg [dreg:$0xd];
	s14 =	simm.s32 $0x500  }
0x3c: {  	[tilespmem:s14], [sflag:$0x1] =	stream.linear.gather [hbm4b:s9+s2], $0x80, $0x38;
	[tilespmem:$0x18800] =	vst v63  }
0x3d: {  	s15 =	rddreg [dreg:$0xe];
	s16 =	simm.s32 $0x600  }
0x3e: {  	[tilespmem:s16], [sflag:$0x1] =	stream.linear.gather [hbm4b:s15+s2], $0x80, $0x38;
	[tilespmem:$0x18800] =	vst v63  }
0x3f: {  	s17 =	rddreg [dreg:$0xf];
	s18 =	simm.s32 $0x700  }
0x40: {  	[tilespmem:s18], [sflag:$0x1] =	stream.linear.gather [hbm4b:s17+s2], $0x80, $0x38;
	[tilespmem:$0x18800] =	vst v63  }
0x41: {  	_ = 	snop  }
0x42: {  	[tilespmem:s30], [sflag:$0x2] =	stream.linear.gather [hbm4b:s5+s2], $0x4000, $0x38;
	[tilespmem:$0x18800] =	vst v63  }
0x43: {  	s19 =	rddreg [dreg:$0x5]  }
0x44: {  	[tilespmem:s31], [sflag:$0x3] =	stream.linear.gather [hbm4b:s19+s2], $0x4000, $0x38;
	[tilespmem:$0x18800] =	vst v63  }
.Ltmp2:
0x45: {  	_ = 	snop;
	(pc) =	sbr.rel .LBB2_2-.Ltmp2, $4  }
0x46: {  	s20 =	rddreg [dreg:$0x6]  }
0x47: {  	[tilespmem:s0], [sflag:$0x4] =	stream.linear.gather [hbm4b:s20+s2], $0x4000, $0x38;
	[tilespmem:$0x18800] =	vst v63  }
0x48: {  	s21 =	rddreg [dreg:$0x7];
	s19 =	simm.s32 $0x0  }
0x49: {  	[tilespmem:s3], [sflag:$0x5] =	stream.linear.gather [hbm4b:s21+s2], $0x4000, $0x38;
	[tilespmem:$0x18800] =	vst v63  }
.LBB2_26:
0x4a: {  	s19 =	sadd.s32 $0x1, s19  }
0x4b: {  	p0 =	sne.s32 s19, $0xB  }
.Ltmp3:
0x4c: {  	_ = 	snop;
	(pc) =	sbr.rel @!p0 .LBB2_27-.Ltmp3, $1  }
0x4d: {  	_ =	sdelay $0x3  }
.LBB2_2:
0x4e: {  	s20 =	smul.u32 $0x6, s19;
	_ =	sdelay $0x1  }
0x4f: {  	p0 =	sge.u32 s20, s4  }
.Ltmp4:
0x50: {  	_ = 	snop;
	(pc) =	sbr.rel @p0 .LBB2_6-.Ltmp4, $1  }
0x51: {  	_ =	sdelay $0x3  }
0x52: {  	s21 =	sand.u32 $0x6, s20  }
0x53: {  	p1 =	sne.s32 s21, $0x0  }
0x54: {  	s6 =	smul.u32 @!p1 $0x18, s19;
	_ =	sdelay $0x1  }
0x55: {  	s6 =	sadd.s32 @!p1 s6, s10  }
0x56: {  	s8 =	simm.s32 @!p1 $0x1;
	p2 =	sgt.u32 @!p1 s6, $0xF9  }
0x57: {  	_ =	swait.ge @!p1 [sflag:s8], $0x400;
	p0 =	por p2, p1  }
0x58: {  	[sflag:s8] =	ssyncset.done @!p1 $0x0;
	s9 =	sand.u32 @!p0 $0x8, s20  }
0x59: {  	[sflag:s8] =	ssyncadd.s32 @!p1 $0xFFFFFC00;
	p3 =	seq.s32 @!p0 s9, $0x0  }
0x5a: {  	s6 =	sshll.u32 @!p0 s6, $0x7;
	s8 =	simm.s32 @!p0 $0x80;
	p2 =	por @!p1 !p3, p2  }
0x5b: {  	s14 =	simm.s32 @!p0 $0x0;
	s6 =	sand.u32 @!p0 $0x7C00, s6;
	p1 =	por !p2, p1  }
0x5c: {  	s9 =	simm.s32 @!p0 $0x180;
	s6 =	sadd.s32 @!p0 s6, s11;
	s8 =	simm.s32 @!p1 $0x0  }
0x5d: {  	[tilespmem:s8], [sflag:$0x1] =	stream.linear.gather @!p0 [hbm4b:s6+s14], $0x80, $0x38;
	[tilespmem:$0x18800] =	vst v63  }
0x5e: {  	s15 =	simm.s32 @!p0 $0x280;
	s9 =	simm.s32 @!p1 $0x100;
	s8 =	sadd.s32 @!p0 $0x80, s6  }
0x5f: {  	[tilespmem:s9], [sflag:$0x1] =	stream.linear.gather @!p0 [hbm4b:s8+s14], $0x80, $0x38;
	[tilespmem:$0x18800] =	vst v63  }
0x60: {  	s15 =	simm.s32 @!p1 $0x200;
	s8 =	sadd.s32 @!p0 $0x100, s6;
	s9 =	simm.s32 @!p0 $0x380  }
0x61: {  	[tilespmem:s15], [sflag:$0x1] =	stream.linear.gather @!p0 [hbm4b:s8+s14], $0x80, $0x38;
	[tilespmem:$0x18800] =	vst v63  }
0x62: {  	s9 =	simm.s32 @!p1 $0x300;
	s8 =	sadd.s32 @!p0 $0x180, s6;
	s15 =	simm.s32 @!p0 $0x480  }
0x63: {  	[tilespmem:s9], [sflag:$0x1] =	stream.linear.gather @!p0 [hbm4b:s8+s14], $0x80, $0x38;
	[tilespmem:$0x18800] =	vst v63  }
0x64: {  	s15 =	simm.s32 @!p1 $0x400;
	s8 =	sadd.s32 @!p0 $0x200, s6;
	s9 =	simm.s32 @!p0 $0x580  }
0x65: {  	[tilespmem:s15], [sflag:$0x1] =	stream.linear.gather @!p0 [hbm4b:s8+s14], $0x80, $0x38;
	[tilespmem:$0x18800] =	vst v63  }
0x66: {  	s9 =	simm.s32 @!p1 $0x500;
	s8 =	sadd.s32 @!p0 $0x280, s6;
	s15 =	simm.s32 @!p0 $0x680  }
0x67: {  	[tilespmem:s9], [sflag:$0x1] =	stream.linear.gather @!p0 [hbm4b:s8+s14], $0x80, $0x38;
	[tilespmem:$0x18800] =	vst v63  }
0x68: {  	s15 =	simm.s32 @!p1 $0x600;
	s8 =	simm.s32 @!p0 $0x780;
	s9 =	sadd.s32 @!p0 $0x300, s6  }
0x69: {  	[tilespmem:s15], [sflag:$0x1] =	stream.linear.gather @!p0 [hbm4b:s9+s14], $0x80, $0x38;
	[tilespmem:$0x18800] =	vst v63  }
0x6a: {  	s6 =	sadd.s32 @!p0 $0x380, s6;
	s8 =	simm.s32 @!p1 $0x700  }
0x6b: {  	[tilespmem:s8], [sflag:$0x1] =	stream.linear.gather @!p0 [hbm4b:s6+s14], $0x80, $0x38;
	[tilespmem:$0x18800] =	vst v63  }
0x6c: {  	s6 =	sadd.s32 $0x4, s20  }
0x6d: {  	p0 =	sge.u32 s6, s4  }
0x6e: {  	_ =	swait.ge [sflag:s22], $0x4000;
	p1 =	seq.s32 @!p0 s19, $0x0  }
0x6f: {  	[sflag:s22] =	ssyncset.done $0x0;
	s9 =	sshll.u32 @!p0 s6, $0x10;
	p1 =	por p1, p0  }
0x70: {  	s6 =	sshll.u32 @!p0 s6, $0xB;
	[sflag:s22] =	ssyncadd.s32 $0xFFFFC000;
	s8 =	simm.s32 @!p1 $0xC  }
0x71: {  	s9 =	sand.u32 @!p0 $0xF80000, s9;
	s6 =	sand.u32 @!p0 $0x3000, s6;
	_ =	swait.ge @!p1 [sflag:s8], $0x4000  }
0x72: {  	s6 =	sor.u32 @!p0 s6, s9;
	s9 =	simm.s32 @!p0 $0x10800;
	[sflag:s8] =	ssyncset.done @!p1 $0x0  }
0x73: {  	s6 =	sadd.s32 @!p0 s6, s5;
	[sflag:s8] =	ssyncadd.s32 @!p1 $0xFFFFC000;
	s8 =	simm.s32 @!p0 $0x0  }
0x74: {  	[tilespmem:s9], [sflag:$0x6] =	stream.linear.gather @!p0 [hbm4b:s6+s8], $0x4000, $0x38;
	[tilespmem:$0x18800] =	vst v63  }
0x75: {  	s6 =	sshrl.u32 s20, $0x3;
	s8 =	simm.s32 $0x0  }
0x76: {  	s17 =	sshll.u32 s6, $0x7;
	s18 =	sand.u32 $0x1C00, s8  }
0x77: {  	s9 =	sand.u32 $0x80, s17;
	s17 =	sshrl.u32 s18, $0x2  }
0x78: {  	s16 =	sand.u32 $0x70, s8;
	s15 =	sor.u32 s17, s9  }
0x79: {  	s15 =	sadd.s32 s16, s15  }
0x7a: {  	v0 =	vld [tilespmem:s15+$0x0];
	_ =	sdelay $0x3  }
0x7b: {  	s14 =	sor.u32 s16, s18  }
0x7c: {  	[tilespmem:s14+$0x800] =	vst.add.f32.msk $0xffff, v0  }
0x7d: {  	[tilespmem:s14+$0x880] =	vst.add.f32.msk $0xffff, v0  }
0x7e: {  	[tilespmem:s14+$0x900] =	vst.add.f32.msk $0xffff, v0  }
0x7f: {  	[tilespmem:s14+$0x980] =	vst.add.f32.msk $0xffff, v0  }
0x80: {  	[tilespmem:s14+$0xA00] =	vst.add.f32.msk $0xffff, v0  }
0x81: {  	[tilespmem:s14+$0xA80] =	vst.add.f32.msk $0xffff, v0  }
0x82: {  	[tilespmem:s14+$0xB00] =	vst.add.f32.msk $0xffff, v0  }
0x83: {  	[tilespmem:s14+$0xB80] =	vst.add.f32.msk $0xffff, v0  }
0x84: {  	[tilespmem:s14+$0x2800] =	vst.add.f32.msk $0xffff, v0  }
0x85: {  	[tilespmem:s14+$0x2880] =	vst.add.f32.msk $0xffff, v0  }
0x86: {  	[tilespmem:s14+$0x2900] =	vst.add.f32.msk $0xffff, v0  }
0x87: {  	s18 =	simm.s32 $0x80;
	[tilespmem:s14+$0x2980] =	vst.add.f32.msk $0xffff, v0  }
0x88: {  	s16 =	sand.u32 $0x1C00, s18;
	s15 =	simm.s32 $0x100;
	[tilespmem:s14+$0x2A00] =	vst.add.f32.msk $0xffff, v0  }
.LBB2_4:
0x89: {  	p0 =	sne.s32 s15, $0x1F80;
	s17 =	sshrl.u32 s16, $0x2;
	[tilespmem:s14+$0x2A80] =	vst.add.f32.msk $0xffff, v0;
	s8 =	sadd.s32 $0x10, s8  }
0x8a: {  	s18 =	sand.u32 $0x70, s8;
	s17 =	sor.u32 s17, s9;
	[tilespmem:s14+$0x2B00] =	vst.add.f32.msk $0xffff, v0  }
0x8b: {  	s17 =	sadd.s32 s18, s17;
	[tilespmem:s14+$0x2B80] =	vst.add.f32.msk $0xffff, v0  }
0x8c: {  	v0 =	vld [tilespmem:s17+$0x0];
	_ =	sdelay $0x3  }
0x8d: {  	s14 =	sor.u32 s18, s16  }
0x8e: {  	[tilespmem:s14+$0x800] =	vst.add.f32.msk $0xffff, v0  }
0x8f: {  	[tilespmem:s14+$0x880] =	vst.add.f32.msk $0xffff, v0  }
0x90: {  	[tilespmem:s14+$0x900] =	vst.add.f32.msk $0xffff, v0  }
0x91: {  	[tilespmem:s14+$0x980] =	vst.add.f32.msk $0xffff, v0  }
0x92: {  	[tilespmem:s14+$0xA00] =	vst.add.f32.msk $0xffff, v0  }
0x93: {  	[tilespmem:s14+$0xA80] =	vst.add.f32.msk $0xffff, v0  }
0x94: {  	[tilespmem:s14+$0xB00] =	vst.add.f32.msk $0xffff, v0  }
0x95: {  	[tilespmem:s14+$0xB80] =	vst.add.f32.msk $0xffff, v0  }
.Ltmp5:
0x96: {  	[tilespmem:s14+$0x2800] =	vst.add.f32.msk $0xffff, v0;
	(pc) =	sbr.rel @p0 .LBB2_4-.Ltmp5, $4  }
0x97: {  	[tilespmem:s14+$0x2880] =	vst.add.f32.msk $0xffff, v0  }
0x98: {  	[tilespmem:s14+$0x2900] =	vst.add.f32.msk $0xffff, v0  }
0x99: {  	[tilespmem:s14+$0x2980] =	vst.add.f32.msk $0xffff, v0  }
0x9a: {  	s16 =	sand.u32 $0x1C00, s15;
	s15 =	sadd.s32 $0x80, s15;
	[tilespmem:s14+$0x2A00] =	vst.add.f32.msk $0xffff, v0  }
0x9b: {  	s15 =	sshrl.u32 s16, $0x2;
	[tilespmem:s14+$0x2A80] =	vst.add.f32.msk $0xffff, v0;
	s8 =	sadd.s32 $0x10, s8  }
0x9c: {  	[tilespmem:s14+$0x2B00] =	vst.add.f32.msk $0xffff, v0;
	s8 =	sand.u32 $0x70, s8;
	s9 =	sor.u32 s15, s9  }
0x9d: {  	[tilespmem:s14+$0x2B80] =	vst.add.f32.msk $0xffff, v0;
	s9 =	sadd.s32 s8, s9  }
0x9e: {  	v0 =	vld [tilespmem:s9+$0x0];
	_ =	sdelay $0x3  }
0x9f: {  	s8 =	sor.u32 s8, s16  }
0xa0: {  	[tilespmem:s8+$0x800] =	vst.add.f32.msk $0xffff, v0  }
0xa1: {  	[tilespmem:s8+$0x880] =	vst.add.f32.msk $0xffff, v0  }
0xa2: {  	[tilespmem:s8+$0x900] =	vst.add.f32.msk $0xffff, v0  }
0xa3: {  	[tilespmem:s8+$0x980] =	vst.add.f32.msk $0xffff, v0  }
0xa4: {  	[tilespmem:s8+$0xA00] =	vst.add.f32.msk $0xffff, v0  }
0xa5: {  	[tilespmem:s8+$0xA80] =	vst.add.f32.msk $0xffff, v0  }
0xa6: {  	[tilespmem:s8+$0xB00] =	vst.add.f32.msk $0xffff, v0  }
0xa7: {  	[tilespmem:s8+$0xB80] =	vst.add.f32.msk $0xffff, v0  }
0xa8: {  	[tilespmem:s8+$0x2800] =	vst.add.f32.msk $0xffff, v0  }
0xa9: {  	[tilespmem:s8+$0x2880] =	vst.add.f32.msk $0xffff, v0  }
0xaa: {  	[tilespmem:s8+$0x2900] =	vst.add.f32.msk $0xffff, v0  }
0xab: {  	[tilespmem:s8+$0x2980] =	vst.add.f32.msk $0xffff, v0  }
0xac: {  	[tilespmem:s8+$0x2A00] =	vst.add.f32.msk $0xffff, v0  }
0xad: {  	s21 =	sshll.u32 s21, $0xB;
	[tilespmem:s8+$0x2A80] =	vst.add.f32.msk $0xffff, v0  }
0xae: {  	s6 =	sshll.u32 s6, $0x13;
	s9 =	sadd.s32 s21, s12;
	[tilespmem:s8+$0x2B00] =	vst.add.f32.msk $0xffff, v0  }
0xaf: {  	s6 =	sadd.s32 s6, s9;
	[tilespmem:s8+$0x2B80] =	vst.add.f32.msk $0xffff, v0  }
0xb0: {  	[hbm4b:s6+s2] =	stream.linear.scatter [tilespmem:s30], [sflag:$0x8], $0x4000, $0x38;
	[tilespmem:$0x18800] =	vst v63  }
.LBB2_6:
0xb1: {  	s21 =	sor.u32 $0x1, s20  }
0xb2: {  	p0 =	sge.u32 s21, s4  }
.Ltmp6:
0xb3: {  	_ = 	snop;
	(pc) =	sbr.rel @p0 .LBB2_10-.Ltmp6, $1  }
0xb4: {  	_ =	sdelay $0x3  }
0xb5: {  	s6 =	sadd.s32 $0x5, s20  }
0xb6: {  	_ =	swait.ge [sflag:s23], $0x4000;
	p0 =	sge.u32 s6, s4  }
0xb7: {  	[sflag:s23] =	ssyncset.done $0x0;
	p1 =	seq.s32 @!p0 s19, $0x0  }
0xb8: {  	[sflag:s23] =	ssyncadd.s32 $0xFFFFC000;
	p1 =	por p1, p0  }
0xb9: {  	s9 =	sshll.u32 @!p0 s6, $0x10;
	s6 =	sshll.u32 @!p0 s6, $0xB;
	s8 =	simm.s32 @!p1 $0xD  }
0xba: {  	s9 =	sand.u32 @!p0 $0xF80000, s9;
	s6 =	sand.u32 @!p0 $0x3800, s6;
	_ =	swait.ge @!p1 [sflag:s8], $0x4000  }
0xbb: {  	s6 =	sor.u32 @!p0 s6, s9;
	s9 =	simm.s32 @!p0 $0x14800;
	[sflag:s8] =	ssyncset.done @!p1 $0x0  }
0xbc: {  	s6 =	sadd.s32 @!p0 s6, s5;
	[sflag:s8] =	ssyncadd.s32 @!p1 $0xFFFFC000;
	s8 =	simm.s32 @!p0 $0x0  }
0xbd: {  	[tilespmem:s9], [sflag:$0x7] =	stream.linear.gather @!p0 [hbm4b:s6+s8], $0x4000, $0x38;
	[tilespmem:$0x18800] =	vst v63  }
0xbe: {  	s6 =	sshrl.u32 s20, $0x3;
	s8 =	simm.s32 $0x0  }
0xbf: {  	s17 =	sshll.u32 s6, $0x7;
	s14 =	sand.u32 $0x1C00, s8  }
0xc0: {  	s9 =	sand.u32 $0x80, s17;
	s15 =	sshrl.u32 s14, $0x2  }
0xc1: {  	s16 =	sand.u32 $0x70, s8;
	s15 =	sor.u32 s15, s9  }
0xc2: {  	s15 =	sadd.s32 s16, s15  }
0xc3: {  	v0 =	vld [tilespmem:s15+$0x0];
	_ =	sdelay $0x3  }
0xc4: {  	s14 =	sor.u32 s16, s14  }
0xc5: {  	[tilespmem:s14+$0x4800] =	vst.add.f32.msk $0xffff, v0  }
0xc6: {  	[tilespmem:s14+$0x4880] =	vst.add.f32.msk $0xffff, v0  }
0xc7: {  	[tilespmem:s14+$0x4900] =	vst.add.f32.msk $0xffff, v0  }
0xc8: {  	[tilespmem:s14+$0x4980] =	vst.add.f32.msk $0xffff, v0  }
0xc9: {  	[tilespmem:s14+$0x4A00] =	vst.add.f32.msk $0xffff, v0  }
0xca: {  	[tilespmem:s14+$0x4A80] =	vst.add.f32.msk $0xffff, v0  }
0xcb: {  	[tilespmem:s14+$0x4B00] =	vst.add.f32.msk $0xffff, v0  }
0xcc: {  	[tilespmem:s14+$0x4B80] =	vst.add.f32.msk $0xffff, v0  }
0xcd: {  	[tilespmem:s14+$0x6800] =	vst.add.f32.msk $0xffff, v0  }
0xce: {  	[tilespmem:s14+$0x6880] =	vst.add.f32.msk $0xffff, v0  }
0xcf: {  	[tilespmem:s14+$0x6900] =	vst.add.f32.msk $0xffff, v0  }
0xd0: {  	s18 =	simm.s32 $0x80;
	[tilespmem:s14+$0x6980] =	vst.add.f32.msk $0xffff, v0  }
0xd1: {  	s16 =	sand.u32 $0x1C00, s18;
	s15 =	simm.s32 $0x100;
	[tilespmem:s14+$0x6A00] =	vst.add.f32.msk $0xffff, v0  }
.LBB2_8:
0xd2: {  	p0 =	sne.s32 s15, $0x1F80;
	s17 =	sshrl.u32 s16, $0x2;
	[tilespmem:s14+$0x6A80] =	vst.add.f32.msk $0xffff, v0;
	s8 =	sadd.s32 $0x10, s8  }
0xd3: {  	s18 =	sand.u32 $0x70, s8;
	s17 =	sor.u32 s17, s9;
	[tilespmem:s14+$0x6B00] =	vst.add.f32.msk $0xffff, v0  }
0xd4: {  	s17 =	sadd.s32 s18, s17;
	[tilespmem:s14+$0x6B80] =	vst.add.f32.msk $0xffff, v0  }
0xd5: {  	v0 =	vld [tilespmem:s17+$0x0];
	_ =	sdelay $0x3  }
0xd6: {  	s14 =	sor.u32 s18, s16  }
0xd7: {  	[tilespmem:s14+$0x4800] =	vst.add.f32.msk $0xffff, v0  }
0xd8: {  	[tilespmem:s14+$0x4880] =	vst.add.f32.msk $0xffff, v0  }
0xd9: {  	[tilespmem:s14+$0x4900] =	vst.add.f32.msk $0xffff, v0  }
0xda: {  	[tilespmem:s14+$0x4980] =	vst.add.f32.msk $0xffff, v0  }
0xdb: {  	[tilespmem:s14+$0x4A00] =	vst.add.f32.msk $0xffff, v0  }
0xdc: {  	[tilespmem:s14+$0x4A80] =	vst.add.f32.msk $0xffff, v0  }
0xdd: {  	[tilespmem:s14+$0x4B00] =	vst.add.f32.msk $0xffff, v0  }
0xde: {  	[tilespmem:s14+$0x4B80] =	vst.add.f32.msk $0xffff, v0  }
.Ltmp7:
0xdf: {  	[tilespmem:s14+$0x6800] =	vst.add.f32.msk $0xffff, v0;
	(pc) =	sbr.rel @p0 .LBB2_8-.Ltmp7, $4  }
0xe0: {  	[tilespmem:s14+$0x6880] =	vst.add.f32.msk $0xffff, v0  }
0xe1: {  	[tilespmem:s14+$0x6900] =	vst.add.f32.msk $0xffff, v0  }
0xe2: {  	[tilespmem:s14+$0x6980] =	vst.add.f32.msk $0xffff, v0  }
0xe3: {  	s16 =	sand.u32 $0x1C00, s15;
	s15 =	sadd.s32 $0x80, s15;
	[tilespmem:s14+$0x6A00] =	vst.add.f32.msk $0xffff, v0  }
0xe4: {  	s15 =	sshrl.u32 s16, $0x2;
	[tilespmem:s14+$0x6A80] =	vst.add.f32.msk $0xffff, v0;
	s8 =	sadd.s32 $0x10, s8  }
0xe5: {  	[tilespmem:s14+$0x6B00] =	vst.add.f32.msk $0xffff, v0;
	s8 =	sand.u32 $0x70, s8;
	s9 =	sor.u32 s15, s9  }
0xe6: {  	[tilespmem:s14+$0x6B80] =	vst.add.f32.msk $0xffff, v0;
	s9 =	sadd.s32 s8, s9  }
0xe7: {  	v0 =	vld [tilespmem:s9+$0x0];
	_ =	sdelay $0x3  }
0xe8: {  	s8 =	sor.u32 s8, s16  }
0xe9: {  	[tilespmem:s8+$0x4800] =	vst.add.f32.msk $0xffff, v0  }
0xea: {  	[tilespmem:s8+$0x4880] =	vst.add.f32.msk $0xffff, v0  }
0xeb: {  	[tilespmem:s8+$0x4900] =	vst.add.f32.msk $0xffff, v0  }
0xec: {  	[tilespmem:s8+$0x4980] =	vst.add.f32.msk $0xffff, v0  }
0xed: {  	[tilespmem:s8+$0x4A00] =	vst.add.f32.msk $0xffff, v0  }
0xee: {  	[tilespmem:s8+$0x4A80] =	vst.add.f32.msk $0xffff, v0  }
0xef: {  	[tilespmem:s8+$0x4B00] =	vst.add.f32.msk $0xffff, v0  }
0xf0: {  	[tilespmem:s8+$0x4B80] =	vst.add.f32.msk $0xffff, v0  }
0xf1: {  	[tilespmem:s8+$0x6800] =	vst.add.f32.msk $0xffff, v0  }
0xf2: {  	[tilespmem:s8+$0x6880] =	vst.add.f32.msk $0xffff, v0  }
0xf3: {  	[tilespmem:s8+$0x6900] =	vst.add.f32.msk $0xffff, v0  }
0xf4: {  	[tilespmem:s8+$0x6980] =	vst.add.f32.msk $0xffff, v0  }
0xf5: {  	[tilespmem:s8+$0x6A00] =	vst.add.f32.msk $0xffff, v0  }
0xf6: {  	s6 =	sshll.u32 s6, $0x13;
	s21 =	sshll.u32 s21, $0xB;
	[tilespmem:s8+$0x6A80] =	vst.add.f32.msk $0xffff, v0  }
0xf7: {  	s6 =	sadd.s32 s6, s12;
	s9 =	sand.u32 $0x3800, s21;
	[tilespmem:s8+$0x6B00] =	vst.add.f32.msk $0xffff, v0  }
0xf8: {  	s6 =	sadd.s32 s9, s6;
	[tilespmem:s8+$0x6B80] =	vst.add.f32.msk $0xffff, v0  }
0xf9: {  	[hbm4b:s6+s2] =	stream.linear.scatter [tilespmem:s31], [sflag:$0x9], $0x4000, $0x38;
	[tilespmem:$0x18800] =	vst v63  }
.LBB2_10:
0xfa: {  	s6 =	sadd.s32 $0x2, s20  }
0xfb: {  	p0 =	sge.u32 s6, s4  }
.Ltmp8:
0xfc: {  	_ = 	snop;
	(pc) =	sbr.rel @p0 .LBB2_14-.Ltmp8, $1  }
0xfd: {  	_ =	sdelay $0x3  }
0xfe: {  	s21 =	sand.u32 $0x6, s6  }
0xff: {  	p2 =	sne.s32 s21, $0x0  }
0x100: {  	s8 =	sshll.u32 @!p2 s6, $0x2  }
0x101: {  	s8 =	sadd.s32 @!p2 s10, s8  }
0x102: {  	p1 =	sgt.u32 @!p2 s8, $0xF9  }
0x103: {  	p0 =	por p1, p2  }
0x104: {  	s9 =	sand.u32 @!p0 $0x8, s6  }
0x105: {  	s14 =	simm.s32 @!p2 $0x1;
	p3 =	seq.s32 @!p0 s9, $0x0  }
0x106: {  	_ =	swait.ge @!p2 [sflag:s14], $0x400;
	p1 =	por @!p2 !p3, p1  }
0x107: {  	[sflag:s14] =	ssyncset.done @!p2 $0x0;
	s9 =	simm.s32 @!p0 $0x7C00;
	p1 =	por !p1, p2  }
0x108: {  	[sflag:s14] =	ssyncadd.s32 @!p2 $0xFFFFFC00;
	s8 =	sshll.u32 @!p0 s8, $0x7;
	s9 =	simm.s32 @!p1 $0x6C00  }
0x109: {  	s15 =	simm.s32 @!p0 $0x80;
	s14 =	simm.s32 @!p0 $0x0;
	s8 =	sand.u32 @!p0 s9, s8  }
0x10a: {  	s15 =	simm.s32 @!p1 $0x0;
	s9 =	simm.s32 @!p0 $0x180;
	s8 =	sadd.s32 @!p0 s8, s11  }
0x10b: {  	[tilespmem:s15], [sflag:$0x1] =	stream.linear.gather @!p0 [hbm4b:s8+s14], $0x80, $0x38;
	[tilespmem:$0x18800] =	vst v63  }
0x10c: {  	s9 =	simm.s32 @!p1 $0x100;
	s15 =	simm.s32 @!p0 $0x280;
	s16 =	sadd.s32 @!p0 $0x80, s8  }
0x10d: {  	[tilespmem:s9], [sflag:$0x1] =	stream.linear.gather @!p0 [hbm4b:s16+s14], $0x80, $0x38;
	[tilespmem:$0x18800] =	vst v63  }
0x10e: {  	s15 =	simm.s32 @!p1 $0x200;
	s9 =	simm.s32 @!p0 $0x380;
	s16 =	sadd.s32 @!p0 $0x100, s8  }
0x10f: {  	[tilespmem:s15], [sflag:$0x1] =	stream.linear.gather @!p0 [hbm4b:s16+s14], $0x80, $0x38;
	[tilespmem:$0x18800] =	vst v63  }
0x110: {  	s9 =	simm.s32 @!p1 $0x300;
	s15 =	simm.s32 @!p0 $0x480;
	s16 =	sadd.s32 @!p0 $0x180, s8  }
0x111: {  	[tilespmem:s9], [sflag:$0x1] =	stream.linear.gather @!p0 [hbm4b:s16+s14], $0x80, $0x38;
	[tilespmem:$0x18800] =	vst v63  }
0x112: {  	s15 =	simm.s32 @!p1 $0x400;
	s9 =	simm.s32 @!p0 $0x580;
	s16 =	sadd.s32 @!p0 $0x200, s8  }
0x113: {  	[tilespmem:s15], [sflag:$0x1] =	stream.linear.gather @!p0 [hbm4b:s16+s14], $0x80, $0x38;
	[tilespmem:$0x18800] =	vst v63  }
0x114: {  	s9 =	simm.s32 @!p1 $0x500;
	s15 =	simm.s32 @!p0 $0x680;
	s16 =	sadd.s32 @!p0 $0x280, s8  }
0x115: {  	[tilespmem:s9], [sflag:$0x1] =	stream.linear.gather @!p0 [hbm4b:s16+s14], $0x80, $0x38;
	[tilespmem:$0x18800] =	vst v63  }
0x116: {  	s15 =	simm.s32 @!p1 $0x600;
	s9 =	simm.s32 @!p0 $0x780;
	s16 =	sadd.s32 @!p0 $0x300, s8  }
0x117: {  	[tilespmem:s15], [sflag:$0x1] =	stream.linear.gather @!p0 [hbm4b:s16+s14], $0x80, $0x38;
	[tilespmem:$0x18800] =	vst v63  }
0x118: {  	s8 =	sadd.s32 @!p0 $0x380, s8;
	s9 =	simm.s32 @!p1 $0x700  }
0x119: {  	[tilespmem:s9], [sflag:$0x1] =	stream.linear.gather @!p0 [hbm4b:s8+s14], $0x80, $0x38;
	[tilespmem:$0x18800] =	vst v63  }
0x11a: {  	s8 =	sadd.s32 $0x6, s20  }
0x11b: {  	_ =	swait.ge [sflag:s24], $0x4000;
	p0 =	sge.u32 s8, s4  }
0x11c: {  	[sflag:s24] =	ssyncset.done $0x0;
	s9 =	simm.s32 @!p0 $0x8  }
0x11d: {  	s14 =	sshll.u32 @!p0 s8, $0x10;
	s8 =	sshll.u32 @!p0 s8, $0xB;
	[sflag:s24] =	ssyncadd.s32 $0xFFFFC000  }
0x11e: {  	s14 =	sand.u32 @!p0 $0xF80000, s14;
	s8 =	sand.u32 @!p0 $0x3000, s8;
	_ =	swait.ge @!p0 [sflag:s9], $0x4000  }
0x11f: {  	s8 =	sor.u32 @!p0 s8, s14;
	s14 =	simm.s32 @!p0 $0x800;
	[sflag:s9] =	ssyncset.done @!p0 $0x0  }
0x120: {  	s8 =	sadd.s32 @!p0 s8, s5;
	[sflag:s9] =	ssyncadd.s32 @!p0 $0xFFFFC000;
	s9 =	simm.s32 @!p0 $0x0  }
0x121: {  	[tilespmem:s14], [sflag:$0x2] =	stream.linear.gather @!p0 [hbm4b:s8+s9], $0x4000, $0x38;
	[tilespmem:$0x18800] =	vst v63  }
0x122: {  	s6 =	sshrl.u32 s6, $0x3;
	s8 =	simm.s32 $0x0  }
0x123: {  	s17 =	sshll.u32 s6, $0x7;
	s18 =	sand.u32 $0x1C00, s8  }
0x124: {  	s9 =	sand.u32 $0x80, s17;
	s16 =	sshrl.u32 s18, $0x2  }
0x125: {  	s17 =	sand.u32 $0x70, s8;
	s15 =	sor.u32 s16, s9  }
0x126: {  	s15 =	sadd.s32 s17, s15  }
0x127: {  	v0 =	vld [tilespmem:s15+$0x0];
	_ =	sdelay $0x3  }
0x128: {  	s14 =	sor.u32 s17, s18  }
0x129: {  	[tilespmem:s14+$0x8800] =	vst.add.f32.msk $0xffff, v0  }
0x12a: {  	[tilespmem:s14+$0x8880] =	vst.add.f32.msk $0xffff, v0  }
0x12b: {  	[tilespmem:s14+$0x8900] =	vst.add.f32.msk $0xffff, v0  }
0x12c: {  	[tilespmem:s14+$0x8980] =	vst.add.f32.msk $0xffff, v0  }
0x12d: {  	[tilespmem:s14+$0x8A00] =	vst.add.f32.msk $0xffff, v0  }
0x12e: {  	[tilespmem:s14+$0x8A80] =	vst.add.f32.msk $0xffff, v0  }
0x12f: {  	[tilespmem:s14+$0x8B00] =	vst.add.f32.msk $0xffff, v0  }
0x130: {  	[tilespmem:s14+$0x8B80] =	vst.add.f32.msk $0xffff, v0  }
0x131: {  	[tilespmem:s14+$0xA800] =	vst.add.f32.msk $0xffff, v0  }
0x132: {  	[tilespmem:s14+$0xA880] =	vst.add.f32.msk $0xffff, v0  }
0x133: {  	[tilespmem:s14+$0xA900] =	vst.add.f32.msk $0xffff, v0  }
0x134: {  	s18 =	simm.s32 $0x80;
	[tilespmem:s14+$0xA980] =	vst.add.f32.msk $0xffff, v0  }
0x135: {  	s16 =	sand.u32 $0x1C00, s18;
	s15 =	simm.s32 $0x100;
	[tilespmem:s14+$0xAA00] =	vst.add.f32.msk $0xffff, v0  }
.LBB2_12:
0x136: {  	p0 =	sne.s32 s15, $0x1F80;
	s17 =	sshrl.u32 s16, $0x2;
	[tilespmem:s14+$0xAA80] =	vst.add.f32.msk $0xffff, v0;
	s8 =	sadd.s32 $0x10, s8  }
0x137: {  	s18 =	sand.u32 $0x70, s8;
	s17 =	sor.u32 s17, s9;
	[tilespmem:s14+$0xAB00] =	vst.add.f32.msk $0xffff, v0  }
0x138: {  	s17 =	sadd.s32 s18, s17;
	[tilespmem:s14+$0xAB80] =	vst.add.f32.msk $0xffff, v0  }
0x139: {  	v0 =	vld [tilespmem:s17+$0x0];
	_ =	sdelay $0x3  }
0x13a: {  	s14 =	sor.u32 s18, s16  }
0x13b: {  	[tilespmem:s14+$0x8800] =	vst.add.f32.msk $0xffff, v0  }
0x13c: {  	[tilespmem:s14+$0x8880] =	vst.add.f32.msk $0xffff, v0  }
0x13d: {  	[tilespmem:s14+$0x8900] =	vst.add.f32.msk $0xffff, v0  }
0x13e: {  	[tilespmem:s14+$0x8980] =	vst.add.f32.msk $0xffff, v0  }
0x13f: {  	[tilespmem:s14+$0x8A00] =	vst.add.f32.msk $0xffff, v0  }
0x140: {  	[tilespmem:s14+$0x8A80] =	vst.add.f32.msk $0xffff, v0  }
0x141: {  	[tilespmem:s14+$0x8B00] =	vst.add.f32.msk $0xffff, v0  }
0x142: {  	[tilespmem:s14+$0x8B80] =	vst.add.f32.msk $0xffff, v0  }
.Ltmp9:
0x143: {  	[tilespmem:s14+$0xA800] =	vst.add.f32.msk $0xffff, v0;
	(pc) =	sbr.rel @p0 .LBB2_12-.Ltmp9, $4  }
0x144: {  	[tilespmem:s14+$0xA880] =	vst.add.f32.msk $0xffff, v0  }
0x145: {  	[tilespmem:s14+$0xA900] =	vst.add.f32.msk $0xffff, v0  }
0x146: {  	[tilespmem:s14+$0xA980] =	vst.add.f32.msk $0xffff, v0  }
0x147: {  	s16 =	sand.u32 $0x1C00, s15;
	s15 =	sadd.s32 $0x80, s15;
	[tilespmem:s14+$0xAA00] =	vst.add.f32.msk $0xffff, v0  }
0x148: {  	s15 =	sshrl.u32 s16, $0x2;
	[tilespmem:s14+$0xAA80] =	vst.add.f32.msk $0xffff, v0;
	s8 =	sadd.s32 $0x10, s8  }
0x149: {  	[tilespmem:s14+$0xAB00] =	vst.add.f32.msk $0xffff, v0;
	s8 =	sand.u32 $0x70, s8;
	s9 =	sor.u32 s15, s9  }
0x14a: {  	[tilespmem:s14+$0xAB80] =	vst.add.f32.msk $0xffff, v0;
	s9 =	sadd.s32 s8, s9  }
0x14b: {  	v0 =	vld [tilespmem:s9+$0x0];
	_ =	sdelay $0x3  }
0x14c: {  	s8 =	sor.u32 s8, s16  }
0x14d: {  	[tilespmem:s8+$0x8800] =	vst.add.f32.msk $0xffff, v0  }
0x14e: {  	[tilespmem:s8+$0x8880] =	vst.add.f32.msk $0xffff, v0  }
0x14f: {  	[tilespmem:s8+$0x8900] =	vst.add.f32.msk $0xffff, v0  }
0x150: {  	[tilespmem:s8+$0x8980] =	vst.add.f32.msk $0xffff, v0  }
0x151: {  	[tilespmem:s8+$0x8A00] =	vst.add.f32.msk $0xffff, v0  }
0x152: {  	[tilespmem:s8+$0x8A80] =	vst.add.f32.msk $0xffff, v0  }
0x153: {  	[tilespmem:s8+$0x8B00] =	vst.add.f32.msk $0xffff, v0  }
0x154: {  	[tilespmem:s8+$0x8B80] =	vst.add.f32.msk $0xffff, v0  }
0x155: {  	[tilespmem:s8+$0xA800] =	vst.add.f32.msk $0xffff, v0  }
0x156: {  	[tilespmem:s8+$0xA880] =	vst.add.f32.msk $0xffff, v0  }
0x157: {  	[tilespmem:s8+$0xA900] =	vst.add.f32.msk $0xffff, v0  }
0x158: {  	[tilespmem:s8+$0xA980] =	vst.add.f32.msk $0xffff, v0  }
0x159: {  	[tilespmem:s8+$0xAA00] =	vst.add.f32.msk $0xffff, v0  }
0x15a: {  	s21 =	sshll.u32 s21, $0xB;
	[tilespmem:s8+$0xAA80] =	vst.add.f32.msk $0xffff, v0  }
0x15b: {  	s6 =	sshll.u32 s6, $0x13;
	s9 =	sadd.s32 s21, s12;
	[tilespmem:s8+$0xAB00] =	vst.add.f32.msk $0xffff, v0  }
0x15c: {  	s6 =	sadd.s32 s6, s9;
	[tilespmem:s8+$0xAB80] =	vst.add.f32.msk $0xffff, v0  }
0x15d: {  	[hbm4b:s6+s2] =	stream.linear.scatter [tilespmem:s0], [sflag:$0xA], $0x4000, $0x38;
	[tilespmem:$0x18800] =	vst v63  }
.LBB2_14:
0x15e: {  	s21 =	sadd.s32 $0x3, s20  }
0x15f: {  	p0 =	sge.u32 s21, s4  }
.Ltmp10:
0x160: {  	_ = 	snop;
	(pc) =	sbr.rel @p0 .LBB2_18-.Ltmp10, $1  }
0x161: {  	_ =	sdelay $0x3  }
0x162: {  	_ =	swait.ge [sflag:s25], $0x4000  }
0x163: {  	s6 =	sadd.s32 $0x7, s20;
	[sflag:s25] =	ssyncset.done $0x0  }
0x164: {  	p0 =	sge.u32 s6, s4;
	[sflag:s25] =	ssyncadd.s32 $0xFFFFC000  }
0x165: {  	s8 =	simm.s32 @!p0 $0x9;
	s9 =	sshll.u32 @!p0 s6, $0x10;
	s6 =	sshll.u32 @!p0 s6, $0xB  }
0x166: {  	_ =	swait.ge @!p0 [sflag:s8], $0x4000;
	s9 =	sand.u32 @!p0 $0xF80000, s9;
	s6 =	sand.u32 @!p0 $0x3800, s6  }
0x167: {  	[sflag:s8] =	ssyncset.done @!p0 $0x0;
	s6 =	sor.u32 @!p0 s6, s9;
	s9 =	simm.s32 @!p0 $0x4800  }
0x168: {  	[sflag:s8] =	ssyncadd.s32 @!p0 $0xFFFFC000;
	s6 =	sadd.s32 @!p0 s6, s5;
	s8 =	simm.s32 @!p0 $0x0  }
0x169: {  	[tilespmem:s9], [sflag:$0x3] =	stream.linear.gather @!p0 [hbm4b:s6+s8], $0x4000, $0x38;
	[tilespmem:$0x18800] =	vst v63  }
0x16a: {  	s6 =	sshrl.u32 s21, $0x3;
	s8 =	simm.s32 $0x0  }
0x16b: {  	s17 =	sshll.u32 s6, $0x7;
	s14 =	sand.u32 $0x1C00, s8  }
0x16c: {  	s9 =	sand.u32 $0x80, s17;
	s15 =	sshrl.u32 s14, $0x2  }
0x16d: {  	s16 =	sand.u32 $0x70, s8;
	s15 =	sor.u32 s15, s9  }
0x16e: {  	s15 =	sadd.s32 s16, s15  }
0x16f: {  	v0 =	vld [tilespmem:s15+$0x0];
	_ =	sdelay $0x3  }
0x170: {  	s14 =	sor.u32 s16, s14  }
0x171: {  	[tilespmem:s14+$0xC800] =	vst.add.f32.msk $0xffff, v0  }
0x172: {  	[tilespmem:s14+$0xC880] =	vst.add.f32.msk $0xffff, v0  }
0x173: {  	[tilespmem:s14+$0xC900] =	vst.add.f32.msk $0xffff, v0  }
0x174: {  	[tilespmem:s14+$0xC980] =	vst.add.f32.msk $0xffff, v0  }
0x175: {  	[tilespmem:s14+$0xCA00] =	vst.add.f32.msk $0xffff, v0  }
0x176: {  	[tilespmem:s14+$0xCA80] =	vst.add.f32.msk $0xffff, v0  }
0x177: {  	[tilespmem:s14+$0xCB00] =	vst.add.f32.msk $0xffff, v0  }
0x178: {  	[tilespmem:s14+$0xCB80] =	vst.add.f32.msk $0xffff, v0  }
0x179: {  	[tilespmem:s14+$0xE800] =	vst.add.f32.msk $0xffff, v0  }
0x17a: {  	[tilespmem:s14+$0xE880] =	vst.add.f32.msk $0xffff, v0  }
0x17b: {  	[tilespmem:s14+$0xE900] =	vst.add.f32.msk $0xffff, v0  }
0x17c: {  	s18 =	simm.s32 $0x80;
	[tilespmem:s14+$0xE980] =	vst.add.f32.msk $0xffff, v0  }
0x17d: {  	s16 =	sand.u32 $0x1C00, s18;
	s15 =	simm.s32 $0x100;
	[tilespmem:s14+$0xEA00] =	vst.add.f32.msk $0xffff, v0  }
.LBB2_16:
0x17e: {  	p0 =	sne.s32 s15, $0x1F80;
	s17 =	sshrl.u32 s16, $0x2;
	[tilespmem:s14+$0xEA80] =	vst.add.f32.msk $0xffff, v0;
	s8 =	sadd.s32 $0x10, s8  }
0x17f: {  	s18 =	sand.u32 $0x70, s8;
	s17 =	sor.u32 s17, s9;
	[tilespmem:s14+$0xEB00] =	vst.add.f32.msk $0xffff, v0  }
0x180: {  	s17 =	sadd.s32 s18, s17;
	[tilespmem:s14+$0xEB80] =	vst.add.f32.msk $0xffff, v0  }
0x181: {  	v0 =	vld [tilespmem:s17+$0x0];
	_ =	sdelay $0x3  }
0x182: {  	s14 =	sor.u32 s18, s16  }
0x183: {  	[tilespmem:s14+$0xC800] =	vst.add.f32.msk $0xffff, v0  }
0x184: {  	[tilespmem:s14+$0xC880] =	vst.add.f32.msk $0xffff, v0  }
0x185: {  	[tilespmem:s14+$0xC900] =	vst.add.f32.msk $0xffff, v0  }
0x186: {  	[tilespmem:s14+$0xC980] =	vst.add.f32.msk $0xffff, v0  }
0x187: {  	[tilespmem:s14+$0xCA00] =	vst.add.f32.msk $0xffff, v0  }
0x188: {  	[tilespmem:s14+$0xCA80] =	vst.add.f32.msk $0xffff, v0  }
0x189: {  	[tilespmem:s14+$0xCB00] =	vst.add.f32.msk $0xffff, v0  }
0x18a: {  	[tilespmem:s14+$0xCB80] =	vst.add.f32.msk $0xffff, v0  }
.Ltmp11:
0x18b: {  	[tilespmem:s14+$0xE800] =	vst.add.f32.msk $0xffff, v0;
	(pc) =	sbr.rel @p0 .LBB2_16-.Ltmp11, $4  }
0x18c: {  	[tilespmem:s14+$0xE880] =	vst.add.f32.msk $0xffff, v0  }
0x18d: {  	[tilespmem:s14+$0xE900] =	vst.add.f32.msk $0xffff, v0  }
0x18e: {  	[tilespmem:s14+$0xE980] =	vst.add.f32.msk $0xffff, v0  }
0x18f: {  	s16 =	sand.u32 $0x1C00, s15;
	s15 =	sadd.s32 $0x80, s15;
	[tilespmem:s14+$0xEA00] =	vst.add.f32.msk $0xffff, v0  }
0x190: {  	s15 =	sshrl.u32 s16, $0x2;
	[tilespmem:s14+$0xEA80] =	vst.add.f32.msk $0xffff, v0;
	s8 =	sadd.s32 $0x10, s8  }
0x191: {  	[tilespmem:s14+$0xEB00] =	vst.add.f32.msk $0xffff, v0;
	s8 =	sand.u32 $0x70, s8;
	s9 =	sor.u32 s15, s9  }
0x192: {  	[tilespmem:s14+$0xEB80] =	vst.add.f32.msk $0xffff, v0;
	s9 =	sadd.s32 s8, s9  }
0x193: {  	v0 =	vld [tilespmem:s9+$0x0];
	_ =	sdelay $0x3  }
0x194: {  	s8 =	sor.u32 s8, s16  }
0x195: {  	[tilespmem:s8+$0xC800] =	vst.add.f32.msk $0xffff, v0  }
0x196: {  	[tilespmem:s8+$0xC880] =	vst.add.f32.msk $0xffff, v0  }
0x197: {  	[tilespmem:s8+$0xC900] =	vst.add.f32.msk $0xffff, v0  }
0x198: {  	[tilespmem:s8+$0xC980] =	vst.add.f32.msk $0xffff, v0  }
0x199: {  	[tilespmem:s8+$0xCA00] =	vst.add.f32.msk $0xffff, v0  }
0x19a: {  	[tilespmem:s8+$0xCA80] =	vst.add.f32.msk $0xffff, v0  }
0x19b: {  	[tilespmem:s8+$0xCB00] =	vst.add.f32.msk $0xffff, v0  }
0x19c: {  	[tilespmem:s8+$0xCB80] =	vst.add.f32.msk $0xffff, v0  }
0x19d: {  	[tilespmem:s8+$0xE800] =	vst.add.f32.msk $0xffff, v0  }
0x19e: {  	[tilespmem:s8+$0xE880] =	vst.add.f32.msk $0xffff, v0  }
0x19f: {  	[tilespmem:s8+$0xE900] =	vst.add.f32.msk $0xffff, v0  }
0x1a0: {  	[tilespmem:s8+$0xE980] =	vst.add.f32.msk $0xffff, v0  }
0x1a1: {  	s21 =	sshll.u32 s21, $0xB;
	[tilespmem:s8+$0xEA00] =	vst.add.f32.msk $0xffff, v0  }
0x1a2: {  	s9 =	sand.u32 $0x3800, s21;
	[tilespmem:s8+$0xEA80] =	vst.add.f32.msk $0xffff, v0  }
0x1a3: {  	s6 =	sshll.u32 s6, $0x13;
	s9 =	sadd.s32 s9, s12;
	[tilespmem:s8+$0xEB00] =	vst.add.f32.msk $0xffff, v0  }
0x1a4: {  	s6 =	sadd.s32 s6, s9;
	[tilespmem:s8+$0xEB80] =	vst.add.f32.msk $0xffff, v0  }
0x1a5: {  	[hbm4b:s6+s2] =	stream.linear.scatter [tilespmem:s3], [sflag:$0xB], $0x4000, $0x38;
	[tilespmem:$0x18800] =	vst v63  }
.LBB2_18:
0x1a6: {  	s6 =	sadd.s32 $0x4, s20  }
0x1a7: {  	p0 =	sge.u32 s6, s4  }
.Ltmp12:
0x1a8: {  	_ = 	snop;
	(pc) =	sbr.rel @p0 .LBB2_22-.Ltmp12, $1  }
0x1a9: {  	_ =	sdelay $0x3  }
0x1aa: {  	s21 =	sand.u32 $0x6, s6  }
0x1ab: {  	p2 =	sne.s32 s21, $0x0  }
0x1ac: {  	s8 =	sshll.u32 @!p2 s6, $0x2  }
0x1ad: {  	s8 =	sadd.s32 @!p2 s10, s8  }
0x1ae: {  	p1 =	sgt.u32 @!p2 s8, $0xF9  }
0x1af: {  	p0 =	por p1, p2  }
0x1b0: {  	s9 =	sand.u32 @!p0 $0x8, s6  }
0x1b1: {  	s14 =	simm.s32 @!p2 $0x1;
	p3 =	seq.s32 @!p0 s9, $0x0  }
0x1b2: {  	_ =	swait.ge @!p2 [sflag:s14], $0x400;
	p1 =	por @!p2 !p3, p1  }
0x1b3: {  	[sflag:s14] =	ssyncset.done @!p2 $0x0;
	s9 =	simm.s32 @!p0 $0x7C00;
	p1 =	por !p1, p2  }
0x1b4: {  	[sflag:s14] =	ssyncadd.s32 @!p2 $0xFFFFFC00;
	s8 =	sshll.u32 @!p0 s8, $0x7;
	s9 =	simm.s32 @!p1 $0x6C00  }
0x1b5: {  	s15 =	simm.s32 @!p0 $0x80;
	s14 =	simm.s32 @!p0 $0x0;
	s8 =	sand.u32 @!p0 s9, s8  }
0x1b6: {  	s15 =	simm.s32 @!p1 $0x0;
	s9 =	simm.s32 @!p0 $0x180;
	s8 =	sadd.s32 @!p0 s8, s11  }
0x1b7: {  	[tilespmem:s15], [sflag:$0x1] =	stream.linear.gather @!p0 [hbm4b:s8+s14], $0x80, $0x38;
	[tilespmem:$0x18800] =	vst v63  }
0x1b8: {  	s9 =	simm.s32 @!p1 $0x100;
	s15 =	simm.s32 @!p0 $0x280;
	s16 =	sadd.s32 @!p0 $0x80, s8  }
0x1b9: {  	[tilespmem:s9], [sflag:$0x1] =	stream.linear.gather @!p0 [hbm4b:s16+s14], $0x80, $0x38;
	[tilespmem:$0x18800] =	vst v63  }
0x1ba: {  	s15 =	simm.s32 @!p1 $0x200;
	s9 =	simm.s32 @!p0 $0x380;
	s16 =	sadd.s32 @!p0 $0x100, s8  }
0x1bb: {  	[tilespmem:s15], [sflag:$0x1] =	stream.linear.gather @!p0 [hbm4b:s16+s14], $0x80, $0x38;
	[tilespmem:$0x18800] =	vst v63  }
0x1bc: {  	s9 =	simm.s32 @!p1 $0x300;
	s15 =	simm.s32 @!p0 $0x480;
	s16 =	sadd.s32 @!p0 $0x180, s8  }
0x1bd: {  	[tilespmem:s9], [sflag:$0x1] =	stream.linear.gather @!p0 [hbm4b:s16+s14], $0x80, $0x38;
	[tilespmem:$0x18800] =	vst v63  }
0x1be: {  	s15 =	simm.s32 @!p1 $0x400;
	s9 =	simm.s32 @!p0 $0x580;
	s16 =	sadd.s32 @!p0 $0x200, s8  }
0x1bf: {  	[tilespmem:s15], [sflag:$0x1] =	stream.linear.gather @!p0 [hbm4b:s16+s14], $0x80, $0x38;
	[tilespmem:$0x18800] =	vst v63  }
0x1c0: {  	s9 =	simm.s32 @!p1 $0x500;
	s15 =	simm.s32 @!p0 $0x680;
	s16 =	sadd.s32 @!p0 $0x280, s8  }
0x1c1: {  	[tilespmem:s9], [sflag:$0x1] =	stream.linear.gather @!p0 [hbm4b:s16+s14], $0x80, $0x38;
	[tilespmem:$0x18800] =	vst v63  }
0x1c2: {  	s15 =	simm.s32 @!p1 $0x600;
	s9 =	simm.s32 @!p0 $0x780;
	s16 =	sadd.s32 @!p0 $0x300, s8  }
0x1c3: {  	[tilespmem:s15], [sflag:$0x1] =	stream.linear.gather @!p0 [hbm4b:s16+s14], $0x80, $0x38;
	[tilespmem:$0x18800] =	vst v63  }
0x1c4: {  	s8 =	sadd.s32 @!p0 $0x380, s8;
	s9 =	simm.s32 @!p1 $0x700  }
0x1c5: {  	[tilespmem:s9], [sflag:$0x1] =	stream.linear.gather @!p0 [hbm4b:s8+s14], $0x80, $0x38;
	[tilespmem:$0x18800] =	vst v63  }
0x1c6: {  	s8 =	sadd.s32 $0x8, s20  }
0x1c7: {  	p0 =	sge.u32 s8, s4  }
0x1c8: {  	_ =	swait.ge [sflag:s26], $0x4000;
	s8 =	sshll.u32 @!p0 s8, $0x13;
	s9 =	smul.u32 @!p0 $0x18000, s19  }
0x1c9: {  	[sflag:s26] =	ssyncset.done $0x0;
	s14 =	simm.s32 @!p0 $0xA;
	s8 =	sand.u32 @!p0 $0x7C00000, s8  }
0x1ca: {  	[sflag:s26] =	ssyncadd.s32 $0xFFFFC000;
	s8 =	sor.u32 @!p0 s13, s8;
	s9 =	sand.u32 @!p0 $0x18000, s9  }
0x1cb: {  	_ =	swait.ge @!p0 [sflag:s14], $0x4000;
	s8 =	sor.u32 @!p0 s9, s8  }
0x1cc: {  	[sflag:s14] =	ssyncset.done @!p0 $0x0;
	s9 =	simm.s32 @!p0 $0x0;
	s8 =	sshrl.u32 @!p0 s8, $0x3  }
0x1cd: {  	[sflag:s14] =	ssyncadd.s32 @!p0 $0xFFFFC000;
	s14 =	simm.s32 @!p0 $0x8800;
	s8 =	sadd.s32 @!p0 s1, s8  }
0x1ce: {  	[tilespmem:s14], [sflag:$0x4] =	stream.linear.gather @!p0 [hbm4b:s8+s9], $0x4000, $0x38;
	[tilespmem:$0x18800] =	vst v63  }
0x1cf: {  	s6 =	sshrl.u32 s6, $0x3;
	s8 =	simm.s32 $0x0  }
0x1d0: {  	s17 =	sshll.u32 s6, $0x7;
	s18 =	sand.u32 $0x1C00, s8  }
0x1d1: {  	s9 =	sand.u32 $0x80, s17;
	s16 =	sshrl.u32 s18, $0x2  }
0x1d2: {  	s17 =	sand.u32 $0x70, s8;
	s15 =	sor.u32 s16, s9  }
0x1d3: {  	s15 =	sadd.s32 s17, s15  }
0x1d4: {  	v0 =	vld [tilespmem:s15+$0x0];
	_ =	sdelay $0x2  }
0x1d5: {  	s14 =	sor.u32 s17, s18  }
0x1d6: {  	s15 =	sadd.s32 $0x10800, s14  }
0x1d7: {  	s18 =	sor.u32 $0x80, s15;
	[tilespmem:s14+$0x10800] =	vst.add.f32.msk $0xffff, v0  }
0x1d8: {  	s17 =	sor.u32 $0x100, s15;
	[tilespmem:s18+$0x0] =	vst.add.f32.msk $0xffff, v0  }
0x1d9: {  	s18 =	sor.u32 $0x180, s15;
	[tilespmem:s17+$0x0] =	vst.add.f32.msk $0xffff, v0  }
0x1da: {  	s17 =	sor.u32 $0x200, s15;
	[tilespmem:s18+$0x0] =	vst.add.f32.msk $0xffff, v0  }
0x1db: {  	s18 =	sor.u32 $0x280, s15;
	[tilespmem:s17+$0x0] =	vst.add.f32.msk $0xffff, v0  }
0x1dc: {  	s17 =	sor.u32 $0x300, s15;
	[tilespmem:s18+$0x0] =	vst.add.f32.msk $0xffff, v0  }
0x1dd: {  	s18 =	sor.u32 $0x380, s15;
	[tilespmem:s17+$0x0] =	vst.add.f32.msk $0xffff, v0  }
0x1de: {  	s15 =	simm.s32 $0x80;
	[tilespmem:s18+$0x0] =	vst.add.f32.msk $0xffff, v0  }
.LBB2_20:
0x1df: {  	p0 =	sne.s32 s15, $0x1F80  }
0x1e0: {  	[tilespmem:s14+$0x12B80] =	vst.add.f32.msk $0xffff, v0;
	s8 =	sadd.s32 $0x10, s8;
	s16 =	smov.u32 s15;
	s15 =	sadd.s32 $0x80, s15  }
0x1e1: {  	[tilespmem:s14+$0x12B00] =	vst.add.f32.msk $0xffff, v0  }
0x1e2: {  	[tilespmem:s14+$0x12A80] =	vst.add.f32.msk $0xffff, v0  }
0x1e3: {  	[tilespmem:s14+$0x12A00] =	vst.add.f32.msk $0xffff, v0  }
0x1e4: {  	s16 =	sand.u32 $0x1C00, s16;
	[tilespmem:s14+$0x12980] =	vst.add.f32.msk $0xffff, v0  }
0x1e5: {  	s17 =	sshrl.u32 s16, $0x2;
	[tilespmem:s14+$0x12900] =	vst.add.f32.msk $0xffff, v0  }
0x1e6: {  	s18 =	sand.u32 $0x70, s8;
	s17 =	sor.u32 s17, s9;
	[tilespmem:s14+$0x12800] =	vst.add.f32.msk $0xffff, v0  }
0x1e7: {  	s17 =	sadd.s32 s18, s17;
	[tilespmem:s14+$0x12880] =	vst.add.f32.msk $0xffff, v0  }
0x1e8: {  	v0 =	vld [tilespmem:s17+$0x0];
	_ =	sdelay $0x2  }
0x1e9: {  	s14 =	sor.u32 s18, s16  }
0x1ea: {  	s16 =	sadd.s32 $0x10800, s14  }
0x1eb: {  	s17 =	sor.u32 $0x80, s16;
	[tilespmem:s14+$0x10800] =	vst.add.f32.msk $0xffff, v0  }
0x1ec: {  	[tilespmem:s17+$0x0] =	vst.add.f32.msk $0xffff, v0;
	s17 =	sor.u32 $0x100, s16  }
0x1ed: {  	[tilespmem:s17+$0x0] =	vst.add.f32.msk $0xffff, v0;
	s17 =	sor.u32 $0x180, s16  }
.Ltmp13:
0x1ee: {  	[tilespmem:s17+$0x0] =	vst.add.f32.msk $0xffff, v0;
	s17 =	sor.u32 $0x200, s16;
	(pc) =	sbr.rel @p0 .LBB2_20-.Ltmp13, $4  }
0x1ef: {  	[tilespmem:s17+$0x0] =	vst.add.f32.msk $0xffff, v0;
	s17 =	sor.u32 $0x280, s16  }
0x1f0: {  	[tilespmem:s17+$0x0] =	vst.add.f32.msk $0xffff, v0;
	s17 =	sor.u32 $0x300, s16  }
0x1f1: {  	s16 =	sor.u32 $0x380, s16;
	[tilespmem:s17+$0x0] =	vst.add.f32.msk $0xffff, v0  }
0x1f2: {  	[tilespmem:s16+$0x0] =	vst.add.f32.msk $0xffff, v0  }
0x1f3: {  	[tilespmem:s14+$0x12B80] =	vst.add.f32.msk $0xffff, v0  }
0x1f4: {  	[tilespmem:s14+$0x12B00] =	vst.add.f32.msk $0xffff, v0  }
0x1f5: {  	[tilespmem:s14+$0x12A80] =	vst.add.f32.msk $0xffff, v0  }
0x1f6: {  	[tilespmem:s14+$0x12A00] =	vst.add.f32.msk $0xffff, v0  }
0x1f7: {  	[tilespmem:s14+$0x12980] =	vst.add.f32.msk $0xffff, v0  }
0x1f8: {  	[tilespmem:s14+$0x12900] =	vst.add.f32.msk $0xffff, v0;
	s8 =	sshll.u32 s21, $0xB  }
0x1f9: {  	[tilespmem:s14+$0x12800] =	vst.add.f32.msk $0xffff, v0;
	s6 =	sshll.u32 s6, $0x13;
	s8 =	sadd.s32 s8, s12  }
0x1fa: {  	[tilespmem:s14+$0x12880] =	vst.add.f32.msk $0xffff, v0;
	s6 =	sadd.s32 s6, s8  }
0x1fb: {  	[hbm4b:s6+s2] =	stream.linear.scatter [tilespmem:s28], [sflag:$0xC], $0x4000, $0x38;
	[tilespmem:$0x18800] =	vst v63  }
.LBB2_22:
0x1fc: {  	s21 =	sadd.s32 $0x5, s20  }
0x1fd: {  	p0 =	sge.u32 s21, s4  }
.Ltmp14:
0x1fe: {  	_ = 	snop;
	(pc) =	sbr.rel @p0 .LBB2_26-.Ltmp14, $1  }
0x1ff: {  	_ =	sdelay $0x3  }
0x200: {  	_ =	swait.ge [sflag:s29], $0x4000  }
0x201: {  	s6 =	sadd.s32 $0x9, s20;
	[sflag:s29] =	ssyncset.done $0x0  }
0x202: {  	p0 =	sge.u32 s6, s4;
	[sflag:s29] =	ssyncadd.s32 $0xFFFFC000  }
0x203: {  	s8 =	simm.s32 @!p0 $0xB;
	s9 =	sshll.u32 @!p0 s6, $0x10;
	s6 =	sshll.u32 @!p0 s6, $0xB  }
0x204: {  	_ =	swait.ge @!p0 [sflag:s8], $0x4000;
	s9 =	sand.u32 @!p0 $0xF80000, s9;
	s6 =	sand.u32 @!p0 $0x3800, s6  }
0x205: {  	[sflag:s8] =	ssyncset.done @!p0 $0x0;
	s6 =	sor.u32 @!p0 s6, s9;
	s9 =	simm.s32 @!p0 $0xC800  }
0x206: {  	[sflag:s8] =	ssyncadd.s32 @!p0 $0xFFFFC000;
	s6 =	sadd.s32 @!p0 s6, s5;
	s8 =	simm.s32 @!p0 $0x0  }
0x207: {  	[tilespmem:s9], [sflag:$0x5] =	stream.linear.gather @!p0 [hbm4b:s6+s8], $0x4000, $0x38;
	[tilespmem:$0x18800] =	vst v63  }
0x208: {  	s6 =	sshrl.u32 s21, $0x3;
	s8 =	simm.s32 $0x0  }
0x209: {  	s17 =	sshll.u32 s6, $0x7;
	s14 =	sand.u32 $0x1C00, s8  }
0x20a: {  	s9 =	sand.u32 $0x80, s17;
	s15 =	sshrl.u32 s14, $0x2  }
0x20b: {  	s16 =	sand.u32 $0x70, s8;
	s15 =	sor.u32 s15, s9  }
0x20c: {  	s15 =	sadd.s32 s16, s15  }
0x20d: {  	v0 =	vld [tilespmem:s15+$0x0];
	_ =	sdelay $0x2  }
0x20e: {  	s20 =	sor.u32 s16, s14  }
0x20f: {  	s14 =	sadd.s32 $0x14800, s20  }
0x210: {  	s18 =	sor.u32 $0x80, s14;
	[tilespmem:s20+$0x14800] =	vst.add.f32.msk $0xffff, v0  }
0x211: {  	s16 =	sor.u32 $0x100, s14;
	[tilespmem:s18+$0x0] =	vst.add.f32.msk $0xffff, v0  }
0x212: {  	s17 =	sor.u32 $0x180, s14;
	[tilespmem:s16+$0x0] =	vst.add.f32.msk $0xffff, v0  }
0x213: {  	s18 =	sor.u32 $0x200, s14;
	[tilespmem:s17+$0x0] =	vst.add.f32.msk $0xffff, v0  }
0x214: {  	s16 =	sor.u32 $0x280, s14;
	[tilespmem:s18+$0x0] =	vst.add.f32.msk $0xffff, v0  }
0x215: {  	s17 =	sor.u32 $0x300, s14;
	[tilespmem:s16+$0x0] =	vst.add.f32.msk $0xffff, v0  }
0x216: {  	s18 =	sor.u32 $0x380, s14;
	[tilespmem:s17+$0x0] =	vst.add.f32.msk $0xffff, v0  }
0x217: {  	s14 =	simm.s32 $0x80;
	[tilespmem:s18+$0x0] =	vst.add.f32.msk $0xffff, v0  }
.LBB2_24:
0x218: {  	p0 =	sne.s32 s14, $0x1F80  }
0x219: {  	[tilespmem:s20+$0x16B80] =	vst.add.f32.msk $0xffff, v0;
	s8 =	sadd.s32 $0x10, s8;
	s15 =	smov.u32 s14;
	s14 =	sadd.s32 $0x80, s14  }
0x21a: {  	[tilespmem:s20+$0x16B00] =	vst.add.f32.msk $0xffff, v0  }
0x21b: {  	[tilespmem:s20+$0x16A80] =	vst.add.f32.msk $0xffff, v0  }
0x21c: {  	[tilespmem:s20+$0x16A00] =	vst.add.f32.msk $0xffff, v0  }
0x21d: {  	s15 =	sand.u32 $0x1C00, s15;
	[tilespmem:s20+$0x16980] =	vst.add.f32.msk $0xffff, v0  }
0x21e: {  	s16 =	sshrl.u32 s15, $0x2;
	[tilespmem:s20+$0x16900] =	vst.add.f32.msk $0xffff, v0  }
0x21f: {  	s17 =	sand.u32 $0x70, s8;
	s16 =	sor.u32 s16, s9;
	[tilespmem:s20+$0x16800] =	vst.add.f32.msk $0xffff, v0  }
0x220: {  	s16 =	sadd.s32 s17, s16;
	[tilespmem:s20+$0x16880] =	vst.add.f32.msk $0xffff, v0  }
0x221: {  	v0 =	vld [tilespmem:s16+$0x0];
	_ =	sdelay $0x2  }
0x222: {  	s20 =	sor.u32 s17, s15  }
0x223: {  	s15 =	sadd.s32 $0x14800, s20  }
0x224: {  	s16 =	sor.u32 $0x80, s15;
	[tilespmem:s20+$0x14800] =	vst.add.f32.msk $0xffff, v0  }
0x225: {  	[tilespmem:s16+$0x0] =	vst.add.f32.msk $0xffff, v0;
	s16 =	sor.u32 $0x100, s15  }
0x226: {  	[tilespmem:s16+$0x0] =	vst.add.f32.msk $0xffff, v0;
	s16 =	sor.u32 $0x180, s15  }
.Ltmp15:
0x227: {  	[tilespmem:s16+$0x0] =	vst.add.f32.msk $0xffff, v0;
	s16 =	sor.u32 $0x200, s15;
	(pc) =	sbr.rel @p0 .LBB2_24-.Ltmp15, $4  }
0x228: {  	[tilespmem:s16+$0x0] =	vst.add.f32.msk $0xffff, v0;
	s16 =	sor.u32 $0x280, s15  }
0x229: {  	[tilespmem:s16+$0x0] =	vst.add.f32.msk $0xffff, v0;
	s16 =	sor.u32 $0x300, s15  }
0x22a: {  	s15 =	sor.u32 $0x380, s15;
	[tilespmem:s16+$0x0] =	vst.add.f32.msk $0xffff, v0  }
0x22b: {  	[tilespmem:s15+$0x0] =	vst.add.f32.msk $0xffff, v0  }
0x22c: {  	[tilespmem:s20+$0x16B80] =	vst.add.f32.msk $0xffff, v0  }
0x22d: {  	[tilespmem:s20+$0x16B00] =	vst.add.f32.msk $0xffff, v0  }
0x22e: {  	[tilespmem:s20+$0x16A80] =	vst.add.f32.msk $0xffff, v0  }
0x22f: {  	[tilespmem:s20+$0x16A00] =	vst.add.f32.msk $0xffff, v0  }
.Ltmp16:
0x230: {  	[tilespmem:s20+$0x16980] =	vst.add.f32.msk $0xffff, v0;
	s8 =	sshll.u32 s21, $0xB;
	(pc) =	sbr.rel .LBB2_26-.Ltmp16, $4  }
0x231: {  	[tilespmem:s20+$0x16900] =	vst.add.f32.msk $0xffff, v0;
	s8 =	sand.u32 $0x3800, s8  }
0x232: {  	[tilespmem:s20+$0x16800] =	vst.add.f32.msk $0xffff, v0;
	s6 =	sshll.u32 s6, $0x13;
	s8 =	sadd.s32 s8, s12  }
0x233: {  	[tilespmem:s20+$0x16880] =	vst.add.f32.msk $0xffff, v0;
	s6 =	sadd.s32 s6, s8  }
0x234: {  	[hbm4b:s6+s2] =	stream.linear.scatter [tilespmem:s7], [sflag:$0xD], $0x4000, $0x38;
	[tilespmem:$0x18800] =	vst v63  }
.LBB2_28:
0x235: {  	_ =	sfence.sel $0x180000  }
0x236: {  	[bflag:$0x0] =	sbarrier.arrive $0xFFFF  }
0x237: {  	_ =	strace $0x90000047  }
0x238: {  	s0 =	stileid.u32;
	[bflag:$0x2] =	sbarrier.arrive $0xFFFF  }
0x239: {  	p0 =	sne.s32 s0, $0x0;
	s0 =	rddreg [dreg:$0x3]  }
0x23a: {  	s0 =	sadd.s32 @!p0 $0x100000, s0  }
0x23b: {  	[sflag:s0] =	ssyncadd.tile.s32 @!p0 $0x1;
	_ =	shalt  }
.Lfunc_end2:
_tile_overlayer_lowered:
.L_overlay_start_2:
0x23c: {  	(tag) =	ssettag $0x2  }
0x23d: {  	s0 =	rddreg [dreg:$0x0];
	s2 =	stileid.u32  }
0x23e: {  	s1 =	rddreg [dreg:$0x1];
	p0 =	sne.s32 s2, $0x0  }
0x23f: {  	s3 =	rddreg [dreg:$0x2];
	[bflag:$0x3] =	sbarrier.arrive $0xFFFF;
	s2 =	simm.s32 @!p0 $0x1C0E  }
0x240: {  	[timem:s3], [sflag:s2] =	dma.local @!p0 [hbm:s0], s1  }
0x241: {  	s0 =	simm.s32 @!p0 $0xE  }
0x242: {  	_ =	swait.ge @!p0 [sflag:s0], s1  }
0x243: {  	s1 =	ssub.s32 @!p0 $0x0, s1;
	[sflag:s0] =	ssyncset.done @!p0 $0x0  }
0x244: {  	[sflag:s0] =	ssyncadd.s32 @!p0 s1  }
0x245: {  	[bflag:$0x3] =	sbarrier.arrive $0xFFFF  }
0x246: {  	_ =	shalt  }

</sc_bundles>
